<compile_context>
chip_gen: v7x
topology: tpu7x:2x2x1
jax: 0.10.2.dev20260603
libtpu: 0.0.44.dev20260713+nightly
codegen_flags: <defaults>
</compile_context>

<pallas_src>
import functools

import jax
import jax.numpy as jnp
from jax import lax
from jax.experimental import pallas as pl
from jax.experimental.pallas import tpu as pltpu
from jax.experimental.pallas import tpu_sc as plsc

R = 512
C = 2048
L = 16
RCH = R // L
CCH = C // L
N_TILES = 16
ROWS_PER_TILE = R // N_TILES
SLAB = ROWS_PER_TILE * C
BIG = 1 << 30

_i32 = jnp.int32
_f32 = jnp.float32


def _bfly_argmax(v, mi, iota):
    for d in (1, 2, 4, 8):
        pidx = iota ^ d
        ov = v.at[pidx].get(mode="promise_in_bounds")
        oi = mi.at[pidx].get(mode="promise_in_bounds")
        take = (ov > v) | ((ov == v) & (oi < mi))
        v = jnp.where(take, ov, v)
        mi = jnp.where(take, oi, mi)
    return v, mi


def _bfly_min(x, iota):
    for d in (1, 2, 4, 8):
        x = jnp.minimum(x, x.at[iota ^ d].get(mode="promise_in_bounds"))
    return x


def _bfly_max(x, iota):
    for d in (1, 2, 4, 8):
        x = jnp.maximum(x, x.at[iota ^ d].get(mode="promise_in_bounds"))
    return x


def _lane0(x):
    return lax.squeeze(lax.slice(x, (0,), (1,)), (0,))


def _bfly_argmax2_full(v, vi, v2, vi2, iota):
    m1, i1, m2, i2 = v, vi, v2, vi2
    for d in (1, 2, 4, 8):
        pidx = iota ^ d
        o1 = m1.at[pidx].get(mode="promise_in_bounds")
        oi1 = i1.at[pidx].get(mode="promise_in_bounds")
        o2 = m2.at[pidx].get(mode="promise_in_bounds")
        oi2 = i2.at[pidx].get(mode="promise_in_bounds")
        t1 = (o1 > m1) | ((o1 == m1) & (oi1 < i1))
        w1 = jnp.where(t1, o1, m1)
        wi1 = jnp.where(t1, oi1, i1)
        l1 = jnp.where(t1, m1, o1)
        li1 = jnp.where(t1, i1, oi1)
        t2 = (o2 > m2) | ((o2 == m2) & (oi2 < i2))
        w2 = jnp.where(t2, o2, m2)
        wi2 = jnp.where(t2, oi2, i2)
        t3 = (l1 > w2) | ((l1 == w2) & (li1 < wi2))
        m1, i1 = w1, wi1
        m2 = jnp.where(t3, l1, w2)
        i2 = jnp.where(t3, li1, wi2)
    return m1, i1, m2, i2


def _top2_insert(m1, i1, m2, i2, v, c):
    t1 = v > m1
    nm1 = jnp.where(t1, v, m1)
    ni1 = jnp.where(t1, c, i1)
    lose = jnp.where(t1, m1, v)
    losei = jnp.where(t1, i1, c)
    t2 = lose > m2
    nm2 = jnp.where(t2, lose, m2)
    ni2 = jnp.where(t2, losei, i2)
    return nm1, ni1, nm2, ni2


def _bfly_argmax_top2(v, mi, iota):
    m1, i1, m2 = v, mi, jnp.full((L,), -jnp.inf, _f32)
    for d in (1, 2, 4, 8):
        pidx = iota ^ d
        o1 = m1.at[pidx].get(mode="promise_in_bounds")
        oi = i1.at[pidx].get(mode="promise_in_bounds")
        o2 = m2.at[pidx].get(mode="promise_in_bounds")
        take = (o1 > m1) | ((o1 == m1) & (oi < i1))
        nm1 = jnp.where(take, o1, m1)
        ni1 = jnp.where(take, oi, i1)
        nm2 = jnp.maximum(jnp.minimum(m1, o1), jnp.maximum(m2, o2))
        m1, i1, m2 = nm1, ni1, nm2
    return i1, m2


def _lsa_body(cost_hbm, rowind_hbm, colind_hbm,
              rowbuf, rowbuf_b, rowbuf_c, rowbuf_d, colmask, cnt, rbv, rbc,
              rbv2, rbc2, cm, rbv_loc, rbc_loc, rbv2_loc, rbc2_loc,
              outr, outc, mat_s, rbv_s, rbc_s, rbv2_s, rbc2_s,
              sem_a, sem_b, sem_c, sem_d, sem_e):
    sid = lax.axis_index("s")
    iota = lax.iota(_i32, L)
    lane0 = iota == 0
    negvec = jnp.full((L,), -jnp.inf, _f32)
    zvec = jnp.zeros((L,), _i32)
    bigvec = jnp.full((L,), BIG, _i32)

    r0 = sid * ROWS_PER_TILE
    base = r0 * C

    pltpu.async_copy(cost_hbm.at[pl.ds(base, SLAB)],
                     mat_s.at[pl.ds(base, SLAB)], sem_e)

    def scan_row(buf, k):
        def chunk(q, mc):
            v = buf[pl.ds(q * L, L)]
            colv = q * L + iota
            return _top2_insert(*mc, v, colv)
        m, mi, m2_, mi2_ = lax.fori_loop(
            0, CCH, chunk, (negvec, zvec, negvec, bigvec), unroll=8)
        mxv, civ, mx2v, ci2v = _bfly_argmax2_full(m, mi, m2_, mi2_, iota)
        kvec = jnp.full((L,), k, _i32)
        plsc.store_scatter(rbv_loc, [kvec], mxv, mask=lane0)
        plsc.store_scatter(rbc_loc, [kvec], civ, mask=lane0)
        plsc.store_scatter(rbv2_loc, [kvec], mx2v, mask=lane0)
        plsc.store_scatter(rbc2_loc, [kvec], ci2v, mask=lane0)

    bufs = (rowbuf, rowbuf_b, rowbuf_c, rowbuf_d)
    sems = (sem_a, sem_b, sem_c, sem_d)
    for idx in range(3):
        pltpu.async_copy(cost_hbm.at[pl.ds(base + idx * C, C)],
                         bufs[idx], sems[idx])

    def row_quad(k4, carry):
        kb = 4 * k4
        for idx in range(4):
            row = kb + idx
            pltpu.make_async_copy(cost_hbm.at[pl.ds(base + row * C, C)],
                                  bufs[idx], sems[idx]).wait()
            nxt = row + 3
            @pl.when(nxt < ROWS_PER_TILE)
            def _():
                pltpu.async_copy(cost_hbm.at[pl.ds(base + nxt * C, C)],
                                 bufs[(idx + 3) % 4], sems[(idx + 3) % 4])
            scan_row(bufs[idx], row)
        return carry

    lax.fori_loop(0, ROWS_PER_TILE // 4, row_quad, 0)

    pltpu.sync_copy(rbv_loc, rbv_s.at[pl.ds(r0, ROWS_PER_TILE)])
    pltpu.sync_copy(rbc_loc, rbc_s.at[pl.ds(r0, ROWS_PER_TILE)])
    pltpu.sync_copy(rbv2_loc, rbv2_s.at[pl.ds(r0, ROWS_PER_TILE)])
    pltpu.sync_copy(rbc2_loc, rbc2_s.at[pl.ds(r0, ROWS_PER_TILE)])
    pltpu.make_async_copy(cost_hbm.at[pl.ds(base, SLAB)],
                          mat_s.at[pl.ds(base, SLAB)], sem_e).wait()
    plsc.subcore_barrier()

    @pl.when(sid == 0)
    def _greedy():
        pltpu.sync_copy(rbv_s, rbv)
        pltpu.sync_copy(rbc_s, rbc)
        pltpu.sync_copy(rbv2_s, rbv2)
        pltpu.sync_copy(rbc2_s, rbc2)
        ones = jnp.full((L,), 1, _i32)

        def zchunk(q, carry):
            colmask[pl.ds(q * L, L)] = jnp.zeros((L,), _f32)
            cnt[pl.ds(q * L, L)] = jnp.zeros((L,), _i32)
            return carry
        lax.fori_loop(0, CCH, zchunk, 0)

        def cmchunk(q, carry):
            hm = _bfly_max(rbv[pl.ds(q * L, L)], iota)
            plsc.store_scatter(cm, [jnp.full((L,), q, _i32)], hm, mask=lane0)
            return carry
        lax.fori_loop(0, RCH, cmchunk, 0)

        def cntchunk(q, carry):
            cb = rbc[pl.ds(q * L, L)]
            for l in range(L):
                plsc.addupdate_scatter(cnt, [cb], ones, mask=iota == l)
            return carry
        lax.fori_loop(0, RCH, cntchunk, 0)

        def step(assigned):
            va = cm[pl.ds(0, L)]
            vb = cm[pl.ds(L, L)]
            tb = vb > va
            m1 = jnp.where(tb, vb, va)
            q1 = jnp.where(tb, iota + L, iota)
            m2 = jnp.where(tb, va, vb)
            q2 = jnp.where(tb, iota, iota + L)
            _, q1v, g2v, q2v = _bfly_argmax2_full(m1, q1, m2, q2, iota)
            rows1 = q1v * L + iota
            chunk1 = plsc.load_gather(rbv, [rows1])
            r1vec, hm1 = _bfly_argmax_top2(chunk1, rows1, iota)
            rows2 = q2v * L + iota
            chunk2 = plsc.load_gather(rbv, [rows2])
            r2vec, hm2 = _bfly_argmax_top2(chunk2, rows2, iota)
            c1vec = plsc.load_gather(rbc, [r1vec])
            c2vec = plsc.load_gather(rbc, [r2vec])
            plsc.store_scatter(outc, [r1vec], c1vec, mask=lane0)
            plsc.store_scatter(rbv, [r1vec], negvec, mask=lane0)
            plsc.store_scatter(colmask, [c1vec], negvec, mask=lane0)
            plsc.store_scatter(cm, [q1v], hm1, mask=lane0)
            cn1 = _lane0(plsc.load_gather(cnt, [c1vec])) - 1
            ok2v = jnp.where((g2v > hm1) & (c2vec != c1vec), ones, zvec)
            cond2 = (_lane0(ok2v) > 0) & (cn1 == 0)

            @pl.when(cond2)
            def _assign2():
                plsc.store_scatter(outc, [r2vec], c2vec, mask=lane0)
                plsc.store_scatter(rbv, [r2vec], negvec, mask=lane0)
                plsc.store_scatter(colmask, [c2vec], negvec, mask=lane0)
                plsc.store_scatter(cm, [q2v], hm2, mask=lane0)

            cond2v = jnp.full((L,), cond2, jnp.bool_)
            ctgt = jnp.where(cond2v, c2vec, c1vec)

            def dscan():
                def dchunk(q, jminv):
                    cb = rbc[pl.ds(q * L, L)]
                    vb_ = rbv[pl.ds(q * L, L)]
                    match = (cb == ctgt) & (vb_ > negvec)
                    rowv = q * L + iota
                    return jnp.where(match, jnp.minimum(jminv, rowv), jminv)
                jminv = lax.fori_loop(0, RCH, dchunk, bigvec, unroll=8)
                return _lane0(_bfly_min(jminv, iota))

            def rcond(cc):
                return cc > 0

            def rbody(cc):
                j = dscan()
                jvec = jnp.full((L,), j, _i32)
                c2j = plsc.load_gather(rbc2, [jvec])
                v2j = plsc.load_gather(rbv2, [jvec])
                c2safe = jnp.maximum(c2j, zvec)
                cmk = plsc.load_gather(colmask, [c2safe])
                okv = jnp.where((c2j >= 0) & (cmk == 0.0), ones, zvec)
                fast = _lane0(okv) > 0

                @pl.when(fast)
                def _fast():
                    plsc.store_scatter(rbv, [jvec], v2j, mask=lane0)
                    plsc.store_scatter(rbc, [jvec], c2j, mask=lane0)
                    plsc.store_scatter(rbc2, [jvec], jnp.full((L,), -1, _i32),
                                       mask=lane0)
                    plsc.addupdate_scatter(cnt, [c2j], ones, mask=lane0)

                @pl.when(jnp.logical_not(fast))
                def _slow():
                    pltpu.sync_copy(mat_s.at[pl.ds(j * C, C)], rowbuf)
                    def rchunk(q, mc):
                        v = rowbuf[pl.ds(q * L, L)] + colmask[pl.ds(q * L, L)]
                        colv = q * L + iota
                        return _top2_insert(*mc, v, colv)
                    mr, mir, mr2, mir2 = lax.fori_loop(
                        0, CCH, rchunk, (negvec, zvec, negvec, bigvec),
                        unroll=8)
                    mxv, cnv, mx2v, cn2v = _bfly_argmax2_full(
                        mr, mir, mr2, mir2, iota)
                    plsc.store_scatter(rbv, [jvec], mxv, mask=lane0)
                    plsc.store_scatter(rbc, [jvec], cnv, mask=lane0)
                    plsc.store_scatter(rbv2, [jvec], mx2v, mask=lane0)
                    plsc.store_scatter(rbc2, [jvec], cn2v, mask=lane0)
                    plsc.addupdate_scatter(cnt, [cnv], ones, mask=lane0)

                jq = lax.shift_right_logical(j, 4)
                hmr = _bfly_max(rbv[pl.ds(jq * L, L)], iota)
                plsc.store_scatter(cm, [jnp.full((L,), jq, _i32)], hmr,
                                   mask=lane0)
                return cc - 1

            cc0 = _lane0(plsc.load_gather(cnt, [ctgt])) - 1
            lax.while_loop(rcond, rbody, cc0)
            return assigned + 1 + cond2.astype(_i32)

        lax.while_loop(lambda a: a < R, step, 0)

        def ochunk(q, carry):
            outr[pl.ds(q * L, L)] = q * L + iota
            return carry
        lax.fori_loop(0, RCH, ochunk, 0)
        pltpu.sync_copy(outr, rowind_hbm)
        pltpu.sync_copy(outc, colind_hbm)


_lsa = pl.kernel(
    _lsa_body,
    out_type=(jax.ShapeDtypeStruct((R,), _i32),
              jax.ShapeDtypeStruct((R,), _i32)),
    mesh=plsc.VectorSubcoreMesh(core_axis_name="c", subcore_axis_name="s",
                                num_cores=1, num_subcores=N_TILES),
    compiler_params=pltpu.CompilerParams(needs_layout_passes=False),
    scratch_types=[
        pltpu.VMEM((C,), _f32),
        pltpu.VMEM((C,), _f32),
        pltpu.VMEM((C,), _f32),
        pltpu.VMEM((C,), _f32),
        pltpu.VMEM((C,), _f32),
        pltpu.VMEM((C,), _i32),
        pltpu.VMEM((R,), _f32),
        pltpu.VMEM((R,), _i32),
        pltpu.VMEM((R,), _f32),
        pltpu.VMEM((R,), _i32),
        pltpu.VMEM((RCH,), _f32),
        pltpu.VMEM((ROWS_PER_TILE,), _f32),
        pltpu.VMEM((ROWS_PER_TILE,), _i32),
        pltpu.VMEM((ROWS_PER_TILE,), _f32),
        pltpu.VMEM((ROWS_PER_TILE,), _i32),
        pltpu.VMEM((R,), _i32),
        pltpu.VMEM((R,), _i32),
        pltpu.VMEM_SHARED((R * C,), _f32),
        pltpu.VMEM_SHARED((R,), _f32),
        pltpu.VMEM_SHARED((R,), _i32),
        pltpu.VMEM_SHARED((R,), _f32),
        pltpu.VMEM_SHARED((R,), _i32),
        pltpu.SemaphoreType.DMA,
        pltpu.SemaphoreType.DMA,
        pltpu.SemaphoreType.DMA,
        pltpu.SemaphoreType.DMA,
        pltpu.SemaphoreType.DMA,
    ],
)


def kernel(cost_matrix):
    flat = cost_matrix.reshape(-1)
    row_ind, col_ind = _lsa(flat)
    return row_ind, col_ind

# --- scband reference (transcript-rebuilt; emitter-appended) ---
"""Pipeline reference for scband-linear-sum-assignment-34797825032777 (READ-ONLY COPY).

The authoritative reference and input builder live on the scoring server;
editing this copy changes nothing except your own understanding.
"""

import jax, jax.numpy as jnp
import numpy as np

N_ROWS = 512
N_COLS = 2048
MAXIMIZE = True


def setup_inputs(seed: int = 0) -> dict:
    key = jax.random.key(seed)
    cost_matrix = jax.random.normal(key, (N_ROWS, N_COLS), dtype=jnp.float32)
    return {"cost_matrix": cost_matrix}


def _greedy(cost_matrix):
    n_rows, n_cols = cost_matrix.shape
    n_assign = min(n_rows, n_cols)
    costs = cost_matrix if MAXIMIZE else -cost_matrix
    row_used0 = jnp.zeros((n_rows,), dtype=bool)
    col_used0 = jnp.zeros((n_cols,), dtype=bool)
    row_ind0 = jnp.zeros((n_assign,), dtype=jnp.int32)
    col_ind0 = jnp.zeros((n_assign,), dtype=jnp.int32)

    def body(i, state):
        row_used, col_used, row_ind, col_ind = state
        mask = row_used[:, None] | col_used[None, :]
        masked = jnp.where(mask, jnp.float32(-jnp.inf), costs)
        flat = jnp.argmax(masked.reshape(-1))
        r = (flat // n_cols).astype(jnp.int32)
        c = (flat % n_cols).astype(jnp.int32)
        row_used = row_used.at[r].set(True)
        col_used = col_used.at[c].set(True)
        row_ind = row_ind.at[i].set(r)
        col_ind = col_ind.at[i].set(c)
        return (row_used, col_used, row_ind, col_ind)

    state = (row_used0, col_used0, row_ind0, col_ind0)
    row_used, col_used, row_ind, col_ind = jax.lax.fori_loop(0, n_assign, body, state)
    sort_idx = jnp.argsort(row_ind)
    return (row_ind[sort_idx], col_ind[sort_idx])


def reference(cost_matrix):
    # Faithful translation of LinearSumAssignment._greedy (method='greedy', maximize=True):
    # iterative masked global argmax, marking used rows/cols, then sort by row index.
    return _greedy(cost_matrix)

if __name__ == "__main__":
    import jax
    _d = setup_inputs()
    print(jax.jit(kernel)(*tuple(_d.values())))

</pallas_src>

<mosaic_0001>
#map = affine_map<(d0, d1) -> (0)>
module attributes {stable_mosaic.version = 14 : i64} {
  func.func @_lsa_body(%arg0: i32, %arg1: i32, %arg2: memref<1048576xf32, #tpu.memory_space<hbm>>, %arg3: memref<512xi32, #tpu.memory_space<hbm>>, %arg4: memref<512xi32, #tpu.memory_space<hbm>>, %arg5: memref<2048xf32, #tpu.memory_space<vmem>>, %arg6: memref<2048xf32, #tpu.memory_space<vmem>>, %arg7: memref<2048xf32, #tpu.memory_space<vmem>>, %arg8: memref<2048xf32, #tpu.memory_space<vmem>>, %arg9: memref<2048xf32, #tpu.memory_space<vmem>>, %arg10: memref<2048xi32, #tpu.memory_space<vmem>>, %arg11: memref<512xf32, #tpu.memory_space<vmem>>, %arg12: memref<512xi32, #tpu.memory_space<vmem>>, %arg13: memref<512xf32, #tpu.memory_space<vmem>>, %arg14: memref<512xi32, #tpu.memory_space<vmem>>, %arg15: memref<32xf32, #tpu.memory_space<vmem>>, %arg16: memref<32xf32, #tpu.memory_space<vmem>>, %arg17: memref<32xi32, #tpu.memory_space<vmem>>, %arg18: memref<32xf32, #tpu.memory_space<vmem>>, %arg19: memref<32xi32, #tpu.memory_space<vmem>>, %arg20: memref<512xi32, #tpu.memory_space<vmem>>, %arg21: memref<512xi32, #tpu.memory_space<vmem>>, %arg22: memref<1048576xf32, #tpu.memory_space<vmem_shared>>, %arg23: memref<512xf32, #tpu.memory_space<vmem_shared>>, %arg24: memref<512xi32, #tpu.memory_space<vmem_shared>>, %arg25: memref<512xf32, #tpu.memory_space<vmem_shared>>, %arg26: memref<512xi32, #tpu.memory_space<vmem_shared>>, %arg27: memref<!tpu.dma_semaphore, #tpu.memory_space<semaphore_mem>>, %arg28: memref<!tpu.dma_semaphore, #tpu.memory_space<semaphore_mem>>, %arg29: memref<!tpu.dma_semaphore, #tpu.memory_space<semaphore_mem>>, %arg30: memref<!tpu.dma_semaphore, #tpu.memory_space<semaphore_mem>>, %arg31: memref<!tpu.dma_semaphore, #tpu.memory_space<semaphore_mem>>) attributes {dimension_semantics = [#tpu.dimension_semantics<core_parallel>, #tpu.dimension_semantics<subcore_parallel>], iteration_bounds = array<i64: 1, 16>, scalar_prefetch = 0 : i64, scratch_operands = 27 : i64, tpu.core_type = #tpu.core_type<sc_vector_subcore>, window_params = [{transform_indices = #map}, {transform_indices = #map}, {transform_indices = #map}]} {
    %iota3A = tpu.iota {dimensions = array<i32: 0>} : vector<16xi32>
    %eq3A = arith.constant 0 : i32
    %eq3A_0 = vector.broadcast %eq3A : i32 to vector<16xi32>
    %eq3A_1 = arith.cmpi eq, %iota3A, %eq3A_0 : vector<16xi32>
    %broadcast_in_dim3A = arith.constant 0xFF800000 : f32
    %broadcast_in_dim3A_2 = vector.broadcast %broadcast_in_dim3A : f32 to vector<16xf32>
    %broadcast_in_dim3A_3 = arith.constant 0 : i32
    %broadcast_in_dim3A_4 = vector.broadcast %broadcast_in_dim3A_3 : i32 to vector<16xi32>
    %broadcast_in_dim3A_5 = arith.constant 1073741824 : i32
    %broadcast_in_dim3A_6 = vector.broadcast %broadcast_in_dim3A_5 : i32 to vector<16xi32>
    %mul3A = arith.constant 32 : i32
    %mul3A_7 = arith.muli %arg1, %mul3A : i32
    %mul3A_8 = arith.constant 2048 : i32
    %mul3A_9 = arith.muli %mul3A_7, %mul3A_8 : i32
    %dma_start3A = tpu.memref_slice %arg22[%mul3A_9] : memref<1048576xf32, #tpu.memory_space<vmem_shared>> -> memref<65536xf32, #tpu.memory_space<vmem_shared>>
    %dma_start3A_10 = tpu.memref_slice %arg2[%mul3A_9] : memref<1048576xf32, #tpu.memory_space<hbm>> -> memref<65536xf32, #tpu.memory_space<hbm>>
    tpu.enqueue_dma source(%dma_start3A_10 : memref<65536xf32, #tpu.memory_space<hbm>>) target(%dma_start3A : memref<65536xf32, #tpu.memory_space<vmem_shared>>) target_semaphore(%arg31 : memref<!tpu.dma_semaphore, #tpu.memory_space<semaphore_mem>>)
    %add3A = arith.constant 0 : i32
    %add3A_11 = arith.addi %mul3A_9, %add3A : i32
    %dma_start3A_12 = tpu.memref_slice %arg2[%add3A_11] : memref<1048576xf32, #tpu.memory_space<hbm>> -> memref<2048xf32, #tpu.memory_space<hbm>>
    %dma_start3A_13 = tpu.memref_slice %arg2[%add3A_11] : memref<1048576xf32, #tpu.memory_space<hbm>> -> memref<2048xf32, #tpu.memory_space<hbm>>
    tpu.enqueue_dma source(%dma_start3A_13 : memref<2048xf32, #tpu.memory_space<hbm>>) target(%arg5 : memref<2048xf32, #tpu.memory_space<vmem>>) target_semaphore(%arg27 : memref<!tpu.dma_semaphore, #tpu.memory_space<semaphore_mem>>)
    %add3A_14 = arith.constant 2048 : i32
    %add3A_15 = arith.addi %mul3A_9, %add3A_14 : i32
    %dma_start3A_16 = tpu.memref_slice %arg2[%add3A_15] : memref<1048576xf32, #tpu.memory_space<hbm>> -> memref<2048xf32, #tpu.memory_space<hbm>>
    %dma_start3A_17 = tpu.memref_slice %arg2[%add3A_15] : memref<1048576xf32, #tpu.memory_space<hbm>> -> memref<2048xf32, #tpu.memory_space<hbm>>
    tpu.enqueue_dma source(%dma_start3A_17 : memref<2048xf32, #tpu.memory_space<hbm>>) target(%arg6 : memref<2048xf32, #tpu.memory_space<vmem>>) target_semaphore(%arg28 : memref<!tpu.dma_semaphore, #tpu.memory_space<semaphore_mem>>)
    %add3A_18 = arith.constant 4096 : i32
    %add3A_19 = arith.addi %mul3A_9, %add3A_18 : i32
    %dma_start3A_20 = tpu.memref_slice %arg2[%add3A_19] : memref<1048576xf32, #tpu.memory_space<hbm>> -> memref<2048xf32, #tpu.memory_space<hbm>>
    %dma_start3A_21 = tpu.memref_slice %arg2[%add3A_19] : memref<1048576xf32, #tpu.memory_space<hbm>> -> memref<2048xf32, #tpu.memory_space<hbm>>
    tpu.enqueue_dma source(%dma_start3A_21 : memref<2048xf32, #tpu.memory_space<hbm>>) target(%arg7 : memref<2048xf32, #tpu.memory_space<vmem>>) target_semaphore(%arg29 : memref<!tpu.dma_semaphore, #tpu.memory_space<semaphore_mem>>)
    %scan3A = arith.constant 0 : i32
    %scan3A_22 = arith.constant 0 : i32
    %scan3A_23 = arith.constant 8 : i32
    %scan3A_24 = arith.addi %scan3A_22, %scan3A_23 : i32
    %scan3A_25 = arith.constant 1 : i32
    scf.for %scan3A_31 = %scan3A_22 to %scan3A_24 step %scan3A_25  : i32 {
      %mul3A_32 = arith.constant 4 : i32
      %mul3A_33 = arith.muli %mul3A_32, %scan3A_31 : i32
      %add3A_34 = arith.constant 0 : i32
      %add3A_35 = arith.addi %mul3A_33, %add3A_34 : i32
      %mul3A_36 = arith.constant 2048 : i32
      %mul3A_37 = arith.muli %add3A_35, %mul3A_36 : i32
      %add3A_38 = arith.addi %mul3A_9, %mul3A_37 : i32
      %dma_wait3A_39 = tpu.memref_slice %arg2[%add3A_38] : memref<1048576xf32, #tpu.memory_space<hbm>> -> memref<2048xf32, #tpu.memory_space<hbm>>
      %dma_wait3A_40 = tpu.memref_slice %arg2[%add3A_38] : memref<1048576xf32, #tpu.memory_space<hbm>> -> memref<2048xf32, #tpu.memory_space<hbm>>
      tpu.wait_dma2 semaphore(%arg27 : memref<!tpu.dma_semaphore, #tpu.memory_space<semaphore_mem>>) src(%dma_wait3A_40 : memref<2048xf32, #tpu.memory_space<hbm>>) dst(%arg5 : memref<2048xf32, #tpu.memory_space<vmem>>)
      %add3A_41 = arith.constant 3 : i32
      %add3A_42 = arith.addi %add3A_35, %add3A_41 : i32
      %lt3A = arith.constant 32 : i32
      %lt3A_43 = arith.cmpi slt, %add3A_42, %lt3A : i32
      %convert_element_type3A_44 = arith.extui %lt3A_43 : i1 to i32
      %cond3A_45 = arith.constant 0 : i32
      %cond3A_46 = arith.cmpi ne, %convert_element_type3A_44, %cond3A_45 : i32
      scf.if %cond3A_46 {
        %mul3A_1167 = arith.constant 2048 : i32
        %mul3A_1168 = arith.muli %add3A_42, %mul3A_1167 : i32
        %add3A_1169 = arith.addi %mul3A_9, %mul3A_1168 : i32
        %dma_start3A_1170 = tpu.memref_slice %arg2[%add3A_1169] : memref<1048576xf32, #tpu.memory_space<hbm>> -> memref<2048xf32, #tpu.memory_space<hbm>>
        %dma_start3A_1171 = tpu.memref_slice %arg2[%add3A_1169] : memref<1048576xf32, #tpu.memory_space<hbm>> -> memref<2048xf32, #tpu.memory_space<hbm>>
        tpu.enqueue_dma source(%dma_start3A_1171 : memref<2048xf32, #tpu.memory_space<hbm>>) target(%arg8 : memref<2048xf32, #tpu.memory_space<vmem>>) target_semaphore(%arg30 : memref<!tpu.dma_semaphore, #tpu.memory_space<semaphore_mem>>)
      } else {
      }
      %scan3A_47 = arith.constant 0 : i32
      %scan3A_48 = arith.constant 128 : i32
      %scan3A_49 = arith.addi %scan3A_47, %scan3A_48 : i32
      %scan3A_50 = arith.constant 8 : i32
      %scan3A_51:4 = scf.for %scan3A_1167 = %scan3A_47 to %scan3A_49 step %scan3A_50 iter_args(%scan3A_1168 = %broadcast_in_dim3A_2, %scan3A_1169 = %broadcast_in_dim3A_4, %scan3A_1170 = %broadcast_in_dim3A_2, %scan3A_1171 = %broadcast_in_dim3A_6) -> (vector<16xf32>, vector<16xi32>, vector<16xf32>, vector<16xi32>)  : i32 {
        %mul3A_1172 = arith.constant 16 : i32
        %mul3A_1173 = arith.muli %scan3A_1167, %mul3A_1172 : i32
        %get3A = arith.index_cast %mul3A_1173 : i32 to index
        %get3A_1174 = tpu.vector_load %arg5[%get3A] {strides = array<i32>} : memref<2048xf32, #tpu.memory_space<vmem>>, vector<16xf32>,
        %mul3A_1175 = arith.constant 16 : i32
        %mul3A_1176 = arith.muli %scan3A_1167, %mul3A_1175 : i32
        %add3A_1177 = vector.broadcast %mul3A_1176 : i32 to vector<16xi32>
        %add3A_1178 = arith.addi %add3A_1177, %iota3A : vector<16xi32>
        %gt3A_1179 = arith.cmpf ogt, %get3A_1174, %scan3A_1168 : vector<16xf32>
        %select_n3A_1180 = arith.select %gt3A_1179, %get3A_1174, %scan3A_1168 : vector<16xi1>, vector<16xf32>
        %select_n3A_1181 = arith.select %gt3A_1179, %add3A_1178, %scan3A_1169 : vector<16xi1>, vector<16xi32>
        %select_n3A_1182 = arith.select %gt3A_1179, %scan3A_1168, %get3A_1174 : vector<16xi1>, vector<16xf32>
        %select_n3A_1183 = arith.select %gt3A_1179, %scan3A_1169, %add3A_1178 : vector<16xi1>, vector<16xi32>
        %gt3A_1184 = arith.cmpf ogt, %select_n3A_1182, %scan3A_1170 : vector<16xf32>
        %select_n3A_1185 = arith.select %gt3A_1184, %select_n3A_1182, %scan3A_1170 : vector<16xi1>, vector<16xf32>
        %select_n3A_1186 = arith.select %gt3A_1184, %select_n3A_1183, %scan3A_1171 : vector<16xi1>, vector<16xi32>
        %scan3A_1187 = arith.constant 1 : i32
        %scan3A_1188 = arith.addi %scan3A_1167, %scan3A_1187 : i32
        %mul3A_1189 = arith.constant 16 : i32
        %mul3A_1190 = arith.muli %scan3A_1188, %mul3A_1189 : i32
        %get3A_1191 = arith.index_cast %mul3A_1190 : i32 to index
        %get3A_1192 = tpu.vector_load %arg5[%get3A_1191] {strides = array<i32>} : memref<2048xf32, #tpu.memory_space<vmem>>, vector<16xf32>,
        %mul3A_1193 = arith.constant 16 : i32
        %mul3A_1194 = arith.muli %scan3A_1188, %mul3A_1193 : i32
        %add3A_1195 = vector.broadcast %mul3A_1194 : i32 to vector<16xi32>
        %add3A_1196 = arith.addi %add3A_1195, %iota3A : vector<16xi32>
        %gt3A_1197 = arith.cmpf ogt, %get3A_1192, %select_n3A_1180 : vector<16xf32>
        %select_n3A_1198 = arith.select %gt3A_1197, %get3A_1192, %select_n3A_1180 : vector<16xi1>, vector<16xf32>
        %select_n3A_1199 = arith.select %gt3A_1197, %add3A_1196, %select_n3A_1181 : vector<16xi1>, vector<16xi32>
        %select_n3A_1200 = arith.select %gt3A_1197, %select_n3A_1180, %get3A_1192 : vector<16xi1>, vector<16xf32>
        %select_n3A_1201 = arith.select %gt3A_1197, %select_n3A_1181, %add3A_1196 : vector<16xi1>, vector<16xi32>
        %gt3A_1202 = arith.cmpf ogt, %select_n3A_1200, %select_n3A_1185 : vector<16xf32>
        %select_n3A_1203 = arith.select %gt3A_1202, %select_n3A_1200, %select_n3A_1185 : vector<16xi1>, vector<16xf32>
        %select_n3A_1204 = arith.select %gt3A_1202, %select_n3A_1201, %select_n3A_1186 : vector<16xi1>, vector<16xi32>
        %scan3A_1205 = arith.constant 2 : i32
        %scan3A_1206 = arith.addi %scan3A_1167, %scan3A_1205 : i32
        %mul3A_1207 = arith.constant 16 : i32
        %mul3A_1208 = arith.muli %scan3A_1206, %mul3A_1207 : i32
        %get3A_1209 = arith.index_cast %mul3A_1208 : i32 to index
        %get3A_1210 = tpu.vector_load %arg5[%get3A_1209] {strides = array<i32>} : memref<2048xf32, #tpu.memory_space<vmem>>, vector<16xf32>,
        %mul3A_1211 = arith.constant 16 : i32
        %mul3A_1212 = arith.muli %scan3A_1206, %mul3A_1211 : i32
        %add3A_1213 = vector.broadcast %mul3A_1212 : i32 to vector<16xi32>
        %add3A_1214 = arith.addi %add3A_1213, %iota3A : vector<16xi32>
        %gt3A_1215 = arith.cmpf ogt, %get3A_1210, %select_n3A_1198 : vector<16xf32>
        %select_n3A_1216 = arith.select %gt3A_1215, %get3A_1210, %select_n3A_1198 : vector<16xi1>, vector<16xf32>
        %select_n3A_1217 = arith.select %gt3A_1215, %add3A_1214, %select_n3A_1199 : vector<16xi1>, vector<16xi32>
        %select_n3A_1218 = arith.select %gt3A_1215, %select_n3A_1198, %get3A_1210 : vector<16xi1>, vector<16xf32>
        %select_n3A_1219 = arith.select %gt3A_1215, %select_n3A_1199, %add3A_1214 : vector<16xi1>, vector<16xi32>
        %gt3A_1220 = arith.cmpf ogt, %select_n3A_1218, %select_n3A_1203 : vector<16xf32>
        %select_n3A_1221 = arith.select %gt3A_1220, %select_n3A_1218, %select_n3A_1203 : vector<16xi1>, vector<16xf32>
        %select_n3A_1222 = arith.select %gt3A_1220, %select_n3A_1219, %select_n3A_1204 : vector<16xi1>, vector<16xi32>
        %scan3A_1223 = arith.constant 3 : i32
        %scan3A_1224 = arith.addi %scan3A_1167, %scan3A_1223 : i32
        %mul3A_1225 = arith.constant 16 : i32
        %mul3A_1226 = arith.muli %scan3A_1224, %mul3A_1225 : i32
        %get3A_1227 = arith.index_cast %mul3A_1226 : i32 to index
        %get3A_1228 = tpu.vector_load %arg5[%get3A_1227] {strides = array<i32>} : memref<2048xf32, #tpu.memory_space<vmem>>, vector<16xf32>,
        %mul3A_1229 = arith.constant 16 : i32
        %mul3A_1230 = arith.muli %scan3A_1224, %mul3A_1229 : i32
        %add3A_1231 = vector.broadcast %mul3A_1230 : i32 to vector<16xi32>
        %add3A_1232 = arith.addi %add3A_1231, %iota3A : vector<16xi32>
        %gt3A_1233 = arith.cmpf ogt, %get3A_1228, %select_n3A_1216 : vector<16xf32>
        %select_n3A_1234 = arith.select %gt3A_1233, %get3A_1228, %select_n3A_1216 : vector<16xi1>, vector<16xf32>
        %select_n3A_1235 = arith.select %gt3A_1233, %add3A_1232, %select_n3A_1217 : vector<16xi1>, vector<16xi32>
        %select_n3A_1236 = arith.select %gt3A_1233, %select_n3A_1216, %get3A_1228 : vector<16xi1>, vector<16xf32>
        %select_n3A_1237 = arith.select %gt3A_1233, %select_n3A_1217, %add3A_1232 : vector<16xi1>, vector<16xi32>
        %gt3A_1238 = arith.cmpf ogt, %select_n3A_1236, %select_n3A_1221 : vector<16xf32>
        %select_n3A_1239 = arith.select %gt3A_1238, %select_n3A_1236, %select_n3A_1221 : vector<16xi1>, vector<16xf32>
        %select_n3A_1240 = arith.select %gt3A_1238, %select_n3A_1237, %select_n3A_1222 : vector<16xi1>, vector<16xi32>
        %scan3A_1241 = arith.constant 4 : i32
        %scan3A_1242 = arith.addi %scan3A_1167, %scan3A_1241 : i32
        %mul3A_1243 = arith.constant 16 : i32
        %mul3A_1244 = arith.muli %scan3A_1242, %mul3A_1243 : i32
        %get3A_1245 = arith.index_cast %mul3A_1244 : i32 to index
        %get3A_1246 = tpu.vector_load %arg5[%get3A_1245] {strides = array<i32>} : memref<2048xf32, #tpu.memory_space<vmem>>, vector<16xf32>,
        %mul3A_1247 = arith.constant 16 : i32
        %mul3A_1248 = arith.muli %scan3A_1242, %mul3A_1247 : i32
        %add3A_1249 = vector.broadcast %mul3A_1248 : i32 to vector<16xi32>
        %add3A_1250 = arith.addi %add3A_1249, %iota3A : vector<16xi32>
        %gt3A_1251 = arith.cmpf ogt, %get3A_1246, %select_n3A_1234 : vector<16xf32>
        %select_n3A_1252 = arith.select %gt3A_1251, %get3A_1246, %select_n3A_1234 : vector<16xi1>, vector<16xf32>
        %select_n3A_1253 = arith.select %gt3A_1251, %add3A_1250, %select_n3A_1235 : vector<16xi1>, vector<16xi32>
        %select_n3A_1254 = arith.select %gt3A_1251, %select_n3A_1234, %get3A_1246 : vector<16xi1>, vector<16xf32>
        %select_n3A_1255 = arith.select %gt3A_1251, %select_n3A_1235, %add3A_1250 : vector<16xi1>, vector<16xi32>
        %gt3A_1256 = arith.cmpf ogt, %select_n3A_1254, %select_n3A_1239 : vector<16xf32>
        %select_n3A_1257 = arith.select %gt3A_1256, %select_n3A_1254, %select_n3A_1239 : vector<16xi1>, vector<16xf32>
        %select_n3A_1258 = arith.select %gt3A_1256, %select_n3A_1255, %select_n3A_1240 : vector<16xi1>, vector<16xi32>
        %scan3A_1259 = arith.constant 5 : i32
        %scan3A_1260 = arith.addi %scan3A_1167, %scan3A_1259 : i32
        %mul3A_1261 = arith.constant 16 : i32
        %mul3A_1262 = arith.muli %scan3A_1260, %mul3A_1261 : i32
        %get3A_1263 = arith.index_cast %mul3A_1262 : i32 to index
        %get3A_1264 = tpu.vector_load %arg5[%get3A_1263] {strides = array<i32>} : memref<2048xf32, #tpu.memory_space<vmem>>, vector<16xf32>,
        %mul3A_1265 = arith.constant 16 : i32
        %mul3A_1266 = arith.muli %scan3A_1260, %mul3A_1265 : i32
        %add3A_1267 = vector.broadcast %mul3A_1266 : i32 to vector<16xi32>
        %add3A_1268 = arith.addi %add3A_1267, %iota3A : vector<16xi32>
        %gt3A_1269 = arith.cmpf ogt, %get3A_1264, %select_n3A_1252 : vector<16xf32>
        %select_n3A_1270 = arith.select %gt3A_1269, %get3A_1264, %select_n3A_1252 : vector<16xi1>, vector<16xf32>
        %select_n3A_1271 = arith.select %gt3A_1269, %add3A_1268, %select_n3A_1253 : vector<16xi1>, vector<16xi32>
        %select_n3A_1272 = arith.select %gt3A_1269, %select_n3A_1252, %get3A_1264 : vector<16xi1>, vector<16xf32>
        %select_n3A_1273 = arith.select %gt3A_1269, %select_n3A_1253, %add3A_1268 : vector<16xi1>, vector<16xi32>
        %gt3A_1274 = arith.cmpf ogt, %select_n3A_1272, %select_n3A_1257 : vector<16xf32>
        %select_n3A_1275 = arith.select %gt3A_1274, %select_n3A_1272, %select_n3A_1257 : vector<16xi1>, vector<16xf32>
        %select_n3A_1276 = arith.select %gt3A_1274, %select_n3A_1273, %select_n3A_1258 : vector<16xi1>, vector<16xi32>
        %scan3A_1277 = arith.constant 6 : i32
        %scan3A_1278 = arith.addi %scan3A_1167, %scan3A_1277 : i32
        %mul3A_1279 = arith.constant 16 : i32
        %mul3A_1280 = arith.muli %scan3A_1278, %mul3A_1279 : i32
        %get3A_1281 = arith.index_cast %mul3A_1280 : i32 to index
        %get3A_1282 = tpu.vector_load %arg5[%get3A_1281] {strides = array<i32>} : memref<2048xf32, #tpu.memory_space<vmem>>, vector<16xf32>,
        %mul3A_1283 = arith.constant 16 : i32
        %mul3A_1284 = arith.muli %scan3A_1278, %mul3A_1283 : i32
        %add3A_1285 = vector.broadcast %mul3A_1284 : i32 to vector<16xi32>
        %add3A_1286 = arith.addi %add3A_1285, %iota3A : vector<16xi32>
        %gt3A_1287 = arith.cmpf ogt, %get3A_1282, %select_n3A_1270 : vector<16xf32>
        %select_n3A_1288 = arith.select %gt3A_1287, %get3A_1282, %select_n3A_1270 : vector<16xi1>, vector<16xf32>
        %select_n3A_1289 = arith.select %gt3A_1287, %add3A_1286, %select_n3A_1271 : vector<16xi1>, vector<16xi32>
        %select_n3A_1290 = arith.select %gt3A_1287, %select_n3A_1270, %get3A_1282 : vector<16xi1>, vector<16xf32>
        %select_n3A_1291 = arith.select %gt3A_1287, %select_n3A_1271, %add3A_1286 : vector<16xi1>, vector<16xi32>
        %gt3A_1292 = arith.cmpf ogt, %select_n3A_1290, %select_n3A_1275 : vector<16xf32>
        %select_n3A_1293 = arith.select %gt3A_1292, %select_n3A_1290, %select_n3A_1275 : vector<16xi1>, vector<16xf32>
        %select_n3A_1294 = arith.select %gt3A_1292, %select_n3A_1291, %select_n3A_1276 : vector<16xi1>, vector<16xi32>
        %scan3A_1295 = arith.constant 7 : i32
        %scan3A_1296 = arith.addi %scan3A_1167, %scan3A_1295 : i32
        %mul3A_1297 = arith.constant 16 : i32
        %mul3A_1298 = arith.muli %scan3A_1296, %mul3A_1297 : i32
        %get3A_1299 = arith.index_cast %mul3A_1298 : i32 to index
        %get3A_1300 = tpu.vector_load %arg5[%get3A_1299] {strides = array<i32>} : memref<2048xf32, #tpu.memory_space<vmem>>, vector<16xf32>,
        %mul3A_1301 = arith.constant 16 : i32
        %mul3A_1302 = arith.muli %scan3A_1296, %mul3A_1301 : i32
        %add3A_1303 = vector.broadcast %mul3A_1302 : i32 to vector<16xi32>
        %add3A_1304 = arith.addi %add3A_1303, %iota3A : vector<16xi32>
        %gt3A_1305 = arith.cmpf ogt, %get3A_1300, %select_n3A_1288 : vector<16xf32>
        %select_n3A_1306 = arith.select %gt3A_1305, %get3A_1300, %select_n3A_1288 : vector<16xi1>, vector<16xf32>
        %select_n3A_1307 = arith.select %gt3A_1305, %add3A_1304, %select_n3A_1289 : vector<16xi1>, vector<16xi32>
        %select_n3A_1308 = arith.select %gt3A_1305, %select_n3A_1288, %get3A_1300 : vector<16xi1>, vector<16xf32>
        %select_n3A_1309 = arith.select %gt3A_1305, %select_n3A_1289, %add3A_1304 : vector<16xi1>, vector<16xi32>
        %gt3A_1310 = arith.cmpf ogt, %select_n3A_1308, %select_n3A_1293 : vector<16xf32>
        %select_n3A_1311 = arith.select %gt3A_1310, %select_n3A_1308, %select_n3A_1293 : vector<16xi1>, vector<16xf32>
        %select_n3A_1312 = arith.select %gt3A_1310, %select_n3A_1309, %select_n3A_1294 : vector<16xi1>, vector<16xi32>
        scf.yield %select_n3A_1306, %select_n3A_1307, %select_n3A_1311, %select_n3A_1312 : vector<16xf32>, vector<16xi32>, vector<16xf32>, vector<16xi32>
      }
      %scan3A_52 = arith.constant 128 : i32
      %xor3A = arith.constant 1 : i32
      %xor3A_53 = vector.broadcast %xor3A : i32 to vector<16xi32>
      %xor3A_54 = arith.xori %iota3A, %xor3A_53 : vector<16xi32>
      %lt3A_55 = arith.constant 0 : i32
      %lt3A_56 = vector.broadcast %lt3A_55 : i32 to vector<16xi32>
      %lt3A_57 = arith.cmpi slt, %xor3A_54, %lt3A_56 : vector<16xi32>
      %add3A_58 = arith.constant 16 : i32
      %add3A_59 = vector.broadcast %add3A_58 : i32 to vector<16xi32>
      %add3A_60 = arith.addi %xor3A_54, %add3A_59 : vector<16xi32>
      %select_n3A = arith.select %lt3A_57, %add3A_60, %xor3A_54 : vector<16xi1>, vector<16xi32>
      %broadcast_in_dim3A_61 = vector.shape_cast %select_n3A : vector<16xi32> to vector<16x1xi32>
      %gather3A = vector.shape_cast %broadcast_in_dim3A_61 : vector<16x1xi32> to vector<16xi32>
      %gather3A_62 = tpu.dynamic_gather %scan3A_51#0[%gather3A] in [0] : vector<16xf32>, vector<16xi32> -> vector<16xf32>
      %lt3A_63 = arith.constant 0 : i32
      %lt3A_64 = vector.broadcast %lt3A_63 : i32 to vector<16xi32>
      %lt3A_65 = arith.cmpi slt, %xor3A_54, %lt3A_64 : vector<16xi32>
      %add3A_66 = arith.constant 16 : i32
      %add3A_67 = vector.broadcast %add3A_66 : i32 to vector<16xi32>
      %add3A_68 = arith.addi %xor3A_54, %add3A_67 : vector<16xi32>
      %select_n3A_69 = arith.select %lt3A_65, %add3A_68, %xor3A_54 : vector<16xi1>, vector<16xi32>
      %broadcast_in_dim3A_70 = vector.shape_cast %select_n3A_69 : vector<16xi32> to vector<16x1xi32>
      %gather3A_71 = vector.shape_cast %broadcast_in_dim3A_70 : vector<16x1xi32> to vector<16xi32>
      %gather3A_72 = tpu.dynamic_gather %scan3A_51#1[%gather3A_71] in [0] : vector<16xi32>, vector<16xi32> -> vector<16xi32>
      %lt3A_73 = arith.constant 0 : i32
      %lt3A_74 = vector.broadcast %lt3A_73 : i32 to vector<16xi32>
      %lt3A_75 = arith.cmpi slt, %xor3A_54, %lt3A_74 : vector<16xi32>
      %add3A_76 = arith.constant 16 : i32
      %add3A_77 = vector.broadcast %add3A_76 : i32 to vector<16xi32>
      %add3A_78 = arith.addi %xor3A_54, %add3A_77 : vector<16xi32>
      %select_n3A_79 = arith.select %lt3A_75, %add3A_78, %xor3A_54 : vector<16xi1>, vector<16xi32>
      %broadcast_in_dim3A_80 = vector.shape_cast %select_n3A_79 : vector<16xi32> to vector<16x1xi32>
      %gather3A_81 = vector.shape_cast %broadcast_in_dim3A_80 : vector<16x1xi32> to vector<16xi32>
      %gather3A_82 = tpu.dynamic_gather %scan3A_51#2[%gather3A_81] in [0] : vector<16xf32>, vector<16xi32> -> vector<16xf32>
      %lt3A_83 = arith.constant 0 : i32
      %lt3A_84 = vector.broadcast %lt3A_83 : i32 to vector<16xi32>
      %lt3A_85 = arith.cmpi slt, %xor3A_54, %lt3A_84 : vector<16xi32>
      %add3A_86 = arith.constant 16 : i32
      %add3A_87 = vector.broadcast %add3A_86 : i32 to vector<16xi32>
      %add3A_88 = arith.addi %xor3A_54, %add3A_87 : vector<16xi32>
      %select_n3A_89 = arith.select %lt3A_85, %add3A_88, %xor3A_54 : vector<16xi1>, vector<16xi32>
      %broadcast_in_dim3A_90 = vector.shape_cast %select_n3A_89 : vector<16xi32> to vector<16x1xi32>
      %gather3A_91 = vector.shape_cast %broadcast_in_dim3A_90 : vector<16x1xi32> to vector<16xi32>
      %gather3A_92 = tpu.dynamic_gather %scan3A_51#3[%gather3A_91] in [0] : vector<16xi32>, vector<16xi32> -> vector<16xi32>
      %gt3A = arith.cmpf ogt, %gather3A_62, %scan3A_51#0 : vector<16xf32>
      %eq3A_93 = arith.cmpf oeq, %gather3A_62, %scan3A_51#0 : vector<16xf32>
      %lt3A_94 = arith.cmpi slt, %gather3A_72, %scan3A_51#1 : vector<16xi32>
      %and3A = arith.andi %eq3A_93, %lt3A_94 : vector<16xi1>
      %or3A = arith.ori %gt3A, %and3A : vector<16xi1>
      %select_n3A_95 = arith.select %or3A, %gather3A_62, %scan3A_51#0 : vector<16xi1>, vector<16xf32>
      %select_n3A_96 = arith.select %or3A, %gather3A_72, %scan3A_51#1 : vector<16xi1>, vector<16xi32>
      %select_n3A_97 = arith.select %or3A, %scan3A_51#0, %gather3A_62 : vector<16xi1>, vector<16xf32>
      %select_n3A_98 = arith.select %or3A, %scan3A_51#1, %gather3A_72 : vector<16xi1>, vector<16xi32>
      %gt3A_99 = arith.cmpf ogt, %gather3A_82, %scan3A_51#2 : vector<16xf32>
      %eq3A_100 = arith.cmpf oeq, %gather3A_82, %scan3A_51#2 : vector<16xf32>
      %lt3A_101 = arith.cmpi slt, %gather3A_92, %scan3A_51#3 : vector<16xi32>
      %and3A_102 = arith.andi %eq3A_100, %lt3A_101 : vector<16xi1>
      %or3A_103 = arith.ori %gt3A_99, %and3A_102 : vector<16xi1>
      %select_n3A_104 = arith.select %or3A_103, %gather3A_82, %scan3A_51#2 : vector<16xi1>, vector<16xf32>
      %select_n3A_105 = arith.select %or3A_103, %gather3A_92, %scan3A_51#3 : vector<16xi1>, vector<16xi32>
      %gt3A_106 = arith.cmpf ogt, %select_n3A_97, %select_n3A_104 : vector<16xf32>
      %eq3A_107 = arith.cmpf oeq, %select_n3A_97, %select_n3A_104 : vector<16xf32>
      %lt3A_108 = arith.cmpi slt, %select_n3A_98, %select_n3A_105 : vector<16xi32>
      %and3A_109 = arith.andi %eq3A_107, %lt3A_108 : vector<16xi1>
      %or3A_110 = arith.ori %gt3A_106, %and3A_109 : vector<16xi1>
      %select_n3A_111 = arith.select %or3A_110, %select_n3A_97, %select_n3A_104 : vector<16xi1>, vector<16xf32>
      %select_n3A_112 = arith.select %or3A_110, %select_n3A_98, %select_n3A_105 : vector<16xi1>, vector<16xi32>
      %xor3A_113 = arith.constant 2 : i32
      %xor3A_114 = vector.broadcast %xor3A_113 : i32 to vector<16xi32>
      %xor3A_115 = arith.xori %iota3A, %xor3A_114 : vector<16xi32>
      %lt3A_116 = arith.constant 0 : i32
      %lt3A_117 = vector.broadcast %lt3A_116 : i32 to vector<16xi32>
      %lt3A_118 = arith.cmpi slt, %xor3A_115, %lt3A_117 : vector<16xi32>
      %add3A_119 = arith.constant 16 : i32
      %add3A_120 = vector.broadcast %add3A_119 : i32 to vector<16xi32>
      %add3A_121 = arith.addi %xor3A_115, %add3A_120 : vector<16xi32>
      %select_n3A_122 = arith.select %lt3A_118, %add3A_121, %xor3A_115 : vector<16xi1>, vector<16xi32>
      %broadcast_in_dim3A_123 = vector.shape_cast %select_n3A_122 : vector<16xi32> to vector<16x1xi32>
      %gather3A_124 = vector.shape_cast %broadcast_in_dim3A_123 : vector<16x1xi32> to vector<16xi32>
      %gather3A_125 = tpu.dynamic_gather %select_n3A_95[%gather3A_124] in [0] : vector<16xf32>, vector<16xi32> -> vector<16xf32>
      %lt3A_126 = arith.constant 0 : i32
      %lt3A_127 = vector.broadcast %lt3A_126 : i32 to vector<16xi32>
      %lt3A_128 = arith.cmpi slt, %xor3A_115, %lt3A_127 : vector<16xi32>
      %add3A_129 = arith.constant 16 : i32
      %add3A_130 = vector.broadcast %add3A_129 : i32 to vector<16xi32>
      %add3A_131 = arith.addi %xor3A_115, %add3A_130 : vector<16xi32>
      %select_n3A_132 = arith.select %lt3A_128, %add3A_131, %xor3A_115 : vector<16xi1>, vector<16xi32>
      %broadcast_in_dim3A_133 = vector.shape_cast %select_n3A_132 : vector<16xi32> to vector<16x1xi32>
      %gather3A_134 = vector.shape_cast %broadcast_in_dim3A_133 : vector<16x1xi32> to vector<16xi32>
      %gather3A_135 = tpu.dynamic_gather %select_n3A_96[%gather3A_134] in [0] : vector<16xi32>, vector<16xi32> -> vector<16xi32>
      %lt3A_136 = arith.constant 0 : i32
      %lt3A_137 = vector.broadcast %lt3A_136 : i32 to vector<16xi32>
      %lt3A_138 = arith.cmpi slt, %xor3A_115, %lt3A_137 : vector<16xi32>
      %add3A_139 = arith.constant 16 : i32
      %add3A_140 = vector.broadcast %add3A_139 : i32 to vector<16xi32>
      %add3A_141 = arith.addi %xor3A_115, %add3A_140 : vector<16xi32>
      %select_n3A_142 = arith.select %lt3A_138, %add3A_141, %xor3A_115 : vector<16xi1>, vector<16xi32>
      %broadcast_in_dim3A_143 = vector.shape_cast %select_n3A_142 : vector<16xi32> to vector<16x1xi32>
      %gather3A_144 = vector.shape_cast %broadcast_in_dim3A_143 : vector<16x1xi32> to vector<16xi32>
      %gather3A_145 = tpu.dynamic_gather %select_n3A_111[%gather3A_144] in [0] : vector<16xf32>, vector<16xi32> -> vector<16xf32>
      %lt3A_146 = arith.constant 0 : i32
      %lt3A_147 = vector.broadcast %lt3A_146 : i32 to vector<16xi32>
      %lt3A_148 = arith.cmpi slt, %xor3A_115, %lt3A_147 : vector<16xi32>
      %add3A_149 = arith.constant 16 : i32
      %add3A_150 = vector.broadcast %add3A_149 : i32 to vector<16xi32>
      %add3A_151 = arith.addi %xor3A_115, %add3A_150 : vector<16xi32>
      %select_n3A_152 = arith.select %lt3A_148, %add3A_151, %xor3A_115 : vector<16xi1>, vector<16xi32>
      %broadcast_in_dim3A_153 = vector.shape_cast %select_n3A_152 : vector<16xi32> to vector<16x1xi32>
      %gather3A_154 = vector.shape_cast %broadcast_in_dim3A_153 : vector<16x1xi32> to vector<16xi32>
      %gather3A_155 = tpu.dynamic_gather %select_n3A_112[%gather3A_154] in [0] : vector<16xi32>, vector<16xi32> -> vector<16xi32>
      %gt3A_156 = arith.cmpf ogt, %gather3A_125, %select_n3A_95 : vector<16xf32>
      %eq3A_157 = arith.cmpf oeq, %gather3A_125, %select_n3A_95 : vector<16xf32>
      %lt3A_158 = arith.cmpi slt, %gather3A_135, %select_n3A_96 : vector<16xi32>
      %and3A_159 = arith.andi %eq3A_157, %lt3A_158 : vector<16xi1>
      %or3A_160 = arith.ori %gt3A_156, %and3A_159 : vector<16xi1>
      %select_n3A_161 = arith.select %or3A_160, %gather3A_125, %select_n3A_95 : vector<16xi1>, vector<16xf32>
      %select_n3A_162 = arith.select %or3A_160, %gather3A_135, %select_n3A_96 : vector<16xi1>, vector<16xi32>
      %select_n3A_163 = arith.select %or3A_160, %select_n3A_95, %gather3A_125 : vector<16xi1>, vector<16xf32>
      %select_n3A_164 = arith.select %or3A_160, %select_n3A_96, %gather3A_135 : vector<16xi1>, vector<16xi32>
      %gt3A_165 = arith.cmpf ogt, %gather3A_145, %select_n3A_111 : vector<16xf32>
      %eq3A_166 = arith.cmpf oeq, %gather3A_145, %select_n3A_111 : vector<16xf32>
      %lt3A_167 = arith.cmpi slt, %gather3A_155, %select_n3A_112 : vector<16xi32>
      %and3A_168 = arith.andi %eq3A_166, %lt3A_167 : vector<16xi1>
      %or3A_169 = arith.ori %gt3A_165, %and3A_168 : vector<16xi1>
      %select_n3A_170 = arith.select %or3A_169, %gather3A_145, %select_n3A_111 : vector<16xi1>, vector<16xf32>
      %select_n3A_171 = arith.select %or3A_169, %gather3A_155, %select_n3A_112 : vector<16xi1>, vector<16xi32>
      %gt3A_172 = arith.cmpf ogt, %select_n3A_163, %select_n3A_170 : vector<16xf32>
      %eq3A_173 = arith.cmpf oeq, %select_n3A_163, %select_n3A_170 : vector<16xf32>
      %lt3A_174 = arith.cmpi slt, %select_n3A_164, %select_n3A_171 : vector<16xi32>
      %and3A_175 = arith.andi %eq3A_173, %lt3A_174 : vector<16xi1>
      %or3A_176 = arith.ori %gt3A_172, %and3A_175 : vector<16xi1>
      %select_n3A_177 = arith.select %or3A_176, %select_n3A_163, %select_n3A_170 : vector<16xi1>, vector<16xf32>
      %select_n3A_178 = arith.select %or3A_176, %select_n3A_164, %select_n3A_171 : vector<16xi1>, vector<16xi32>
      %xor3A_179 = arith.constant 4 : i32
      %xor3A_180 = vector.broadcast %xor3A_179 : i32 to vector<16xi32>
      %xor3A_181 = arith.xori %iota3A, %xor3A_180 : vector<16xi32>
      %lt3A_182 = arith.constant 0 : i32
      %lt3A_183 = vector.broadcast %lt3A_182 : i32 to vector<16xi32>
      %lt3A_184 = arith.cmpi slt, %xor3A_181, %lt3A_183 : vector<16xi32>
      %add3A_185 = arith.constant 16 : i32
      %add3A_186 = vector.broadcast %add3A_185 : i32 to vector<16xi32>
      %add3A_187 = arith.addi %xor3A_181, %add3A_186 : vector<16xi32>
      %select_n3A_188 = arith.select %lt3A_184, %add3A_187, %xor3A_181 : vector<16xi1>, vector<16xi32>
      %broadcast_in_dim3A_189 = vector.shape_cast %select_n3A_188 : vector<16xi32> to vector<16x1xi32>
      %gather3A_190 = vector.shape_cast %broadcast_in_dim3A_189 : vector<16x1xi32> to vector<16xi32>
      %gather3A_191 = tpu.dynamic_gather %select_n3A_161[%gather3A_190] in [0] : vector<16xf32>, vector<16xi32> -> vector<16xf32>
      %lt3A_192 = arith.constant 0 : i32
      %lt3A_193 = vector.broadcast %lt3A_192 : i32 to vector<16xi32>
      %lt3A_194 = arith.cmpi slt, %xor3A_181, %lt3A_193 : vector<16xi32>
      %add3A_195 = arith.constant 16 : i32
      %add3A_196 = vector.broadcast %add3A_195 : i32 to vector<16xi32>
      %add3A_197 = arith.addi %xor3A_181, %add3A_196 : vector<16xi32>
      %select_n3A_198 = arith.select %lt3A_194, %add3A_197, %xor3A_181 : vector<16xi1>, vector<16xi32>
      %broadcast_in_dim3A_199 = vector.shape_cast %select_n3A_198 : vector<16xi32> to vector<16x1xi32>
      %gather3A_200 = vector.shape_cast %broadcast_in_dim3A_199 : vector<16x1xi32> to vector<16xi32>
      %gather3A_201 = tpu.dynamic_gather %select_n3A_162[%gather3A_200] in [0] : vector<16xi32>, vector<16xi32> -> vector<16xi32>
      %lt3A_202 = arith.constant 0 : i32
      %lt3A_203 = vector.broadcast %lt3A_202 : i32 to vector<16xi32>
      %lt3A_204 = arith.cmpi slt, %xor3A_181, %lt3A_203 : vector<16xi32>
      %add3A_205 = arith.constant 16 : i32
      %add3A_206 = vector.broadcast %add3A_205 : i32 to vector<16xi32>
      %add3A_207 = arith.addi %xor3A_181, %add3A_206 : vector<16xi32>
      %select_n3A_208 = arith.select %lt3A_204, %add3A_207, %xor3A_181 : vector<16xi1>, vector<16xi32>
      %broadcast_in_dim3A_209 = vector.shape_cast %select_n3A_208 : vector<16xi32> to vector<16x1xi32>
      %gather3A_210 = vector.shape_cast %broadcast_in_dim3A_209 : vector<16x1xi32> to vector<16xi32>
      %gather3A_211 = tpu.dynamic_gather %select_n3A_177[%gather3A_210] in [0] : vector<16xf32>, vector<16xi32> -> vector<16xf32>
      %lt3A_212 = arith.constant 0 : i32
      %lt3A_213 = vector.broadcast %lt3A_212 : i32 to vector<16xi32>
      %lt3A_214 = arith.cmpi slt, %xor3A_181, %lt3A_213 : vector<16xi32>
      %add3A_215 = arith.constant 16 : i32
      %add3A_216 = vector.broadcast %add3A_215 : i32 to vector<16xi32>
      %add3A_217 = arith.addi %xor3A_181, %add3A_216 : vector<16xi32>
      %select_n3A_218 = arith.select %lt3A_214, %add3A_217, %xor3A_181 : vector<16xi1>, vector<16xi32>
      %broadcast_in_dim3A_219 = vector.shape_cast %select_n3A_218 : vector<16xi32> to vector<16x1xi32>
      %gather3A_220 = vector.shape_cast %broadcast_in_dim3A_219 : vector<16x1xi32> to vector<16xi32>
      %gather3A_221 = tpu.dynamic_gather %select_n3A_178[%gather3A_220] in [0] : vector<16xi32>, vector<16xi32> -> vector<16xi32>
      %gt3A_222 = arith.cmpf ogt, %gather3A_191, %select_n3A_161 : vector<16xf32>
      %eq3A_223 = arith.cmpf oeq, %gather3A_191, %select_n3A_161 : vector<16xf32>
      %lt3A_224 = arith.cmpi slt, %gather3A_201, %select_n3A_162 : vector<16xi32>
      %and3A_225 = arith.andi %eq3A_223, %lt3A_224 : vector<16xi1>
      %or3A_226 = arith.ori %gt3A_222, %and3A_225 : vector<16xi1>
      %select_n3A_227 = arith.select %or3A_226, %gather3A_191, %select_n3A_161 : vector<16xi1>, vector<16xf32>
      %select_n3A_228 = arith.select %or3A_226, %gather3A_201, %select_n3A_162 : vector<16xi1>, vector<16xi32>
      %select_n3A_229 = arith.select %or3A_226, %select_n3A_161, %gather3A_191 : vector<16xi1>, vector<16xf32>
      %select_n3A_230 = arith.select %or3A_226, %select_n3A_162, %gather3A_201 : vector<16xi1>, vector<16xi32>
      %gt3A_231 = arith.cmpf ogt, %gather3A_211, %select_n3A_177 : vector<16xf32>
      %eq3A_232 = arith.cmpf oeq, %gather3A_211, %select_n3A_177 : vector<16xf32>
      %lt3A_233 = arith.cmpi slt, %gather3A_221, %select_n3A_178 : vector<16xi32>
      %and3A_234 = arith.andi %eq3A_232, %lt3A_233 : vector<16xi1>
      %or3A_235 = arith.ori %gt3A_231, %and3A_234 : vector<16xi1>
      %select_n3A_236 = arith.select %or3A_235, %gather3A_211, %select_n3A_177 : vector<16xi1>, vector<16xf32>
      %select_n3A_237 = arith.select %or3A_235, %gather3A_221, %select_n3A_178 : vector<16xi1>, vector<16xi32>
      %gt3A_238 = arith.cmpf ogt, %select_n3A_229, %select_n3A_236 : vector<16xf32>
      %eq3A_239 = arith.cmpf oeq, %select_n3A_229, %select_n3A_236 : vector<16xf32>
      %lt3A_240 = arith.cmpi slt, %select_n3A_230, %select_n3A_237 : vector<16xi32>
      %and3A_241 = arith.andi %eq3A_239, %lt3A_240 : vector<16xi1>
      %or3A_242 = arith.ori %gt3A_238, %and3A_241 : vector<16xi1>
      %select_n3A_243 = arith.select %or3A_242, %select_n3A_229, %select_n3A_236 : vector<16xi1>, vector<16xf32>
      %select_n3A_244 = arith.select %or3A_242, %select_n3A_230, %select_n3A_237 : vector<16xi1>, vector<16xi32>
      %xor3A_245 = arith.constant 8 : i32
      %xor3A_246 = vector.broadcast %xor3A_245 : i32 to vector<16xi32>
      %xor3A_247 = arith.xori %iota3A, %xor3A_246 : vector<16xi32>
      %lt3A_248 = arith.constant 0 : i32
      %lt3A_249 = vector.broadcast %lt3A_248 : i32 to vector<16xi32>
      %lt3A_250 = arith.cmpi slt, %xor3A_247, %lt3A_249 : vector<16xi32>
      %add3A_251 = arith.constant 16 : i32
      %add3A_252 = vector.broadcast %add3A_251 : i32 to vector<16xi32>
      %add3A_253 = arith.addi %xor3A_247, %add3A_252 : vector<16xi32>
      %select_n3A_254 = arith.select %lt3A_250, %add3A_253, %xor3A_247 : vector<16xi1>, vector<16xi32>
      %broadcast_in_dim3A_255 = vector.shape_cast %select_n3A_254 : vector<16xi32> to vector<16x1xi32>
      %gather3A_256 = vector.shape_cast %broadcast_in_dim3A_255 : vector<16x1xi32> to vector<16xi32>
      %gather3A_257 = tpu.dynamic_gather %select_n3A_227[%gather3A_256] in [0] : vector<16xf32>, vector<16xi32> -> vector<16xf32>
      %lt3A_258 = arith.constant 0 : i32
      %lt3A_259 = vector.broadcast %lt3A_258 : i32 to vector<16xi32>
      %lt3A_260 = arith.cmpi slt, %xor3A_247, %lt3A_259 : vector<16xi32>
      %add3A_261 = arith.constant 16 : i32
      %add3A_262 = vector.broadcast %add3A_261 : i32 to vector<16xi32>
      %add3A_263 = arith.addi %xor3A_247, %add3A_262 : vector<16xi32>
      %select_n3A_264 = arith.select %lt3A_260, %add3A_263, %xor3A_247 : vector<16xi1>, vector<16xi32>
      %broadcast_in_dim3A_265 = vector.shape_cast %select_n3A_264 : vector<16xi32> to vector<16x1xi32>
      %gather3A_266 = vector.shape_cast %broadcast_in_dim3A_265 : vector<16x1xi32> to vector<16xi32>
      %gather3A_267 = tpu.dynamic_gather %select_n3A_228[%gather3A_266] in [0] : vector<16xi32>, vector<16xi32> -> vector<16xi32>
      %lt3A_268 = arith.constant 0 : i32
      %lt3A_269 = vector.broadcast %lt3A_268 : i32 to vector<16xi32>
      %lt3A_270 = arith.cmpi slt, %xor3A_247, %lt3A_269 : vector<16xi32>
      %add3A_271 = arith.constant 16 : i32
      %add3A_272 = vector.broadcast %add3A_271 : i32 to vector<16xi32>
      %add3A_273 = arith.addi %xor3A_247, %add3A_272 : vector<16xi32>
      %select_n3A_274 = arith.select %lt3A_270, %add3A_273, %xor3A_247 : vector<16xi1>, vector<16xi32>
      %broadcast_in_dim3A_275 = vector.shape_cast %select_n3A_274 : vector<16xi32> to vector<16x1xi32>
      %gather3A_276 = vector.shape_cast %broadcast_in_dim3A_275 : vector<16x1xi32> to vector<16xi32>
      %gather3A_277 = tpu.dynamic_gather %select_n3A_243[%gather3A_276] in [0] : vector<16xf32>, vector<16xi32> -> vector<16xf32>
      %lt3A_278 = arith.constant 0 : i32
      %lt3A_279 = vector.broadcast %lt3A_278 : i32 to vector<16xi32>
      %lt3A_280 = arith.cmpi slt, %xor3A_247, %lt3A_279 : vector<16xi32>
      %add3A_281 = arith.constant 16 : i32
      %add3A_282 = vector.broadcast %add3A_281 : i32 to vector<16xi32>
      %add3A_283 = arith.addi %xor3A_247, %add3A_282 : vector<16xi32>
      %select_n3A_284 = arith.select %lt3A_280, %add3A_283, %xor3A_247 : vector<16xi1>, vector<16xi32>
      %broadcast_in_dim3A_285 = vector.shape_cast %select_n3A_284 : vector<16xi32> to vector<16x1xi32>
      %gather3A_286 = vector.shape_cast %broadcast_in_dim3A_285 : vector<16x1xi32> to vector<16xi32>
      %gather3A_287 = tpu.dynamic_gather %select_n3A_244[%gather3A_286] in [0] : vector<16xi32>, vector<16xi32> -> vector<16xi32>
      %gt3A_288 = arith.cmpf ogt, %gather3A_257, %select_n3A_227 : vector<16xf32>
      %eq3A_289 = arith.cmpf oeq, %gather3A_257, %select_n3A_227 : vector<16xf32>
      %lt3A_290 = arith.cmpi slt, %gather3A_267, %select_n3A_228 : vector<16xi32>
      %and3A_291 = arith.andi %eq3A_289, %lt3A_290 : vector<16xi1>
      %or3A_292 = arith.ori %gt3A_288, %and3A_291 : vector<16xi1>
      %select_n3A_293 = arith.select %or3A_292, %gather3A_257, %select_n3A_227 : vector<16xi1>, vector<16xf32>
      %select_n3A_294 = arith.select %or3A_292, %gather3A_267, %select_n3A_228 : vector<16xi1>, vector<16xi32>
      %select_n3A_295 = arith.select %or3A_292, %select_n3A_227, %gather3A_257 : vector<16xi1>, vector<16xf32>
      %select_n3A_296 = arith.select %or3A_292, %select_n3A_228, %gather3A_267 : vector<16xi1>, vector<16xi32>
      %gt3A_297 = arith.cmpf ogt, %gather3A_277, %select_n3A_243 : vector<16xf32>
      %eq3A_298 = arith.cmpf oeq, %gather3A_277, %select_n3A_243 : vector<16xf32>
      %lt3A_299 = arith.cmpi slt, %gather3A_287, %select_n3A_244 : vector<16xi32>
      %and3A_300 = arith.andi %eq3A_298, %lt3A_299 : vector<16xi1>
      %or3A_301 = arith.ori %gt3A_297, %and3A_300 : vector<16xi1>
      %select_n3A_302 = arith.select %or3A_301, %gather3A_277, %select_n3A_243 : vector<16xi1>, vector<16xf32>
      %select_n3A_303 = arith.select %or3A_301, %gather3A_287, %select_n3A_244 : vector<16xi1>, vector<16xi32>
      %gt3A_304 = arith.cmpf ogt, %select_n3A_295, %select_n3A_302 : vector<16xf32>
      %eq3A_305 = arith.cmpf oeq, %select_n3A_295, %select_n3A_302 : vector<16xf32>
      %lt3A_306 = arith.cmpi slt, %select_n3A_296, %select_n3A_303 : vector<16xi32>
      %and3A_307 = arith.andi %eq3A_305, %lt3A_306 : vector<16xi1>
      %or3A_308 = arith.ori %gt3A_304, %and3A_307 : vector<16xi1>
      %select_n3A_309 = arith.select %or3A_308, %select_n3A_295, %select_n3A_302 : vector<16xi1>, vector<16xf32>
      %select_n3A_310 = arith.select %or3A_308, %select_n3A_296, %select_n3A_303 : vector<16xi1>, vector<16xi32>
      %broadcast_in_dim3A_311 = vector.broadcast %add3A_35 : i32 to vector<16xi32>
      tpu.vector_store_idx %arg16[%broadcast_in_dim3A_311], %select_n3A_293 masked %eq3A_1 : memref<32xf32, #tpu.memory_space<vmem>>[vector<16xi32>], vector<16xf32>, vector<16xi1>
      tpu.vector_store_idx %arg17[%broadcast_in_dim3A_311], %select_n3A_294 masked %eq3A_1 : memref<32xi32, #tpu.memory_space<vmem>>[vector<16xi32>], vector<16xi32>, vector<16xi1>
      tpu.vector_store_idx %arg18[%broadcast_in_dim3A_311], %select_n3A_309 masked %eq3A_1 : memref<32xf32, #tpu.memory_space<vmem>>[vector<16xi32>], vector<16xf32>, vector<16xi1>
      tpu.vector_store_idx %arg19[%broadcast_in_dim3A_311], %select_n3A_310 masked %eq3A_1 : memref<32xi32, #tpu.memory_space<vmem>>[vector<16xi32>], vector<16xi32>, vector<16xi1>
      %add3A_312 = arith.constant 1 : i32
      %add3A_313 = arith.addi %mul3A_33, %add3A_312 : i32
      %mul3A_314 = arith.constant 2048 : i32
      %mul3A_315 = arith.muli %add3A_313, %mul3A_314 : i32
      %add3A_316 = arith.addi %mul3A_9, %mul3A_315 : i32
      %dma_wait3A_317 = tpu.memref_slice %arg2[%add3A_316] : memref<1048576xf32, #tpu.memory_space<hbm>> -> memref<2048xf32, #tpu.memory_space<hbm>>
      %dma_wait3A_318 = tpu.memref_slice %arg2[%add3A_316] : memref<1048576xf32, #tpu.memory_space<hbm>> -> memref<2048xf32, #tpu.memory_space<hbm>>
      tpu.wait_dma2 semaphore(%arg28 : memref<!tpu.dma_semaphore, #tpu.memory_space<semaphore_mem>>) src(%dma_wait3A_318 : memref<2048xf32, #tpu.memory_space<hbm>>) dst(%arg6 : memref<2048xf32, #tpu.memory_space<vmem>>)
      %add3A_319 = arith.constant 3 : i32
      %add3A_320 = arith.addi %add3A_313, %add3A_319 : i32
      %lt3A_321 = arith.constant 32 : i32
      %lt3A_322 = arith.cmpi slt, %add3A_320, %lt3A_321 : i32
      %convert_element_type3A_323 = arith.extui %lt3A_322 : i1 to i32
      %cond3A_324 = arith.constant 0 : i32
      %cond3A_325 = arith.cmpi ne, %convert_element_type3A_323, %cond3A_324 : i32
      scf.if %cond3A_325 {
        %mul3A_1167 = arith.constant 2048 : i32
        %mul3A_1168 = arith.muli %add3A_320, %mul3A_1167 : i32
        %add3A_1169 = arith.addi %mul3A_9, %mul3A_1168 : i32
        %dma_start3A_1170 = tpu.memref_slice %arg2[%add3A_1169] : memref<1048576xf32, #tpu.memory_space<hbm>> -> memref<2048xf32, #tpu.memory_space<hbm>>
        %dma_start3A_1171 = tpu.memref_slice %arg2[%add3A_1169] : memref<1048576xf32, #tpu.memory_space<hbm>> -> memref<2048xf32, #tpu.memory_space<hbm>>
        tpu.enqueue_dma source(%dma_start3A_1171 : memref<2048xf32, #tpu.memory_space<hbm>>) target(%arg5 : memref<2048xf32, #tpu.memory_space<vmem>>) target_semaphore(%arg27 : memref<!tpu.dma_semaphore, #tpu.memory_space<semaphore_mem>>)
      } else {
      }
      %scan3A_326 = arith.constant 0 : i32
      %scan3A_327 = arith.constant 128 : i32
      %scan3A_328 = arith.addi %scan3A_326, %scan3A_327 : i32
      %scan3A_329 = arith.constant 8 : i32
      %scan3A_330:4 = scf.for %scan3A_1167 = %scan3A_326 to %scan3A_328 step %scan3A_329 iter_args(%scan3A_1168 = %broadcast_in_dim3A_2, %scan3A_1169 = %broadcast_in_dim3A_4, %scan3A_1170 = %broadcast_in_dim3A_2, %scan3A_1171 = %broadcast_in_dim3A_6) -> (vector<16xf32>, vector<16xi32>, vector<16xf32>, vector<16xi32>)  : i32 {
        %mul3A_1172 = arith.constant 16 : i32
        %mul3A_1173 = arith.muli %scan3A_1167, %mul3A_1172 : i32
        %get3A = arith.index_cast %mul3A_1173 : i32 to index
        %get3A_1174 = tpu.vector_load %arg6[%get3A] {strides = array<i32>} : memref<2048xf32, #tpu.memory_space<vmem>>, vector<16xf32>,
        %mul3A_1175 = arith.constant 16 : i32
        %mul3A_1176 = arith.muli %scan3A_1167, %mul3A_1175 : i32
        %add3A_1177 = vector.broadcast %mul3A_1176 : i32 to vector<16xi32>
        %add3A_1178 = arith.addi %add3A_1177, %iota3A : vector<16xi32>
        %gt3A_1179 = arith.cmpf ogt, %get3A_1174, %scan3A_1168 : vector<16xf32>
        %select_n3A_1180 = arith.select %gt3A_1179, %get3A_1174, %scan3A_1168 : vector<16xi1>, vector<16xf32>
        %select_n3A_1181 = arith.select %gt3A_1179, %add3A_1178, %scan3A_1169 : vector<16xi1>, vector<16xi32>
        %select_n3A_1182 = arith.select %gt3A_1179, %scan3A_1168, %get3A_1174 : vector<16xi1>, vector<16xf32>
        %select_n3A_1183 = arith.select %gt3A_1179, %scan3A_1169, %add3A_1178 : vector<16xi1>, vector<16xi32>
        %gt3A_1184 = arith.cmpf ogt, %select_n3A_1182, %scan3A_1170 : vector<16xf32>
        %select_n3A_1185 = arith.select %gt3A_1184, %select_n3A_1182, %scan3A_1170 : vector<16xi1>, vector<16xf32>
        %select_n3A_1186 = arith.select %gt3A_1184, %select_n3A_1183, %scan3A_1171 : vector<16xi1>, vector<16xi32>
        %scan3A_1187 = arith.constant 1 : i32
        %scan3A_1188 = arith.addi %scan3A_1167, %scan3A_1187 : i32
        %mul3A_1189 = arith.constant 16 : i32
        %mul3A_1190 = arith.muli %scan3A_1188, %mul3A_1189 : i32
        %get3A_1191 = arith.index_cast %mul3A_1190 : i32 to index
        %get3A_1192 = tpu.vector_load %arg6[%get3A_1191] {strides = array<i32>} : memref<2048xf32, #tpu.memory_space<vmem>>, vector<16xf32>,
        %mul3A_1193 = arith.constant 16 : i32
        %mul3A_1194 = arith.muli %scan3A_1188, %mul3A_1193 : i32
        %add3A_1195 = vector.broadcast %mul3A_1194 : i32 to vector<16xi32>
        %add3A_1196 = arith.addi %add3A_1195, %iota3A : vector<16xi32>
        %gt3A_1197 = arith.cmpf ogt, %get3A_1192, %select_n3A_1180 : vector<16xf32>
        %select_n3A_1198 = arith.select %gt3A_1197, %get3A_1192, %select_n3A_1180 : vector<16xi1>, vector<16xf32>
        %select_n3A_1199 = arith.select %gt3A_1197, %add3A_1196, %select_n3A_1181 : vector<16xi1>, vector<16xi32>
        %select_n3A_1200 = arith.select %gt3A_1197, %select_n3A_1180, %get3A_1192 : vector<16xi1>, vector<16xf32>
        %select_n3A_1201 = arith.select %gt3A_1197, %select_n3A_1181, %add3A_1196 : vector<16xi1>, vector<16xi32>
        %gt3A_1202 = arith.cmpf ogt, %select_n3A_1200, %select_n3A_1185 : vector<16xf32>
        %select_n3A_1203 = arith.select %gt3A_1202, %select_n3A_1200, %select_n3A_1185 : vector<16xi1>, vector<16xf32>
        %select_n3A_1204 = arith.select %gt3A_1202, %select_n3A_1201, %select_n3A_1186 : vector<16xi1>, vector<16xi32>
        %scan3A_1205 = arith.constant 2 : i32
        %scan3A_1206 = arith.addi %scan3A_1167, %scan3A_1205 : i32
        %mul3A_1207 = arith.constant 16 : i32
        %mul3A_1208 = arith.muli %scan3A_1206, %mul3A_1207 : i32
        %get3A_1209 = arith.index_cast %mul3A_1208 : i32 to index
        %get3A_1210 = tpu.vector_load %arg6[%get3A_1209] {strides = array<i32>} : memref<2048xf32, #tpu.memory_space<vmem>>, vector<16xf32>,
        %mul3A_1211 = arith.constant 16 : i32
        %mul3A_1212 = arith.muli %scan3A_1206, %mul3A_1211 : i32
        %add3A_1213 = vector.broadcast %mul3A_1212 : i32 to vector<16xi32>
        %add3A_1214 = arith.addi %add3A_1213, %iota3A : vector<16xi32>
        %gt3A_1215 = arith.cmpf ogt, %get3A_1210, %select_n3A_1198 : vector<16xf32>
        %select_n3A_1216 = arith.select %gt3A_1215, %get3A_1210, %select_n3A_1198 : vector<16xi1>, vector<16xf32>
        %select_n3A_1217 = arith.select %gt3A_1215, %add3A_1214, %select_n3A_1199 : vector<16xi1>, vector<16xi32>
        %select_n3A_1218 = arith.select %gt3A_1215, %select_n3A_1198, %get3A_1210 : vector<16xi1>, vector<16xf32>
        %select_n3A_1219 = arith.select %gt3A_1215, %select_n3A_1199, %add3A_1214 : vector<16xi1>, vector<16xi32>
        %gt3A_1220 = arith.cmpf ogt, %select_n3A_1218, %select_n3A_1203 : vector<16xf32>
        %select_n3A_1221 = arith.select %gt3A_1220, %select_n3A_1218, %select_n3A_1203 : vector<16xi1>, vector<16xf32>
        %select_n3A_1222 = arith.select %gt3A_1220, %select_n3A_1219, %select_n3A_1204 : vector<16xi1>, vector<16xi32>
        %scan3A_1223 = arith.constant 3 : i32
        %scan3A_1224 = arith.addi %scan3A_1167, %scan3A_1223 : i32
        %mul3A_1225 = arith.constant 16 : i32
        %mul3A_1226 = arith.muli %scan3A_1224, %mul3A_1225 : i32
        %get3A_1227 = arith.index_cast %mul3A_1226 : i32 to index
        %get3A_1228 = tpu.vector_load %arg6[%get3A_1227] {strides = array<i32>} : memref<2048xf32, #tpu.memory_space<vmem>>, vector<16xf32>,
        %mul3A_1229 = arith.constant 16 : i32
        %mul3A_1230 = arith.muli %scan3A_1224, %mul3A_1229 : i32
        %add3A_1231 = vector.broadcast %mul3A_1230 : i32 to vector<16xi32>
        %add3A_1232 = arith.addi %add3A_1231, %iota3A : vector<16xi32>
        %gt3A_1233 = arith.cmpf ogt, %get3A_1228, %select_n3A_1216 : vector<16xf32>
        %select_n3A_1234 = arith.select %gt3A_1233, %get3A_1228, %select_n3A_1216 : vector<16xi1>, vector<16xf32>
        %select_n3A_1235 = arith.select %gt3A_1233, %add3A_1232, %select_n3A_1217 : vector<16xi1>, vector<16xi32>
        %select_n3A_1236 = arith.select %gt3A_1233, %select_n3A_1216, %get3A_1228 : vector<16xi1>, vector<16xf32>
        %select_n3A_1237 = arith.select %gt3A_1233, %select_n3A_1217, %add3A_1232 : vector<16xi1>, vector<16xi32>
        %gt3A_1238 = arith.cmpf ogt, %select_n3A_1236, %select_n3A_1221 : vector<16xf32>
        %select_n3A_1239 = arith.select %gt3A_1238, %select_n3A_1236, %select_n3A_1221 : vector<16xi1>, vector<16xf32>
        %select_n3A_1240 = arith.select %gt3A_1238, %select_n3A_1237, %select_n3A_1222 : vector<16xi1>, vector<16xi32>
        %scan3A_1241 = arith.constant 4 : i32
        %scan3A_1242 = arith.addi %scan3A_1167, %scan3A_1241 : i32
        %mul3A_1243 = arith.constant 16 : i32
        %mul3A_1244 = arith.muli %scan3A_1242, %mul3A_1243 : i32
        %get3A_1245 = arith.index_cast %mul3A_1244 : i32 to index
        %get3A_1246 = tpu.vector_load %arg6[%get3A_1245] {strides = array<i32>} : memref<2048xf32, #tpu.memory_space<vmem>>, vector<16xf32>,
        %mul3A_1247 = arith.constant 16 : i32
        %mul3A_1248 = arith.muli %scan3A_1242, %mul3A_1247 : i32
        %add3A_1249 = vector.broadcast %mul3A_1248 : i32 to vector<16xi32>
        %add3A_1250 = arith.addi %add3A_1249, %iota3A : vector<16xi32>
        %gt3A_1251 = arith.cmpf ogt, %get3A_1246, %select_n3A_1234 : vector<16xf32>
        %select_n3A_1252 = arith.select %gt3A_1251, %get3A_1246, %select_n3A_1234 : vector<16xi1>, vector<16xf32>
        %select_n3A_1253 = arith.select %gt3A_1251, %add3A_1250, %select_n3A_1235 : vector<16xi1>, vector<16xi32>
        %select_n3A_1254 = arith.select %gt3A_1251, %select_n3A_1234, %get3A_1246 : vector<16xi1>, vector<16xf32>
        %select_n3A_1255 = arith.select %gt3A_1251, %select_n3A_1235, %add3A_1250 : vector<16xi1>, vector<16xi32>
        %gt3A_1256 = arith.cmpf ogt, %select_n3A_1254, %select_n3A_1239 : vector<16xf32>
        %select_n3A_1257 = arith.select %gt3A_1256, %select_n3A_1254, %select_n3A_1239 : vector<16xi1>, vector<16xf32>
        %select_n3A_1258 = arith.select %gt3A_1256, %select_n3A_1255, %select_n3A_1240 : vector<16xi1>, vector<16xi32>
        %scan3A_1259 = arith.constant 5 : i32
        %scan3A_1260 = arith.addi %scan3A_1167, %scan3A_1259 : i32
        %mul3A_1261 = arith.constant 16 : i32
        %mul3A_1262 = arith.muli %scan3A_1260, %mul3A_1261 : i32
        %get3A_1263 = arith.index_cast %mul3A_1262 : i32 to index
        %get3A_1264 = tpu.vector_load %arg6[%get3A_1263] {strides = array<i32>} : memref<2048xf32, #tpu.memory_space<vmem>>, vector<16xf32>,
        %mul3A_1265 = arith.constant 16 : i32
        %mul3A_1266 = arith.muli %scan3A_1260, %mul3A_1265 : i32
        %add3A_1267 = vector.broadcast %mul3A_1266 : i32 to vector<16xi32>
        %add3A_1268 = arith.addi %add3A_1267, %iota3A : vector<16xi32>
        %gt3A_1269 = arith.cmpf ogt, %get3A_1264, %select_n3A_1252 : vector<16xf32>
        %select_n3A_1270 = arith.select %gt3A_1269, %get3A_1264, %select_n3A_1252 : vector<16xi1>, vector<16xf32>
        %select_n3A_1271 = arith.select %gt3A_1269, %add3A_1268, %select_n3A_1253 : vector<16xi1>, vector<16xi32>
        %select_n3A_1272 = arith.select %gt3A_1269, %select_n3A_1252, %get3A_1264 : vector<16xi1>, vector<16xf32>
        %select_n3A_1273 = arith.select %gt3A_1269, %select_n3A_1253, %add3A_1268 : vector<16xi1>, vector<16xi32>
        %gt3A_1274 = arith.cmpf ogt, %select_n3A_1272, %select_n3A_1257 : vector<16xf32>
        %select_n3A_1275 = arith.select %gt3A_1274, %select_n3A_1272, %select_n3A_1257 : vector<16xi1>, vector<16xf32>
        %select_n3A_1276 = arith.select %gt3A_1274, %select_n3A_1273, %select_n3A_1258 : vector<16xi1>, vector<16xi32>
        %scan3A_1277 = arith.constant 6 : i32
        %scan3A_1278 = arith.addi %scan3A_1167, %scan3A_1277 : i32
        %mul3A_1279 = arith.constant 16 : i32
        %mul3A_1280 = arith.muli %scan3A_1278, %mul3A_1279 : i32
        %get3A_1281 = arith.index_cast %mul3A_1280 : i32 to index
        %get3A_1282 = tpu.vector_load %arg6[%get3A_1281] {strides = array<i32>} : memref<2048xf32, #tpu.memory_space<vmem>>, vector<16xf32>,
        %mul3A_1283 = arith.constant 16 : i32
        %mul3A_1284 = arith.muli %scan3A_1278, %mul3A_1283 : i32
        %add3A_1285 = vector.broadcast %mul3A_1284 : i32 to vector<16xi32>
        %add3A_1286 = arith.addi %add3A_1285, %iota3A : vector<16xi32>
        %gt3A_1287 = arith.cmpf ogt, %get3A_1282, %select_n3A_1270 : vector<16xf32>
        %select_n3A_1288 = arith.select %gt3A_1287, %get3A_1282, %select_n3A_1270 : vector<16xi1>, vector<16xf32>
        %select_n3A_1289 = arith.select %gt3A_1287, %add3A_1286, %select_n3A_1271 : vector<16xi1>, vector<16xi32>
        %select_n3A_1290 = arith.select %gt3A_1287, %select_n3A_1270, %get3A_1282 : vector<16xi1>, vector<16xf32>
        %select_n3A_1291 = arith.select %gt3A_1287, %select_n3A_1271, %add3A_1286 : vector<16xi1>, vector<16xi32>
        %gt3A_1292 = arith.cmpf ogt, %select_n3A_1290, %select_n3A_1275 : vector<16xf32>
        %select_n3A_1293 = arith.select %gt3A_1292, %select_n3A_1290, %select_n3A_1275 : vector<16xi1>, vector<16xf32>
        %select_n3A_1294 = arith.select %gt3A_1292, %select_n3A_1291, %select_n3A_1276 : vector<16xi1>, vector<16xi32>
        %scan3A_1295 = arith.constant 7 : i32
        %scan3A_1296 = arith.addi %scan3A_1167, %scan3A_1295 : i32
        %mul3A_1297 = arith.constant 16 : i32
        %mul3A_1298 = arith.muli %scan3A_1296, %mul3A_1297 : i32
        %get3A_1299 = arith.index_cast %mul3A_1298 : i32 to index
        %get3A_1300 = tpu.vector_load %arg6[%get3A_1299] {strides = array<i32>} : memref<2048xf32, #tpu.memory_space<vmem>>, vector<16xf32>,
        %mul3A_1301 = arith.constant 16 : i32
        %mul3A_1302 = arith.muli %scan3A_1296, %mul3A_1301 : i32
        %add3A_1303 = vector.broadcast %mul3A_1302 : i32 to vector<16xi32>
        %add3A_1304 = arith.addi %add3A_1303, %iota3A : vector<16xi32>
        %gt3A_1305 = arith.cmpf ogt, %get3A_1300, %select_n3A_1288 : vector<16xf32>
        %select_n3A_1306 = arith.select %gt3A_1305, %get3A_1300, %select_n3A_1288 : vector<16xi1>, vector<16xf32>
        %select_n3A_1307 = arith.select %gt3A_1305, %add3A_1304, %select_n3A_1289 : vector<16xi1>, vector<16xi32>
        %select_n3A_1308 = arith.select %gt3A_1305, %select_n3A_1288, %get3A_1300 : vector<16xi1>, vector<16xf32>
        %select_n3A_1309 = arith.select %gt3A_1305, %select_n3A_1289, %add3A_1304 : vector<16xi1>, vector<16xi32>
        %gt3A_1310 = arith.cmpf ogt, %select_n3A_1308, %select_n3A_1293 : vector<16xf32>
        %select_n3A_1311 = arith.select %gt3A_1310, %select_n3A_1308, %select_n3A_1293 : vector<16xi1>, vector<16xf32>
        %select_n3A_1312 = arith.select %gt3A_1310, %select_n3A_1309, %select_n3A_1294 : vector<16xi1>, vector<16xi32>
        scf.yield %select_n3A_1306, %select_n3A_1307, %select_n3A_1311, %select_n3A_1312 : vector<16xf32>, vector<16xi32>, vector<16xf32>, vector<16xi32>
      }
      %scan3A_331 = arith.constant 128 : i32
      %xor3A_332 = arith.constant 1 : i32
      %xor3A_333 = vector.broadcast %xor3A_332 : i32 to vector<16xi32>
      %xor3A_334 = arith.xori %iota3A, %xor3A_333 : vector<16xi32>
      %lt3A_335 = arith.constant 0 : i32
      %lt3A_336 = vector.broadcast %lt3A_335 : i32 to vector<16xi32>
      %lt3A_337 = arith.cmpi slt, %xor3A_334, %lt3A_336 : vector<16xi32>
      %add3A_338 = arith.constant 16 : i32
      %add3A_339 = vector.broadcast %add3A_338 : i32 to vector<16xi32>
      %add3A_340 = arith.addi %xor3A_334, %add3A_339 : vector<16xi32>
      %select_n3A_341 = arith.select %lt3A_337, %add3A_340, %xor3A_334 : vector<16xi1>, vector<16xi32>
      %broadcast_in_dim3A_342 = vector.shape_cast %select_n3A_341 : vector<16xi32> to vector<16x1xi32>
      %gather3A_343 = vector.shape_cast %broadcast_in_dim3A_342 : vector<16x1xi32> to vector<16xi32>
      %gather3A_344 = tpu.dynamic_gather %scan3A_330#0[%gather3A_343] in [0] : vector<16xf32>, vector<16xi32> -> vector<16xf32>
      %lt3A_345 = arith.constant 0 : i32
      %lt3A_346 = vector.broadcast %lt3A_345 : i32 to vector<16xi32>
      %lt3A_347 = arith.cmpi slt, %xor3A_334, %lt3A_346 : vector<16xi32>
      %add3A_348 = arith.constant 16 : i32
      %add3A_349 = vector.broadcast %add3A_348 : i32 to vector<16xi32>
      %add3A_350 = arith.addi %xor3A_334, %add3A_349 : vector<16xi32>
      %select_n3A_351 = arith.select %lt3A_347, %add3A_350, %xor3A_334 : vector<16xi1>, vector<16xi32>
      %broadcast_in_dim3A_352 = vector.shape_cast %select_n3A_351 : vector<16xi32> to vector<16x1xi32>
      %gather3A_353 = vector.shape_cast %broadcast_in_dim3A_352 : vector<16x1xi32> to vector<16xi32>
      %gather3A_354 = tpu.dynamic_gather %scan3A_330#1[%gather3A_353] in [0] : vector<16xi32>, vector<16xi32> -> vector<16xi32>
      %lt3A_355 = arith.constant 0 : i32
      %lt3A_356 = vector.broadcast %lt3A_355 : i32 to vector<16xi32>
      %lt3A_357 = arith.cmpi slt, %xor3A_334, %lt3A_356 : vector<16xi32>
      %add3A_358 = arith.constant 16 : i32
      %add3A_359 = vector.broadcast %add3A_358 : i32 to vector<16xi32>
      %add3A_360 = arith.addi %xor3A_334, %add3A_359 : vector<16xi32>
      %select_n3A_361 = arith.select %lt3A_357, %add3A_360, %xor3A_334 : vector<16xi1>, vector<16xi32>
      %broadcast_in_dim3A_362 = vector.shape_cast %select_n3A_361 : vector<16xi32> to vector<16x1xi32>
      %gather3A_363 = vector.shape_cast %broadcast_in_dim3A_362 : vector<16x1xi32> to vector<16xi32>
      %gather3A_364 = tpu.dynamic_gather %scan3A_330#2[%gather3A_363] in [0] : vector<16xf32>, vector<16xi32> -> vector<16xf32>
      %lt3A_365 = arith.constant 0 : i32
      %lt3A_366 = vector.broadcast %lt3A_365 : i32 to vector<16xi32>
      %lt3A_367 = arith.cmpi slt, %xor3A_334, %lt3A_366 : vector<16xi32>
      %add3A_368 = arith.constant 16 : i32
      %add3A_369 = vector.broadcast %add3A_368 : i32 to vector<16xi32>
      %add3A_370 = arith.addi %xor3A_334, %add3A_369 : vector<16xi32>
      %select_n3A_371 = arith.select %lt3A_367, %add3A_370, %xor3A_334 : vector<16xi1>, vector<16xi32>
      %broadcast_in_dim3A_372 = vector.shape_cast %select_n3A_371 : vector<16xi32> to vector<16x1xi32>
      %gather3A_373 = vector.shape_cast %broadcast_in_dim3A_372 : vector<16x1xi32> to vector<16xi32>
      %gather3A_374 = tpu.dynamic_gather %scan3A_330#3[%gather3A_373] in [0] : vector<16xi32>, vector<16xi32> -> vector<16xi32>
      %gt3A_375 = arith.cmpf ogt, %gather3A_344, %scan3A_330#0 : vector<16xf32>
      %eq3A_376 = arith.cmpf oeq, %gather3A_344, %scan3A_330#0 : vector<16xf32>
      %lt3A_377 = arith.cmpi slt, %gather3A_354, %scan3A_330#1 : vector<16xi32>
      %and3A_378 = arith.andi %eq3A_376, %lt3A_377 : vector<16xi1>
      %or3A_379 = arith.ori %gt3A_375, %and3A_378 : vector<16xi1>
      %select_n3A_380 = arith.select %or3A_379, %gather3A_344, %scan3A_330#0 : vector<16xi1>, vector<16xf32>
      %select_n3A_381 = arith.select %or3A_379, %gather3A_354, %scan3A_330#1 : vector<16xi1>, vector<16xi32>
      %select_n3A_382 = arith.select %or3A_379, %scan3A_330#0, %gather3A_344 : vector<16xi1>, vector<16xf32>
      %select_n3A_383 = arith.select %or3A_379, %scan3A_330#1, %gather3A_354 : vector<16xi1>, vector<16xi32>
      %gt3A_384 = arith.cmpf ogt, %gather3A_364, %scan3A_330#2 : vector<16xf32>
      %eq3A_385 = arith.cmpf oeq, %gather3A_364, %scan3A_330#2 : vector<16xf32>
      %lt3A_386 = arith.cmpi slt, %gather3A_374, %scan3A_330#3 : vector<16xi32>
      %and3A_387 = arith.andi %eq3A_385, %lt3A_386 : vector<16xi1>
      %or3A_388 = arith.ori %gt3A_384, %and3A_387 : vector<16xi1>
      %select_n3A_389 = arith.select %or3A_388, %gather3A_364, %scan3A_330#2 : vector<16xi1>, vector<16xf32>
      %select_n3A_390 = arith.select %or3A_388, %gather3A_374, %scan3A_330#3 : vector<16xi1>, vector<16xi32>
      %gt3A_391 = arith.cmpf ogt, %select_n3A_382, %select_n3A_389 : vector<16xf32>
      %eq3A_392 = arith.cmpf oeq, %select_n3A_382, %select_n3A_389 : vector<16xf32>
      %lt3A_393 = arith.cmpi slt, %select_n3A_383, %select_n3A_390 : vector<16xi32>
      %and3A_394 = arith.andi %eq3A_392, %lt3A_393 : vector<16xi1>
      %or3A_395 = arith.ori %gt3A_391, %and3A_394 : vector<16xi1>
      %select_n3A_396 = arith.select %or3A_395, %select_n3A_382, %select_n3A_389 : vector<16xi1>, vector<16xf32>
      %select_n3A_397 = arith.select %or3A_395, %select_n3A_383, %select_n3A_390 : vector<16xi1>, vector<16xi32>
      %xor3A_398 = arith.constant 2 : i32
      %xor3A_399 = vector.broadcast %xor3A_398 : i32 to vector<16xi32>
      %xor3A_400 = arith.xori %iota3A, %xor3A_399 : vector<16xi32>
      %lt3A_401 = arith.constant 0 : i32
      %lt3A_402 = vector.broadcast %lt3A_401 : i32 to vector<16xi32>
      %lt3A_403 = arith.cmpi slt, %xor3A_400, %lt3A_402 : vector<16xi32>
      %add3A_404 = arith.constant 16 : i32
      %add3A_405 = vector.broadcast %add3A_404 : i32 to vector<16xi32>
      %add3A_406 = arith.addi %xor3A_400, %add3A_405 : vector<16xi32>
      %select_n3A_407 = arith.select %lt3A_403, %add3A_406, %xor3A_400 : vector<16xi1>, vector<16xi32>
      %broadcast_in_dim3A_408 = vector.shape_cast %select_n3A_407 : vector<16xi32> to vector<16x1xi32>
      %gather3A_409 = vector.shape_cast %broadcast_in_dim3A_408 : vector<16x1xi32> to vector<16xi32>
      %gather3A_410 = tpu.dynamic_gather %select_n3A_380[%gather3A_409] in [0] : vector<16xf32>, vector<16xi32> -> vector<16xf32>
      %lt3A_411 = arith.constant 0 : i32
      %lt3A_412 = vector.broadcast %lt3A_411 : i32 to vector<16xi32>
      %lt3A_413 = arith.cmpi slt, %xor3A_400, %lt3A_412 : vector<16xi32>
      %add3A_414 = arith.constant 16 : i32
      %add3A_415 = vector.broadcast %add3A_414 : i32 to vector<16xi32>
      %add3A_416 = arith.addi %xor3A_400, %add3A_415 : vector<16xi32>
      %select_n3A_417 = arith.select %lt3A_413, %add3A_416, %xor3A_400 : vector<16xi1>, vector<16xi32>
      %broadcast_in_dim3A_418 = vector.shape_cast %select_n3A_417 : vector<16xi32> to vector<16x1xi32>
      %gather3A_419 = vector.shape_cast %broadcast_in_dim3A_418 : vector<16x1xi32> to vector<16xi32>
      %gather3A_420 = tpu.dynamic_gather %select_n3A_381[%gather3A_419] in [0] : vector<16xi32>, vector<16xi32> -> vector<16xi32>
      %lt3A_421 = arith.constant 0 : i32
      %lt3A_422 = vector.broadcast %lt3A_421 : i32 to vector<16xi32>
      %lt3A_423 = arith.cmpi slt, %xor3A_400, %lt3A_422 : vector<16xi32>
      %add3A_424 = arith.constant 16 : i32
      %add3A_425 = vector.broadcast %add3A_424 : i32 to vector<16xi32>
      %add3A_426 = arith.addi %xor3A_400, %add3A_425 : vector<16xi32>
      %select_n3A_427 = arith.select %lt3A_423, %add3A_426, %xor3A_400 : vector<16xi1>, vector<16xi32>
      %broadcast_in_dim3A_428 = vector.shape_cast %select_n3A_427 : vector<16xi32> to vector<16x1xi32>
      %gather3A_429 = vector.shape_cast %broadcast_in_dim3A_428 : vector<16x1xi32> to vector<16xi32>
      %gather3A_430 = tpu.dynamic_gather %select_n3A_396[%gather3A_429] in [0] : vector<16xf32>, vector<16xi32> -> vector<16xf32>
      %lt3A_431 = arith.constant 0 : i32
      %lt3A_432 = vector.broadcast %lt3A_431 : i32 to vector<16xi32>
      %lt3A_433 = arith.cmpi slt, %xor3A_400, %lt3A_432 : vector<16xi32>
      %add3A_434 = arith.constant 16 : i32
      %add3A_435 = vector.broadcast %add3A_434 : i32 to vector<16xi32>
      %add3A_436 = arith.addi %xor3A_400, %add3A_435 : vector<16xi32>
      %select_n3A_437 = arith.select %lt3A_433, %add3A_436, %xor3A_400 : vector<16xi1>, vector<16xi32>
      %broadcast_in_dim3A_438 = vector.shape_cast %select_n3A_437 : vector<16xi32> to vector<16x1xi32>
      %gather3A_439 = vector.shape_cast %broadcast_in_dim3A_438 : vector<16x1xi32> to vector<16xi32>
      %gather3A_440 = tpu.dynamic_gather %select_n3A_397[%gather3A_439] in [0] : vector<16xi32>, vector<16xi32> -> vector<16xi32>
      %gt3A_441 = arith.cmpf ogt, %gather3A_410, %select_n3A_380 : vector<16xf32>
      %eq3A_442 = arith.cmpf oeq, %gather3A_410, %select_n3A_380 : vector<16xf32>
      %lt3A_443 = arith.cmpi slt, %gather3A_420, %select_n3A_381 : vector<16xi32>
      %and3A_444 = arith.andi %eq3A_442, %lt3A_443 : vector<16xi1>
      %or3A_445 = arith.ori %gt3A_441, %and3A_444 : vector<16xi1>
      %select_n3A_446 = arith.select %or3A_445, %gather3A_410, %select_n3A_380 : vector<16xi1>, vector<16xf32>
      %select_n3A_447 = arith.select %or3A_445, %gather3A_420, %select_n3A_381 : vector<16xi1>, vector<16xi32>
      %select_n3A_448 = arith.select %or3A_445, %select_n3A_380, %gather3A_410 : vector<16xi1>, vector<16xf32>
      %select_n3A_449 = arith.select %or3A_445, %select_n3A_381, %gather3A_420 : vector<16xi1>, vector<16xi32>
      %gt3A_450 = arith.cmpf ogt, %gather3A_430, %select_n3A_396 : vector<16xf32>
      %eq3A_451 = arith.cmpf oeq, %gather3A_430, %select_n3A_396 : vector<16xf32>
      %lt3A_452 = arith.cmpi slt, %gather3A_440, %select_n3A_397 : vector<16xi32>
      %and3A_453 = arith.andi %eq3A_451, %lt3A_452 : vector<16xi1>
      %or3A_454 = arith.ori %gt3A_450, %and3A_453 : vector<16xi1>
      %select_n3A_455 = arith.select %or3A_454, %gather3A_430, %select_n3A_396 : vector<16xi1>, vector<16xf32>
      %select_n3A_456 = arith.select %or3A_454, %gather3A_440, %select_n3A_397 : vector<16xi1>, vector<16xi32>
      %gt3A_457 = arith.cmpf ogt, %select_n3A_448, %select_n3A_455 : vector<16xf32>
      %eq3A_458 = arith.cmpf oeq, %select_n3A_448, %select_n3A_455 : vector<16xf32>
      %lt3A_459 = arith.cmpi slt, %select_n3A_449, %select_n3A_456 : vector<16xi32>
      %and3A_460 = arith.andi %eq3A_458, %lt3A_459 : vector<16xi1>
      %or3A_461 = arith.ori %gt3A_457, %and3A_460 : vector<16xi1>
      %select_n3A_462 = arith.select %or3A_461, %select_n3A_448, %select_n3A_455 : vector<16xi1>, vector<16xf32>
      %select_n3A_463 = arith.select %or3A_461, %select_n3A_449, %select_n3A_456 : vector<16xi1>, vector<16xi32>
      %xor3A_464 = arith.constant 4 : i32
      %xor3A_465 = vector.broadcast %xor3A_464 : i32 to vector<16xi32>
      %xor3A_466 = arith.xori %iota3A, %xor3A_465 : vector<16xi32>
      %lt3A_467 = arith.constant 0 : i32
      %lt3A_468 = vector.broadcast %lt3A_467 : i32 to vector<16xi32>
      %lt3A_469 = arith.cmpi slt, %xor3A_466, %lt3A_468 : vector<16xi32>
      %add3A_470 = arith.constant 16 : i32
      %add3A_471 = vector.broadcast %add3A_470 : i32 to vector<16xi32>
      %add3A_472 = arith.addi %xor3A_466, %add3A_471 : vector<16xi32>
      %select_n3A_473 = arith.select %lt3A_469, %add3A_472, %xor3A_466 : vector<16xi1>, vector<16xi32>
      %broadcast_in_dim3A_474 = vector.shape_cast %select_n3A_473 : vector<16xi32> to vector<16x1xi32>
      %gather3A_475 = vector.shape_cast %broadcast_in_dim3A_474 : vector<16x1xi32> to vector<16xi32>
      %gather3A_476 = tpu.dynamic_gather %select_n3A_446[%gather3A_475] in [0] : vector<16xf32>, vector<16xi32> -> vector<16xf32>
      %lt3A_477 = arith.constant 0 : i32
      %lt3A_478 = vector.broadcast %lt3A_477 : i32 to vector<16xi32>
      %lt3A_479 = arith.cmpi slt, %xor3A_466, %lt3A_478 : vector<16xi32>
      %add3A_480 = arith.constant 16 : i32
      %add3A_481 = vector.broadcast %add3A_480 : i32 to vector<16xi32>
      %add3A_482 = arith.addi %xor3A_466, %add3A_481 : vector<16xi32>
      %select_n3A_483 = arith.select %lt3A_479, %add3A_482, %xor3A_466 : vector<16xi1>, vector<16xi32>
      %broadcast_in_dim3A_484 = vector.shape_cast %select_n3A_483 : vector<16xi32> to vector<16x1xi32>
      %gather3A_485 = vector.shape_cast %broadcast_in_dim3A_484 : vector<16x1xi32> to vector<16xi32>
      %gather3A_486 = tpu.dynamic_gather %select_n3A_447[%gather3A_485] in [0] : vector<16xi32>, vector<16xi32> -> vector<16xi32>
      %lt3A_487 = arith.constant 0 : i32
      %lt3A_488 = vector.broadcast %lt3A_487 : i32 to vector<16xi32>
      %lt3A_489 = arith.cmpi slt, %xor3A_466, %lt3A_488 : vector<16xi32>
      %add3A_490 = arith.constant 16 : i32
      %add3A_491 = vector.broadcast %add3A_490 : i32 to vector<16xi32>
      %add3A_492 = arith.addi %xor3A_466, %add3A_491 : vector<16xi32>
      %select_n3A_493 = arith.select %lt3A_489, %add3A_492, %xor3A_466 : vector<16xi1>, vector<16xi32>
      %broadcast_in_dim3A_494 = vector.shape_cast %select_n3A_493 : vector<16xi32> to vector<16x1xi32>
      %gather3A_495 = vector.shape_cast %broadcast_in_dim3A_494 : vector<16x1xi32> to vector<16xi32>
      %gather3A_496 = tpu.dynamic_gather %select_n3A_462[%gather3A_495] in [0] : vector<16xf32>, vector<16xi32> -> vector<16xf32>
      %lt3A_497 = arith.constant 0 : i32
      %lt3A_498 = vector.broadcast %lt3A_497 : i32 to vector<16xi32>
      %lt3A_499 = arith.cmpi slt, %xor3A_466, %lt3A_498 : vector<16xi32>
      %add3A_500 = arith.constant 16 : i32
      %add3A_501 = vector.broadcast %add3A_500 : i32 to vector<16xi32>
      %add3A_502 = arith.addi %xor3A_466, %add3A_501 : vector<16xi32>
      %select_n3A_503 = arith.select %lt3A_499, %add3A_502, %xor3A_466 : vector<16xi1>, vector<16xi32>
      %broadcast_in_dim3A_504 = vector.shape_cast %select_n3A_503 : vector<16xi32> to vector<16x1xi32>
      %gather3A_505 = vector.shape_cast %broadcast_in_dim3A_504 : vector<16x1xi32> to vector<16xi32>
      %gather3A_506 = tpu.dynamic_gather %select_n3A_463[%gather3A_505] in [0] : vector<16xi32>, vector<16xi32> -> vector<16xi32>
      %gt3A_507 = arith.cmpf ogt, %gather3A_476, %select_n3A_446 : vector<16xf32>
      %eq3A_508 = arith.cmpf oeq, %gather3A_476, %select_n3A_446 : vector<16xf32>
      %lt3A_509 = arith.cmpi slt, %gather3A_486, %select_n3A_447 : vector<16xi32>
      %and3A_510 = arith.andi %eq3A_508, %lt3A_509 : vector<16xi1>
      %or3A_511 = arith.ori %gt3A_507, %and3A_510 : vector<16xi1>
      %select_n3A_512 = arith.select %or3A_511, %gather3A_476, %select_n3A_446 : vector<16xi1>, vector<16xf32>
      %select_n3A_513 = arith.select %or3A_511, %gather3A_486, %select_n3A_447 : vector<16xi1>, vector<16xi32>
      %select_n3A_514 = arith.select %or3A_511, %select_n3A_446, %gather3A_476 : vector<16xi1>, vector<16xf32>
      %select_n3A_515 = arith.select %or3A_511, %select_n3A_447, %gather3A_486 : vector<16xi1>, vector<16xi32>
      %gt3A_516 = arith.cmpf ogt, %gather3A_496, %select_n3A_462 : vector<16xf32>
      %eq3A_517 = arith.cmpf oeq, %gather3A_496, %select_n3A_462 : vector<16xf32>
      %lt3A_518 = arith.cmpi slt, %gather3A_506, %select_n3A_463 : vector<16xi32>
      %and3A_519 = arith.andi %eq3A_517, %lt3A_518 : vector<16xi1>
      %or3A_520 = arith.ori %gt3A_516, %and3A_519 : vector<16xi1>
      %select_n3A_521 = arith.select %or3A_520, %gather3A_496, %select_n3A_462 : vector<16xi1>, vector<16xf32>
      %select_n3A_522 = arith.select %or3A_520, %gather3A_506, %select_n3A_463 : vector<16xi1>, vector<16xi32>
      %gt3A_523 = arith.cmpf ogt, %select_n3A_514, %select_n3A_521 : vector<16xf32>
      %eq3A_524 = arith.cmpf oeq, %select_n3A_514, %select_n3A_521 : vector<16xf32>
      %lt3A_525 = arith.cmpi slt, %select_n3A_515, %select_n3A_522 : vector<16xi32>
      %and3A_526 = arith.andi %eq3A_524, %lt3A_525 : vector<16xi1>
      %or3A_527 = arith.ori %gt3A_523, %and3A_526 : vector<16xi1>
      %select_n3A_528 = arith.select %or3A_527, %select_n3A_514, %select_n3A_521 : vector<16xi1>, vector<16xf32>
      %select_n3A_529 = arith.select %or3A_527, %select_n3A_515, %select_n3A_522 : vector<16xi1>, vector<16xi32>
      %xor3A_530 = arith.constant 8 : i32
      %xor3A_531 = vector.broadcast %xor3A_530 : i32 to vector<16xi32>
      %xor3A_532 = arith.xori %iota3A, %xor3A_531 : vector<16xi32>
      %lt3A_533 = arith.constant 0 : i32
      %lt3A_534 = vector.broadcast %lt3A_533 : i32 to vector<16xi32>
      %lt3A_535 = arith.cmpi slt, %xor3A_532, %lt3A_534 : vector<16xi32>
      %add3A_536 = arith.constant 16 : i32
      %add3A_537 = vector.broadcast %add3A_536 : i32 to vector<16xi32>
      %add3A_538 = arith.addi %xor3A_532, %add3A_537 : vector<16xi32>
      %select_n3A_539 = arith.select %lt3A_535, %add3A_538, %xor3A_532 : vector<16xi1>, vector<16xi32>
      %broadcast_in_dim3A_540 = vector.shape_cast %select_n3A_539 : vector<16xi32> to vector<16x1xi32>
      %gather3A_541 = vector.shape_cast %broadcast_in_dim3A_540 : vector<16x1xi32> to vector<16xi32>
      %gather3A_542 = tpu.dynamic_gather %select_n3A_512[%gather3A_541] in [0] : vector<16xf32>, vector<16xi32> -> vector<16xf32>
      %lt3A_543 = arith.constant 0 : i32
      %lt3A_544 = vector.broadcast %lt3A_543 : i32 to vector<16xi32>
      %lt3A_545 = arith.cmpi slt, %xor3A_532, %lt3A_544 : vector<16xi32>
      %add3A_546 = arith.constant 16 : i32
      %add3A_547 = vector.broadcast %add3A_546 : i32 to vector<16xi32>
      %add3A_548 = arith.addi %xor3A_532, %add3A_547 : vector<16xi32>
      %select_n3A_549 = arith.select %lt3A_545, %add3A_548, %xor3A_532 : vector<16xi1>, vector<16xi32>
      %broadcast_in_dim3A_550 = vector.shape_cast %select_n3A_549 : vector<16xi32> to vector<16x1xi32>
      %gather3A_551 = vector.shape_cast %broadcast_in_dim3A_550 : vector<16x1xi32> to vector<16xi32>
      %gather3A_552 = tpu.dynamic_gather %select_n3A_513[%gather3A_551] in [0] : vector<16xi32>, vector<16xi32> -> vector<16xi32>
      %lt3A_553 = arith.constant 0 : i32
      %lt3A_554 = vector.broadcast %lt3A_553 : i32 to vector<16xi32>
      %lt3A_555 = arith.cmpi slt, %xor3A_532, %lt3A_554 : vector<16xi32>
      %add3A_556 = arith.constant 16 : i32
      %add3A_557 = vector.broadcast %add3A_556 : i32 to vector<16xi32>
      %add3A_558 = arith.addi %xor3A_532, %add3A_557 : vector<16xi32>
      %select_n3A_559 = arith.select %lt3A_555, %add3A_558, %xor3A_532 : vector<16xi1>, vector<16xi32>
      %broadcast_in_dim3A_560 = vector.shape_cast %select_n3A_559 : vector<16xi32> to vector<16x1xi32>
      %gather3A_561 = vector.shape_cast %broadcast_in_dim3A_560 : vector<16x1xi32> to vector<16xi32>
      %gather3A_562 = tpu.dynamic_gather %select_n3A_528[%gather3A_561] in [0] : vector<16xf32>, vector<16xi32> -> vector<16xf32>
      %lt3A_563 = arith.constant 0 : i32
      %lt3A_564 = vector.broadcast %lt3A_563 : i32 to vector<16xi32>
      %lt3A_565 = arith.cmpi slt, %xor3A_532, %lt3A_564 : vector<16xi32>
      %add3A_566 = arith.constant 16 : i32
      %add3A_567 = vector.broadcast %add3A_566 : i32 to vector<16xi32>
      %add3A_568 = arith.addi %xor3A_532, %add3A_567 : vector<16xi32>
      %select_n3A_569 = arith.select %lt3A_565, %add3A_568, %xor3A_532 : vector<16xi1>, vector<16xi32>
      %broadcast_in_dim3A_570 = vector.shape_cast %select_n3A_569 : vector<16xi32> to vector<16x1xi32>
      %gather3A_571 = vector.shape_cast %broadcast_in_dim3A_570 : vector<16x1xi32> to vector<16xi32>
      %gather3A_572 = tpu.dynamic_gather %select_n3A_529[%gather3A_571] in [0] : vector<16xi32>, vector<16xi32> -> vector<16xi32>
      %gt3A_573 = arith.cmpf ogt, %gather3A_542, %select_n3A_512 : vector<16xf32>
      %eq3A_574 = arith.cmpf oeq, %gather3A_542, %select_n3A_512 : vector<16xf32>
      %lt3A_575 = arith.cmpi slt, %gather3A_552, %select_n3A_513 : vector<16xi32>
      %and3A_576 = arith.andi %eq3A_574, %lt3A_575 : vector<16xi1>
      %or3A_577 = arith.ori %gt3A_573, %and3A_576 : vector<16xi1>
      %select_n3A_578 = arith.select %or3A_577, %gather3A_542, %select_n3A_512 : vector<16xi1>, vector<16xf32>
      %select_n3A_579 = arith.select %or3A_577, %gather3A_552, %select_n3A_513 : vector<16xi1>, vector<16xi32>
      %select_n3A_580 = arith.select %or3A_577, %select_n3A_512, %gather3A_542 : vector<16xi1>, vector<16xf32>
      %select_n3A_581 = arith.select %or3A_577, %select_n3A_513, %gather3A_552 : vector<16xi1>, vector<16xi32>
      %gt3A_582 = arith.cmpf ogt, %gather3A_562, %select_n3A_528 : vector<16xf32>
      %eq3A_583 = arith.cmpf oeq, %gather3A_562, %select_n3A_528 : vector<16xf32>
      %lt3A_584 = arith.cmpi slt, %gather3A_572, %select_n3A_529 : vector<16xi32>
      %and3A_585 = arith.andi %eq3A_583, %lt3A_584 : vector<16xi1>
      %or3A_586 = arith.ori %gt3A_582, %and3A_585 : vector<16xi1>
      %select_n3A_587 = arith.select %or3A_586, %gather3A_562, %select_n3A_528 : vector<16xi1>, vector<16xf32>
      %select_n3A_588 = arith.select %or3A_586, %gather3A_572, %select_n3A_529 : vector<16xi1>, vector<16xi32>
      %gt3A_589 = arith.cmpf ogt, %select_n3A_580, %select_n3A_587 : vector<16xf32>
      %eq3A_590 = arith.cmpf oeq, %select_n3A_580, %select_n3A_587 : vector<16xf32>
      %lt3A_591 = arith.cmpi slt, %select_n3A_581, %select_n3A_588 : vector<16xi32>
      %and3A_592 = arith.andi %eq3A_590, %lt3A_591 : vector<16xi1>
      %or3A_593 = arith.ori %gt3A_589, %and3A_592 : vector<16xi1>
      %select_n3A_594 = arith.select %or3A_593, %select_n3A_580, %select_n3A_587 : vector<16xi1>, vector<16xf32>
      %select_n3A_595 = arith.select %or3A_593, %select_n3A_581, %select_n3A_588 : vector<16xi1>, vector<16xi32>
      %broadcast_in_dim3A_596 = vector.broadcast %add3A_313 : i32 to vector<16xi32>
      tpu.vector_store_idx %arg16[%broadcast_in_dim3A_596], %select_n3A_578 masked %eq3A_1 : memref<32xf32, #tpu.memory_space<vmem>>[vector<16xi32>], vector<16xf32>, vector<16xi1>
      tpu.vector_store_idx %arg17[%broadcast_in_dim3A_596], %select_n3A_579 masked %eq3A_1 : memref<32xi32, #tpu.memory_space<vmem>>[vector<16xi32>], vector<16xi32>, vector<16xi1>
      tpu.vector_store_idx %arg18[%broadcast_in_dim3A_596], %select_n3A_594 masked %eq3A_1 : memref<32xf32, #tpu.memory_space<vmem>>[vector<16xi32>], vector<16xf32>, vector<16xi1>
      tpu.vector_store_idx %arg19[%broadcast_in_dim3A_596], %select_n3A_595 masked %eq3A_1 : memref<32xi32, #tpu.memory_space<vmem>>[vector<16xi32>], vector<16xi32>, vector<16xi1>
      %add3A_597 = arith.constant 2 : i32
      %add3A_598 = arith.addi %mul3A_33, %add3A_597 : i32
      %mul3A_599 = arith.constant 2048 : i32
      %mul3A_600 = arith.muli %add3A_598, %mul3A_599 : i32
      %add3A_601 = arith.addi %mul3A_9, %mul3A_600 : i32
      %dma_wait3A_602 = tpu.memref_slice %arg2[%add3A_601] : memref<1048576xf32, #tpu.memory_space<hbm>> -> memref<2048xf32, #tpu.memory_space<hbm>>
      %dma_wait3A_603 = tpu.memref_slice %arg2[%add3A_601] : memref<1048576xf32, #tpu.memory_space<hbm>> -> memref<2048xf32, #tpu.memory_space<hbm>>
      tpu.wait_dma2 semaphore(%arg29 : memref<!tpu.dma_semaphore, #tpu.memory_space<semaphore_mem>>) src(%dma_wait3A_603 : memref<2048xf32, #tpu.memory_space<hbm>>) dst(%arg7 : memref<2048xf32, #tpu.memory_space<vmem>>)
      %add3A_604 = arith.constant 3 : i32
      %add3A_605 = arith.addi %add3A_598, %add3A_604 : i32
      %lt3A_606 = arith.constant 32 : i32
      %lt3A_607 = arith.cmpi slt, %add3A_605, %lt3A_606 : i32
      %convert_element_type3A_608 = arith.extui %lt3A_607 : i1 to i32
      %cond3A_609 = arith.constant 0 : i32
      %cond3A_610 = arith.cmpi ne, %convert_element_type3A_608, %cond3A_609 : i32
      scf.if %cond3A_610 {
        %mul3A_1167 = arith.constant 2048 : i32
        %mul3A_1168 = arith.muli %add3A_605, %mul3A_1167 : i32
        %add3A_1169 = arith.addi %mul3A_9, %mul3A_1168 : i32
        %dma_start3A_1170 = tpu.memref_slice %arg2[%add3A_1169] : memref<1048576xf32, #tpu.memory_space<hbm>> -> memref<2048xf32, #tpu.memory_space<hbm>>
        %dma_start3A_1171 = tpu.memref_slice %arg2[%add3A_1169] : memref<1048576xf32, #tpu.memory_space<hbm>> -> memref<2048xf32, #tpu.memory_space<hbm>>
        tpu.enqueue_dma source(%dma_start3A_1171 : memref<2048xf32, #tpu.memory_space<hbm>>) target(%arg6 : memref<2048xf32, #tpu.memory_space<vmem>>) target_semaphore(%arg28 : memref<!tpu.dma_semaphore, #tpu.memory_space<semaphore_mem>>)
      } else {
      }
      %scan3A_611 = arith.constant 0 : i32
      %scan3A_612 = arith.constant 128 : i32
      %scan3A_613 = arith.addi %scan3A_611, %scan3A_612 : i32
      %scan3A_614 = arith.constant 8 : i32
      %scan3A_615:4 = scf.for %scan3A_1167 = %scan3A_611 to %scan3A_613 step %scan3A_614 iter_args(%scan3A_1168 = %broadcast_in_dim3A_2, %scan3A_1169 = %broadcast_in_dim3A_4, %scan3A_1170 = %broadcast_in_dim3A_2, %scan3A_1171 = %broadcast_in_dim3A_6) -> (vector<16xf32>, vector<16xi32>, vector<16xf32>, vector<16xi32>)  : i32 {
        %mul3A_1172 = arith.constant 16 : i32
        %mul3A_1173 = arith.muli %scan3A_1167, %mul3A_1172 : i32
        %get3A = arith.index_cast %mul3A_1173 : i32 to index
        %get3A_1174 = tpu.vector_load %arg7[%get3A] {strides = array<i32>} : memref<2048xf32, #tpu.memory_space<vmem>>, vector<16xf32>,
        %mul3A_1175 = arith.constant 16 : i32
        %mul3A_1176 = arith.muli %scan3A_1167, %mul3A_1175 : i32
        %add3A_1177 = vector.broadcast %mul3A_1176 : i32 to vector<16xi32>
        %add3A_1178 = arith.addi %add3A_1177, %iota3A : vector<16xi32>
        %gt3A_1179 = arith.cmpf ogt, %get3A_1174, %scan3A_1168 : vector<16xf32>
        %select_n3A_1180 = arith.select %gt3A_1179, %get3A_1174, %scan3A_1168 : vector<16xi1>, vector<16xf32>
        %select_n3A_1181 = arith.select %gt3A_1179, %add3A_1178, %scan3A_1169 : vector<16xi1>, vector<16xi32>
        %select_n3A_1182 = arith.select %gt3A_1179, %scan3A_1168, %get3A_1174 : vector<16xi1>, vector<16xf32>
        %select_n3A_1183 = arith.select %gt3A_1179, %scan3A_1169, %add3A_1178 : vector<16xi1>, vector<16xi32>
        %gt3A_1184 = arith.cmpf ogt, %select_n3A_1182, %scan3A_1170 : vector<16xf32>
        %select_n3A_1185 = arith.select %gt3A_1184, %select_n3A_1182, %scan3A_1170 : vector<16xi1>, vector<16xf32>
        %select_n3A_1186 = arith.select %gt3A_1184, %select_n3A_1183, %scan3A_1171 : vector<16xi1>, vector<16xi32>
        %scan3A_1187 = arith.constant 1 : i32
        %scan3A_1188 = arith.addi %scan3A_1167, %scan3A_1187 : i32
        %mul3A_1189 = arith.constant 16 : i32
        %mul3A_1190 = arith.muli %scan3A_1188, %mul3A_1189 : i32
        %get3A_1191 = arith.index_cast %mul3A_1190 : i32 to index
        %get3A_1192 = tpu.vector_load %arg7[%get3A_1191] {strides = array<i32>} : memref<2048xf32, #tpu.memory_space<vmem>>, vector<16xf32>,
        %mul3A_1193 = arith.constant 16 : i32
        %mul3A_1194 = arith.muli %scan3A_1188, %mul3A_1193 : i32
        %add3A_1195 = vector.broadcast %mul3A_1194 : i32 to vector<16xi32>
        %add3A_1196 = arith.addi %add3A_1195, %iota3A : vector<16xi32>
        %gt3A_1197 = arith.cmpf ogt, %get3A_1192, %select_n3A_1180 : vector<16xf32>
        %select_n3A_1198 = arith.select %gt3A_1197, %get3A_1192, %select_n3A_1180 : vector<16xi1>, vector<16xf32>
        %select_n3A_1199 = arith.select %gt3A_1197, %add3A_1196, %select_n3A_1181 : vector<16xi1>, vector<16xi32>
        %select_n3A_1200 = arith.select %gt3A_1197, %select_n3A_1180, %get3A_1192 : vector<16xi1>, vector<16xf32>
        %select_n3A_1201 = arith.select %gt3A_1197, %select_n3A_1181, %add3A_1196 : vector<16xi1>, vector<16xi32>
        %gt3A_1202 = arith.cmpf ogt, %select_n3A_1200, %select_n3A_1185 : vector<16xf32>
        %select_n3A_1203 = arith.select %gt3A_1202, %select_n3A_1200, %select_n3A_1185 : vector<16xi1>, vector<16xf32>
        %select_n3A_1204 = arith.select %gt3A_1202, %select_n3A_1201, %select_n3A_1186 : vector<16xi1>, vector<16xi32>
        %scan3A_1205 = arith.constant 2 : i32
        %scan3A_1206 = arith.addi %scan3A_1167, %scan3A_1205 : i32
        %mul3A_1207 = arith.constant 16 : i32
        %mul3A_1208 = arith.muli %scan3A_1206, %mul3A_1207 : i32
        %get3A_1209 = arith.index_cast %mul3A_1208 : i32 to index
        %get3A_1210 = tpu.vector_load %arg7[%get3A_1209] {strides = array<i32>} : memref<2048xf32, #tpu.memory_space<vmem>>, vector<16xf32>,
        %mul3A_1211 = arith.constant 16 : i32
        %mul3A_1212 = arith.muli %scan3A_1206, %mul3A_1211 : i32
        %add3A_1213 = vector.broadcast %mul3A_1212 : i32 to vector<16xi32>
        %add3A_1214 = arith.addi %add3A_1213, %iota3A : vector<16xi32>
        %gt3A_1215 = arith.cmpf ogt, %get3A_1210, %select_n3A_1198 : vector<16xf32>
        %select_n3A_1216 = arith.select %gt3A_1215, %get3A_1210, %select_n3A_1198 : vector<16xi1>, vector<16xf32>
        %select_n3A_1217 = arith.select %gt3A_1215, %add3A_1214, %select_n3A_1199 : vector<16xi1>, vector<16xi32>
        %select_n3A_1218 = arith.select %gt3A_1215, %select_n3A_1198, %get3A_1210 : vector<16xi1>, vector<16xf32>
        %select_n3A_1219 = arith.select %gt3A_1215, %select_n3A_1199, %add3A_1214 : vector<16xi1>, vector<16xi32>
        %gt3A_1220 = arith.cmpf ogt, %select_n3A_1218, %select_n3A_1203 : vector<16xf32>
        %select_n3A_1221 = arith.select %gt3A_1220, %select_n3A_1218, %select_n3A_1203 : vector<16xi1>, vector<16xf32>
        %select_n3A_1222 = arith.select %gt3A_1220, %select_n3A_1219, %select_n3A_1204 : vector<16xi1>, vector<16xi32>
        %scan3A_1223 = arith.constant 3 : i32
        %scan3A_1224 = arith.addi %scan3A_1167, %scan3A_1223 : i32
        %mul3A_1225 = arith.constant 16 : i32
        %mul3A_1226 = arith.muli %scan3A_1224, %mul3A_1225 : i32
        %get3A_1227 = arith.index_cast %mul3A_1226 : i32 to index
        %get3A_1228 = tpu.vector_load %arg7[%get3A_1227] {strides = array<i32>} : memref<2048xf32, #tpu.memory_space<vmem>>, vector<16xf32>,
        %mul3A_1229 = arith.constant 16 : i32
        %mul3A_1230 = arith.muli %scan3A_1224, %mul3A_1229 : i32
        %add3A_1231 = vector.broadcast %mul3A_1230 : i32 to vector<16xi32>
        %add3A_1232 = arith.addi %add3A_1231, %iota3A : vector<16xi32>
        %gt3A_1233 = arith.cmpf ogt, %get3A_1228, %select_n3A_1216 : vector<16xf32>
        %select_n3A_1234 = arith.select %gt3A_1233, %get3A_1228, %select_n3A_1216 : vector<16xi1>, vector<16xf32>
        %select_n3A_1235 = arith.select %gt3A_1233, %add3A_1232, %select_n3A_1217 : vector<16xi1>, vector<16xi32>
        %select_n3A_1236 = arith.select %gt3A_1233, %select_n3A_1216, %get3A_1228 : vector<16xi1>, vector<16xf32>
        %select_n3A_1237 = arith.select %gt3A_1233, %select_n3A_1217, %add3A_1232 : vector<16xi1>, vector<16xi32>
        %gt3A_1238 = arith.cmpf ogt, %select_n3A_1236, %select_n3A_1221 : vector<16xf32>
        %select_n3A_1239 = arith.select %gt3A_1238, %select_n3A_1236, %select_n3A_1221 : vector<16xi1>, vector<16xf32>
        %select_n3A_1240 = arith.select %gt3A_1238, %select_n3A_1237, %select_n3A_1222 : vector<16xi1>, vector<16xi32>
        %scan3A_1241 = arith.constant 4 : i32
        %scan3A_1242 = arith.addi %scan3A_1167, %scan3A_1241 : i32
        %mul3A_1243 = arith.constant 16 : i32
        %mul3A_1244 = arith.muli %scan3A_1242, %mul3A_1243 : i32
        %get3A_1245 = arith.index_cast %mul3A_1244 : i32 to index
        %get3A_1246 = tpu.vector_load %arg7[%get3A_1245] {strides = array<i32>} : memref<2048xf32, #tpu.memory_space<vmem>>, vector<16xf32>,
        %mul3A_1247 = arith.constant 16 : i32
        %mul3A_1248 = arith.muli %scan3A_1242, %mul3A_1247 : i32
        %add3A_1249 = vector.broadcast %mul3A_1248 : i32 to vector<16xi32>
        %add3A_1250 = arith.addi %add3A_1249, %iota3A : vector<16xi32>
        %gt3A_1251 = arith.cmpf ogt, %get3A_1246, %select_n3A_1234 : vector<16xf32>
        %select_n3A_1252 = arith.select %gt3A_1251, %get3A_1246, %select_n3A_1234 : vector<16xi1>, vector<16xf32>
        %select_n3A_1253 = arith.select %gt3A_1251, %add3A_1250, %select_n3A_1235 : vector<16xi1>, vector<16xi32>
        %select_n3A_1254 = arith.select %gt3A_1251, %select_n3A_1234, %get3A_1246 : vector<16xi1>, vector<16xf32>
        %select_n3A_1255 = arith.select %gt3A_1251, %select_n3A_1235, %add3A_1250 : vector<16xi1>, vector<16xi32>
        %gt3A_1256 = arith.cmpf ogt, %select_n3A_1254, %select_n3A_1239 : vector<16xf32>
        %select_n3A_1257 = arith.select %gt3A_1256, %select_n3A_1254, %select_n3A_1239 : vector<16xi1>, vector<16xf32>
        %select_n3A_1258 = arith.select %gt3A_1256, %select_n3A_1255, %select_n3A_1240 : vector<16xi1>, vector<16xi32>
        %scan3A_1259 = arith.constant 5 : i32
        %scan3A_1260 = arith.addi %scan3A_1167, %scan3A_1259 : i32
        %mul3A_1261 = arith.constant 16 : i32
        %mul3A_1262 = arith.muli %scan3A_1260, %mul3A_1261 : i32
        %get3A_1263 = arith.index_cast %mul3A_1262 : i32 to index
        %get3A_1264 = tpu.vector_load %arg7[%get3A_1263] {strides = array<i32>} : memref<2048xf32, #tpu.memory_space<vmem>>, vector<16xf32>,
        %mul3A_1265 = arith.constant 16 : i32
        %mul3A_1266 = arith.muli %scan3A_1260, %mul3A_1265 : i32
        %add3A_1267 = vector.broadcast %mul3A_1266 : i32 to vector<16xi32>
        %add3A_1268 = arith.addi %add3A_1267, %iota3A : vector<16xi32>
        %gt3A_1269 = arith.cmpf ogt, %get3A_1264, %select_n3A_1252 : vector<16xf32>
        %select_n3A_1270 = arith.select %gt3A_1269, %get3A_1264, %select_n3A_1252 : vector<16xi1>, vector<16xf32>
        %select_n3A_1271 = arith.select %gt3A_1269, %add3A_1268, %select_n3A_1253 : vector<16xi1>, vector<16xi32>
        %select_n3A_1272 = arith.select %gt3A_1269, %select_n3A_1252, %get3A_1264 : vector<16xi1>, vector<16xf32>
        %select_n3A_1273 = arith.select %gt3A_1269, %select_n3A_1253, %add3A_1268 : vector<16xi1>, vector<16xi32>
        %gt3A_1274 = arith.cmpf ogt, %select_n3A_1272, %select_n3A_1257 : vector<16xf32>
        %select_n3A_1275 = arith.select %gt3A_1274, %select_n3A_1272, %select_n3A_1257 : vector<16xi1>, vector<16xf32>
        %select_n3A_1276 = arith.select %gt3A_1274, %select_n3A_1273, %select_n3A_1258 : vector<16xi1>, vector<16xi32>
        %scan3A_1277 = arith.constant 6 : i32
        %scan3A_1278 = arith.addi %scan3A_1167, %scan3A_1277 : i32
        %mul3A_1279 = arith.constant 16 : i32
        %mul3A_1280 = arith.muli %scan3A_1278, %mul3A_1279 : i32
        %get3A_1281 = arith.index_cast %mul3A_1280 : i32 to index
        %get3A_1282 = tpu.vector_load %arg7[%get3A_1281] {strides = array<i32>} : memref<2048xf32, #tpu.memory_space<vmem>>, vector<16xf32>,
        %mul3A_1283 = arith.constant 16 : i32
        %mul3A_1284 = arith.muli %scan3A_1278, %mul3A_1283 : i32
        %add3A_1285 = vector.broadcast %mul3A_1284 : i32 to vector<16xi32>
        %add3A_1286 = arith.addi %add3A_1285, %iota3A : vector<16xi32>
        %gt3A_1287 = arith.cmpf ogt, %get3A_1282, %select_n3A_1270 : vector<16xf32>
        %select_n3A_1288 = arith.select %gt3A_1287, %get3A_1282, %select_n3A_1270 : vector<16xi1>, vector<16xf32>
        %select_n3A_1289 = arith.select %gt3A_1287, %add3A_1286, %select_n3A_1271 : vector<16xi1>, vector<16xi32>
        %select_n3A_1290 = arith.select %gt3A_1287, %select_n3A_1270, %get3A_1282 : vector<16xi1>, vector<16xf32>
        %select_n3A_1291 = arith.select %gt3A_1287, %select_n3A_1271, %add3A_1286 : vector<16xi1>, vector<16xi32>
        %gt3A_1292 = arith.cmpf ogt, %select_n3A_1290, %select_n3A_1275 : vector<16xf32>
        %select_n3A_1293 = arith.select %gt3A_1292, %select_n3A_1290, %select_n3A_1275 : vector<16xi1>, vector<16xf32>
        %select_n3A_1294 = arith.select %gt3A_1292, %select_n3A_1291, %select_n3A_1276 : vector<16xi1>, vector<16xi32>
        %scan3A_1295 = arith.constant 7 : i32
        %scan3A_1296 = arith.addi %scan3A_1167, %scan3A_1295 : i32
        %mul3A_1297 = arith.constant 16 : i32
        %mul3A_1298 = arith.muli %scan3A_1296, %mul3A_1297 : i32
        %get3A_1299 = arith.index_cast %mul3A_1298 : i32 to index
        %get3A_1300 = tpu.vector_load %arg7[%get3A_1299] {strides = array<i32>} : memref<2048xf32, #tpu.memory_space<vmem>>, vector<16xf32>,
        %mul3A_1301 = arith.constant 16 : i32
        %mul3A_1302 = arith.muli %scan3A_1296, %mul3A_1301 : i32
        %add3A_1303 = vector.broadcast %mul3A_1302 : i32 to vector<16xi32>
        %add3A_1304 = arith.addi %add3A_1303, %iota3A : vector<16xi32>
        %gt3A_1305 = arith.cmpf ogt, %get3A_1300, %select_n3A_1288 : vector<16xf32>
        %select_n3A_1306 = arith.select %gt3A_1305, %get3A_1300, %select_n3A_1288 : vector<16xi1>, vector<16xf32>
        %select_n3A_1307 = arith.select %gt3A_1305, %add3A_1304, %select_n3A_1289 : vector<16xi1>, vector<16xi32>
        %select_n3A_1308 = arith.select %gt3A_1305, %select_n3A_1288, %get3A_1300 : vector<16xi1>, vector<16xf32>
        %select_n3A_1309 = arith.select %gt3A_1305, %select_n3A_1289, %add3A_1304 : vector<16xi1>, vector<16xi32>
        %gt3A_1310 = arith.cmpf ogt, %select_n3A_1308, %select_n3A_1293 : vector<16xf32>
        %select_n3A_1311 = arith.select %gt3A_1310, %select_n3A_1308, %select_n3A_1293 : vector<16xi1>, vector<16xf32>
        %select_n3A_1312 = arith.select %gt3A_1310, %select_n3A_1309, %select_n3A_1294 : vector<16xi1>, vector<16xi32>
        scf.yield %select_n3A_1306, %select_n3A_1307, %select_n3A_1311, %select_n3A_1312 : vector<16xf32>, vector<16xi32>, vector<16xf32>, vector<16xi32>
      }
      %scan3A_616 = arith.constant 128 : i32
      %xor3A_617 = arith.constant 1 : i32
      %xor3A_618 = vector.broadcast %xor3A_617 : i32 to vector<16xi32>
      %xor3A_619 = arith.xori %iota3A, %xor3A_618 : vector<16xi32>
      %lt3A_620 = arith.constant 0 : i32
      %lt3A_621 = vector.broadcast %lt3A_620 : i32 to vector<16xi32>
      %lt3A_622 = arith.cmpi slt, %xor3A_619, %lt3A_621 : vector<16xi32>
      %add3A_623 = arith.constant 16 : i32
      %add3A_624 = vector.broadcast %add3A_623 : i32 to vector<16xi32>
      %add3A_625 = arith.addi %xor3A_619, %add3A_624 : vector<16xi32>
      %select_n3A_626 = arith.select %lt3A_622, %add3A_625, %xor3A_619 : vector<16xi1>, vector<16xi32>
      %broadcast_in_dim3A_627 = vector.shape_cast %select_n3A_626 : vector<16xi32> to vector<16x1xi32>
      %gather3A_628 = vector.shape_cast %broadcast_in_dim3A_627 : vector<16x1xi32> to vector<16xi32>
      %gather3A_629 = tpu.dynamic_gather %scan3A_615#0[%gather3A_628] in [0] : vector<16xf32>, vector<16xi32> -> vector<16xf32>
      %lt3A_630 = arith.constant 0 : i32
      %lt3A_631 = vector.broadcast %lt3A_630 : i32 to vector<16xi32>
      %lt3A_632 = arith.cmpi slt, %xor3A_619, %lt3A_631 : vector<16xi32>
      %add3A_633 = arith.constant 16 : i32
      %add3A_634 = vector.broadcast %add3A_633 : i32 to vector<16xi32>
      %add3A_635 = arith.addi %xor3A_619, %add3A_634 : vector<16xi32>
      %select_n3A_636 = arith.select %lt3A_632, %add3A_635, %xor3A_619 : vector<16xi1>, vector<16xi32>
      %broadcast_in_dim3A_637 = vector.shape_cast %select_n3A_636 : vector<16xi32> to vector<16x1xi32>
      %gather3A_638 = vector.shape_cast %broadcast_in_dim3A_637 : vector<16x1xi32> to vector<16xi32>
      %gather3A_639 = tpu.dynamic_gather %scan3A_615#1[%gather3A_638] in [0] : vector<16xi32>, vector<16xi32> -> vector<16xi32>
      %lt3A_640 = arith.constant 0 : i32
      %lt3A_641 = vector.broadcast %lt3A_640 : i32 to vector<16xi32>
      %lt3A_642 = arith.cmpi slt, %xor3A_619, %lt3A_641 : vector<16xi32>
      %add3A_643 = arith.constant 16 : i32
      %add3A_644 = vector.broadcast %add3A_643 : i32 to vector<16xi32>
      %add3A_645 = arith.addi %xor3A_619, %add3A_644 : vector<16xi32>
      %select_n3A_646 = arith.select %lt3A_642, %add3A_645, %xor3A_619 : vector<16xi1>, vector<16xi32>
      %broadcast_in_dim3A_647 = vector.shape_cast %select_n3A_646 : vector<16xi32> to vector<16x1xi32>
      %gather3A_648 = vector.shape_cast %broadcast_in_dim3A_647 : vector<16x1xi32> to vector<16xi32>
      %gather3A_649 = tpu.dynamic_gather %scan3A_615#2[%gather3A_648] in [0] : vector<16xf32>, vector<16xi32> -> vector<16xf32>
      %lt3A_650 = arith.constant 0 : i32
      %lt3A_651 = vector.broadcast %lt3A_650 : i32 to vector<16xi32>
      %lt3A_652 = arith.cmpi slt, %xor3A_619, %lt3A_651 : vector<16xi32>
      %add3A_653 = arith.constant 16 : i32
      %add3A_654 = vector.broadcast %add3A_653 : i32 to vector<16xi32>
      %add3A_655 = arith.addi %xor3A_619, %add3A_654 : vector<16xi32>
      %select_n3A_656 = arith.select %lt3A_652, %add3A_655, %xor3A_619 : vector<16xi1>, vector<16xi32>
      %broadcast_in_dim3A_657 = vector.shape_cast %select_n3A_656 : vector<16xi32> to vector<16x1xi32>
      %gather3A_658 = vector.shape_cast %broadcast_in_dim3A_657 : vector<16x1xi32> to vector<16xi32>
      %gather3A_659 = tpu.dynamic_gather %scan3A_615#3[%gather3A_658] in [0] : vector<16xi32>, vector<16xi32> -> vector<16xi32>
      %gt3A_660 = arith.cmpf ogt, %gather3A_629, %scan3A_615#0 : vector<16xf32>
      %eq3A_661 = arith.cmpf oeq, %gather3A_629, %scan3A_615#0 : vector<16xf32>
      %lt3A_662 = arith.cmpi slt, %gather3A_639, %scan3A_615#1 : vector<16xi32>
      %and3A_663 = arith.andi %eq3A_661, %lt3A_662 : vector<16xi1>
      %or3A_664 = arith.ori %gt3A_660, %and3A_663 : vector<16xi1>
      %select_n3A_665 = arith.select %or3A_664, %gather3A_629, %scan3A_615#0 : vector<16xi1>, vector<16xf32>
      %select_n3A_666 = arith.select %or3A_664, %gather3A_639, %scan3A_615#1 : vector<16xi1>, vector<16xi32>
      %select_n3A_667 = arith.select %or3A_664, %scan3A_615#0, %gather3A_629 : vector<16xi1>, vector<16xf32>
      %select_n3A_668 = arith.select %or3A_664, %scan3A_615#1, %gather3A_639 : vector<16xi1>, vector<16xi32>
      %gt3A_669 = arith.cmpf ogt, %gather3A_649, %scan3A_615#2 : vector<16xf32>
      %eq3A_670 = arith.cmpf oeq, %gather3A_649, %scan3A_615#2 : vector<16xf32>
      %lt3A_671 = arith.cmpi slt, %gather3A_659, %scan3A_615#3 : vector<16xi32>
      %and3A_672 = arith.andi %eq3A_670, %lt3A_671 : vector<16xi1>
      %or3A_673 = arith.ori %gt3A_669, %and3A_672 : vector<16xi1>
      %select_n3A_674 = arith.select %or3A_673, %gather3A_649, %scan3A_615#2 : vector<16xi1>, vector<16xf32>
      %select_n3A_675 = arith.select %or3A_673, %gather3A_659, %scan3A_615#3 : vector<16xi1>, vector<16xi32>
      %gt3A_676 = arith.cmpf ogt, %select_n3A_667, %select_n3A_674 : vector<16xf32>
      %eq3A_677 = arith.cmpf oeq, %select_n3A_667, %select_n3A_674 : vector<16xf32>
      %lt3A_678 = arith.cmpi slt, %select_n3A_668, %select_n3A_675 : vector<16xi32>
      %and3A_679 = arith.andi %eq3A_677, %lt3A_678 : vector<16xi1>
      %or3A_680 = arith.ori %gt3A_676, %and3A_679 : vector<16xi1>
      %select_n3A_681 = arith.select %or3A_680, %select_n3A_667, %select_n3A_674 : vector<16xi1>, vector<16xf32>
      %select_n3A_682 = arith.select %or3A_680, %select_n3A_668, %select_n3A_675 : vector<16xi1>, vector<16xi32>
      %xor3A_683 = arith.constant 2 : i32
      %xor3A_684 = vector.broadcast %xor3A_683 : i32 to vector<16xi32>
      %xor3A_685 = arith.xori %iota3A, %xor3A_684 : vector<16xi32>
      %lt3A_686 = arith.constant 0 : i32
      %lt3A_687 = vector.broadcast %lt3A_686 : i32 to vector<16xi32>
      %lt3A_688 = arith.cmpi slt, %xor3A_685, %lt3A_687 : vector<16xi32>
      %add3A_689 = arith.constant 16 : i32
      %add3A_690 = vector.broadcast %add3A_689 : i32 to vector<16xi32>
      %add3A_691 = arith.addi %xor3A_685, %add3A_690 : vector<16xi32>
      %select_n3A_692 = arith.select %lt3A_688, %add3A_691, %xor3A_685 : vector<16xi1>, vector<16xi32>
      %broadcast_in_dim3A_693 = vector.shape_cast %select_n3A_692 : vector<16xi32> to vector<16x1xi32>
      %gather3A_694 = vector.shape_cast %broadcast_in_dim3A_693 : vector<16x1xi32> to vector<16xi32>
      %gather3A_695 = tpu.dynamic_gather %select_n3A_665[%gather3A_694] in [0] : vector<16xf32>, vector<16xi32> -> vector<16xf32>
      %lt3A_696 = arith.constant 0 : i32
      %lt3A_697 = vector.broadcast %lt3A_696 : i32 to vector<16xi32>
      %lt3A_698 = arith.cmpi slt, %xor3A_685, %lt3A_697 : vector<16xi32>
      %add3A_699 = arith.constant 16 : i32
      %add3A_700 = vector.broadcast %add3A_699 : i32 to vector<16xi32>
      %add3A_701 = arith.addi %xor3A_685, %add3A_700 : vector<16xi32>
      %select_n3A_702 = arith.select %lt3A_698, %add3A_701, %xor3A_685 : vector<16xi1>, vector<16xi32>
      %broadcast_in_dim3A_703 = vector.shape_cast %select_n3A_702 : vector<16xi32> to vector<16x1xi32>
      %gather3A_704 = vector.shape_cast %broadcast_in_dim3A_703 : vector<16x1xi32> to vector<16xi32>
      %gather3A_705 = tpu.dynamic_gather %select_n3A_666[%gather3A_704] in [0] : vector<16xi32>, vector<16xi32> -> vector<16xi32>
      %lt3A_706 = arith.constant 0 : i32
      %lt3A_707 = vector.broadcast %lt3A_706 : i32 to vector<16xi32>
      %lt3A_708 = arith.cmpi slt, %xor3A_685, %lt3A_707 : vector<16xi32>
      %add3A_709 = arith.constant 16 : i32
      %add3A_710 = vector.broadcast %add3A_709 : i32 to vector<16xi32>
      %add3A_711 = arith.addi %xor3A_685, %add3A_710 : vector<16xi32>
      %select_n3A_712 = arith.select %lt3A_708, %add3A_711, %xor3A_685 : vector<16xi1>, vector<16xi32>
      %broadcast_in_dim3A_713 = vector.shape_cast %select_n3A_712 : vector<16xi32> to vector<16x1xi32>
      %gather3A_714 = vector.shape_cast %broadcast_in_dim3A_713 : vector<16x1xi32> to vector<16xi32>
      %gather3A_715 = tpu.dynamic_gather %select_n3A_681[%gather3A_714] in [0] : vector<16xf32>, vector<16xi32> -> vector<16xf32>
      %lt3A_716 = arith.constant 0 : i32
      %lt3A_717 = vector.broadcast %lt3A_716 : i32 to vector<16xi32>
      %lt3A_718 = arith.cmpi slt, %xor3A_685, %lt3A_717 : vector<16xi32>
      %add3A_719 = arith.constant 16 : i32
      %add3A_720 = vector.broadcast %add3A_719 : i32 to vector<16xi32>
      %add3A_721 = arith.addi %xor3A_685, %add3A_720 : vector<16xi32>
      %select_n3A_722 = arith.select %lt3A_718, %add3A_721, %xor3A_685 : vector<16xi1>, vector<16xi32>
      %broadcast_in_dim3A_723 = vector.shape_cast %select_n3A_722 : vector<16xi32> to vector<16x1xi32>
      %gather3A_724 = vector.shape_cast %broadcast_in_dim3A_723 : vector<16x1xi32> to vector<16xi32>
      %gather3A_725 = tpu.dynamic_gather %select_n3A_682[%gather3A_724] in [0] : vector<16xi32>, vector<16xi32> -> vector<16xi32>
      %gt3A_726 = arith.cmpf ogt, %gather3A_695, %select_n3A_665 : vector<16xf32>
      %eq3A_727 = arith.cmpf oeq, %gather3A_695, %select_n3A_665 : vector<16xf32>
      %lt3A_728 = arith.cmpi slt, %gather3A_705, %select_n3A_666 : vector<16xi32>
      %and3A_729 = arith.andi %eq3A_727, %lt3A_728 : vector<16xi1>
      %or3A_730 = arith.ori %gt3A_726, %and3A_729 : vector<16xi1>
      %select_n3A_731 = arith.select %or3A_730, %gather3A_695, %select_n3A_665 : vector<16xi1>, vector<16xf32>
      %select_n3A_732 = arith.select %or3A_730, %gather3A_705, %select_n3A_666 : vector<16xi1>, vector<16xi32>
      %select_n3A_733 = arith.select %or3A_730, %select_n3A_665, %gather3A_695 : vector<16xi1>, vector<16xf32>
      %select_n3A_734 = arith.select %or3A_730, %select_n3A_666, %gather3A_705 : vector<16xi1>, vector<16xi32>
      %gt3A_735 = arith.cmpf ogt, %gather3A_715, %select_n3A_681 : vector<16xf32>
      %eq3A_736 = arith.cmpf oeq, %gather3A_715, %select_n3A_681 : vector<16xf32>
      %lt3A_737 = arith.cmpi slt, %gather3A_725, %select_n3A_682 : vector<16xi32>
      %and3A_738 = arith.andi %eq3A_736, %lt3A_737 : vector<16xi1>
      %or3A_739 = arith.ori %gt3A_735, %and3A_738 : vector<16xi1>
      %select_n3A_740 = arith.select %or3A_739, %gather3A_715, %select_n3A_681 : vector<16xi1>, vector<16xf32>
      %select_n3A_741 = arith.select %or3A_739, %gather3A_725, %select_n3A_682 : vector<16xi1>, vector<16xi32>
      %gt3A_742 = arith.cmpf ogt, %select_n3A_733, %select_n3A_740 : vector<16xf32>
      %eq3A_743 = arith.cmpf oeq, %select_n3A_733, %select_n3A_740 : vector<16xf32>
      %lt3A_744 = arith.cmpi slt, %select_n3A_734, %select_n3A_741 : vector<16xi32>
      %and3A_745 = arith.andi %eq3A_743, %lt3A_744 : vector<16xi1>
      %or3A_746 = arith.ori %gt3A_742, %and3A_745 : vector<16xi1>
      %select_n3A_747 = arith.select %or3A_746, %select_n3A_733, %select_n3A_740 : vector<16xi1>, vector<16xf32>
      %select_n3A_748 = arith.select %or3A_746, %select_n3A_734, %select_n3A_741 : vector<16xi1>, vector<16xi32>
      %xor3A_749 = arith.constant 4 : i32
      %xor3A_750 = vector.broadcast %xor3A_749 : i32 to vector<16xi32>
      %xor3A_751 = arith.xori %iota3A, %xor3A_750 : vector<16xi32>
      %lt3A_752 = arith.constant 0 : i32
      %lt3A_753 = vector.broadcast %lt3A_752 : i32 to vector<16xi32>
      %lt3A_754 = arith.cmpi slt, %xor3A_751, %lt3A_753 : vector<16xi32>
      %add3A_755 = arith.constant 16 : i32
      %add3A_756 = vector.broadcast %add3A_755 : i32 to vector<16xi32>
      %add3A_757 = arith.addi %xor3A_751, %add3A_756 : vector<16xi32>
      %select_n3A_758 = arith.select %lt3A_754, %add3A_757, %xor3A_751 : vector<16xi1>, vector<16xi32>
      %broadcast_in_dim3A_759 = vector.shape_cast %select_n3A_758 : vector<16xi32> to vector<16x1xi32>
      %gather3A_760 = vector.shape_cast %broadcast_in_dim3A_759 : vector<16x1xi32> to vector<16xi32>
      %gather3A_761 = tpu.dynamic_gather %select_n3A_731[%gather3A_760] in [0] : vector<16xf32>, vector<16xi32> -> vector<16xf32>
      %lt3A_762 = arith.constant 0 : i32
      %lt3A_763 = vector.broadcast %lt3A_762 : i32 to vector<16xi32>
      %lt3A_764 = arith.cmpi slt, %xor3A_751, %lt3A_763 : vector<16xi32>
      %add3A_765 = arith.constant 16 : i32
      %add3A_766 = vector.broadcast %add3A_765 : i32 to vector<16xi32>
      %add3A_767 = arith.addi %xor3A_751, %add3A_766 : vector<16xi32>
      %select_n3A_768 = arith.select %lt3A_764, %add3A_767, %xor3A_751 : vector<16xi1>, vector<16xi32>
      %broadcast_in_dim3A_769 = vector.shape_cast %select_n3A_768 : vector<16xi32> to vector<16x1xi32>
      %gather3A_770 = vector.shape_cast %broadcast_in_dim3A_769 : vector<16x1xi32> to vector<16xi32>
      %gather3A_771 = tpu.dynamic_gather %select_n3A_732[%gather3A_770] in [0] : vector<16xi32>, vector<16xi32> -> vector<16xi32>
      %lt3A_772 = arith.constant 0 : i32
      %lt3A_773 = vector.broadcast %lt3A_772 : i32 to vector<16xi32>
      %lt3A_774 = arith.cmpi slt, %xor3A_751, %lt3A_773 : vector<16xi32>
      %add3A_775 = arith.constant 16 : i32
      %add3A_776 = vector.broadcast %add3A_775 : i32 to vector<16xi32>
      %add3A_777 = arith.addi %xor3A_751, %add3A_776 : vector<16xi32>
      %select_n3A_778 = arith.select %lt3A_774, %add3A_777, %xor3A_751 : vector<16xi1>, vector<16xi32>
      %broadcast_in_dim3A_779 = vector.shape_cast %select_n3A_778 : vector<16xi32> to vector<16x1xi32>
      %gather3A_780 = vector.shape_cast %broadcast_in_dim3A_779 : vector<16x1xi32> to vector<16xi32>
      %gather3A_781 = tpu.dynamic_gather %select_n3A_747[%gather3A_780] in [0] : vector<16xf32>, vector<16xi32> -> vector<16xf32>
      %lt3A_782 = arith.constant 0 : i32
      %lt3A_783 = vector.broadcast %lt3A_782 : i32 to vector<16xi32>
      %lt3A_784 = arith.cmpi slt, %xor3A_751, %lt3A_783 : vector<16xi32>
      %add3A_785 = arith.constant 16 : i32
      %add3A_786 = vector.broadcast %add3A_785 : i32 to vector<16xi32>
      %add3A_787 = arith.addi %xor3A_751, %add3A_786 : vector<16xi32>
      %select_n3A_788 = arith.select %lt3A_784, %add3A_787, %xor3A_751 : vector<16xi1>, vector<16xi32>
      %broadcast_in_dim3A_789 = vector.shape_cast %select_n3A_788 : vector<16xi32> to vector<16x1xi32>
      %gather3A_790 = vector.shape_cast %broadcast_in_dim3A_789 : vector<16x1xi32> to vector<16xi32>
      %gather3A_791 = tpu.dynamic_gather %select_n3A_748[%gather3A_790] in [0] : vector<16xi32>, vector<16xi32> -> vector<16xi32>
      %gt3A_792 = arith.cmpf ogt, %gather3A_761, %select_n3A_731 : vector<16xf32>
      %eq3A_793 = arith.cmpf oeq, %gather3A_761, %select_n3A_731 : vector<16xf32>
      %lt3A_794 = arith.cmpi slt, %gather3A_771, %select_n3A_732 : vector<16xi32>
      %and3A_795 = arith.andi %eq3A_793, %lt3A_794 : vector<16xi1>
      %or3A_796 = arith.ori %gt3A_792, %and3A_795 : vector<16xi1>
      %select_n3A_797 = arith.select %or3A_796, %gather3A_761, %select_n3A_731 : vector<16xi1>, vector<16xf32>
      %select_n3A_798 = arith.select %or3A_796, %gather3A_771, %select_n3A_732 : vector<16xi1>, vector<16xi32>
      %select_n3A_799 = arith.select %or3A_796, %select_n3A_731, %gather3A_761 : vector<16xi1>, vector<16xf32>
      %select_n3A_800 = arith.select %or3A_796, %select_n3A_732, %gather3A_771 : vector<16xi1>, vector<16xi32>
      %gt3A_801 = arith.cmpf ogt, %gather3A_781, %select_n3A_747 : vector<16xf32>
      %eq3A_802 = arith.cmpf oeq, %gather3A_781, %select_n3A_747 : vector<16xf32>
      %lt3A_803 = arith.cmpi slt, %gather3A_791, %select_n3A_748 : vector<16xi32>
      %and3A_804 = arith.andi %eq3A_802, %lt3A_803 : vector<16xi1>
      %or3A_805 = arith.ori %gt3A_801, %and3A_804 : vector<16xi1>
      %select_n3A_806 = arith.select %or3A_805, %gather3A_781, %select_n3A_747 : vector<16xi1>, vector<16xf32>
      %select_n3A_807 = arith.select %or3A_805, %gather3A_791, %select_n3A_748 : vector<16xi1>, vector<16xi32>
      %gt3A_808 = arith.cmpf ogt, %select_n3A_799, %select_n3A_806 : vector<16xf32>
      %eq3A_809 = arith.cmpf oeq, %select_n3A_799, %select_n3A_806 : vector<16xf32>
      %lt3A_810 = arith.cmpi slt, %select_n3A_800, %select_n3A_807 : vector<16xi32>
      %and3A_811 = arith.andi %eq3A_809, %lt3A_810 : vector<16xi1>
      %or3A_812 = arith.ori %gt3A_808, %and3A_811 : vector<16xi1>
      %select_n3A_813 = arith.select %or3A_812, %select_n3A_799, %select_n3A_806 : vector<16xi1>, vector<16xf32>
      %select_n3A_814 = arith.select %or3A_812, %select_n3A_800, %select_n3A_807 : vector<16xi1>, vector<16xi32>
      %xor3A_815 = arith.constant 8 : i32
      %xor3A_816 = vector.broadcast %xor3A_815 : i32 to vector<16xi32>
      %xor3A_817 = arith.xori %iota3A, %xor3A_816 : vector<16xi32>
      %lt3A_818 = arith.constant 0 : i32
      %lt3A_819 = vector.broadcast %lt3A_818 : i32 to vector<16xi32>
      %lt3A_820 = arith.cmpi slt, %xor3A_817, %lt3A_819 : vector<16xi32>
      %add3A_821 = arith.constant 16 : i32
      %add3A_822 = vector.broadcast %add3A_821 : i32 to vector<16xi32>
      %add3A_823 = arith.addi %xor3A_817, %add3A_822 : vector<16xi32>
      %select_n3A_824 = arith.select %lt3A_820, %add3A_823, %xor3A_817 : vector<16xi1>, vector<16xi32>
      %broadcast_in_dim3A_825 = vector.shape_cast %select_n3A_824 : vector<16xi32> to vector<16x1xi32>
      %gather3A_826 = vector.shape_cast %broadcast_in_dim3A_825 : vector<16x1xi32> to vector<16xi32>
      %gather3A_827 = tpu.dynamic_gather %select_n3A_797[%gather3A_826] in [0] : vector<16xf32>, vector<16xi32> -> vector<16xf32>
      %lt3A_828 = arith.constant 0 : i32
      %lt3A_829 = vector.broadcast %lt3A_828 : i32 to vector<16xi32>
      %lt3A_830 = arith.cmpi slt, %xor3A_817, %lt3A_829 : vector<16xi32>
      %add3A_831 = arith.constant 16 : i32
      %add3A_832 = vector.broadcast %add3A_831 : i32 to vector<16xi32>
      %add3A_833 = arith.addi %xor3A_817, %add3A_832 : vector<16xi32>
      %select_n3A_834 = arith.select %lt3A_830, %add3A_833, %xor3A_817 : vector<16xi1>, vector<16xi32>
      %broadcast_in_dim3A_835 = vector.shape_cast %select_n3A_834 : vector<16xi32> to vector<16x1xi32>
      %gather3A_836 = vector.shape_cast %broadcast_in_dim3A_835 : vector<16x1xi32> to vector<16xi32>
      %gather3A_837 = tpu.dynamic_gather %select_n3A_798[%gather3A_836] in [0] : vector<16xi32>, vector<16xi32> -> vector<16xi32>
      %lt3A_838 = arith.constant 0 : i32
      %lt3A_839 = vector.broadcast %lt3A_838 : i32 to vector<16xi32>
      %lt3A_840 = arith.cmpi slt, %xor3A_817, %lt3A_839 : vector<16xi32>
      %add3A_841 = arith.constant 16 : i32
      %add3A_842 = vector.broadcast %add3A_841 : i32 to vector<16xi32>
      %add3A_843 = arith.addi %xor3A_817, %add3A_842 : vector<16xi32>
      %select_n3A_844 = arith.select %lt3A_840, %add3A_843, %xor3A_817 : vector<16xi1>, vector<16xi32>
      %broadcast_in_dim3A_845 = vector.shape_cast %select_n3A_844 : vector<16xi32> to vector<16x1xi32>
      %gather3A_846 = vector.shape_cast %broadcast_in_dim3A_845 : vector<16x1xi32> to vector<16xi32>
      %gather3A_847 = tpu.dynamic_gather %select_n3A_813[%gather3A_846] in [0] : vector<16xf32>, vector<16xi32> -> vector<16xf32>
      %lt3A_848 = arith.constant 0 : i32
      %lt3A_849 = vector.broadcast %lt3A_848 : i32 to vector<16xi32>
      %lt3A_850 = arith.cmpi slt, %xor3A_817, %lt3A_849 : vector<16xi32>
      %add3A_851 = arith.constant 16 : i32
      %add3A_852 = vector.broadcast %add3A_851 : i32 to vector<16xi32>
      %add3A_853 = arith.addi %xor3A_817, %add3A_852 : vector<16xi32>
      %select_n3A_854 = arith.select %lt3A_850, %add3A_853, %xor3A_817 : vector<16xi1>, vector<16xi32>
      %broadcast_in_dim3A_855 = vector.shape_cast %select_n3A_854 : vector<16xi32> to vector<16x1xi32>
      %gather3A_856 = vector.shape_cast %broadcast_in_dim3A_855 : vector<16x1xi32> to vector<16xi32>
      %gather3A_857 = tpu.dynamic_gather %select_n3A_814[%gather3A_856] in [0] : vector<16xi32>, vector<16xi32> -> vector<16xi32>
      %gt3A_858 = arith.cmpf ogt, %gather3A_827, %select_n3A_797 : vector<16xf32>
      %eq3A_859 = arith.cmpf oeq, %gather3A_827, %select_n3A_797 : vector<16xf32>
      %lt3A_860 = arith.cmpi slt, %gather3A_837, %select_n3A_798 : vector<16xi32>
      %and3A_861 = arith.andi %eq3A_859, %lt3A_860 : vector<16xi1>
      %or3A_862 = arith.ori %gt3A_858, %and3A_861 : vector<16xi1>
      %select_n3A_863 = arith.select %or3A_862, %gather3A_827, %select_n3A_797 : vector<16xi1>, vector<16xf32>
      %select_n3A_864 = arith.select %or3A_862, %gather3A_837, %select_n3A_798 : vector<16xi1>, vector<16xi32>
      %select_n3A_865 = arith.select %or3A_862, %select_n3A_797, %gather3A_827 : vector<16xi1>, vector<16xf32>
      %select_n3A_866 = arith.select %or3A_862, %select_n3A_798, %gather3A_837 : vector<16xi1>, vector<16xi32>
      %gt3A_867 = arith.cmpf ogt, %gather3A_847, %select_n3A_813 : vector<16xf32>
      %eq3A_868 = arith.cmpf oeq, %gather3A_847, %select_n3A_813 : vector<16xf32>
      %lt3A_869 = arith.cmpi slt, %gather3A_857, %select_n3A_814 : vector<16xi32>
      %and3A_870 = arith.andi %eq3A_868, %lt3A_869 : vector<16xi1>
      %or3A_871 = arith.ori %gt3A_867, %and3A_870 : vector<16xi1>
      %select_n3A_872 = arith.select %or3A_871, %gather3A_847, %select_n3A_813 : vector<16xi1>, vector<16xf32>
      %select_n3A_873 = arith.select %or3A_871, %gather3A_857, %select_n3A_814 : vector<16xi1>, vector<16xi32>
      %gt3A_874 = arith.cmpf ogt, %select_n3A_865, %select_n3A_872 : vector<16xf32>
      %eq3A_875 = arith.cmpf oeq, %select_n3A_865, %select_n3A_872 : vector<16xf32>
      %lt3A_876 = arith.cmpi slt, %select_n3A_866, %select_n3A_873 : vector<16xi32>
      %and3A_877 = arith.andi %eq3A_875, %lt3A_876 : vector<16xi1>
      %or3A_878 = arith.ori %gt3A_874, %and3A_877 : vector<16xi1>
      %select_n3A_879 = arith.select %or3A_878, %select_n3A_865, %select_n3A_872 : vector<16xi1>, vector<16xf32>
      %select_n3A_880 = arith.select %or3A_878, %select_n3A_866, %select_n3A_873 : vector<16xi1>, vector<16xi32>
      %broadcast_in_dim3A_881 = vector.broadcast %add3A_598 : i32 to vector<16xi32>
      tpu.vector_store_idx %arg16[%broadcast_in_dim3A_881], %select_n3A_863 masked %eq3A_1 : memref<32xf32, #tpu.memory_space<vmem>>[vector<16xi32>], vector<16xf32>, vector<16xi1>
      tpu.vector_store_idx %arg17[%broadcast_in_dim3A_881], %select_n3A_864 masked %eq3A_1 : memref<32xi32, #tpu.memory_space<vmem>>[vector<16xi32>], vector<16xi32>, vector<16xi1>
      tpu.vector_store_idx %arg18[%broadcast_in_dim3A_881], %select_n3A_879 masked %eq3A_1 : memref<32xf32, #tpu.memory_space<vmem>>[vector<16xi32>], vector<16xf32>, vector<16xi1>
      tpu.vector_store_idx %arg19[%broadcast_in_dim3A_881], %select_n3A_880 masked %eq3A_1 : memref<32xi32, #tpu.memory_space<vmem>>[vector<16xi32>], vector<16xi32>, vector<16xi1>
      %add3A_882 = arith.constant 3 : i32
      %add3A_883 = arith.addi %mul3A_33, %add3A_882 : i32
      %mul3A_884 = arith.constant 2048 : i32
      %mul3A_885 = arith.muli %add3A_883, %mul3A_884 : i32
      %add3A_886 = arith.addi %mul3A_9, %mul3A_885 : i32
      %dma_wait3A_887 = tpu.memref_slice %arg2[%add3A_886] : memref<1048576xf32, #tpu.memory_space<hbm>> -> memref<2048xf32, #tpu.memory_space<hbm>>
      %dma_wait3A_888 = tpu.memref_slice %arg2[%add3A_886] : memref<1048576xf32, #tpu.memory_space<hbm>> -> memref<2048xf32, #tpu.memory_space<hbm>>
      tpu.wait_dma2 semaphore(%arg30 : memref<!tpu.dma_semaphore, #tpu.memory_space<semaphore_mem>>) src(%dma_wait3A_888 : memref<2048xf32, #tpu.memory_space<hbm>>) dst(%arg8 : memref<2048xf32, #tpu.memory_space<vmem>>)
      %add3A_889 = arith.constant 3 : i32
      %add3A_890 = arith.addi %add3A_883, %add3A_889 : i32
      %lt3A_891 = arith.constant 32 : i32
      %lt3A_892 = arith.cmpi slt, %add3A_890, %lt3A_891 : i32
      %convert_element_type3A_893 = arith.extui %lt3A_892 : i1 to i32
      %cond3A_894 = arith.constant 0 : i32
      %cond3A_895 = arith.cmpi ne, %convert_element_type3A_893, %cond3A_894 : i32
      scf.if %cond3A_895 {
        %mul3A_1167 = arith.constant 2048 : i32
        %mul3A_1168 = arith.muli %add3A_890, %mul3A_1167 : i32
        %add3A_1169 = arith.addi %mul3A_9, %mul3A_1168 : i32
        %dma_start3A_1170 = tpu.memref_slice %arg2[%add3A_1169] : memref<1048576xf32, #tpu.memory_space<hbm>> -> memref<2048xf32, #tpu.memory_space<hbm>>
        %dma_start3A_1171 = tpu.memref_slice %arg2[%add3A_1169] : memref<1048576xf32, #tpu.memory_space<hbm>> -> memref<2048xf32, #tpu.memory_space<hbm>>
        tpu.enqueue_dma source(%dma_start3A_1171 : memref<2048xf32, #tpu.memory_space<hbm>>) target(%arg7 : memref<2048xf32, #tpu.memory_space<vmem>>) target_semaphore(%arg29 : memref<!tpu.dma_semaphore, #tpu.memory_space<semaphore_mem>>)
      } else {
      }
      %scan3A_896 = arith.constant 0 : i32
      %scan3A_897 = arith.constant 128 : i32
      %scan3A_898 = arith.addi %scan3A_896, %scan3A_897 : i32
      %scan3A_899 = arith.constant 8 : i32
      %scan3A_900:4 = scf.for %scan3A_1167 = %scan3A_896 to %scan3A_898 step %scan3A_899 iter_args(%scan3A_1168 = %broadcast_in_dim3A_2, %scan3A_1169 = %broadcast_in_dim3A_4, %scan3A_1170 = %broadcast_in_dim3A_2, %scan3A_1171 = %broadcast_in_dim3A_6) -> (vector<16xf32>, vector<16xi32>, vector<16xf32>, vector<16xi32>)  : i32 {
        %mul3A_1172 = arith.constant 16 : i32
        %mul3A_1173 = arith.muli %scan3A_1167, %mul3A_1172 : i32
        %get3A = arith.index_cast %mul3A_1173 : i32 to index
        %get3A_1174 = tpu.vector_load %arg8[%get3A] {strides = array<i32>} : memref<2048xf32, #tpu.memory_space<vmem>>, vector<16xf32>,
        %mul3A_1175 = arith.constant 16 : i32
        %mul3A_1176 = arith.muli %scan3A_1167, %mul3A_1175 : i32
        %add3A_1177 = vector.broadcast %mul3A_1176 : i32 to vector<16xi32>
        %add3A_1178 = arith.addi %add3A_1177, %iota3A : vector<16xi32>
        %gt3A_1179 = arith.cmpf ogt, %get3A_1174, %scan3A_1168 : vector<16xf32>
        %select_n3A_1180 = arith.select %gt3A_1179, %get3A_1174, %scan3A_1168 : vector<16xi1>, vector<16xf32>
        %select_n3A_1181 = arith.select %gt3A_1179, %add3A_1178, %scan3A_1169 : vector<16xi1>, vector<16xi32>
        %select_n3A_1182 = arith.select %gt3A_1179, %scan3A_1168, %get3A_1174 : vector<16xi1>, vector<16xf32>
        %select_n3A_1183 = arith.select %gt3A_1179, %scan3A_1169, %add3A_1178 : vector<16xi1>, vector<16xi32>
        %gt3A_1184 = arith.cmpf ogt, %select_n3A_1182, %scan3A_1170 : vector<16xf32>
        %select_n3A_1185 = arith.select %gt3A_1184, %select_n3A_1182, %scan3A_1170 : vector<16xi1>, vector<16xf32>
        %select_n3A_1186 = arith.select %gt3A_1184, %select_n3A_1183, %scan3A_1171 : vector<16xi1>, vector<16xi32>
        %scan3A_1187 = arith.constant 1 : i32
        %scan3A_1188 = arith.addi %scan3A_1167, %scan3A_1187 : i32
        %mul3A_1189 = arith.constant 16 : i32
        %mul3A_1190 = arith.muli %scan3A_1188, %mul3A_1189 : i32
        %get3A_1191 = arith.index_cast %mul3A_1190 : i32 to index
        %get3A_1192 = tpu.vector_load %arg8[%get3A_1191] {strides = array<i32>} : memref<2048xf32, #tpu.memory_space<vmem>>, vector<16xf32>,
        %mul3A_1193 = arith.constant 16 : i32
        %mul3A_1194 = arith.muli %scan3A_1188, %mul3A_1193 : i32
        %add3A_1195 = vector.broadcast %mul3A_1194 : i32 to vector<16xi32>
        %add3A_1196 = arith.addi %add3A_1195, %iota3A : vector<16xi32>
        %gt3A_1197 = arith.cmpf ogt, %get3A_1192, %select_n3A_1180 : vector<16xf32>
        %select_n3A_1198 = arith.select %gt3A_1197, %get3A_1192, %select_n3A_1180 : vector<16xi1>, vector<16xf32>
        %select_n3A_1199 = arith.select %gt3A_1197, %add3A_1196, %select_n3A_1181 : vector<16xi1>, vector<16xi32>
        %select_n3A_1200 = arith.select %gt3A_1197, %select_n3A_1180, %get3A_1192 : vector<16xi1>, vector<16xf32>
        %select_n3A_1201 = arith.select %gt3A_1197, %select_n3A_1181, %add3A_1196 : vector<16xi1>, vector<16xi32>
        %gt3A_1202 = arith.cmpf ogt, %select_n3A_1200, %select_n3A_1185 : vector<16xf32>
        %select_n3A_1203 = arith.select %gt3A_1202, %select_n3A_1200, %select_n3A_1185 : vector<16xi1>, vector<16xf32>
        %select_n3A_1204 = arith.select %gt3A_1202, %select_n3A_1201, %select_n3A_1186 : vector<16xi1>, vector<16xi32>
        %scan3A_1205 = arith.constant 2 : i32
        %scan3A_1206 = arith.addi %scan3A_1167, %scan3A_1205 : i32
        %mul3A_1207 = arith.constant 16 : i32
        %mul3A_1208 = arith.muli %scan3A_1206, %mul3A_1207 : i32
        %get3A_1209 = arith.index_cast %mul3A_1208 : i32 to index
        %get3A_1210 = tpu.vector_load %arg8[%get3A_1209] {strides = array<i32>} : memref<2048xf32, #tpu.memory_space<vmem>>, vector<16xf32>,
        %mul3A_1211 = arith.constant 16 : i32
        %mul3A_1212 = arith.muli %scan3A_1206, %mul3A_1211 : i32
        %add3A_1213 = vector.broadcast %mul3A_1212 : i32 to vector<16xi32>
        %add3A_1214 = arith.addi %add3A_1213, %iota3A : vector<16xi32>
        %gt3A_1215 = arith.cmpf ogt, %get3A_1210, %select_n3A_1198 : vector<16xf32>
        %select_n3A_1216 = arith.select %gt3A_1215, %get3A_1210, %select_n3A_1198 : vector<16xi1>, vector<16xf32>
        %select_n3A_1217 = arith.select %gt3A_1215, %add3A_1214, %select_n3A_1199 : vector<16xi1>, vector<16xi32>
        %select_n3A_1218 = arith.select %gt3A_1215, %select_n3A_1198, %get3A_1210 : vector<16xi1>, vector<16xf32>
        %select_n3A_1219 = arith.select %gt3A_1215, %select_n3A_1199, %add3A_1214 : vector<16xi1>, vector<16xi32>
        %gt3A_1220 = arith.cmpf ogt, %select_n3A_1218, %select_n3A_1203 : vector<16xf32>
        %select_n3A_1221 = arith.select %gt3A_1220, %select_n3A_1218, %select_n3A_1203 : vector<16xi1>, vector<16xf32>
        %select_n3A_1222 = arith.select %gt3A_1220, %select_n3A_1219, %select_n3A_1204 : vector<16xi1>, vector<16xi32>
        %scan3A_1223 = arith.constant 3 : i32
        %scan3A_1224 = arith.addi %scan3A_1167, %scan3A_1223 : i32
        %mul3A_1225 = arith.constant 16 : i32
        %mul3A_1226 = arith.muli %scan3A_1224, %mul3A_1225 : i32
        %get3A_1227 = arith.index_cast %mul3A_1226 : i32 to index
        %get3A_1228 = tpu.vector_load %arg8[%get3A_1227] {strides = array<i32>} : memref<2048xf32, #tpu.memory_space<vmem>>, vector<16xf32>,
        %mul3A_1229 = arith.constant 16 : i32
        %mul3A_1230 = arith.muli %scan3A_1224, %mul3A_1229 : i32
        %add3A_1231 = vector.broadcast %mul3A_1230 : i32 to vector<16xi32>
        %add3A_1232 = arith.addi %add3A_1231, %iota3A : vector<16xi32>
        %gt3A_1233 = arith.cmpf ogt, %get3A_1228, %select_n3A_1216 : vector<16xf32>
        %select_n3A_1234 = arith.select %gt3A_1233, %get3A_1228, %select_n3A_1216 : vector<16xi1>, vector<16xf32>
        %select_n3A_1235 = arith.select %gt3A_1233, %add3A_1232, %select_n3A_1217 : vector<16xi1>, vector<16xi32>
        %select_n3A_1236 = arith.select %gt3A_1233, %select_n3A_1216, %get3A_1228 : vector<16xi1>, vector<16xf32>
        %select_n3A_1237 = arith.select %gt3A_1233, %select_n3A_1217, %add3A_1232 : vector<16xi1>, vector<16xi32>
        %gt3A_1238 = arith.cmpf ogt, %select_n3A_1236, %select_n3A_1221 : vector<16xf32>
        %select_n3A_1239 = arith.select %gt3A_1238, %select_n3A_1236, %select_n3A_1221 : vector<16xi1>, vector<16xf32>
        %select_n3A_1240 = arith.select %gt3A_1238, %select_n3A_1237, %select_n3A_1222 : vector<16xi1>, vector<16xi32>
        %scan3A_1241 = arith.constant 4 : i32
        %scan3A_1242 = arith.addi %scan3A_1167, %scan3A_1241 : i32
        %mul3A_1243 = arith.constant 16 : i32
        %mul3A_1244 = arith.muli %scan3A_1242, %mul3A_1243 : i32
        %get3A_1245 = arith.index_cast %mul3A_1244 : i32 to index
        %get3A_1246 = tpu.vector_load %arg8[%get3A_1245] {strides = array<i32>} : memref<2048xf32, #tpu.memory_space<vmem>>, vector<16xf32>,
        %mul3A_1247 = arith.constant 16 : i32
        %mul3A_1248 = arith.muli %scan3A_1242, %mul3A_1247 : i32
        %add3A_1249 = vector.broadcast %mul3A_1248 : i32 to vector<16xi32>
        %add3A_1250 = arith.addi %add3A_1249, %iota3A : vector<16xi32>
        %gt3A_1251 = arith.cmpf ogt, %get3A_1246, %select_n3A_1234 : vector<16xf32>
        %select_n3A_1252 = arith.select %gt3A_1251, %get3A_1246, %select_n3A_1234 : vector<16xi1>, vector<16xf32>
        %select_n3A_1253 = arith.select %gt3A_1251, %add3A_1250, %select_n3A_1235 : vector<16xi1>, vector<16xi32>
        %select_n3A_1254 = arith.select %gt3A_1251, %select_n3A_1234, %get3A_1246 : vector<16xi1>, vector<16xf32>
        %select_n3A_1255 = arith.select %gt3A_1251, %select_n3A_1235, %add3A_1250 : vector<16xi1>, vector<16xi32>
        %gt3A_1256 = arith.cmpf ogt, %select_n3A_1254, %select_n3A_1239 : vector<16xf32>
        %select_n3A_1257 = arith.select %gt3A_1256, %select_n3A_1254, %select_n3A_1239 : vector<16xi1>, vector<16xf32>
        %select_n3A_1258 = arith.select %gt3A_1256, %select_n3A_1255, %select_n3A_1240 : vector<16xi1>, vector<16xi32>
        %scan3A_1259 = arith.constant 5 : i32
        %scan3A_1260 = arith.addi %scan3A_1167, %scan3A_1259 : i32
        %mul3A_1261 = arith.constant 16 : i32
        %mul3A_1262 = arith.muli %scan3A_1260, %mul3A_1261 : i32
        %get3A_1263 = arith.index_cast %mul3A_1262 : i32 to index
        %get3A_1264 = tpu.vector_load %arg8[%get3A_1263] {strides = array<i32>} : memref<2048xf32, #tpu.memory_space<vmem>>, vector<16xf32>,
        %mul3A_1265 = arith.constant 16 : i32
        %mul3A_1266 = arith.muli %scan3A_1260, %mul3A_1265 : i32
        %add3A_1267 = vector.broadcast %mul3A_1266 : i32 to vector<16xi32>
        %add3A_1268 = arith.addi %add3A_1267, %iota3A : vector<16xi32>
        %gt3A_1269 = arith.cmpf ogt, %get3A_1264, %select_n3A_1252 : vector<16xf32>
        %select_n3A_1270 = arith.select %gt3A_1269, %get3A_1264, %select_n3A_1252 : vector<16xi1>, vector<16xf32>
        %select_n3A_1271 = arith.select %gt3A_1269, %add3A_1268, %select_n3A_1253 : vector<16xi1>, vector<16xi32>
        %select_n3A_1272 = arith.select %gt3A_1269, %select_n3A_1252, %get3A_1264 : vector<16xi1>, vector<16xf32>
        %select_n3A_1273 = arith.select %gt3A_1269, %select_n3A_1253, %add3A_1268 : vector<16xi1>, vector<16xi32>
        %gt3A_1274 = arith.cmpf ogt, %select_n3A_1272, %select_n3A_1257 : vector<16xf32>
        %select_n3A_1275 = arith.select %gt3A_1274, %select_n3A_1272, %select_n3A_1257 : vector<16xi1>, vector<16xf32>
        %select_n3A_1276 = arith.select %gt3A_1274, %select_n3A_1273, %select_n3A_1258 : vector<16xi1>, vector<16xi32>
        %scan3A_1277 = arith.constant 6 : i32
        %scan3A_1278 = arith.addi %scan3A_1167, %scan3A_1277 : i32
        %mul3A_1279 = arith.constant 16 : i32
        %mul3A_1280 = arith.muli %scan3A_1278, %mul3A_1279 : i32
        %get3A_1281 = arith.index_cast %mul3A_1280 : i32 to index
        %get3A_1282 = tpu.vector_load %arg8[%get3A_1281] {strides = array<i32>} : memref<2048xf32, #tpu.memory_space<vmem>>, vector<16xf32>,
        %mul3A_1283 = arith.constant 16 : i32
        %mul3A_1284 = arith.muli %scan3A_1278, %mul3A_1283 : i32
        %add3A_1285 = vector.broadcast %mul3A_1284 : i32 to vector<16xi32>
        %add3A_1286 = arith.addi %add3A_1285, %iota3A : vector<16xi32>
        %gt3A_1287 = arith.cmpf ogt, %get3A_1282, %select_n3A_1270 : vector<16xf32>
        %select_n3A_1288 = arith.select %gt3A_1287, %get3A_1282, %select_n3A_1270 : vector<16xi1>, vector<16xf32>
        %select_n3A_1289 = arith.select %gt3A_1287, %add3A_1286, %select_n3A_1271 : vector<16xi1>, vector<16xi32>
        %select_n3A_1290 = arith.select %gt3A_1287, %select_n3A_1270, %get3A_1282 : vector<16xi1>, vector<16xf32>
        %select_n3A_1291 = arith.select %gt3A_1287, %select_n3A_1271, %add3A_1286 : vector<16xi1>, vector<16xi32>
        %gt3A_1292 = arith.cmpf ogt, %select_n3A_1290, %select_n3A_1275 : vector<16xf32>
        %select_n3A_1293 = arith.select %gt3A_1292, %select_n3A_1290, %select_n3A_1275 : vector<16xi1>, vector<16xf32>
        %select_n3A_1294 = arith.select %gt3A_1292, %select_n3A_1291, %select_n3A_1276 : vector<16xi1>, vector<16xi32>
        %scan3A_1295 = arith.constant 7 : i32
        %scan3A_1296 = arith.addi %scan3A_1167, %scan3A_1295 : i32
        %mul3A_1297 = arith.constant 16 : i32
        %mul3A_1298 = arith.muli %scan3A_1296, %mul3A_1297 : i32
        %get3A_1299 = arith.index_cast %mul3A_1298 : i32 to index
        %get3A_1300 = tpu.vector_load %arg8[%get3A_1299] {strides = array<i32>} : memref<2048xf32, #tpu.memory_space<vmem>>, vector<16xf32>,
        %mul3A_1301 = arith.constant 16 : i32
        %mul3A_1302 = arith.muli %scan3A_1296, %mul3A_1301 : i32
        %add3A_1303 = vector.broadcast %mul3A_1302 : i32 to vector<16xi32>
        %add3A_1304 = arith.addi %add3A_1303, %iota3A : vector<16xi32>
        %gt3A_1305 = arith.cmpf ogt, %get3A_1300, %select_n3A_1288 : vector<16xf32>
        %select_n3A_1306 = arith.select %gt3A_1305, %get3A_1300, %select_n3A_1288 : vector<16xi1>, vector<16xf32>
        %select_n3A_1307 = arith.select %gt3A_1305, %add3A_1304, %select_n3A_1289 : vector<16xi1>, vector<16xi32>
        %select_n3A_1308 = arith.select %gt3A_1305, %select_n3A_1288, %get3A_1300 : vector<16xi1>, vector<16xf32>
        %select_n3A_1309 = arith.select %gt3A_1305, %select_n3A_1289, %add3A_1304 : vector<16xi1>, vector<16xi32>
        %gt3A_1310 = arith.cmpf ogt, %select_n3A_1308, %select_n3A_1293 : vector<16xf32>
        %select_n3A_1311 = arith.select %gt3A_1310, %select_n3A_1308, %select_n3A_1293 : vector<16xi1>, vector<16xf32>
        %select_n3A_1312 = arith.select %gt3A_1310, %select_n3A_1309, %select_n3A_1294 : vector<16xi1>, vector<16xi32>
        scf.yield %select_n3A_1306, %select_n3A_1307, %select_n3A_1311, %select_n3A_1312 : vector<16xf32>, vector<16xi32>, vector<16xf32>, vector<16xi32>
      }
      %scan3A_901 = arith.constant 128 : i32
      %xor3A_902 = arith.constant 1 : i32
      %xor3A_903 = vector.broadcast %xor3A_902 : i32 to vector<16xi32>
      %xor3A_904 = arith.xori %iota3A, %xor3A_903 : vector<16xi32>
      %lt3A_905 = arith.constant 0 : i32
      %lt3A_906 = vector.broadcast %lt3A_905 : i32 to vector<16xi32>
      %lt3A_907 = arith.cmpi slt, %xor3A_904, %lt3A_906 : vector<16xi32>
      %add3A_908 = arith.constant 16 : i32
      %add3A_909 = vector.broadcast %add3A_908 : i32 to vector<16xi32>
      %add3A_910 = arith.addi %xor3A_904, %add3A_909 : vector<16xi32>
      %select_n3A_911 = arith.select %lt3A_907, %add3A_910, %xor3A_904 : vector<16xi1>, vector<16xi32>
      %broadcast_in_dim3A_912 = vector.shape_cast %select_n3A_911 : vector<16xi32> to vector<16x1xi32>
      %gather3A_913 = vector.shape_cast %broadcast_in_dim3A_912 : vector<16x1xi32> to vector<16xi32>
      %gather3A_914 = tpu.dynamic_gather %scan3A_900#0[%gather3A_913] in [0] : vector<16xf32>, vector<16xi32> -> vector<16xf32>
      %lt3A_915 = arith.constant 0 : i32
      %lt3A_916 = vector.broadcast %lt3A_915 : i32 to vector<16xi32>
      %lt3A_917 = arith.cmpi slt, %xor3A_904, %lt3A_916 : vector<16xi32>
      %add3A_918 = arith.constant 16 : i32
      %add3A_919 = vector.broadcast %add3A_918 : i32 to vector<16xi32>
      %add3A_920 = arith.addi %xor3A_904, %add3A_919 : vector<16xi32>
      %select_n3A_921 = arith.select %lt3A_917, %add3A_920, %xor3A_904 : vector<16xi1>, vector<16xi32>
      %broadcast_in_dim3A_922 = vector.shape_cast %select_n3A_921 : vector<16xi32> to vector<16x1xi32>
      %gather3A_923 = vector.shape_cast %broadcast_in_dim3A_922 : vector<16x1xi32> to vector<16xi32>
      %gather3A_924 = tpu.dynamic_gather %scan3A_900#1[%gather3A_923] in [0] : vector<16xi32>, vector<16xi32> -> vector<16xi32>
      %lt3A_925 = arith.constant 0 : i32
      %lt3A_926 = vector.broadcast %lt3A_925 : i32 to vector<16xi32>
      %lt3A_927 = arith.cmpi slt, %xor3A_904, %lt3A_926 : vector<16xi32>
      %add3A_928 = arith.constant 16 : i32
      %add3A_929 = vector.broadcast %add3A_928 : i32 to vector<16xi32>
      %add3A_930 = arith.addi %xor3A_904, %add3A_929 : vector<16xi32>
      %select_n3A_931 = arith.select %lt3A_927, %add3A_930, %xor3A_904 : vector<16xi1>, vector<16xi32>
      %broadcast_in_dim3A_932 = vector.shape_cast %select_n3A_931 : vector<16xi32> to vector<16x1xi32>
      %gather3A_933 = vector.shape_cast %broadcast_in_dim3A_932 : vector<16x1xi32> to vector<16xi32>
      %gather3A_934 = tpu.dynamic_gather %scan3A_900#2[%gather3A_933] in [0] : vector<16xf32>, vector<16xi32> -> vector<16xf32>
      %lt3A_935 = arith.constant 0 : i32
      %lt3A_936 = vector.broadcast %lt3A_935 : i32 to vector<16xi32>
      %lt3A_937 = arith.cmpi slt, %xor3A_904, %lt3A_936 : vector<16xi32>
      %add3A_938 = arith.constant 16 : i32
      %add3A_939 = vector.broadcast %add3A_938 : i32 to vector<16xi32>
      %add3A_940 = arith.addi %xor3A_904, %add3A_939 : vector<16xi32>
      %select_n3A_941 = arith.select %lt3A_937, %add3A_940, %xor3A_904 : vector<16xi1>, vector<16xi32>
      %broadcast_in_dim3A_942 = vector.shape_cast %select_n3A_941 : vector<16xi32> to vector<16x1xi32>
      %gather3A_943 = vector.shape_cast %broadcast_in_dim3A_942 : vector<16x1xi32> to vector<16xi32>
      %gather3A_944 = tpu.dynamic_gather %scan3A_900#3[%gather3A_943] in [0] : vector<16xi32>, vector<16xi32> -> vector<16xi32>
      %gt3A_945 = arith.cmpf ogt, %gather3A_914, %scan3A_900#0 : vector<16xf32>
      %eq3A_946 = arith.cmpf oeq, %gather3A_914, %scan3A_900#0 : vector<16xf32>
      %lt3A_947 = arith.cmpi slt, %gather3A_924, %scan3A_900#1 : vector<16xi32>
      %and3A_948 = arith.andi %eq3A_946, %lt3A_947 : vector<16xi1>
      %or3A_949 = arith.ori %gt3A_945, %and3A_948 : vector<16xi1>
      %select_n3A_950 = arith.select %or3A_949, %gather3A_914, %scan3A_900#0 : vector<16xi1>, vector<16xf32>
      %select_n3A_951 = arith.select %or3A_949, %gather3A_924, %scan3A_900#1 : vector<16xi1>, vector<16xi32>
      %select_n3A_952 = arith.select %or3A_949, %scan3A_900#0, %gather3A_914 : vector<16xi1>, vector<16xf32>
      %select_n3A_953 = arith.select %or3A_949, %scan3A_900#1, %gather3A_924 : vector<16xi1>, vector<16xi32>
      %gt3A_954 = arith.cmpf ogt, %gather3A_934, %scan3A_900#2 : vector<16xf32>
      %eq3A_955 = arith.cmpf oeq, %gather3A_934, %scan3A_900#2 : vector<16xf32>
      %lt3A_956 = arith.cmpi slt, %gather3A_944, %scan3A_900#3 : vector<16xi32>
      %and3A_957 = arith.andi %eq3A_955, %lt3A_956 : vector<16xi1>
      %or3A_958 = arith.ori %gt3A_954, %and3A_957 : vector<16xi1>
      %select_n3A_959 = arith.select %or3A_958, %gather3A_934, %scan3A_900#2 : vector<16xi1>, vector<16xf32>
      %select_n3A_960 = arith.select %or3A_958, %gather3A_944, %scan3A_900#3 : vector<16xi1>, vector<16xi32>
      %gt3A_961 = arith.cmpf ogt, %select_n3A_952, %select_n3A_959 : vector<16xf32>
      %eq3A_962 = arith.cmpf oeq, %select_n3A_952, %select_n3A_959 : vector<16xf32>
      %lt3A_963 = arith.cmpi slt, %select_n3A_953, %select_n3A_960 : vector<16xi32>
      %and3A_964 = arith.andi %eq3A_962, %lt3A_963 : vector<16xi1>
      %or3A_965 = arith.ori %gt3A_961, %and3A_964 : vector<16xi1>
      %select_n3A_966 = arith.select %or3A_965, %select_n3A_952, %select_n3A_959 : vector<16xi1>, vector<16xf32>
      %select_n3A_967 = arith.select %or3A_965, %select_n3A_953, %select_n3A_960 : vector<16xi1>, vector<16xi32>
      %xor3A_968 = arith.constant 2 : i32
      %xor3A_969 = vector.broadcast %xor3A_968 : i32 to vector<16xi32>
      %xor3A_970 = arith.xori %iota3A, %xor3A_969 : vector<16xi32>
      %lt3A_971 = arith.constant 0 : i32
      %lt3A_972 = vector.broadcast %lt3A_971 : i32 to vector<16xi32>
      %lt3A_973 = arith.cmpi slt, %xor3A_970, %lt3A_972 : vector<16xi32>
      %add3A_974 = arith.constant 16 : i32
      %add3A_975 = vector.broadcast %add3A_974 : i32 to vector<16xi32>
      %add3A_976 = arith.addi %xor3A_970, %add3A_975 : vector<16xi32>
      %select_n3A_977 = arith.select %lt3A_973, %add3A_976, %xor3A_970 : vector<16xi1>, vector<16xi32>
      %broadcast_in_dim3A_978 = vector.shape_cast %select_n3A_977 : vector<16xi32> to vector<16x1xi32>
      %gather3A_979 = vector.shape_cast %broadcast_in_dim3A_978 : vector<16x1xi32> to vector<16xi32>
      %gather3A_980 = tpu.dynamic_gather %select_n3A_950[%gather3A_979] in [0] : vector<16xf32>, vector<16xi32> -> vector<16xf32>
      %lt3A_981 = arith.constant 0 : i32
      %lt3A_982 = vector.broadcast %lt3A_981 : i32 to vector<16xi32>
      %lt3A_983 = arith.cmpi slt, %xor3A_970, %lt3A_982 : vector<16xi32>
      %add3A_984 = arith.constant 16 : i32
      %add3A_985 = vector.broadcast %add3A_984 : i32 to vector<16xi32>
      %add3A_986 = arith.addi %xor3A_970, %add3A_985 : vector<16xi32>
      %select_n3A_987 = arith.select %lt3A_983, %add3A_986, %xor3A_970 : vector<16xi1>, vector<16xi32>
      %broadcast_in_dim3A_988 = vector.shape_cast %select_n3A_987 : vector<16xi32> to vector<16x1xi32>
      %gather3A_989 = vector.shape_cast %broadcast_in_dim3A_988 : vector<16x1xi32> to vector<16xi32>
      %gather3A_990 = tpu.dynamic_gather %select_n3A_951[%gather3A_989] in [0] : vector<16xi32>, vector<16xi32> -> vector<16xi32>
      %lt3A_991 = arith.constant 0 : i32
      %lt3A_992 = vector.broadcast %lt3A_991 : i32 to vector<16xi32>
      %lt3A_993 = arith.cmpi slt, %xor3A_970, %lt3A_992 : vector<16xi32>
      %add3A_994 = arith.constant 16 : i32
      %add3A_995 = vector.broadcast %add3A_994 : i32 to vector<16xi32>
      %add3A_996 = arith.addi %xor3A_970, %add3A_995 : vector<16xi32>
      %select_n3A_997 = arith.select %lt3A_993, %add3A_996, %xor3A_970 : vector<16xi1>, vector<16xi32>
      %broadcast_in_dim3A_998 = vector.shape_cast %select_n3A_997 : vector<16xi32> to vector<16x1xi32>
      %gather3A_999 = vector.shape_cast %broadcast_in_dim3A_998 : vector<16x1xi32> to vector<16xi32>
      %gather3A_1000 = tpu.dynamic_gather %select_n3A_966[%gather3A_999] in [0] : vector<16xf32>, vector<16xi32> -> vector<16xf32>
      %lt3A_1001 = arith.constant 0 : i32
      %lt3A_1002 = vector.broadcast %lt3A_1001 : i32 to vector<16xi32>
      %lt3A_1003 = arith.cmpi slt, %xor3A_970, %lt3A_1002 : vector<16xi32>
      %add3A_1004 = arith.constant 16 : i32
      %add3A_1005 = vector.broadcast %add3A_1004 : i32 to vector<16xi32>
      %add3A_1006 = arith.addi %xor3A_970, %add3A_1005 : vector<16xi32>
      %select_n3A_1007 = arith.select %lt3A_1003, %add3A_1006, %xor3A_970 : vector<16xi1>, vector<16xi32>
      %broadcast_in_dim3A_1008 = vector.shape_cast %select_n3A_1007 : vector<16xi32> to vector<16x1xi32>
      %gather3A_1009 = vector.shape_cast %broadcast_in_dim3A_1008 : vector<16x1xi32> to vector<16xi32>
      %gather3A_1010 = tpu.dynamic_gather %select_n3A_967[%gather3A_1009] in [0] : vector<16xi32>, vector<16xi32> -> vector<16xi32>
      %gt3A_1011 = arith.cmpf ogt, %gather3A_980, %select_n3A_950 : vector<16xf32>
      %eq3A_1012 = arith.cmpf oeq, %gather3A_980, %select_n3A_950 : vector<16xf32>
      %lt3A_1013 = arith.cmpi slt, %gather3A_990, %select_n3A_951 : vector<16xi32>
      %and3A_1014 = arith.andi %eq3A_1012, %lt3A_1013 : vector<16xi1>
      %or3A_1015 = arith.ori %gt3A_1011, %and3A_1014 : vector<16xi1>
      %select_n3A_1016 = arith.select %or3A_1015, %gather3A_980, %select_n3A_950 : vector<16xi1>, vector<16xf32>
      %select_n3A_1017 = arith.select %or3A_1015, %gather3A_990, %select_n3A_951 : vector<16xi1>, vector<16xi32>
      %select_n3A_1018 = arith.select %or3A_1015, %select_n3A_950, %gather3A_980 : vector<16xi1>, vector<16xf32>
      %select_n3A_1019 = arith.select %or3A_1015, %select_n3A_951, %gather3A_990 : vector<16xi1>, vector<16xi32>
      %gt3A_1020 = arith.cmpf ogt, %gather3A_1000, %select_n3A_966 : vector<16xf32>
      %eq3A_1021 = arith.cmpf oeq, %gather3A_1000, %select_n3A_966 : vector<16xf32>
      %lt3A_1022 = arith.cmpi slt, %gather3A_1010, %select_n3A_967 : vector<16xi32>
      %and3A_1023 = arith.andi %eq3A_1021, %lt3A_1022 : vector<16xi1>
      %or3A_1024 = arith.ori %gt3A_1020, %and3A_1023 : vector<16xi1>
      %select_n3A_1025 = arith.select %or3A_1024, %gather3A_1000, %select_n3A_966 : vector<16xi1>, vector<16xf32>
      %select_n3A_1026 = arith.select %or3A_1024, %gather3A_1010, %select_n3A_967 : vector<16xi1>, vector<16xi32>
      %gt3A_1027 = arith.cmpf ogt, %select_n3A_1018, %select_n3A_1025 : vector<16xf32>
      %eq3A_1028 = arith.cmpf oeq, %select_n3A_1018, %select_n3A_1025 : vector<16xf32>
      %lt3A_1029 = arith.cmpi slt, %select_n3A_1019, %select_n3A_1026 : vector<16xi32>
      %and3A_1030 = arith.andi %eq3A_1028, %lt3A_1029 : vector<16xi1>
      %or3A_1031 = arith.ori %gt3A_1027, %and3A_1030 : vector<16xi1>
      %select_n3A_1032 = arith.select %or3A_1031, %select_n3A_1018, %select_n3A_1025 : vector<16xi1>, vector<16xf32>
      %select_n3A_1033 = arith.select %or3A_1031, %select_n3A_1019, %select_n3A_1026 : vector<16xi1>, vector<16xi32>
      %xor3A_1034 = arith.constant 4 : i32
      %xor3A_1035 = vector.broadcast %xor3A_1034 : i32 to vector<16xi32>
      %xor3A_1036 = arith.xori %iota3A, %xor3A_1035 : vector<16xi32>
      %lt3A_1037 = arith.constant 0 : i32
      %lt3A_1038 = vector.broadcast %lt3A_1037 : i32 to vector<16xi32>
      %lt3A_1039 = arith.cmpi slt, %xor3A_1036, %lt3A_1038 : vector<16xi32>
      %add3A_1040 = arith.constant 16 : i32
      %add3A_1041 = vector.broadcast %add3A_1040 : i32 to vector<16xi32>
      %add3A_1042 = arith.addi %xor3A_1036, %add3A_1041 : vector<16xi32>
      %select_n3A_1043 = arith.select %lt3A_1039, %add3A_1042, %xor3A_1036 : vector<16xi1>, vector<16xi32>
      %broadcast_in_dim3A_1044 = vector.shape_cast %select_n3A_1043 : vector<16xi32> to vector<16x1xi32>
      %gather3A_1045 = vector.shape_cast %broadcast_in_dim3A_1044 : vector<16x1xi32> to vector<16xi32>
      %gather3A_1046 = tpu.dynamic_gather %select_n3A_1016[%gather3A_1045] in [0] : vector<16xf32>, vector<16xi32> -> vector<16xf32>
      %lt3A_1047 = arith.constant 0 : i32
      %lt3A_1048 = vector.broadcast %lt3A_1047 : i32 to vector<16xi32>
      %lt3A_1049 = arith.cmpi slt, %xor3A_1036, %lt3A_1048 : vector<16xi32>
      %add3A_1050 = arith.constant 16 : i32
      %add3A_1051 = vector.broadcast %add3A_1050 : i32 to vector<16xi32>
      %add3A_1052 = arith.addi %xor3A_1036, %add3A_1051 : vector<16xi32>
      %select_n3A_1053 = arith.select %lt3A_1049, %add3A_1052, %xor3A_1036 : vector<16xi1>, vector<16xi32>
      %broadcast_in_dim3A_1054 = vector.shape_cast %select_n3A_1053 : vector<16xi32> to vector<16x1xi32>
      %gather3A_1055 = vector.shape_cast %broadcast_in_dim3A_1054 : vector<16x1xi32> to vector<16xi32>
      %gather3A_1056 = tpu.dynamic_gather %select_n3A_1017[%gather3A_1055] in [0] : vector<16xi32>, vector<16xi32> -> vector<16xi32>
      %lt3A_1057 = arith.constant 0 : i32
      %lt3A_1058 = vector.broadcast %lt3A_1057 : i32 to vector<16xi32>
      %lt3A_1059 = arith.cmpi slt, %xor3A_1036, %lt3A_1058 : vector<16xi32>
      %add3A_1060 = arith.constant 16 : i32
      %add3A_1061 = vector.broadcast %add3A_1060 : i32 to vector<16xi32>
      %add3A_1062 = arith.addi %xor3A_1036, %add3A_1061 : vector<16xi32>
      %select_n3A_1063 = arith.select %lt3A_1059, %add3A_1062, %xor3A_1036 : vector<16xi1>, vector<16xi32>
      %broadcast_in_dim3A_1064 = vector.shape_cast %select_n3A_1063 : vector<16xi32> to vector<16x1xi32>
      %gather3A_1065 = vector.shape_cast %broadcast_in_dim3A_1064 : vector<16x1xi32> to vector<16xi32>
      %gather3A_1066 = tpu.dynamic_gather %select_n3A_1032[%gather3A_1065] in [0] : vector<16xf32>, vector<16xi32> -> vector<16xf32>
      %lt3A_1067 = arith.constant 0 : i32
      %lt3A_1068 = vector.broadcast %lt3A_1067 : i32 to vector<16xi32>
      %lt3A_1069 = arith.cmpi slt, %xor3A_1036, %lt3A_1068 : vector<16xi32>
      %add3A_1070 = arith.constant 16 : i32
      %add3A_1071 = vector.broadcast %add3A_1070 : i32 to vector<16xi32>
      %add3A_1072 = arith.addi %xor3A_1036, %add3A_1071 : vector<16xi32>
      %select_n3A_1073 = arith.select %lt3A_1069, %add3A_1072, %xor3A_1036 : vector<16xi1>, vector<16xi32>
      %broadcast_in_dim3A_1074 = vector.shape_cast %select_n3A_1073 : vector<16xi32> to vector<16x1xi32>
      %gather3A_1075 = vector.shape_cast %broadcast_in_dim3A_1074 : vector<16x1xi32> to vector<16xi32>
      %gather3A_1076 = tpu.dynamic_gather %select_n3A_1033[%gather3A_1075] in [0] : vector<16xi32>, vector<16xi32> -> vector<16xi32>
      %gt3A_1077 = arith.cmpf ogt, %gather3A_1046, %select_n3A_1016 : vector<16xf32>
      %eq3A_1078 = arith.cmpf oeq, %gather3A_1046, %select_n3A_1016 : vector<16xf32>
      %lt3A_1079 = arith.cmpi slt, %gather3A_1056, %select_n3A_1017 : vector<16xi32>
      %and3A_1080 = arith.andi %eq3A_1078, %lt3A_1079 : vector<16xi1>
      %or3A_1081 = arith.ori %gt3A_1077, %and3A_1080 : vector<16xi1>
      %select_n3A_1082 = arith.select %or3A_1081, %gather3A_1046, %select_n3A_1016 : vector<16xi1>, vector<16xf32>
      %select_n3A_1083 = arith.select %or3A_1081, %gather3A_1056, %select_n3A_1017 : vector<16xi1>, vector<16xi32>
      %select_n3A_1084 = arith.select %or3A_1081, %select_n3A_1016, %gather3A_1046 : vector<16xi1>, vector<16xf32>
      %select_n3A_1085 = arith.select %or3A_1081, %select_n3A_1017, %gather3A_1056 : vector<16xi1>, vector<16xi32>
      %gt3A_1086 = arith.cmpf ogt, %gather3A_1066, %select_n3A_1032 : vector<16xf32>
      %eq3A_1087 = arith.cmpf oeq, %gather3A_1066, %select_n3A_1032 : vector<16xf32>
      %lt3A_1088 = arith.cmpi slt, %gather3A_1076, %select_n3A_1033 : vector<16xi32>
      %and3A_1089 = arith.andi %eq3A_1087, %lt3A_1088 : vector<16xi1>
      %or3A_1090 = arith.ori %gt3A_1086, %and3A_1089 : vector<16xi1>
      %select_n3A_1091 = arith.select %or3A_1090, %gather3A_1066, %select_n3A_1032 : vector<16xi1>, vector<16xf32>
      %select_n3A_1092 = arith.select %or3A_1090, %gather3A_1076, %select_n3A_1033 : vector<16xi1>, vector<16xi32>
      %gt3A_1093 = arith.cmpf ogt, %select_n3A_1084, %select_n3A_1091 : vector<16xf32>
      %eq3A_1094 = arith.cmpf oeq, %select_n3A_1084, %select_n3A_1091 : vector<16xf32>
      %lt3A_1095 = arith.cmpi slt, %select_n3A_1085, %select_n3A_1092 : vector<16xi32>
      %and3A_1096 = arith.andi %eq3A_1094, %lt3A_1095 : vector<16xi1>
      %or3A_1097 = arith.ori %gt3A_1093, %and3A_1096 : vector<16xi1>
      %select_n3A_1098 = arith.select %or3A_1097, %select_n3A_1084, %select_n3A_1091 : vector<16xi1>, vector<16xf32>
      %select_n3A_1099 = arith.select %or3A_1097, %select_n3A_1085, %select_n3A_1092 : vector<16xi1>, vector<16xi32>
      %xor3A_1100 = arith.constant 8 : i32
      %xor3A_1101 = vector.broadcast %xor3A_1100 : i32 to vector<16xi32>
      %xor3A_1102 = arith.xori %iota3A, %xor3A_1101 : vector<16xi32>
      %lt3A_1103 = arith.constant 0 : i32
      %lt3A_1104 = vector.broadcast %lt3A_1103 : i32 to vector<16xi32>
      %lt3A_1105 = arith.cmpi slt, %xor3A_1102, %lt3A_1104 : vector<16xi32>
      %add3A_1106 = arith.constant 16 : i32
      %add3A_1107 = vector.broadcast %add3A_1106 : i32 to vector<16xi32>
      %add3A_1108 = arith.addi %xor3A_1102, %add3A_1107 : vector<16xi32>
      %select_n3A_1109 = arith.select %lt3A_1105, %add3A_1108, %xor3A_1102 : vector<16xi1>, vector<16xi32>
      %broadcast_in_dim3A_1110 = vector.shape_cast %select_n3A_1109 : vector<16xi32> to vector<16x1xi32>
      %gather3A_1111 = vector.shape_cast %broadcast_in_dim3A_1110 : vector<16x1xi32> to vector<16xi32>
      %gather3A_1112 = tpu.dynamic_gather %select_n3A_1082[%gather3A_1111] in [0] : vector<16xf32>, vector<16xi32> -> vector<16xf32>
      %lt3A_1113 = arith.constant 0 : i32
      %lt3A_1114 = vector.broadcast %lt3A_1113 : i32 to vector<16xi32>
      %lt3A_1115 = arith.cmpi slt, %xor3A_1102, %lt3A_1114 : vector<16xi32>
      %add3A_1116 = arith.constant 16 : i32
      %add3A_1117 = vector.broadcast %add3A_1116 : i32 to vector<16xi32>
      %add3A_1118 = arith.addi %xor3A_1102, %add3A_1117 : vector<16xi32>
      %select_n3A_1119 = arith.select %lt3A_1115, %add3A_1118, %xor3A_1102 : vector<16xi1>, vector<16xi32>
      %broadcast_in_dim3A_1120 = vector.shape_cast %select_n3A_1119 : vector<16xi32> to vector<16x1xi32>
      %gather3A_1121 = vector.shape_cast %broadcast_in_dim3A_1120 : vector<16x1xi32> to vector<16xi32>
      %gather3A_1122 = tpu.dynamic_gather %select_n3A_1083[%gather3A_1121] in [0] : vector<16xi32>, vector<16xi32> -> vector<16xi32>
      %lt3A_1123 = arith.constant 0 : i32
      %lt3A_1124 = vector.broadcast %lt3A_1123 : i32 to vector<16xi32>
      %lt3A_1125 = arith.cmpi slt, %xor3A_1102, %lt3A_1124 : vector<16xi32>
      %add3A_1126 = arith.constant 16 : i32
      %add3A_1127 = vector.broadcast %add3A_1126 : i32 to vector<16xi32>
      %add3A_1128 = arith.addi %xor3A_1102, %add3A_1127 : vector<16xi32>
      %select_n3A_1129 = arith.select %lt3A_1125, %add3A_1128, %xor3A_1102 : vector<16xi1>, vector<16xi32>
      %broadcast_in_dim3A_1130 = vector.shape_cast %select_n3A_1129 : vector<16xi32> to vector<16x1xi32>
      %gather3A_1131 = vector.shape_cast %broadcast_in_dim3A_1130 : vector<16x1xi32> to vector<16xi32>
      %gather3A_1132 = tpu.dynamic_gather %select_n3A_1098[%gather3A_1131] in [0] : vector<16xf32>, vector<16xi32> -> vector<16xf32>
      %lt3A_1133 = arith.constant 0 : i32
      %lt3A_1134 = vector.broadcast %lt3A_1133 : i32 to vector<16xi32>
      %lt3A_1135 = arith.cmpi slt, %xor3A_1102, %lt3A_1134 : vector<16xi32>
      %add3A_1136 = arith.constant 16 : i32
      %add3A_1137 = vector.broadcast %add3A_1136 : i32 to vector<16xi32>
      %add3A_1138 = arith.addi %xor3A_1102, %add3A_1137 : vector<16xi32>
      %select_n3A_1139 = arith.select %lt3A_1135, %add3A_1138, %xor3A_1102 : vector<16xi1>, vector<16xi32>
      %broadcast_in_dim3A_1140 = vector.shape_cast %select_n3A_1139 : vector<16xi32> to vector<16x1xi32>
      %gather3A_1141 = vector.shape_cast %broadcast_in_dim3A_1140 : vector<16x1xi32> to vector<16xi32>
      %gather3A_1142 = tpu.dynamic_gather %select_n3A_1099[%gather3A_1141] in [0] : vector<16xi32>, vector<16xi32> -> vector<16xi32>
      %gt3A_1143 = arith.cmpf ogt, %gather3A_1112, %select_n3A_1082 : vector<16xf32>
      %eq3A_1144 = arith.cmpf oeq, %gather3A_1112, %select_n3A_1082 : vector<16xf32>
      %lt3A_1145 = arith.cmpi slt, %gather3A_1122, %select_n3A_1083 : vector<16xi32>
      %and3A_1146 = arith.andi %eq3A_1144, %lt3A_1145 : vector<16xi1>
      %or3A_1147 = arith.ori %gt3A_1143, %and3A_1146 : vector<16xi1>
      %select_n3A_1148 = arith.select %or3A_1147, %gather3A_1112, %select_n3A_1082 : vector<16xi1>, vector<16xf32>
      %select_n3A_1149 = arith.select %or3A_1147, %gather3A_1122, %select_n3A_1083 : vector<16xi1>, vector<16xi32>
      %select_n3A_1150 = arith.select %or3A_1147, %select_n3A_1082, %gather3A_1112 : vector<16xi1>, vector<16xf32>
      %select_n3A_1151 = arith.select %or3A_1147, %select_n3A_1083, %gather3A_1122 : vector<16xi1>, vector<16xi32>
      %gt3A_1152 = arith.cmpf ogt, %gather3A_1132, %select_n3A_1098 : vector<16xf32>
      %eq3A_1153 = arith.cmpf oeq, %gather3A_1132, %select_n3A_1098 : vector<16xf32>
      %lt3A_1154 = arith.cmpi slt, %gather3A_1142, %select_n3A_1099 : vector<16xi32>
      %and3A_1155 = arith.andi %eq3A_1153, %lt3A_1154 : vector<16xi1>
      %or3A_1156 = arith.ori %gt3A_1152, %and3A_1155 : vector<16xi1>
      %select_n3A_1157 = arith.select %or3A_1156, %gather3A_1132, %select_n3A_1098 : vector<16xi1>, vector<16xf32>
      %select_n3A_1158 = arith.select %or3A_1156, %gather3A_1142, %select_n3A_1099 : vector<16xi1>, vector<16xi32>
      %gt3A_1159 = arith.cmpf ogt, %select_n3A_1150, %select_n3A_1157 : vector<16xf32>
      %eq3A_1160 = arith.cmpf oeq, %select_n3A_1150, %select_n3A_1157 : vector<16xf32>
      %lt3A_1161 = arith.cmpi slt, %select_n3A_1151, %select_n3A_1158 : vector<16xi32>
      %and3A_1162 = arith.andi %eq3A_1160, %lt3A_1161 : vector<16xi1>
      %or3A_1163 = arith.ori %gt3A_1159, %and3A_1162 : vector<16xi1>
      %select_n3A_1164 = arith.select %or3A_1163, %select_n3A_1150, %select_n3A_1157 : vector<16xi1>, vector<16xf32>
      %select_n3A_1165 = arith.select %or3A_1163, %select_n3A_1151, %select_n3A_1158 : vector<16xi1>, vector<16xi32>
      %broadcast_in_dim3A_1166 = vector.broadcast %add3A_883 : i32 to vector<16xi32>
      tpu.vector_store_idx %arg16[%broadcast_in_dim3A_1166], %select_n3A_1148 masked %eq3A_1 : memref<32xf32, #tpu.memory_space<vmem>>[vector<16xi32>], vector<16xf32>, vector<16xi1>
      tpu.vector_store_idx %arg17[%broadcast_in_dim3A_1166], %select_n3A_1149 masked %eq3A_1 : memref<32xi32, #tpu.memory_space<vmem>>[vector<16xi32>], vector<16xi32>, vector<16xi1>
      tpu.vector_store_idx %arg18[%broadcast_in_dim3A_1166], %select_n3A_1164 masked %eq3A_1 : memref<32xf32, #tpu.memory_space<vmem>>[vector<16xi32>], vector<16xf32>, vector<16xi1>
      tpu.vector_store_idx %arg19[%broadcast_in_dim3A_1166], %select_n3A_1165 masked %eq3A_1 : memref<32xi32, #tpu.memory_space<vmem>>[vector<16xi32>], vector<16xi32>, vector<16xi1>
    }
    %scan3A_26 = arith.constant 8 : i32
    "tpu.region"() ({
      %run_scoped3A = tpu.sem_alloc : memref<!tpu.dma_semaphore, #tpu.memory_space<semaphore_mem>>
      %dma_start3A_31 = tpu.memref_slice %arg23[%mul3A_7] : memref<512xf32, #tpu.memory_space<vmem_shared>> -> memref<32xf32, #tpu.memory_space<vmem_shared>>
      %dma_start3A_32 = tpu.memref_slice %arg23[%mul3A_7] : memref<512xf32, #tpu.memory_space<vmem_shared>> -> memref<32xf32, #tpu.memory_space<vmem_shared>>
      tpu.enqueue_dma source(%arg16 : memref<32xf32, #tpu.memory_space<vmem>>) target(%dma_start3A_32 : memref<32xf32, #tpu.memory_space<vmem_shared>>) target_semaphore(%run_scoped3A : memref<!tpu.dma_semaphore, #tpu.memory_space<semaphore_mem>>)
      %dma_wait3A_33 = tpu.memref_slice %arg23[%mul3A_7] : memref<512xf32, #tpu.memory_space<vmem_shared>> -> memref<32xf32, #tpu.memory_space<vmem_shared>>
      %dma_wait3A_34 = tpu.memref_slice %arg23[%mul3A_7] : memref<512xf32, #tpu.memory_space<vmem_shared>> -> memref<32xf32, #tpu.memory_space<vmem_shared>>
      tpu.wait_dma2 semaphore(%run_scoped3A : memref<!tpu.dma_semaphore, #tpu.memory_space<semaphore_mem>>) src(%arg16 : memref<32xf32, #tpu.memory_space<vmem>>) dst(%dma_wait3A_34 : memref<32xf32, #tpu.memory_space<vmem_shared>>)
      tpu.yield
    }) : () -> ()
    "tpu.region"() ({
      %run_scoped3A = tpu.sem_alloc : memref<!tpu.dma_semaphore, #tpu.memory_space<semaphore_mem>>
      %dma_start3A_31 = tpu.memref_slice %arg24[%mul3A_7] : memref<512xi32, #tpu.memory_space<vmem_shared>> -> memref<32xi32, #tpu.memory_space<vmem_shared>>
      %dma_start3A_32 = tpu.memref_slice %arg24[%mul3A_7] : memref<512xi32, #tpu.memory_space<vmem_shared>> -> memref<32xi32, #tpu.memory_space<vmem_shared>>
      tpu.enqueue_dma source(%arg17 : memref<32xi32, #tpu.memory_space<vmem>>) target(%dma_start3A_32 : memref<32xi32, #tpu.memory_space<vmem_shared>>) target_semaphore(%run_scoped3A : memref<!tpu.dma_semaphore, #tpu.memory_space<semaphore_mem>>)
      %dma_wait3A_33 = tpu.memref_slice %arg24[%mul3A_7] : memref<512xi32, #tpu.memory_space<vmem_shared>> -> memref<32xi32, #tpu.memory_space<vmem_shared>>
      %dma_wait3A_34 = tpu.memref_slice %arg24[%mul3A_7] : memref<512xi32, #tpu.memory_space<vmem_shared>> -> memref<32xi32, #tpu.memory_space<vmem_shared>>
      tpu.wait_dma2 semaphore(%run_scoped3A : memref<!tpu.dma_semaphore, #tpu.memory_space<semaphore_mem>>) src(%arg17 : memref<32xi32, #tpu.memory_space<vmem>>) dst(%dma_wait3A_34 : memref<32xi32, #tpu.memory_space<vmem_shared>>)
      tpu.yield
    }) : () -> ()
    "tpu.region"() ({
      %run_scoped3A = tpu.sem_alloc : memref<!tpu.dma_semaphore, #tpu.memory_space<semaphore_mem>>
      %dma_start3A_31 = tpu.memref_slice %arg25[%mul3A_7] : memref<512xf32, #tpu.memory_space<vmem_shared>> -> memref<32xf32, #tpu.memory_space<vmem_shared>>
      %dma_start3A_32 = tpu.memref_slice %arg25[%mul3A_7] : memref<512xf32, #tpu.memory_space<vmem_shared>> -> memref<32xf32, #tpu.memory_space<vmem_shared>>
      tpu.enqueue_dma source(%arg18 : memref<32xf32, #tpu.memory_space<vmem>>) target(%dma_start3A_32 : memref<32xf32, #tpu.memory_space<vmem_shared>>) target_semaphore(%run_scoped3A : memref<!tpu.dma_semaphore, #tpu.memory_space<semaphore_mem>>)
      %dma_wait3A_33 = tpu.memref_slice %arg25[%mul3A_7] : memref<512xf32, #tpu.memory_space<vmem_shared>> -> memref<32xf32, #tpu.memory_space<vmem_shared>>
      %dma_wait3A_34 = tpu.memref_slice %arg25[%mul3A_7] : memref<512xf32, #tpu.memory_space<vmem_shared>> -> memref<32xf32, #tpu.memory_space<vmem_shared>>
      tpu.wait_dma2 semaphore(%run_scoped3A : memref<!tpu.dma_semaphore, #tpu.memory_space<semaphore_mem>>) src(%arg18 : memref<32xf32, #tpu.memory_space<vmem>>) dst(%dma_wait3A_34 : memref<32xf32, #tpu.memory_space<vmem_shared>>)
      tpu.yield
    }) : () -> ()
    "tpu.region"() ({
      %run_scoped3A = tpu.sem_alloc : memref<!tpu.dma_semaphore, #tpu.memory_space<semaphore_mem>>
      %dma_start3A_31 = tpu.memref_slice %arg26[%mul3A_7] : memref<512xi32, #tpu.memory_space<vmem_shared>> -> memref<32xi32, #tpu.memory_space<vmem_shared>>
      %dma_start3A_32 = tpu.memref_slice %arg26[%mul3A_7] : memref<512xi32, #tpu.memory_space<vmem_shared>> -> memref<32xi32, #tpu.memory_space<vmem_shared>>
      tpu.enqueue_dma source(%arg19 : memref<32xi32, #tpu.memory_space<vmem>>) target(%dma_start3A_32 : memref<32xi32, #tpu.memory_space<vmem_shared>>) target_semaphore(%run_scoped3A : memref<!tpu.dma_semaphore, #tpu.memory_space<semaphore_mem>>)
      %dma_wait3A_33 = tpu.memref_slice %arg26[%mul3A_7] : memref<512xi32, #tpu.memory_space<vmem_shared>> -> memref<32xi32, #tpu.memory_space<vmem_shared>>
      %dma_wait3A_34 = tpu.memref_slice %arg26[%mul3A_7] : memref<512xi32, #tpu.memory_space<vmem_shared>> -> memref<32xi32, #tpu.memory_space<vmem_shared>>
      tpu.wait_dma2 semaphore(%run_scoped3A : memref<!tpu.dma_semaphore, #tpu.memory_space<semaphore_mem>>) src(%arg19 : memref<32xi32, #tpu.memory_space<vmem>>) dst(%dma_wait3A_34 : memref<32xi32, #tpu.memory_space<vmem_shared>>)
      tpu.yield
    }) : () -> ()
    %dma_wait3A = tpu.memref_slice %arg22[%mul3A_9] : memref<1048576xf32, #tpu.memory_space<vmem_shared>> -> memref<65536xf32, #tpu.memory_space<vmem_shared>>
    %dma_wait3A_27 = tpu.memref_slice %arg2[%mul3A_9] : memref<1048576xf32, #tpu.memory_space<hbm>> -> memref<65536xf32, #tpu.memory_space<hbm>>
    tpu.wait_dma2 semaphore(%arg31 : memref<!tpu.dma_semaphore, #tpu.memory_space<semaphore_mem>>) src(%dma_wait3A_27 : memref<65536xf32, #tpu.memory_space<hbm>>) dst(%dma_wait3A : memref<65536xf32, #tpu.memory_space<vmem_shared>>)
    %barrier3A = arith.constant 0 : index
    tpu.barrier barrier_id(%barrier3A)
    %eq3A_28 = arith.constant 0 : i32
    %eq3A_29 = arith.cmpi eq, %arg1, %eq3A_28 : i32
    %convert_element_type3A = arith.extui %eq3A_29 : i1 to i32
    %cond3A = arith.constant 0 : i32
    %cond3A_30 = arith.cmpi ne, %convert_element_type3A, %cond3A : i32
    scf.if %cond3A_30 {
      "tpu.region"() ({
        %run_scoped3A = tpu.sem_alloc : memref<!tpu.dma_semaphore, #tpu.memory_space<semaphore_mem>>
        tpu.enqueue_dma source(%arg23 : memref<512xf32, #tpu.memory_space<vmem_shared>>) target(%arg11 : memref<512xf32, #tpu.memory_space<vmem>>) target_semaphore(%run_scoped3A : memref<!tpu.dma_semaphore, #tpu.memory_space<semaphore_mem>>)
        tpu.wait_dma2 semaphore(%run_scoped3A : memref<!tpu.dma_semaphore, #tpu.memory_space<semaphore_mem>>) src(%arg23 : memref<512xf32, #tpu.memory_space<vmem_shared>>) dst(%arg11 : memref<512xf32, #tpu.memory_space<vmem>>)
        tpu.yield
      }) : () -> ()
      "tpu.region"() ({
        %run_scoped3A = tpu.sem_alloc : memref<!tpu.dma_semaphore, #tpu.memory_space<semaphore_mem>>
        tpu.enqueue_dma source(%arg24 : memref<512xi32, #tpu.memory_space<vmem_shared>>) target(%arg12 : memref<512xi32, #tpu.memory_space<vmem>>) target_semaphore(%run_scoped3A : memref<!tpu.dma_semaphore, #tpu.memory_space<semaphore_mem>>)
        tpu.wait_dma2 semaphore(%run_scoped3A : memref<!tpu.dma_semaphore, #tpu.memory_space<semaphore_mem>>) src(%arg24 : memref<512xi32, #tpu.memory_space<vmem_shared>>) dst(%arg12 : memref<512xi32, #tpu.memory_space<vmem>>)
        tpu.yield
      }) : () -> ()
      "tpu.region"() ({
        %run_scoped3A = tpu.sem_alloc : memref<!tpu.dma_semaphore, #tpu.memory_space<semaphore_mem>>
        tpu.enqueue_dma source(%arg25 : memref<512xf32, #tpu.memory_space<vmem_shared>>) target(%arg13 : memref<512xf32, #tpu.memory_space<vmem>>) target_semaphore(%run_scoped3A : memref<!tpu.dma_semaphore, #tpu.memory_space<semaphore_mem>>)
        tpu.wait_dma2 semaphore(%run_scoped3A : memref<!tpu.dma_semaphore, #tpu.memory_space<semaphore_mem>>) src(%arg25 : memref<512xf32, #tpu.memory_space<vmem_shared>>) dst(%arg13 : memref<512xf32, #tpu.memory_space<vmem>>)
        tpu.yield
      }) : () -> ()
      "tpu.region"() ({
        %run_scoped3A = tpu.sem_alloc : memref<!tpu.dma_semaphore, #tpu.memory_space<semaphore_mem>>
        tpu.enqueue_dma source(%arg26 : memref<512xi32, #tpu.memory_space<vmem_shared>>) target(%arg14 : memref<512xi32, #tpu.memory_space<vmem>>) target_semaphore(%run_scoped3A : memref<!tpu.dma_semaphore, #tpu.memory_space<semaphore_mem>>)
        tpu.wait_dma2 semaphore(%run_scoped3A : memref<!tpu.dma_semaphore, #tpu.memory_space<semaphore_mem>>) src(%arg26 : memref<512xi32, #tpu.memory_space<vmem_shared>>) dst(%arg14 : memref<512xi32, #tpu.memory_space<vmem>>)
        tpu.yield
      }) : () -> ()
      %broadcast_in_dim3A_31 = arith.constant 1 : i32
      %broadcast_in_dim3A_32 = vector.broadcast %broadcast_in_dim3A_31 : i32 to vector<16xi32>
      %scan3A_33 = arith.constant 0 : i32
      %scan3A_34 = arith.constant 0 : i32
      %scan3A_35 = arith.constant 128 : i32
      %scan3A_36 = arith.addi %scan3A_34, %scan3A_35 : i32
      %scan3A_37 = arith.constant 1 : i32
      scf.for %scan3A_58 = %scan3A_34 to %scan3A_36 step %scan3A_37  : i32 {
        %broadcast_in_dim3A_59 = arith.constant 0.000000e+00 : f32
        %broadcast_in_dim3A_60 = vector.broadcast %broadcast_in_dim3A_59 : f32 to vector<16xf32>
        %mul3A_61 = arith.constant 16 : i32
        %mul3A_62 = arith.muli %scan3A_58, %mul3A_61 : i32
        %swap3A = arith.index_cast %mul3A_62 : i32 to index
        %swap3A_63 = tpu.vector_load %arg9[%swap3A] {strides = array<i32>} : memref<2048xf32, #tpu.memory_space<vmem>>, vector<16xf32>,
        tpu.vector_store %arg9[%swap3A], %broadcast_in_dim3A_60 {strides = array<i32>} : memref<2048xf32, #tpu.memory_space<vmem>>, vector<16xf32>,
        %broadcast_in_dim3A_64 = arith.constant 0 : i32
        %broadcast_in_dim3A_65 = vector.broadcast %broadcast_in_dim3A_64 : i32 to vector<16xi32>
        %mul3A_66 = arith.constant 16 : i32
        %mul3A_67 = arith.muli %scan3A_58, %mul3A_66 : i32
        %swap3A_68 = arith.index_cast %mul3A_67 : i32 to index
        %swap3A_69 = tpu.vector_load %arg10[%swap3A_68] {strides = array<i32>} : memref<2048xi32, #tpu.memory_space<vmem>>, vector<16xi32>,
        tpu.vector_store %arg10[%swap3A_68], %broadcast_in_dim3A_65 {strides = array<i32>} : memref<2048xi32, #tpu.memory_space<vmem>>, vector<16xi32>,
      }
      %scan3A_38 = arith.constant 128 : i32
      %scan3A_39 = arith.constant 0 : i32
      %scan3A_40 = arith.constant 0 : i32
      %scan3A_41 = arith.constant 32 : i32
      %scan3A_42 = arith.addi %scan3A_40, %scan3A_41 : i32
      %scan3A_43 = arith.constant 1 : i32
      scf.for %scan3A_58 = %scan3A_40 to %scan3A_42 step %scan3A_43  : i32 {
        %mul3A_59 = arith.constant 16 : i32
        %mul3A_60 = arith.muli %scan3A_58, %mul3A_59 : i32
        %get3A = arith.index_cast %mul3A_60 : i32 to index
        %get3A_61 = tpu.vector_load %arg11[%get3A] {strides = array<i32>} : memref<512xf32, #tpu.memory_space<vmem>>, vector<16xf32>,
        %xor3A = arith.constant 1 : i32
        %xor3A_62 = vector.broadcast %xor3A : i32 to vector<16xi32>
        %xor3A_63 = arith.xori %iota3A, %xor3A_62 : vector<16xi32>
        %lt3A = arith.constant 0 : i32
        %lt3A_64 = vector.broadcast %lt3A : i32 to vector<16xi32>
        %lt3A_65 = arith.cmpi slt, %xor3A_63, %lt3A_64 : vector<16xi32>
        %add3A_66 = arith.constant 16 : i32
        %add3A_67 = vector.broadcast %add3A_66 : i32 to vector<16xi32>
        %add3A_68 = arith.addi %xor3A_63, %add3A_67 : vector<16xi32>
        %select_n3A = arith.select %lt3A_65, %add3A_68, %xor3A_63 : vector<16xi1>, vector<16xi32>
        %broadcast_in_dim3A_69 = vector.shape_cast %select_n3A : vector<16xi32> to vector<16x1xi32>
        %gather3A = vector.shape_cast %broadcast_in_dim3A_69 : vector<16x1xi32> to vector<16xi32>
        %gather3A_70 = tpu.dynamic_gather %get3A_61[%gather3A] in [0] : vector<16xf32>, vector<16xi32> -> vector<16xf32>
        %max3A = arith.maximumf %get3A_61, %gather3A_70 : vector<16xf32>
        %xor3A_71 = arith.constant 2 : i32
        %xor3A_72 = vector.broadcast %xor3A_71 : i32 to vector<16xi32>
        %xor3A_73 = arith.xori %iota3A, %xor3A_72 : vector<16xi32>
        %lt3A_74 = arith.constant 0 : i32
        %lt3A_75 = vector.broadcast %lt3A_74 : i32 to vector<16xi32>
        %lt3A_76 = arith.cmpi slt, %xor3A_73, %lt3A_75 : vector<16xi32>
        %add3A_77 = arith.constant 16 : i32
        %add3A_78 = vector.broadcast %add3A_77 : i32 to vector<16xi32>
        %add3A_79 = arith.addi %xor3A_73, %add3A_78 : vector<16xi32>
        %select_n3A_80 = arith.select %lt3A_76, %add3A_79, %xor3A_73 : vector<16xi1>, vector<16xi32>
        %broadcast_in_dim3A_81 = vector.shape_cast %select_n3A_80 : vector<16xi32> to vector<16x1xi32>
        %gather3A_82 = vector.shape_cast %broadcast_in_dim3A_81 : vector<16x1xi32> to vector<16xi32>
        %gather3A_83 = tpu.dynamic_gather %max3A[%gather3A_82] in [0] : vector<16xf32>, vector<16xi32> -> vector<16xf32>
        %max3A_84 = arith.maximumf %max3A, %gather3A_83 : vector<16xf32>
        %xor3A_85 = arith.constant 4 : i32
        %xor3A_86 = vector.broadcast %xor3A_85 : i32 to vector<16xi32>
        %xor3A_87 = arith.xori %iota3A, %xor3A_86 : vector<16xi32>
        %lt3A_88 = arith.constant 0 : i32
        %lt3A_89 = vector.broadcast %lt3A_88 : i32 to vector<16xi32>
        %lt3A_90 = arith.cmpi slt, %xor3A_87, %lt3A_89 : vector<16xi32>
        %add3A_91 = arith.constant 16 : i32
        %add3A_92 = vector.broadcast %add3A_91 : i32 to vector<16xi32>
        %add3A_93 = arith.addi %xor3A_87, %add3A_92 : vector<16xi32>
        %select_n3A_94 = arith.select %lt3A_90, %add3A_93, %xor3A_87 : vector<16xi1>, vector<16xi32>
        %broadcast_in_dim3A_95 = vector.shape_cast %select_n3A_94 : vector<16xi32> to vector<16x1xi32>
        %gather3A_96 = vector.shape_cast %broadcast_in_dim3A_95 : vector<16x1xi32> to vector<16xi32>
        %gather3A_97 = tpu.dynamic_gather %max3A_84[%gather3A_96] in [0] : vector<16xf32>, vector<16xi32> -> vector<16xf32>
        %max3A_98 = arith.maximumf %max3A_84, %gather3A_97 : vector<16xf32>
        %xor3A_99 = arith.constant 8 : i32
        %xor3A_100 = vector.broadcast %xor3A_99 : i32 to vector<16xi32>
        %xor3A_101 = arith.xori %iota3A, %xor3A_100 : vector<16xi32>
        %lt3A_102 = arith.constant 0 : i32
        %lt3A_103 = vector.broadcast %lt3A_102 : i32 to vector<16xi32>
        %lt3A_104 = arith.cmpi slt, %xor3A_101, %lt3A_103 : vector<16xi32>
        %add3A_105 = arith.constant 16 : i32
        %add3A_106 = vector.broadcast %add3A_105 : i32 to vector<16xi32>
        %add3A_107 = arith.addi %xor3A_101, %add3A_106 : vector<16xi32>
        %select_n3A_108 = arith.select %lt3A_104, %add3A_107, %xor3A_101 : vector<16xi1>, vector<16xi32>
        %broadcast_in_dim3A_109 = vector.shape_cast %select_n3A_108 : vector<16xi32> to vector<16x1xi32>
        %gather3A_110 = vector.shape_cast %broadcast_in_dim3A_109 : vector<16x1xi32> to vector<16xi32>
        %gather3A_111 = tpu.dynamic_gather %max3A_98[%gather3A_110] in [0] : vector<16xf32>, vector<16xi32> -> vector<16xf32>
        %max3A_112 = arith.maximumf %max3A_98, %gather3A_111 : vector<16xf32>
        %broadcast_in_dim3A_113 = vector.broadcast %scan3A_58 : i32 to vector<16xi32>
        tpu.vector_store_idx %arg15[%broadcast_in_dim3A_113], %max3A_112 masked %eq3A_1 : memref<32xf32, #tpu.memory_space<vmem>>[vector<16xi32>], vector<16xf32>, vector<16xi1>
      }
      %scan3A_44 = arith.constant 32 : i32
      %scan3A_45 = arith.constant 0 : i32
      %scan3A_46 = arith.constant 0 : i32
      %scan3A_47 = arith.constant 32 : i32
      %scan3A_48 = arith.addi %scan3A_46, %scan3A_47 : i32
      %scan3A_49 = arith.constant 1 : i32
      scf.for %scan3A_58 = %scan3A_46 to %scan3A_48 step %scan3A_49  : i32 {
        %mul3A_59 = arith.constant 16 : i32
        %mul3A_60 = arith.muli %scan3A_58, %mul3A_59 : i32
        %get3A = arith.index_cast %mul3A_60 : i32 to index
        %get3A_61 = tpu.vector_load %arg12[%get3A] {strides = array<i32>} : memref<512xi32, #tpu.memory_space<vmem>>, vector<16xi32>,
        %eq3A_62 = arith.constant 0 : i32
        %eq3A_63 = vector.broadcast %eq3A_62 : i32 to vector<16xi32>
        %eq3A_64 = arith.cmpi eq, %iota3A, %eq3A_63 : vector<16xi32>
        tpu.vector_store_idx %arg10[%get3A_61], %broadcast_in_dim3A_32 masked %eq3A_64 {add = true} : memref<2048xi32, #tpu.memory_space<vmem>>[vector<16xi32>], vector<16xi32>, vector<16xi1>
        %eq3A_65 = arith.constant 1 : i32
        %eq3A_66 = vector.broadcast %eq3A_65 : i32 to vector<16xi32>
        %eq3A_67 = arith.cmpi eq, %iota3A, %eq3A_66 : vector<16xi32>
        tpu.vector_store_idx %arg10[%get3A_61], %broadcast_in_dim3A_32 masked %eq3A_67 {add = true} : memref<2048xi32, #tpu.memory_space<vmem>>[vector<16xi32>], vector<16xi32>, vector<16xi1>
        %eq3A_68 = arith.constant 2 : i32
        %eq3A_69 = vector.broadcast %eq3A_68 : i32 to vector<16xi32>
        %eq3A_70 = arith.cmpi eq, %iota3A, %eq3A_69 : vector<16xi32>
        tpu.vector_store_idx %arg10[%get3A_61], %broadcast_in_dim3A_32 masked %eq3A_70 {add = true} : memref<2048xi32, #tpu.memory_space<vmem>>[vector<16xi32>], vector<16xi32>, vector<16xi1>
        %eq3A_71 = arith.constant 3 : i32
        %eq3A_72 = vector.broadcast %eq3A_71 : i32 to vector<16xi32>
        %eq3A_73 = arith.cmpi eq, %iota3A, %eq3A_72 : vector<16xi32>
        tpu.vector_store_idx %arg10[%get3A_61], %broadcast_in_dim3A_32 masked %eq3A_73 {add = true} : memref<2048xi32, #tpu.memory_space<vmem>>[vector<16xi32>], vector<16xi32>, vector<16xi1>
        %eq3A_74 = arith.constant 4 : i32
        %eq3A_75 = vector.broadcast %eq3A_74 : i32 to vector<16xi32>
        %eq3A_76 = arith.cmpi eq, %iota3A, %eq3A_75 : vector<16xi32>
        tpu.vector_store_idx %arg10[%get3A_61], %broadcast_in_dim3A_32 masked %eq3A_76 {add = true} : memref<2048xi32, #tpu.memory_space<vmem>>[vector<16xi32>], vector<16xi32>, vector<16xi1>
        %eq3A_77 = arith.constant 5 : i32
        %eq3A_78 = vector.broadcast %eq3A_77 : i32 to vector<16xi32>
        %eq3A_79 = arith.cmpi eq, %iota3A, %eq3A_78 : vector<16xi32>
        tpu.vector_store_idx %arg10[%get3A_61], %broadcast_in_dim3A_32 masked %eq3A_79 {add = true} : memref<2048xi32, #tpu.memory_space<vmem>>[vector<16xi32>], vector<16xi32>, vector<16xi1>
        %eq3A_80 = arith.constant 6 : i32
        %eq3A_81 = vector.broadcast %eq3A_80 : i32 to vector<16xi32>
        %eq3A_82 = arith.cmpi eq, %iota3A, %eq3A_81 : vector<16xi32>
        tpu.vector_store_idx %arg10[%get3A_61], %broadcast_in_dim3A_32 masked %eq3A_82 {add = true} : memref<2048xi32, #tpu.memory_space<vmem>>[vector<16xi32>], vector<16xi32>, vector<16xi1>
        %eq3A_83 = arith.constant 7 : i32
        %eq3A_84 = vector.broadcast %eq3A_83 : i32 to vector<16xi32>
        %eq3A_85 = arith.cmpi eq, %iota3A, %eq3A_84 : vector<16xi32>
        tpu.vector_store_idx %arg10[%get3A_61], %broadcast_in_dim3A_32 masked %eq3A_85 {add = true} : memref<2048xi32, #tpu.memory_space<vmem>>[vector<16xi32>], vector<16xi32>, vector<16xi1>
        %eq3A_86 = arith.constant 8 : i32
        %eq3A_87 = vector.broadcast %eq3A_86 : i32 to vector<16xi32>
        %eq3A_88 = arith.cmpi eq, %iota3A, %eq3A_87 : vector<16xi32>
        tpu.vector_store_idx %arg10[%get3A_61], %broadcast_in_dim3A_32 masked %eq3A_88 {add = true} : memref<2048xi32, #tpu.memory_space<vmem>>[vector<16xi32>], vector<16xi32>, vector<16xi1>
        %eq3A_89 = arith.constant 9 : i32
        %eq3A_90 = vector.broadcast %eq3A_89 : i32 to vector<16xi32>
        %eq3A_91 = arith.cmpi eq, %iota3A, %eq3A_90 : vector<16xi32>
        tpu.vector_store_idx %arg10[%get3A_61], %broadcast_in_dim3A_32 masked %eq3A_91 {add = true} : memref<2048xi32, #tpu.memory_space<vmem>>[vector<16xi32>], vector<16xi32>, vector<16xi1>
        %eq3A_92 = arith.constant 10 : i32
        %eq3A_93 = vector.broadcast %eq3A_92 : i32 to vector<16xi32>
        %eq3A_94 = arith.cmpi eq, %iota3A, %eq3A_93 : vector<16xi32>
        tpu.vector_store_idx %arg10[%get3A_61], %broadcast_in_dim3A_32 masked %eq3A_94 {add = true} : memref<2048xi32, #tpu.memory_space<vmem>>[vector<16xi32>], vector<16xi32>, vector<16xi1>
        %eq3A_95 = arith.constant 11 : i32
        %eq3A_96 = vector.broadcast %eq3A_95 : i32 to vector<16xi32>
        %eq3A_97 = arith.cmpi eq, %iota3A, %eq3A_96 : vector<16xi32>
        tpu.vector_store_idx %arg10[%get3A_61], %broadcast_in_dim3A_32 masked %eq3A_97 {add = true} : memref<2048xi32, #tpu.memory_space<vmem>>[vector<16xi32>], vector<16xi32>, vector<16xi1>
        %eq3A_98 = arith.constant 12 : i32
        %eq3A_99 = vector.broadcast %eq3A_98 : i32 to vector<16xi32>
        %eq3A_100 = arith.cmpi eq, %iota3A, %eq3A_99 : vector<16xi32>
        tpu.vector_store_idx %arg10[%get3A_61], %broadcast_in_dim3A_32 masked %eq3A_100 {add = true} : memref<2048xi32, #tpu.memory_space<vmem>>[vector<16xi32>], vector<16xi32>, vector<16xi1>
        %eq3A_101 = arith.constant 13 : i32
        %eq3A_102 = vector.broadcast %eq3A_101 : i32 to vector<16xi32>
        %eq3A_103 = arith.cmpi eq, %iota3A, %eq3A_102 : vector<16xi32>
        tpu.vector_store_idx %arg10[%get3A_61], %broadcast_in_dim3A_32 masked %eq3A_103 {add = true} : memref<2048xi32, #tpu.memory_space<vmem>>[vector<16xi32>], vector<16xi32>, vector<16xi1>
        %eq3A_104 = arith.constant 14 : i32
        %eq3A_105 = vector.broadcast %eq3A_104 : i32 to vector<16xi32>
        %eq3A_106 = arith.cmpi eq, %iota3A, %eq3A_105 : vector<16xi32>
        tpu.vector_store_idx %arg10[%get3A_61], %broadcast_in_dim3A_32 masked %eq3A_106 {add = true} : memref<2048xi32, #tpu.memory_space<vmem>>[vector<16xi32>], vector<16xi32>, vector<16xi1>
        %eq3A_107 = arith.constant 15 : i32
        %eq3A_108 = vector.broadcast %eq3A_107 : i32 to vector<16xi32>
        %eq3A_109 = arith.cmpi eq, %iota3A, %eq3A_108 : vector<16xi32>
        tpu.vector_store_idx %arg10[%get3A_61], %broadcast_in_dim3A_32 masked %eq3A_109 {add = true} : memref<2048xi32, #tpu.memory_space<vmem>>[vector<16xi32>], vector<16xi32>, vector<16xi1>
      }
      %scan3A_50 = arith.constant 32 : i32
      %while3A = arith.constant 0 : i32
      %while3A_51 = scf.while (%while3A_58 = %while3A) : (i32) -> i32 {
        %lt3A = arith.constant 512 : i32
        %lt3A_59 = arith.cmpi slt, %while3A_58, %lt3A : i32
        scf.condition(%lt3A_59) %while3A_58 : i32
      } do {
      ^bb0(%while3A_58: i32):
        %get3A = arith.constant 0 : index
        %get3A_59 = tpu.vector_load %arg15[%get3A] {strides = array<i32>} : memref<32xf32, #tpu.memory_space<vmem>>, vector<16xf32>,
        %get3A_60 = arith.constant 16 : index
        %get3A_61 = tpu.vector_load %arg15[%get3A_60] {strides = array<i32>} : memref<32xf32, #tpu.memory_space<vmem>>, vector<16xf32>,
        %gt3A = arith.cmpf ogt, %get3A_61, %get3A_59 : vector<16xf32>
        %select_n3A = arith.select %gt3A, %get3A_61, %get3A_59 : vector<16xi1>, vector<16xf32>
        %add3A_62 = arith.constant 16 : i32
        %add3A_63 = vector.broadcast %add3A_62 : i32 to vector<16xi32>
        %add3A_64 = arith.addi %iota3A, %add3A_63 : vector<16xi32>
        %select_n3A_65 = arith.select %gt3A, %add3A_64, %iota3A : vector<16xi1>, vector<16xi32>
        %select_n3A_66 = arith.select %gt3A, %get3A_59, %get3A_61 : vector<16xi1>, vector<16xf32>
        %add3A_67 = arith.constant 16 : i32
        %add3A_68 = vector.broadcast %add3A_67 : i32 to vector<16xi32>
        %add3A_69 = arith.addi %iota3A, %add3A_68 : vector<16xi32>
        %select_n3A_70 = arith.select %gt3A, %iota3A, %add3A_69 : vector<16xi1>, vector<16xi32>
        %xor3A = arith.constant 1 : i32
        %xor3A_71 = vector.broadcast %xor3A : i32 to vector<16xi32>
        %xor3A_72 = arith.xori %iota3A, %xor3A_71 : vector<16xi32>
        %lt3A = arith.constant 0 : i32
        %lt3A_73 = vector.broadcast %lt3A : i32 to vector<16xi32>
        %lt3A_74 = arith.cmpi slt, %xor3A_72, %lt3A_73 : vector<16xi32>
        %add3A_75 = arith.constant 16 : i32
        %add3A_76 = vector.broadcast %add3A_75 : i32 to vector<16xi32>
        %add3A_77 = arith.addi %xor3A_72, %add3A_76 : vector<16xi32>
        %select_n3A_78 = arith.select %lt3A_74, %add3A_77, %xor3A_72 : vector<16xi1>, vector<16xi32>
        %broadcast_in_dim3A_79 = vector.shape_cast %select_n3A_78 : vector<16xi32> to vector<16x1xi32>
        %gather3A = vector.shape_cast %broadcast_in_dim3A_79 : vector<16x1xi32> to vector<16xi32>
        %gather3A_80 = tpu.dynamic_gather %select_n3A[%gather3A] in [0] : vector<16xf32>, vector<16xi32> -> vector<16xf32>
        %lt3A_81 = arith.constant 0 : i32
        %lt3A_82 = vector.broadcast %lt3A_81 : i32 to vector<16xi32>
        %lt3A_83 = arith.cmpi slt, %xor3A_72, %lt3A_82 : vector<16xi32>
        %add3A_84 = arith.constant 16 : i32
        %add3A_85 = vector.broadcast %add3A_84 : i32 to vector<16xi32>
        %add3A_86 = arith.addi %xor3A_72, %add3A_85 : vector<16xi32>
        %select_n3A_87 = arith.select %lt3A_83, %add3A_86, %xor3A_72 : vector<16xi1>, vector<16xi32>
        %broadcast_in_dim3A_88 = vector.shape_cast %select_n3A_87 : vector<16xi32> to vector<16x1xi32>
        %gather3A_89 = vector.shape_cast %broadcast_in_dim3A_88 : vector<16x1xi32> to vector<16xi32>
        %gather3A_90 = tpu.dynamic_gather %select_n3A_65[%gather3A_89] in [0] : vector<16xi32>, vector<16xi32> -> vector<16xi32>
        %lt3A_91 = arith.constant 0 : i32
        %lt3A_92 = vector.broadcast %lt3A_91 : i32 to vector<16xi32>
        %lt3A_93 = arith.cmpi slt, %xor3A_72, %lt3A_92 : vector<16xi32>
        %add3A_94 = arith.constant 16 : i32
        %add3A_95 = vector.broadcast %add3A_94 : i32 to vector<16xi32>
        %add3A_96 = arith.addi %xor3A_72, %add3A_95 : vector<16xi32>
        %select_n3A_97 = arith.select %lt3A_93, %add3A_96, %xor3A_72 : vector<16xi1>, vector<16xi32>
        %broadcast_in_dim3A_98 = vector.shape_cast %select_n3A_97 : vector<16xi32> to vector<16x1xi32>
        %gather3A_99 = vector.shape_cast %broadcast_in_dim3A_98 : vector<16x1xi32> to vector<16xi32>
        %gather3A_100 = tpu.dynamic_gather %select_n3A_66[%gather3A_99] in [0] : vector<16xf32>, vector<16xi32> -> vector<16xf32>
        %lt3A_101 = arith.constant 0 : i32
        %lt3A_102 = vector.broadcast %lt3A_101 : i32 to vector<16xi32>
        %lt3A_103 = arith.cmpi slt, %xor3A_72, %lt3A_102 : vector<16xi32>
        %add3A_104 = arith.constant 16 : i32
        %add3A_105 = vector.broadcast %add3A_104 : i32 to vector<16xi32>
        %add3A_106 = arith.addi %xor3A_72, %add3A_105 : vector<16xi32>
        %select_n3A_107 = arith.select %lt3A_103, %add3A_106, %xor3A_72 : vector<16xi1>, vector<16xi32>
        %broadcast_in_dim3A_108 = vector.shape_cast %select_n3A_107 : vector<16xi32> to vector<16x1xi32>
        %gather3A_109 = vector.shape_cast %broadcast_in_dim3A_108 : vector<16x1xi32> to vector<16xi32>
        %gather3A_110 = tpu.dynamic_gather %select_n3A_70[%gather3A_109] in [0] : vector<16xi32>, vector<16xi32> -> vector<16xi32>
        %gt3A_111 = arith.cmpf ogt, %gather3A_80, %select_n3A : vector<16xf32>
        %eq3A_112 = arith.cmpf oeq, %gather3A_80, %select_n3A : vector<16xf32>
        %lt3A_113 = arith.cmpi slt, %gather3A_90, %select_n3A_65 : vector<16xi32>
        %and3A = arith.andi %eq3A_112, %lt3A_113 : vector<16xi1>
        %or3A = arith.ori %gt3A_111, %and3A : vector<16xi1>
        %select_n3A_114 = arith.select %or3A, %gather3A_80, %select_n3A : vector<16xi1>, vector<16xf32>
        %select_n3A_115 = arith.select %or3A, %gather3A_90, %select_n3A_65 : vector<16xi1>, vector<16xi32>
        %select_n3A_116 = arith.select %or3A, %select_n3A, %gather3A_80 : vector<16xi1>, vector<16xf32>
        %select_n3A_117 = arith.select %or3A, %select_n3A_65, %gather3A_90 : vector<16xi1>, vector<16xi32>
        %gt3A_118 = arith.cmpf ogt, %gather3A_100, %select_n3A_66 : vector<16xf32>
        %eq3A_119 = arith.cmpf oeq, %gather3A_100, %select_n3A_66 : vector<16xf32>
        %lt3A_120 = arith.cmpi slt, %gather3A_110, %select_n3A_70 : vector<16xi32>
        %and3A_121 = arith.andi %eq3A_119, %lt3A_120 : vector<16xi1>
        %or3A_122 = arith.ori %gt3A_118, %and3A_121 : vector<16xi1>
        %select_n3A_123 = arith.select %or3A_122, %gather3A_100, %select_n3A_66 : vector<16xi1>, vector<16xf32>
        %select_n3A_124 = arith.select %or3A_122, %gather3A_110, %select_n3A_70 : vector<16xi1>, vector<16xi32>
        %gt3A_125 = arith.cmpf ogt, %select_n3A_116, %select_n3A_123 : vector<16xf32>
        %eq3A_126 = arith.cmpf oeq, %select_n3A_116, %select_n3A_123 : vector<16xf32>
        %lt3A_127 = arith.cmpi slt, %select_n3A_117, %select_n3A_124 : vector<16xi32>
        %and3A_128 = arith.andi %eq3A_126, %lt3A_127 : vector<16xi1>
        %or3A_129 = arith.ori %gt3A_125, %and3A_128 : vector<16xi1>
        %select_n3A_130 = arith.select %or3A_129, %select_n3A_116, %select_n3A_123 : vector<16xi1>, vector<16xf32>
        %select_n3A_131 = arith.select %or3A_129, %select_n3A_117, %select_n3A_124 : vector<16xi1>, vector<16xi32>
        %xor3A_132 = arith.constant 2 : i32
        %xor3A_133 = vector.broadcast %xor3A_132 : i32 to vector<16xi32>
        %xor3A_134 = arith.xori %iota3A, %xor3A_133 : vector<16xi32>
        %lt3A_135 = arith.constant 0 : i32
        %lt3A_136 = vector.broadcast %lt3A_135 : i32 to vector<16xi32>
        %lt3A_137 = arith.cmpi slt, %xor3A_134, %lt3A_136 : vector<16xi32>
        %add3A_138 = arith.constant 16 : i32
        %add3A_139 = vector.broadcast %add3A_138 : i32 to vector<16xi32>
        %add3A_140 = arith.addi %xor3A_134, %add3A_139 : vector<16xi32>
        %select_n3A_141 = arith.select %lt3A_137, %add3A_140, %xor3A_134 : vector<16xi1>, vector<16xi32>
        %broadcast_in_dim3A_142 = vector.shape_cast %select_n3A_141 : vector<16xi32> to vector<16x1xi32>
        %gather3A_143 = vector.shape_cast %broadcast_in_dim3A_142 : vector<16x1xi32> to vector<16xi32>
        %gather3A_144 = tpu.dynamic_gather %select_n3A_114[%gather3A_143] in [0] : vector<16xf32>, vector<16xi32> -> vector<16xf32>
        %lt3A_145 = arith.constant 0 : i32
        %lt3A_146 = vector.broadcast %lt3A_145 : i32 to vector<16xi32>
        %lt3A_147 = arith.cmpi slt, %xor3A_134, %lt3A_146 : vector<16xi32>
        %add3A_148 = arith.constant 16 : i32
        %add3A_149 = vector.broadcast %add3A_148 : i32 to vector<16xi32>
        %add3A_150 = arith.addi %xor3A_134, %add3A_149 : vector<16xi32>
        %select_n3A_151 = arith.select %lt3A_147, %add3A_150, %xor3A_134 : vector<16xi1>, vector<16xi32>
        %broadcast_in_dim3A_152 = vector.shape_cast %select_n3A_151 : vector<16xi32> to vector<16x1xi32>
        %gather3A_153 = vector.shape_cast %broadcast_in_dim3A_152 : vector<16x1xi32> to vector<16xi32>
        %gather3A_154 = tpu.dynamic_gather %select_n3A_115[%gather3A_153] in [0] : vector<16xi32>, vector<16xi32> -> vector<16xi32>
        %lt3A_155 = arith.constant 0 : i32
        %lt3A_156 = vector.broadcast %lt3A_155 : i32 to vector<16xi32>
        %lt3A_157 = arith.cmpi slt, %xor3A_134, %lt3A_156 : vector<16xi32>
        %add3A_158 = arith.constant 16 : i32
        %add3A_159 = vector.broadcast %add3A_158 : i32 to vector<16xi32>
        %add3A_160 = arith.addi %xor3A_134, %add3A_159 : vector<16xi32>
        %select_n3A_161 = arith.select %lt3A_157, %add3A_160, %xor3A_134 : vector<16xi1>, vector<16xi32>
        %broadcast_in_dim3A_162 = vector.shape_cast %select_n3A_161 : vector<16xi32> to vector<16x1xi32>
        %gather3A_163 = vector.shape_cast %broadcast_in_dim3A_162 : vector<16x1xi32> to vector<16xi32>
        %gather3A_164 = tpu.dynamic_gather %select_n3A_130[%gather3A_163] in [0] : vector<16xf32>, vector<16xi32> -> vector<16xf32>
        %lt3A_165 = arith.constant 0 : i32
        %lt3A_166 = vector.broadcast %lt3A_165 : i32 to vector<16xi32>
        %lt3A_167 = arith.cmpi slt, %xor3A_134, %lt3A_166 : vector<16xi32>
        %add3A_168 = arith.constant 16 : i32
        %add3A_169 = vector.broadcast %add3A_168 : i32 to vector<16xi32>
        %add3A_170 = arith.addi %xor3A_134, %add3A_169 : vector<16xi32>
        %select_n3A_171 = arith.select %lt3A_167, %add3A_170, %xor3A_134 : vector<16xi1>, vector<16xi32>
        %broadcast_in_dim3A_172 = vector.shape_cast %select_n3A_171 : vector<16xi32> to vector<16x1xi32>
        %gather3A_173 = vector.shape_cast %broadcast_in_dim3A_172 : vector<16x1xi32> to vector<16xi32>
        %gather3A_174 = tpu.dynamic_gather %select_n3A_131[%gather3A_173] in [0] : vector<16xi32>, vector<16xi32> -> vector<16xi32>
        %gt3A_175 = arith.cmpf ogt, %gather3A_144, %select_n3A_114 : vector<16xf32>
        %eq3A_176 = arith.cmpf oeq, %gather3A_144, %select_n3A_114 : vector<16xf32>
        %lt3A_177 = arith.cmpi slt, %gather3A_154, %select_n3A_115 : vector<16xi32>
        %and3A_178 = arith.andi %eq3A_176, %lt3A_177 : vector<16xi1>
        %or3A_179 = arith.ori %gt3A_175, %and3A_178 : vector<16xi1>
        %select_n3A_180 = arith.select %or3A_179, %gather3A_144, %select_n3A_114 : vector<16xi1>, vector<16xf32>
        %select_n3A_181 = arith.select %or3A_179, %gather3A_154, %select_n3A_115 : vector<16xi1>, vector<16xi32>
        %select_n3A_182 = arith.select %or3A_179, %select_n3A_114, %gather3A_144 : vector<16xi1>, vector<16xf32>
        %select_n3A_183 = arith.select %or3A_179, %select_n3A_115, %gather3A_154 : vector<16xi1>, vector<16xi32>
        %gt3A_184 = arith.cmpf ogt, %gather3A_164, %select_n3A_130 : vector<16xf32>
        %eq3A_185 = arith.cmpf oeq, %gather3A_164, %select_n3A_130 : vector<16xf32>
        %lt3A_186 = arith.cmpi slt, %gather3A_174, %select_n3A_131 : vector<16xi32>
        %and3A_187 = arith.andi %eq3A_185, %lt3A_186 : vector<16xi1>
        %or3A_188 = arith.ori %gt3A_184, %and3A_187 : vector<16xi1>
        %select_n3A_189 = arith.select %or3A_188, %gather3A_164, %select_n3A_130 : vector<16xi1>, vector<16xf32>
        %select_n3A_190 = arith.select %or3A_188, %gather3A_174, %select_n3A_131 : vector<16xi1>, vector<16xi32>
        %gt3A_191 = arith.cmpf ogt, %select_n3A_182, %select_n3A_189 : vector<16xf32>
        %eq3A_192 = arith.cmpf oeq, %select_n3A_182, %select_n3A_189 : vector<16xf32>
        %lt3A_193 = arith.cmpi slt, %select_n3A_183, %select_n3A_190 : vector<16xi32>
        %and3A_194 = arith.andi %eq3A_192, %lt3A_193 : vector<16xi1>
        %or3A_195 = arith.ori %gt3A_191, %and3A_194 : vector<16xi1>
        %select_n3A_196 = arith.select %or3A_195, %select_n3A_182, %select_n3A_189 : vector<16xi1>, vector<16xf32>
        %select_n3A_197 = arith.select %or3A_195, %select_n3A_183, %select_n3A_190 : vector<16xi1>, vector<16xi32>
        %xor3A_198 = arith.constant 4 : i32
        %xor3A_199 = vector.broadcast %xor3A_198 : i32 to vector<16xi32>
        %xor3A_200 = arith.xori %iota3A, %xor3A_199 : vector<16xi32>
        %lt3A_201 = arith.constant 0 : i32
        %lt3A_202 = vector.broadcast %lt3A_201 : i32 to vector<16xi32>
        %lt3A_203 = arith.cmpi slt, %xor3A_200, %lt3A_202 : vector<16xi32>
        %add3A_204 = arith.constant 16 : i32
        %add3A_205 = vector.broadcast %add3A_204 : i32 to vector<16xi32>
        %add3A_206 = arith.addi %xor3A_200, %add3A_205 : vector<16xi32>
        %select_n3A_207 = arith.select %lt3A_203, %add3A_206, %xor3A_200 : vector<16xi1>, vector<16xi32>
        %broadcast_in_dim3A_208 = vector.shape_cast %select_n3A_207 : vector<16xi32> to vector<16x1xi32>
        %gather3A_209 = vector.shape_cast %broadcast_in_dim3A_208 : vector<16x1xi32> to vector<16xi32>
        %gather3A_210 = tpu.dynamic_gather %select_n3A_180[%gather3A_209] in [0] : vector<16xf32>, vector<16xi32> -> vector<16xf32>
        %lt3A_211 = arith.constant 0 : i32
        %lt3A_212 = vector.broadcast %lt3A_211 : i32 to vector<16xi32>
        %lt3A_213 = arith.cmpi slt, %xor3A_200, %lt3A_212 : vector<16xi32>
        %add3A_214 = arith.constant 16 : i32
        %add3A_215 = vector.broadcast %add3A_214 : i32 to vector<16xi32>
        %add3A_216 = arith.addi %xor3A_200, %add3A_215 : vector<16xi32>
        %select_n3A_217 = arith.select %lt3A_213, %add3A_216, %xor3A_200 : vector<16xi1>, vector<16xi32>
        %broadcast_in_dim3A_218 = vector.shape_cast %select_n3A_217 : vector<16xi32> to vector<16x1xi32>
        %gather3A_219 = vector.shape_cast %broadcast_in_dim3A_218 : vector<16x1xi32> to vector<16xi32>
        %gather3A_220 = tpu.dynamic_gather %select_n3A_181[%gather3A_219] in [0] : vector<16xi32>, vector<16xi32> -> vector<16xi32>
        %lt3A_221 = arith.constant 0 : i32
        %lt3A_222 = vector.broadcast %lt3A_221 : i32 to vector<16xi32>
        %lt3A_223 = arith.cmpi slt, %xor3A_200, %lt3A_222 : vector<16xi32>
        %add3A_224 = arith.constant 16 : i32
        %add3A_225 = vector.broadcast %add3A_224 : i32 to vector<16xi32>
        %add3A_226 = arith.addi %xor3A_200, %add3A_225 : vector<16xi32>
        %select_n3A_227 = arith.select %lt3A_223, %add3A_226, %xor3A_200 : vector<16xi1>, vector<16xi32>
        %broadcast_in_dim3A_228 = vector.shape_cast %select_n3A_227 : vector<16xi32> to vector<16x1xi32>
        %gather3A_229 = vector.shape_cast %broadcast_in_dim3A_228 : vector<16x1xi32> to vector<16xi32>
        %gather3A_230 = tpu.dynamic_gather %select_n3A_196[%gather3A_229] in [0] : vector<16xf32>, vector<16xi32> -> vector<16xf32>
        %lt3A_231 = arith.constant 0 : i32
        %lt3A_232 = vector.broadcast %lt3A_231 : i32 to vector<16xi32>
        %lt3A_233 = arith.cmpi slt, %xor3A_200, %lt3A_232 : vector<16xi32>
        %add3A_234 = arith.constant 16 : i32
        %add3A_235 = vector.broadcast %add3A_234 : i32 to vector<16xi32>
        %add3A_236 = arith.addi %xor3A_200, %add3A_235 : vector<16xi32>
        %select_n3A_237 = arith.select %lt3A_233, %add3A_236, %xor3A_200 : vector<16xi1>, vector<16xi32>
        %broadcast_in_dim3A_238 = vector.shape_cast %select_n3A_237 : vector<16xi32> to vector<16x1xi32>
        %gather3A_239 = vector.shape_cast %broadcast_in_dim3A_238 : vector<16x1xi32> to vector<16xi32>
        %gather3A_240 = tpu.dynamic_gather %select_n3A_197[%gather3A_239] in [0] : vector<16xi32>, vector<16xi32> -> vector<16xi32>
        %gt3A_241 = arith.cmpf ogt, %gather3A_210, %select_n3A_180 : vector<16xf32>
        %eq3A_242 = arith.cmpf oeq, %gather3A_210, %select_n3A_180 : vector<16xf32>
        %lt3A_243 = arith.cmpi slt, %gather3A_220, %select_n3A_181 : vector<16xi32>
        %and3A_244 = arith.andi %eq3A_242, %lt3A_243 : vector<16xi1>
        %or3A_245 = arith.ori %gt3A_241, %and3A_244 : vector<16xi1>
        %select_n3A_246 = arith.select %or3A_245, %gather3A_210, %select_n3A_180 : vector<16xi1>, vector<16xf32>
        %select_n3A_247 = arith.select %or3A_245, %gather3A_220, %select_n3A_181 : vector<16xi1>, vector<16xi32>
        %select_n3A_248 = arith.select %or3A_245, %select_n3A_180, %gather3A_210 : vector<16xi1>, vector<16xf32>
        %select_n3A_249 = arith.select %or3A_245, %select_n3A_181, %gather3A_220 : vector<16xi1>, vector<16xi32>
        %gt3A_250 = arith.cmpf ogt, %gather3A_230, %select_n3A_196 : vector<16xf32>
        %eq3A_251 = arith.cmpf oeq, %gather3A_230, %select_n3A_196 : vector<16xf32>
        %lt3A_252 = arith.cmpi slt, %gather3A_240, %select_n3A_197 : vector<16xi32>
        %and3A_253 = arith.andi %eq3A_251, %lt3A_252 : vector<16xi1>
        %or3A_254 = arith.ori %gt3A_250, %and3A_253 : vector<16xi1>
        %select_n3A_255 = arith.select %or3A_254, %gather3A_230, %select_n3A_196 : vector<16xi1>, vector<16xf32>
        %select_n3A_256 = arith.select %or3A_254, %gather3A_240, %select_n3A_197 : vector<16xi1>, vector<16xi32>
        %gt3A_257 = arith.cmpf ogt, %select_n3A_248, %select_n3A_255 : vector<16xf32>
        %eq3A_258 = arith.cmpf oeq, %select_n3A_248, %select_n3A_255 : vector<16xf32>
        %lt3A_259 = arith.cmpi slt, %select_n3A_249, %select_n3A_256 : vector<16xi32>
        %and3A_260 = arith.andi %eq3A_258, %lt3A_259 : vector<16xi1>
        %or3A_261 = arith.ori %gt3A_257, %and3A_260 : vector<16xi1>
        %select_n3A_262 = arith.select %or3A_261, %select_n3A_248, %select_n3A_255 : vector<16xi1>, vector<16xf32>
        %select_n3A_263 = arith.select %or3A_261, %select_n3A_249, %select_n3A_256 : vector<16xi1>, vector<16xi32>
        %xor3A_264 = arith.constant 8 : i32
        %xor3A_265 = vector.broadcast %xor3A_264 : i32 to vector<16xi32>
        %xor3A_266 = arith.xori %iota3A, %xor3A_265 : vector<16xi32>
        %lt3A_267 = arith.constant 0 : i32
        %lt3A_268 = vector.broadcast %lt3A_267 : i32 to vector<16xi32>
        %lt3A_269 = arith.cmpi slt, %xor3A_266, %lt3A_268 : vector<16xi32>
        %add3A_270 = arith.constant 16 : i32
        %add3A_271 = vector.broadcast %add3A_270 : i32 to vector<16xi32>
        %add3A_272 = arith.addi %xor3A_266, %add3A_271 : vector<16xi32>
        %select_n3A_273 = arith.select %lt3A_269, %add3A_272, %xor3A_266 : vector<16xi1>, vector<16xi32>
        %broadcast_in_dim3A_274 = vector.shape_cast %select_n3A_273 : vector<16xi32> to vector<16x1xi32>
        %gather3A_275 = vector.shape_cast %broadcast_in_dim3A_274 : vector<16x1xi32> to vector<16xi32>
        %gather3A_276 = tpu.dynamic_gather %select_n3A_246[%gather3A_275] in [0] : vector<16xf32>, vector<16xi32> -> vector<16xf32>
        %lt3A_277 = arith.constant 0 : i32
        %lt3A_278 = vector.broadcast %lt3A_277 : i32 to vector<16xi32>
        %lt3A_279 = arith.cmpi slt, %xor3A_266, %lt3A_278 : vector<16xi32>
        %add3A_280 = arith.constant 16 : i32
        %add3A_281 = vector.broadcast %add3A_280 : i32 to vector<16xi32>
        %add3A_282 = arith.addi %xor3A_266, %add3A_281 : vector<16xi32>
        %select_n3A_283 = arith.select %lt3A_279, %add3A_282, %xor3A_266 : vector<16xi1>, vector<16xi32>
        %broadcast_in_dim3A_284 = vector.shape_cast %select_n3A_283 : vector<16xi32> to vector<16x1xi32>
        %gather3A_285 = vector.shape_cast %broadcast_in_dim3A_284 : vector<16x1xi32> to vector<16xi32>
        %gather3A_286 = tpu.dynamic_gather %select_n3A_247[%gather3A_285] in [0] : vector<16xi32>, vector<16xi32> -> vector<16xi32>
        %lt3A_287 = arith.constant 0 : i32
        %lt3A_288 = vector.broadcast %lt3A_287 : i32 to vector<16xi32>
        %lt3A_289 = arith.cmpi slt, %xor3A_266, %lt3A_288 : vector<16xi32>
        %add3A_290 = arith.constant 16 : i32
        %add3A_291 = vector.broadcast %add3A_290 : i32 to vector<16xi32>
        %add3A_292 = arith.addi %xor3A_266, %add3A_291 : vector<16xi32>
        %select_n3A_293 = arith.select %lt3A_289, %add3A_292, %xor3A_266 : vector<16xi1>, vector<16xi32>
        %broadcast_in_dim3A_294 = vector.shape_cast %select_n3A_293 : vector<16xi32> to vector<16x1xi32>
        %gather3A_295 = vector.shape_cast %broadcast_in_dim3A_294 : vector<16x1xi32> to vector<16xi32>
        %gather3A_296 = tpu.dynamic_gather %select_n3A_262[%gather3A_295] in [0] : vector<16xf32>, vector<16xi32> -> vector<16xf32>
        %lt3A_297 = arith.constant 0 : i32
        %lt3A_298 = vector.broadcast %lt3A_297 : i32 to vector<16xi32>
        %lt3A_299 = arith.cmpi slt, %xor3A_266, %lt3A_298 : vector<16xi32>
        %add3A_300 = arith.constant 16 : i32
        %add3A_301 = vector.broadcast %add3A_300 : i32 to vector<16xi32>
        %add3A_302 = arith.addi %xor3A_266, %add3A_301 : vector<16xi32>
        %select_n3A_303 = arith.select %lt3A_299, %add3A_302, %xor3A_266 : vector<16xi1>, vector<16xi32>
        %broadcast_in_dim3A_304 = vector.shape_cast %select_n3A_303 : vector<16xi32> to vector<16x1xi32>
        %gather3A_305 = vector.shape_cast %broadcast_in_dim3A_304 : vector<16x1xi32> to vector<16xi32>
        %gather3A_306 = tpu.dynamic_gather %select_n3A_263[%gather3A_305] in [0] : vector<16xi32>, vector<16xi32> -> vector<16xi32>
        %gt3A_307 = arith.cmpf ogt, %gather3A_276, %select_n3A_246 : vector<16xf32>
        %eq3A_308 = arith.cmpf oeq, %gather3A_276, %select_n3A_246 : vector<16xf32>
        %lt3A_309 = arith.cmpi slt, %gather3A_286, %select_n3A_247 : vector<16xi32>
        %and3A_310 = arith.andi %eq3A_308, %lt3A_309 : vector<16xi1>
        %or3A_311 = arith.ori %gt3A_307, %and3A_310 : vector<16xi1>
        %select_n3A_312 = arith.select %or3A_311, %gather3A_276, %select_n3A_246 : vector<16xi1>, vector<16xf32>
        %select_n3A_313 = arith.select %or3A_311, %gather3A_286, %select_n3A_247 : vector<16xi1>, vector<16xi32>
        %select_n3A_314 = arith.select %or3A_311, %select_n3A_246, %gather3A_276 : vector<16xi1>, vector<16xf32>
        %select_n3A_315 = arith.select %or3A_311, %select_n3A_247, %gather3A_286 : vector<16xi1>, vector<16xi32>
        %gt3A_316 = arith.cmpf ogt, %gather3A_296, %select_n3A_262 : vector<16xf32>
        %eq3A_317 = arith.cmpf oeq, %gather3A_296, %select_n3A_262 : vector<16xf32>
        %lt3A_318 = arith.cmpi slt, %gather3A_306, %select_n3A_263 : vector<16xi32>
        %and3A_319 = arith.andi %eq3A_317, %lt3A_318 : vector<16xi1>
        %or3A_320 = arith.ori %gt3A_316, %and3A_319 : vector<16xi1>
        %select_n3A_321 = arith.select %or3A_320, %gather3A_296, %select_n3A_262 : vector<16xi1>, vector<16xf32>
        %select_n3A_322 = arith.select %or3A_320, %gather3A_306, %select_n3A_263 : vector<16xi1>, vector<16xi32>
        %gt3A_323 = arith.cmpf ogt, %select_n3A_314, %select_n3A_321 : vector<16xf32>
        %eq3A_324 = arith.cmpf oeq, %select_n3A_314, %select_n3A_321 : vector<16xf32>
        %lt3A_325 = arith.cmpi slt, %select_n3A_315, %select_n3A_322 : vector<16xi32>
        %and3A_326 = arith.andi %eq3A_324, %lt3A_325 : vector<16xi1>
        %or3A_327 = arith.ori %gt3A_323, %and3A_326 : vector<16xi1>
        %select_n3A_328 = arith.select %or3A_327, %select_n3A_314, %select_n3A_321 : vector<16xi1>, vector<16xf32>
        %select_n3A_329 = arith.select %or3A_327, %select_n3A_315, %select_n3A_322 : vector<16xi1>, vector<16xi32>
        %mul3A_330 = arith.constant 16 : i32
        %mul3A_331 = vector.broadcast %mul3A_330 : i32 to vector<16xi32>
        %mul3A_332 = arith.muli %select_n3A_313, %mul3A_331 : vector<16xi32>
        %add3A_333 = arith.addi %mul3A_332, %iota3A : vector<16xi32>
        %gather3A_334 = tpu.vector_load_idx %arg11[%add3A_333] : memref<512xf32, #tpu.memory_space<vmem>>[vector<16xi32>], vector<16xf32>,
        %broadcast_in_dim3A_335 = arith.constant 0xFF800000 : f32
        %broadcast_in_dim3A_336 = vector.broadcast %broadcast_in_dim3A_335 : f32 to vector<16xf32>
        %xor3A_337 = arith.constant 1 : i32
        %xor3A_338 = vector.broadcast %xor3A_337 : i32 to vector<16xi32>
        %xor3A_339 = arith.xori %iota3A, %xor3A_338 : vector<16xi32>
        %lt3A_340 = arith.constant 0 : i32
        %lt3A_341 = vector.broadcast %lt3A_340 : i32 to vector<16xi32>
        %lt3A_342 = arith.cmpi slt, %xor3A_339, %lt3A_341 : vector<16xi32>
        %add3A_343 = arith.constant 16 : i32
        %add3A_344 = vector.broadcast %add3A_343 : i32 to vector<16xi32>
        %add3A_345 = arith.addi %xor3A_339, %add3A_344 : vector<16xi32>
        %select_n3A_346 = arith.select %lt3A_342, %add3A_345, %xor3A_339 : vector<16xi1>, vector<16xi32>
        %broadcast_in_dim3A_347 = vector.shape_cast %select_n3A_346 : vector<16xi32> to vector<16x1xi32>
        %gather3A_348 = vector.shape_cast %broadcast_in_dim3A_347 : vector<16x1xi32> to vector<16xi32>
        %gather3A_349 = tpu.dynamic_gather %gather3A_334[%gather3A_348] in [0] : vector<16xf32>, vector<16xi32> -> vector<16xf32>
        %lt3A_350 = arith.constant 0 : i32
        %lt3A_351 = vector.broadcast %lt3A_350 : i32 to vector<16xi32>
        %lt3A_352 = arith.cmpi slt, %xor3A_339, %lt3A_351 : vector<16xi32>
        %add3A_353 = arith.constant 16 : i32
        %add3A_354 = vector.broadcast %add3A_353 : i32 to vector<16xi32>
        %add3A_355 = arith.addi %xor3A_339, %add3A_354 : vector<16xi32>
        %select_n3A_356 = arith.select %lt3A_352, %add3A_355, %xor3A_339 : vector<16xi1>, vector<16xi32>
        %broadcast_in_dim3A_357 = vector.shape_cast %select_n3A_356 : vector<16xi32> to vector<16x1xi32>
        %gather3A_358 = vector.shape_cast %broadcast_in_dim3A_357 : vector<16x1xi32> to vector<16xi32>
        %gather3A_359 = tpu.dynamic_gather %add3A_333[%gather3A_358] in [0] : vector<16xi32>, vector<16xi32> -> vector<16xi32>
        %lt3A_360 = arith.constant 0 : i32
        %lt3A_361 = vector.broadcast %lt3A_360 : i32 to vector<16xi32>
        %lt3A_362 = arith.cmpi slt, %xor3A_339, %lt3A_361 : vector<16xi32>
        %add3A_363 = arith.constant 16 : i32
        %add3A_364 = vector.broadcast %add3A_363 : i32 to vector<16xi32>
        %add3A_365 = arith.addi %xor3A_339, %add3A_364 : vector<16xi32>
        %select_n3A_366 = arith.select %lt3A_362, %add3A_365, %xor3A_339 : vector<16xi1>, vector<16xi32>
        %broadcast_in_dim3A_367 = vector.shape_cast %select_n3A_366 : vector<16xi32> to vector<16x1xi32>
        %gather3A_368 = vector.shape_cast %broadcast_in_dim3A_367 : vector<16x1xi32> to vector<16xi32>
        %gather3A_369 = tpu.dynamic_gather %broadcast_in_dim3A_336[%gather3A_368] in [0] : vector<16xf32>, vector<16xi32> -> vector<16xf32>
        %gt3A_370 = arith.cmpf ogt, %gather3A_349, %gather3A_334 : vector<16xf32>
        %eq3A_371 = arith.cmpf oeq, %gather3A_349, %gather3A_334 : vector<16xf32>
        %lt3A_372 = arith.cmpi slt, %gather3A_359, %add3A_333 : vector<16xi32>
        %and3A_373 = arith.andi %eq3A_371, %lt3A_372 : vector<16xi1>
        %or3A_374 = arith.ori %gt3A_370, %and3A_373 : vector<16xi1>
        %select_n3A_375 = arith.select %or3A_374, %gather3A_349, %gather3A_334 : vector<16xi1>, vector<16xf32>
        %select_n3A_376 = arith.select %or3A_374, %gather3A_359, %add3A_333 : vector<16xi1>, vector<16xi32>
        %min3A = arith.minimumf %gather3A_334, %gather3A_349 : vector<16xf32>
        %max3A = arith.maximumf %broadcast_in_dim3A_336, %gather3A_369 : vector<16xf32>
        %max3A_377 = arith.maximumf %min3A, %max3A : vector<16xf32>
        %xor3A_378 = arith.constant 2 : i32
        %xor3A_379 = vector.broadcast %xor3A_378 : i32 to vector<16xi32>
        %xor3A_380 = arith.xori %iota3A, %xor3A_379 : vector<16xi32>
        %lt3A_381 = arith.constant 0 : i32
        %lt3A_382 = vector.broadcast %lt3A_381 : i32 to vector<16xi32>
        %lt3A_383 = arith.cmpi slt, %xor3A_380, %lt3A_382 : vector<16xi32>
        %add3A_384 = arith.constant 16 : i32
        %add3A_385 = vector.broadcast %add3A_384 : i32 to vector<16xi32>
        %add3A_386 = arith.addi %xor3A_380, %add3A_385 : vector<16xi32>
        %select_n3A_387 = arith.select %lt3A_383, %add3A_386, %xor3A_380 : vector<16xi1>, vector<16xi32>
        %broadcast_in_dim3A_388 = vector.shape_cast %select_n3A_387 : vector<16xi32> to vector<16x1xi32>
        %gather3A_389 = vector.shape_cast %broadcast_in_dim3A_388 : vector<16x1xi32> to vector<16xi32>
        %gather3A_390 = tpu.dynamic_gather %select_n3A_375[%gather3A_389] in [0] : vector<16xf32>, vector<16xi32> -> vector<16xf32>
        %lt3A_391 = arith.constant 0 : i32
        %lt3A_392 = vector.broadcast %lt3A_391 : i32 to vector<16xi32>
        %lt3A_393 = arith.cmpi slt, %xor3A_380, %lt3A_392 : vector<16xi32>
        %add3A_394 = arith.constant 16 : i32
        %add3A_395 = vector.broadcast %add3A_394 : i32 to vector<16xi32>
        %add3A_396 = arith.addi %xor3A_380, %add3A_395 : vector<16xi32>
        %select_n3A_397 = arith.select %lt3A_393, %add3A_396, %xor3A_380 : vector<16xi1>, vector<16xi32>
        %broadcast_in_dim3A_398 = vector.shape_cast %select_n3A_397 : vector<16xi32> to vector<16x1xi32>
        %gather3A_399 = vector.shape_cast %broadcast_in_dim3A_398 : vector<16x1xi32> to vector<16xi32>
        %gather3A_400 = tpu.dynamic_gather %select_n3A_376[%gather3A_399] in [0] : vector<16xi32>, vector<16xi32> -> vector<16xi32>
        %lt3A_401 = arith.constant 0 : i32
        %lt3A_402 = vector.broadcast %lt3A_401 : i32 to vector<16xi32>
        %lt3A_403 = arith.cmpi slt, %xor3A_380, %lt3A_402 : vector<16xi32>
        %add3A_404 = arith.constant 16 : i32
        %add3A_405 = vector.broadcast %add3A_404 : i32 to vector<16xi32>
        %add3A_406 = arith.addi %xor3A_380, %add3A_405 : vector<16xi32>
        %select_n3A_407 = arith.select %lt3A_403, %add3A_406, %xor3A_380 : vector<16xi1>, vector<16xi32>
        %broadcast_in_dim3A_408 = vector.shape_cast %select_n3A_407 : vector<16xi32> to vector<16x1xi32>
        %gather3A_409 = vector.shape_cast %broadcast_in_dim3A_408 : vector<16x1xi32> to vector<16xi32>
        %gather3A_410 = tpu.dynamic_gather %max3A_377[%gather3A_409] in [0] : vector<16xf32>, vector<16xi32> -> vector<16xf32>
        %gt3A_411 = arith.cmpf ogt, %gather3A_390, %select_n3A_375 : vector<16xf32>
        %eq3A_412 = arith.cmpf oeq, %gather3A_390, %select_n3A_375 : vector<16xf32>
        %lt3A_413 = arith.cmpi slt, %gather3A_400, %select_n3A_376 : vector<16xi32>
        %and3A_414 = arith.andi %eq3A_412, %lt3A_413 : vector<16xi1>
        %or3A_415 = arith.ori %gt3A_411, %and3A_414 : vector<16xi1>
        %select_n3A_416 = arith.select %or3A_415, %gather3A_390, %select_n3A_375 : vector<16xi1>, vector<16xf32>
        %select_n3A_417 = arith.select %or3A_415, %gather3A_400, %select_n3A_376 : vector<16xi1>, vector<16xi32>
        %min3A_418 = arith.minimumf %select_n3A_375, %gather3A_390 : vector<16xf32>
        %max3A_419 = arith.maximumf %max3A_377, %gather3A_410 : vector<16xf32>
        %max3A_420 = arith.maximumf %min3A_418, %max3A_419 : vector<16xf32>
        %xor3A_421 = arith.constant 4 : i32
        %xor3A_422 = vector.broadcast %xor3A_421 : i32 to vector<16xi32>
        %xor3A_423 = arith.xori %iota3A, %xor3A_422 : vector<16xi32>
        %lt3A_424 = arith.constant 0 : i32
        %lt3A_425 = vector.broadcast %lt3A_424 : i32 to vector<16xi32>
        %lt3A_426 = arith.cmpi slt, %xor3A_423, %lt3A_425 : vector<16xi32>
        %add3A_427 = arith.constant 16 : i32
        %add3A_428 = vector.broadcast %add3A_427 : i32 to vector<16xi32>
        %add3A_429 = arith.addi %xor3A_423, %add3A_428 : vector<16xi32>
        %select_n3A_430 = arith.select %lt3A_426, %add3A_429, %xor3A_423 : vector<16xi1>, vector<16xi32>
        %broadcast_in_dim3A_431 = vector.shape_cast %select_n3A_430 : vector<16xi32> to vector<16x1xi32>
        %gather3A_432 = vector.shape_cast %broadcast_in_dim3A_431 : vector<16x1xi32> to vector<16xi32>
        %gather3A_433 = tpu.dynamic_gather %select_n3A_416[%gather3A_432] in [0] : vector<16xf32>, vector<16xi32> -> vector<16xf32>
        %lt3A_434 = arith.constant 0 : i32
        %lt3A_435 = vector.broadcast %lt3A_434 : i32 to vector<16xi32>
        %lt3A_436 = arith.cmpi slt, %xor3A_423, %lt3A_435 : vector<16xi32>
        %add3A_437 = arith.constant 16 : i32
        %add3A_438 = vector.broadcast %add3A_437 : i32 to vector<16xi32>
        %add3A_439 = arith.addi %xor3A_423, %add3A_438 : vector<16xi32>
        %select_n3A_440 = arith.select %lt3A_436, %add3A_439, %xor3A_423 : vector<16xi1>, vector<16xi32>
        %broadcast_in_dim3A_441 = vector.shape_cast %select_n3A_440 : vector<16xi32> to vector<16x1xi32>
        %gather3A_442 = vector.shape_cast %broadcast_in_dim3A_441 : vector<16x1xi32> to vector<16xi32>
        %gather3A_443 = tpu.dynamic_gather %select_n3A_417[%gather3A_442] in [0] : vector<16xi32>, vector<16xi32> -> vector<16xi32>
        %lt3A_444 = arith.constant 0 : i32
        %lt3A_445 = vector.broadcast %lt3A_444 : i32 to vector<16xi32>
        %lt3A_446 = arith.cmpi slt, %xor3A_423, %lt3A_445 : vector<16xi32>
        %add3A_447 = arith.constant 16 : i32
        %add3A_448 = vector.broadcast %add3A_447 : i32 to vector<16xi32>
        %add3A_449 = arith.addi %xor3A_423, %add3A_448 : vector<16xi32>
        %select_n3A_450 = arith.select %lt3A_446, %add3A_449, %xor3A_423 : vector<16xi1>, vector<16xi32>
        %broadcast_in_dim3A_451 = vector.shape_cast %select_n3A_450 : vector<16xi32> to vector<16x1xi32>
        %gather3A_452 = vector.shape_cast %broadcast_in_dim3A_451 : vector<16x1xi32> to vector<16xi32>
        %gather3A_453 = tpu.dynamic_gather %max3A_420[%gather3A_452] in [0] : vector<16xf32>, vector<16xi32> -> vector<16xf32>
        %gt3A_454 = arith.cmpf ogt, %gather3A_433, %select_n3A_416 : vector<16xf32>
        %eq3A_455 = arith.cmpf oeq, %gather3A_433, %select_n3A_416 : vector<16xf32>
        %lt3A_456 = arith.cmpi slt, %gather3A_443, %select_n3A_417 : vector<16xi32>
        %and3A_457 = arith.andi %eq3A_455, %lt3A_456 : vector<16xi1>
        %or3A_458 = arith.ori %gt3A_454, %and3A_457 : vector<16xi1>
        %select_n3A_459 = arith.select %or3A_458, %gather3A_433, %select_n3A_416 : vector<16xi1>, vector<16xf32>
        %select_n3A_460 = arith.select %or3A_458, %gather3A_443, %select_n3A_417 : vector<16xi1>, vector<16xi32>
        %min3A_461 = arith.minimumf %select_n3A_416, %gather3A_433 : vector<16xf32>
        %max3A_462 = arith.maximumf %max3A_420, %gather3A_453 : vector<16xf32>
        %max3A_463 = arith.maximumf %min3A_461, %max3A_462 : vector<16xf32>
        %xor3A_464 = arith.constant 8 : i32
        %xor3A_465 = vector.broadcast %xor3A_464 : i32 to vector<16xi32>
        %xor3A_466 = arith.xori %iota3A, %xor3A_465 : vector<16xi32>
        %lt3A_467 = arith.constant 0 : i32
        %lt3A_468 = vector.broadcast %lt3A_467 : i32 to vector<16xi32>
        %lt3A_469 = arith.cmpi slt, %xor3A_466, %lt3A_468 : vector<16xi32>
        %add3A_470 = arith.constant 16 : i32
        %add3A_471 = vector.broadcast %add3A_470 : i32 to vector<16xi32>
        %add3A_472 = arith.addi %xor3A_466, %add3A_471 : vector<16xi32>
        %select_n3A_473 = arith.select %lt3A_469, %add3A_472, %xor3A_466 : vector<16xi1>, vector<16xi32>
        %broadcast_in_dim3A_474 = vector.shape_cast %select_n3A_473 : vector<16xi32> to vector<16x1xi32>
        %gather3A_475 = vector.shape_cast %broadcast_in_dim3A_474 : vector<16x1xi32> to vector<16xi32>
        %gather3A_476 = tpu.dynamic_gather %select_n3A_459[%gather3A_475] in [0] : vector<16xf32>, vector<16xi32> -> vector<16xf32>
        %lt3A_477 = arith.constant 0 : i32
        %lt3A_478 = vector.broadcast %lt3A_477 : i32 to vector<16xi32>
        %lt3A_479 = arith.cmpi slt, %xor3A_466, %lt3A_478 : vector<16xi32>
        %add3A_480 = arith.constant 16 : i32
        %add3A_481 = vector.broadcast %add3A_480 : i32 to vector<16xi32>
        %add3A_482 = arith.addi %xor3A_466, %add3A_481 : vector<16xi32>
        %select_n3A_483 = arith.select %lt3A_479, %add3A_482, %xor3A_466 : vector<16xi1>, vector<16xi32>
        %broadcast_in_dim3A_484 = vector.shape_cast %select_n3A_483 : vector<16xi32> to vector<16x1xi32>
        %gather3A_485 = vector.shape_cast %broadcast_in_dim3A_484 : vector<16x1xi32> to vector<16xi32>
        %gather3A_486 = tpu.dynamic_gather %select_n3A_460[%gather3A_485] in [0] : vector<16xi32>, vector<16xi32> -> vector<16xi32>
        %lt3A_487 = arith.constant 0 : i32
        %lt3A_488 = vector.broadcast %lt3A_487 : i32 to vector<16xi32>
        %lt3A_489 = arith.cmpi slt, %xor3A_466, %lt3A_488 : vector<16xi32>
        %add3A_490 = arith.constant 16 : i32
        %add3A_491 = vector.broadcast %add3A_490 : i32 to vector<16xi32>
        %add3A_492 = arith.addi %xor3A_466, %add3A_491 : vector<16xi32>
        %select_n3A_493 = arith.select %lt3A_489, %add3A_492, %xor3A_466 : vector<16xi1>, vector<16xi32>
        %broadcast_in_dim3A_494 = vector.shape_cast %select_n3A_493 : vector<16xi32> to vector<16x1xi32>
        %gather3A_495 = vector.shape_cast %broadcast_in_dim3A_494 : vector<16x1xi32> to vector<16xi32>
        %gather3A_496 = tpu.dynamic_gather %max3A_463[%gather3A_495] in [0] : vector<16xf32>, vector<16xi32> -> vector<16xf32>
        %gt3A_497 = arith.cmpf ogt, %gather3A_476, %select_n3A_459 : vector<16xf32>
        %eq3A_498 = arith.cmpf oeq, %gather3A_476, %select_n3A_459 : vector<16xf32>
        %lt3A_499 = arith.cmpi slt, %gather3A_486, %select_n3A_460 : vector<16xi32>
        %and3A_500 = arith.andi %eq3A_498, %lt3A_499 : vector<16xi1>
        %or3A_501 = arith.ori %gt3A_497, %and3A_500 : vector<16xi1>
        %select_n3A_502 = arith.select %or3A_501, %gather3A_476, %select_n3A_459 : vector<16xi1>, vector<16xf32>
        %select_n3A_503 = arith.select %or3A_501, %gather3A_486, %select_n3A_460 : vector<16xi1>, vector<16xi32>
        %min3A_504 = arith.minimumf %select_n3A_459, %gather3A_476 : vector<16xf32>
        %max3A_505 = arith.maximumf %max3A_463, %gather3A_496 : vector<16xf32>
        %max3A_506 = arith.maximumf %min3A_504, %max3A_505 : vector<16xf32>
        %mul3A_507 = arith.constant 16 : i32
        %mul3A_508 = vector.broadcast %mul3A_507 : i32 to vector<16xi32>
        %mul3A_509 = arith.muli %select_n3A_329, %mul3A_508 : vector<16xi32>
        %add3A_510 = arith.addi %mul3A_509, %iota3A : vector<16xi32>
        %gather3A_511 = tpu.vector_load_idx %arg11[%add3A_510] : memref<512xf32, #tpu.memory_space<vmem>>[vector<16xi32>], vector<16xf32>,
        %broadcast_in_dim3A_512 = arith.constant 0xFF800000 : f32
        %broadcast_in_dim3A_513 = vector.broadcast %broadcast_in_dim3A_512 : f32 to vector<16xf32>
        %xor3A_514 = arith.constant 1 : i32
        %xor3A_515 = vector.broadcast %xor3A_514 : i32 to vector<16xi32>
        %xor3A_516 = arith.xori %iota3A, %xor3A_515 : vector<16xi32>
        %lt3A_517 = arith.constant 0 : i32
        %lt3A_518 = vector.broadcast %lt3A_517 : i32 to vector<16xi32>
        %lt3A_519 = arith.cmpi slt, %xor3A_516, %lt3A_518 : vector<16xi32>
        %add3A_520 = arith.constant 16 : i32
        %add3A_521 = vector.broadcast %add3A_520 : i32 to vector<16xi32>
        %add3A_522 = arith.addi %xor3A_516, %add3A_521 : vector<16xi32>
        %select_n3A_523 = arith.select %lt3A_519, %add3A_522, %xor3A_516 : vector<16xi1>, vector<16xi32>
        %broadcast_in_dim3A_524 = vector.shape_cast %select_n3A_523 : vector<16xi32> to vector<16x1xi32>
        %gather3A_525 = vector.shape_cast %broadcast_in_dim3A_524 : vector<16x1xi32> to vector<16xi32>
        %gather3A_526 = tpu.dynamic_gather %gather3A_511[%gather3A_525] in [0] : vector<16xf32>, vector<16xi32> -> vector<16xf32>
        %lt3A_527 = arith.constant 0 : i32
        %lt3A_528 = vector.broadcast %lt3A_527 : i32 to vector<16xi32>
        %lt3A_529 = arith.cmpi slt, %xor3A_516, %lt3A_528 : vector<16xi32>
        %add3A_530 = arith.constant 16 : i32
        %add3A_531 = vector.broadcast %add3A_530 : i32 to vector<16xi32>
        %add3A_532 = arith.addi %xor3A_516, %add3A_531 : vector<16xi32>
        %select_n3A_533 = arith.select %lt3A_529, %add3A_532, %xor3A_516 : vector<16xi1>, vector<16xi32>
        %broadcast_in_dim3A_534 = vector.shape_cast %select_n3A_533 : vector<16xi32> to vector<16x1xi32>
        %gather3A_535 = vector.shape_cast %broadcast_in_dim3A_534 : vector<16x1xi32> to vector<16xi32>
        %gather3A_536 = tpu.dynamic_gather %add3A_510[%gather3A_535] in [0] : vector<16xi32>, vector<16xi32> -> vector<16xi32>
        %lt3A_537 = arith.constant 0 : i32
        %lt3A_538 = vector.broadcast %lt3A_537 : i32 to vector<16xi32>
        %lt3A_539 = arith.cmpi slt, %xor3A_516, %lt3A_538 : vector<16xi32>
        %add3A_540 = arith.constant 16 : i32
        %add3A_541 = vector.broadcast %add3A_540 : i32 to vector<16xi32>
        %add3A_542 = arith.addi %xor3A_516, %add3A_541 : vector<16xi32>
        %select_n3A_543 = arith.select %lt3A_539, %add3A_542, %xor3A_516 : vector<16xi1>, vector<16xi32>
        %broadcast_in_dim3A_544 = vector.shape_cast %select_n3A_543 : vector<16xi32> to vector<16x1xi32>
        %gather3A_545 = vector.shape_cast %broadcast_in_dim3A_544 : vector<16x1xi32> to vector<16xi32>
        %gather3A_546 = tpu.dynamic_gather %broadcast_in_dim3A_513[%gather3A_545] in [0] : vector<16xf32>, vector<16xi32> -> vector<16xf32>
        %gt3A_547 = arith.cmpf ogt, %gather3A_526, %gather3A_511 : vector<16xf32>
        %eq3A_548 = arith.cmpf oeq, %gather3A_526, %gather3A_511 : vector<16xf32>
        %lt3A_549 = arith.cmpi slt, %gather3A_536, %add3A_510 : vector<16xi32>
        %and3A_550 = arith.andi %eq3A_548, %lt3A_549 : vector<16xi1>
        %or3A_551 = arith.ori %gt3A_547, %and3A_550 : vector<16xi1>
        %select_n3A_552 = arith.select %or3A_551, %gather3A_526, %gather3A_511 : vector<16xi1>, vector<16xf32>
        %select_n3A_553 = arith.select %or3A_551, %gather3A_536, %add3A_510 : vector<16xi1>, vector<16xi32>
        %min3A_554 = arith.minimumf %gather3A_511, %gather3A_526 : vector<16xf32>
        %max3A_555 = arith.maximumf %broadcast_in_dim3A_513, %gather3A_546 : vector<16xf32>
        %max3A_556 = arith.maximumf %min3A_554, %max3A_555 : vector<16xf32>
        %xor3A_557 = arith.constant 2 : i32
        %xor3A_558 = vector.broadcast %xor3A_557 : i32 to vector<16xi32>
        %xor3A_559 = arith.xori %iota3A, %xor3A_558 : vector<16xi32>
        %lt3A_560 = arith.constant 0 : i32
        %lt3A_561 = vector.broadcast %lt3A_560 : i32 to vector<16xi32>
        %lt3A_562 = arith.cmpi slt, %xor3A_559, %lt3A_561 : vector<16xi32>
        %add3A_563 = arith.constant 16 : i32
        %add3A_564 = vector.broadcast %add3A_563 : i32 to vector<16xi32>
        %add3A_565 = arith.addi %xor3A_559, %add3A_564 : vector<16xi32>
        %select_n3A_566 = arith.select %lt3A_562, %add3A_565, %xor3A_559 : vector<16xi1>, vector<16xi32>
        %broadcast_in_dim3A_567 = vector.shape_cast %select_n3A_566 : vector<16xi32> to vector<16x1xi32>
        %gather3A_568 = vector.shape_cast %broadcast_in_dim3A_567 : vector<16x1xi32> to vector<16xi32>
        %gather3A_569 = tpu.dynamic_gather %select_n3A_552[%gather3A_568] in [0] : vector<16xf32>, vector<16xi32> -> vector<16xf32>
        %lt3A_570 = arith.constant 0 : i32
        %lt3A_571 = vector.broadcast %lt3A_570 : i32 to vector<16xi32>
        %lt3A_572 = arith.cmpi slt, %xor3A_559, %lt3A_571 : vector<16xi32>
        %add3A_573 = arith.constant 16 : i32
        %add3A_574 = vector.broadcast %add3A_573 : i32 to vector<16xi32>
        %add3A_575 = arith.addi %xor3A_559, %add3A_574 : vector<16xi32>
        %select_n3A_576 = arith.select %lt3A_572, %add3A_575, %xor3A_559 : vector<16xi1>, vector<16xi32>
        %broadcast_in_dim3A_577 = vector.shape_cast %select_n3A_576 : vector<16xi32> to vector<16x1xi32>
        %gather3A_578 = vector.shape_cast %broadcast_in_dim3A_577 : vector<16x1xi32> to vector<16xi32>
        %gather3A_579 = tpu.dynamic_gather %select_n3A_553[%gather3A_578] in [0] : vector<16xi32>, vector<16xi32> -> vector<16xi32>
        %lt3A_580 = arith.constant 0 : i32
        %lt3A_581 = vector.broadcast %lt3A_580 : i32 to vector<16xi32>
        %lt3A_582 = arith.cmpi slt, %xor3A_559, %lt3A_581 : vector<16xi32>
        %add3A_583 = arith.constant 16 : i32
        %add3A_584 = vector.broadcast %add3A_583 : i32 to vector<16xi32>
        %add3A_585 = arith.addi %xor3A_559, %add3A_584 : vector<16xi32>
        %select_n3A_586 = arith.select %lt3A_582, %add3A_585, %xor3A_559 : vector<16xi1>, vector<16xi32>
        %broadcast_in_dim3A_587 = vector.shape_cast %select_n3A_586 : vector<16xi32> to vector<16x1xi32>
        %gather3A_588 = vector.shape_cast %broadcast_in_dim3A_587 : vector<16x1xi32> to vector<16xi32>
        %gather3A_589 = tpu.dynamic_gather %max3A_556[%gather3A_588] in [0] : vector<16xf32>, vector<16xi32> -> vector<16xf32>
        %gt3A_590 = arith.cmpf ogt, %gather3A_569, %select_n3A_552 : vector<16xf32>
        %eq3A_591 = arith.cmpf oeq, %gather3A_569, %select_n3A_552 : vector<16xf32>
        %lt3A_592 = arith.cmpi slt, %gather3A_579, %select_n3A_553 : vector<16xi32>
        %and3A_593 = arith.andi %eq3A_591, %lt3A_592 : vector<16xi1>
        %or3A_594 = arith.ori %gt3A_590, %and3A_593 : vector<16xi1>
        %select_n3A_595 = arith.select %or3A_594, %gather3A_569, %select_n3A_552 : vector<16xi1>, vector<16xf32>
        %select_n3A_596 = arith.select %or3A_594, %gather3A_579, %select_n3A_553 : vector<16xi1>, vector<16xi32>
        %min3A_597 = arith.minimumf %select_n3A_552, %gather3A_569 : vector<16xf32>
        %max3A_598 = arith.maximumf %max3A_556, %gather3A_589 : vector<16xf32>
        %max3A_599 = arith.maximumf %min3A_597, %max3A_598 : vector<16xf32>
        %xor3A_600 = arith.constant 4 : i32
        %xor3A_601 = vector.broadcast %xor3A_600 : i32 to vector<16xi32>
        %xor3A_602 = arith.xori %iota3A, %xor3A_601 : vector<16xi32>
        %lt3A_603 = arith.constant 0 : i32
        %lt3A_604 = vector.broadcast %lt3A_603 : i32 to vector<16xi32>
        %lt3A_605 = arith.cmpi slt, %xor3A_602, %lt3A_604 : vector<16xi32>
        %add3A_606 = arith.constant 16 : i32
        %add3A_607 = vector.broadcast %add3A_606 : i32 to vector<16xi32>
        %add3A_608 = arith.addi %xor3A_602, %add3A_607 : vector<16xi32>
        %select_n3A_609 = arith.select %lt3A_605, %add3A_608, %xor3A_602 : vector<16xi1>, vector<16xi32>
        %broadcast_in_dim3A_610 = vector.shape_cast %select_n3A_609 : vector<16xi32> to vector<16x1xi32>
        %gather3A_611 = vector.shape_cast %broadcast_in_dim3A_610 : vector<16x1xi32> to vector<16xi32>
        %gather3A_612 = tpu.dynamic_gather %select_n3A_595[%gather3A_611] in [0] : vector<16xf32>, vector<16xi32> -> vector<16xf32>
        %lt3A_613 = arith.constant 0 : i32
        %lt3A_614 = vector.broadcast %lt3A_613 : i32 to vector<16xi32>
        %lt3A_615 = arith.cmpi slt, %xor3A_602, %lt3A_614 : vector<16xi32>
        %add3A_616 = arith.constant 16 : i32
        %add3A_617 = vector.broadcast %add3A_616 : i32 to vector<16xi32>
        %add3A_618 = arith.addi %xor3A_602, %add3A_617 : vector<16xi32>
        %select_n3A_619 = arith.select %lt3A_615, %add3A_618, %xor3A_602 : vector<16xi1>, vector<16xi32>
        %broadcast_in_dim3A_620 = vector.shape_cast %select_n3A_619 : vector<16xi32> to vector<16x1xi32>
        %gather3A_621 = vector.shape_cast %broadcast_in_dim3A_620 : vector<16x1xi32> to vector<16xi32>
        %gather3A_622 = tpu.dynamic_gather %select_n3A_596[%gather3A_621] in [0] : vector<16xi32>, vector<16xi32> -> vector<16xi32>
        %lt3A_623 = arith.constant 0 : i32
        %lt3A_624 = vector.broadcast %lt3A_623 : i32 to vector<16xi32>
        %lt3A_625 = arith.cmpi slt, %xor3A_602, %lt3A_624 : vector<16xi32>
        %add3A_626 = arith.constant 16 : i32
        %add3A_627 = vector.broadcast %add3A_626 : i32 to vector<16xi32>
        %add3A_628 = arith.addi %xor3A_602, %add3A_627 : vector<16xi32>
        %select_n3A_629 = arith.select %lt3A_625, %add3A_628, %xor3A_602 : vector<16xi1>, vector<16xi32>
        %broadcast_in_dim3A_630 = vector.shape_cast %select_n3A_629 : vector<16xi32> to vector<16x1xi32>
        %gather3A_631 = vector.shape_cast %broadcast_in_dim3A_630 : vector<16x1xi32> to vector<16xi32>
        %gather3A_632 = tpu.dynamic_gather %max3A_599[%gather3A_631] in [0] : vector<16xf32>, vector<16xi32> -> vector<16xf32>
        %gt3A_633 = arith.cmpf ogt, %gather3A_612, %select_n3A_595 : vector<16xf32>
        %eq3A_634 = arith.cmpf oeq, %gather3A_612, %select_n3A_595 : vector<16xf32>
        %lt3A_635 = arith.cmpi slt, %gather3A_622, %select_n3A_596 : vector<16xi32>
        %and3A_636 = arith.andi %eq3A_634, %lt3A_635 : vector<16xi1>
        %or3A_637 = arith.ori %gt3A_633, %and3A_636 : vector<16xi1>
        %select_n3A_638 = arith.select %or3A_637, %gather3A_612, %select_n3A_595 : vector<16xi1>, vector<16xf32>
        %select_n3A_639 = arith.select %or3A_637, %gather3A_622, %select_n3A_596 : vector<16xi1>, vector<16xi32>
        %min3A_640 = arith.minimumf %select_n3A_595, %gather3A_612 : vector<16xf32>
        %max3A_641 = arith.maximumf %max3A_599, %gather3A_632 : vector<16xf32>
        %max3A_642 = arith.maximumf %min3A_640, %max3A_641 : vector<16xf32>
        %xor3A_643 = arith.constant 8 : i32
        %xor3A_644 = vector.broadcast %xor3A_643 : i32 to vector<16xi32>
        %xor3A_645 = arith.xori %iota3A, %xor3A_644 : vector<16xi32>
        %lt3A_646 = arith.constant 0 : i32
        %lt3A_647 = vector.broadcast %lt3A_646 : i32 to vector<16xi32>
        %lt3A_648 = arith.cmpi slt, %xor3A_645, %lt3A_647 : vector<16xi32>
        %add3A_649 = arith.constant 16 : i32
        %add3A_650 = vector.broadcast %add3A_649 : i32 to vector<16xi32>
        %add3A_651 = arith.addi %xor3A_645, %add3A_650 : vector<16xi32>
        %select_n3A_652 = arith.select %lt3A_648, %add3A_651, %xor3A_645 : vector<16xi1>, vector<16xi32>
        %broadcast_in_dim3A_653 = vector.shape_cast %select_n3A_652 : vector<16xi32> to vector<16x1xi32>
        %gather3A_654 = vector.shape_cast %broadcast_in_dim3A_653 : vector<16x1xi32> to vector<16xi32>
        %gather3A_655 = tpu.dynamic_gather %select_n3A_638[%gather3A_654] in [0] : vector<16xf32>, vector<16xi32> -> vector<16xf32>
        %lt3A_656 = arith.constant 0 : i32
        %lt3A_657 = vector.broadcast %lt3A_656 : i32 to vector<16xi32>
        %lt3A_658 = arith.cmpi slt, %xor3A_645, %lt3A_657 : vector<16xi32>
        %add3A_659 = arith.constant 16 : i32
        %add3A_660 = vector.broadcast %add3A_659 : i32 to vector<16xi32>
        %add3A_661 = arith.addi %xor3A_645, %add3A_660 : vector<16xi32>
        %select_n3A_662 = arith.select %lt3A_658, %add3A_661, %xor3A_645 : vector<16xi1>, vector<16xi32>
        %broadcast_in_dim3A_663 = vector.shape_cast %select_n3A_662 : vector<16xi32> to vector<16x1xi32>
        %gather3A_664 = vector.shape_cast %broadcast_in_dim3A_663 : vector<16x1xi32> to vector<16xi32>
        %gather3A_665 = tpu.dynamic_gather %select_n3A_639[%gather3A_664] in [0] : vector<16xi32>, vector<16xi32> -> vector<16xi32>
        %lt3A_666 = arith.constant 0 : i32
        %lt3A_667 = vector.broadcast %lt3A_666 : i32 to vector<16xi32>
        %lt3A_668 = arith.cmpi slt, %xor3A_645, %lt3A_667 : vector<16xi32>
        %add3A_669 = arith.constant 16 : i32
        %add3A_670 = vector.broadcast %add3A_669 : i32 to vector<16xi32>
        %add3A_671 = arith.addi %xor3A_645, %add3A_670 : vector<16xi32>
        %select_n3A_672 = arith.select %lt3A_668, %add3A_671, %xor3A_645 : vector<16xi1>, vector<16xi32>
        %broadcast_in_dim3A_673 = vector.shape_cast %select_n3A_672 : vector<16xi32> to vector<16x1xi32>
        %gather3A_674 = vector.shape_cast %broadcast_in_dim3A_673 : vector<16x1xi32> to vector<16xi32>
        %gather3A_675 = tpu.dynamic_gather %max3A_642[%gather3A_674] in [0] : vector<16xf32>, vector<16xi32> -> vector<16xf32>
        %gt3A_676 = arith.cmpf ogt, %gather3A_655, %select_n3A_638 : vector<16xf32>
        %eq3A_677 = arith.cmpf oeq, %gather3A_655, %select_n3A_638 : vector<16xf32>
        %lt3A_678 = arith.cmpi slt, %gather3A_665, %select_n3A_639 : vector<16xi32>
        %and3A_679 = arith.andi %eq3A_677, %lt3A_678 : vector<16xi1>
        %or3A_680 = arith.ori %gt3A_676, %and3A_679 : vector<16xi1>
        %select_n3A_681 = arith.select %or3A_680, %gather3A_655, %select_n3A_638 : vector<16xi1>, vector<16xf32>
        %select_n3A_682 = arith.select %or3A_680, %gather3A_665, %select_n3A_639 : vector<16xi1>, vector<16xi32>
        %min3A_683 = arith.minimumf %select_n3A_638, %gather3A_655 : vector<16xf32>
        %max3A_684 = arith.maximumf %max3A_642, %gather3A_675 : vector<16xf32>
        %max3A_685 = arith.maximumf %min3A_683, %max3A_684 : vector<16xf32>
        %gather3A_686 = tpu.vector_load_idx %arg12[%select_n3A_503] : memref<512xi32, #tpu.memory_space<vmem>>[vector<16xi32>], vector<16xi32>,
        %gather3A_687 = tpu.vector_load_idx %arg12[%select_n3A_682] : memref<512xi32, #tpu.memory_space<vmem>>[vector<16xi32>], vector<16xi32>,
        tpu.vector_store_idx %arg21[%select_n3A_503], %gather3A_686 masked %eq3A_1 : memref<512xi32, #tpu.memory_space<vmem>>[vector<16xi32>], vector<16xi32>, vector<16xi1>
        tpu.vector_store_idx %arg11[%select_n3A_503], %broadcast_in_dim3A_2 masked %eq3A_1 : memref<512xf32, #tpu.memory_space<vmem>>[vector<16xi32>], vector<16xf32>, vector<16xi1>
        tpu.vector_store_idx %arg9[%gather3A_686], %broadcast_in_dim3A_2 masked %eq3A_1 : memref<2048xf32, #tpu.memory_space<vmem>>[vector<16xi32>], vector<16xf32>, vector<16xi1>
        tpu.vector_store_idx %arg15[%select_n3A_313], %max3A_506 masked %eq3A_1 : memref<32xf32, #tpu.memory_space<vmem>>[vector<16xi32>], vector<16xf32>, vector<16xi1>
        %gather3A_688 = tpu.vector_load_idx %arg10[%gather3A_686] : memref<2048xi32, #tpu.memory_space<vmem>>[vector<16xi32>], vector<16xi32>,
        %slice3A = vector.extract_strided_slice %gather3A_688 {offsets = [0], sizes = [1], strides = [1]} : vector<16xi32> to vector<1xi32>
        %squeeze3A = vector.extract %slice3A[0] : i32 from vector<1xi32>
        %sub3A = arith.constant 1 : i32
        %sub3A_689 = arith.subi %squeeze3A, %sub3A : i32
        %gt3A_690 = arith.cmpf ogt, %select_n3A_328, %max3A_506 : vector<16xf32>
        %ne3A = arith.cmpi ne, %gather3A_687, %gather3A_686 : vector<16xi32>
        %and3A_691 = arith.andi %gt3A_690, %ne3A : vector<16xi1>
        %select_n3A_692 = arith.select %and3A_691, %broadcast_in_dim3A_32, %broadcast_in_dim3A_4 : vector<16xi1>, vector<16xi32>
        %slice3A_693 = vector.extract_strided_slice %select_n3A_692 {offsets = [0], sizes = [1], strides = [1]} : vector<16xi32> to vector<1xi32>
        %squeeze3A_694 = vector.extract %slice3A_693[0] : i32 from vector<1xi32>
        %gt3A_695 = arith.constant 0 : i32
        %gt3A_696 = arith.cmpi sgt, %squeeze3A_694, %gt3A_695 : i32
        %eq3A_697 = arith.constant 0 : i32
        %eq3A_698 = arith.cmpi eq, %sub3A_689, %eq3A_697 : i32
        %and3A_699 = arith.andi %gt3A_696, %eq3A_698 : i1
        %convert_element_type3A_700 = arith.extui %and3A_699 : i1 to i32
        %cond3A_701 = arith.constant 0 : i32
        %cond3A_702 = arith.cmpi ne, %convert_element_type3A_700, %cond3A_701 : i32
        scf.if %cond3A_702 {
          tpu.vector_store_idx %arg21[%select_n3A_682], %gather3A_687 masked %eq3A_1 : memref<512xi32, #tpu.memory_space<vmem>>[vector<16xi32>], vector<16xi32>, vector<16xi1>
          tpu.vector_store_idx %arg11[%select_n3A_682], %broadcast_in_dim3A_2 masked %eq3A_1 : memref<512xf32, #tpu.memory_space<vmem>>[vector<16xi32>], vector<16xf32>, vector<16xi1>
          tpu.vector_store_idx %arg9[%gather3A_687], %broadcast_in_dim3A_2 masked %eq3A_1 : memref<2048xf32, #tpu.memory_space<vmem>>[vector<16xi32>], vector<16xf32>, vector<16xi1>
          tpu.vector_store_idx %arg15[%select_n3A_329], %max3A_685 masked %eq3A_1 : memref<32xf32, #tpu.memory_space<vmem>>[vector<16xi32>], vector<16xf32>, vector<16xi1>
        } else {
        }
        %broadcast_in_dim3A_703 = vector.broadcast %and3A_699 : i1 to vector<16xi1>
        %select_n3A_704 = arith.select %broadcast_in_dim3A_703, %gather3A_687, %gather3A_686 : vector<16xi1>, vector<16xi32>
        %gather3A_705 = tpu.vector_load_idx %arg10[%select_n3A_704] : memref<2048xi32, #tpu.memory_space<vmem>>[vector<16xi32>], vector<16xi32>,
        %slice3A_706 = vector.extract_strided_slice %gather3A_705 {offsets = [0], sizes = [1], strides = [1]} : vector<16xi32> to vector<1xi32>
        %squeeze3A_707 = vector.extract %slice3A_706[0] : i32 from vector<1xi32>
        %sub3A_708 = arith.constant 1 : i32
        %sub3A_709 = arith.subi %squeeze3A_707, %sub3A_708 : i32
        %while3A_710 = scf.while (%while3A_715 = %sub3A_709) : (i32) -> i32 {
          %gt3A_716 = arith.constant 0 : i32
          %gt3A_717 = arith.cmpi sgt, %while3A_715, %gt3A_716 : i32
          scf.condition(%gt3A_717) %while3A_715 : i32
        } do {
        ^bb0(%while3A_715: i32):
          %scan3A_716 = arith.constant 0 : i32
          %scan3A_717 = arith.constant 32 : i32
          %scan3A_718 = arith.addi %scan3A_716, %scan3A_717 : i32
          %scan3A_719 = arith.constant 8 : i32
          %scan3A_720 = scf.for %scan3A_867 = %scan3A_716 to %scan3A_718 step %scan3A_719 iter_args(%scan3A_868 = %broadcast_in_dim3A_6) -> (vector<16xi32>)  : i32 {
            %mul3A_869 = arith.constant 16 : i32
            %mul3A_870 = arith.muli %scan3A_867, %mul3A_869 : i32
            %get3A_871 = arith.index_cast %mul3A_870 : i32 to index
            %get3A_872 = tpu.vector_load %arg12[%get3A_871] {strides = array<i32>} : memref<512xi32, #tpu.memory_space<vmem>>, vector<16xi32>,
            %mul3A_873 = arith.constant 16 : i32
            %mul3A_874 = arith.muli %scan3A_867, %mul3A_873 : i32
            %get3A_875 = arith.index_cast %mul3A_874 : i32 to index
            %get3A_876 = tpu.vector_load %arg11[%get3A_875] {strides = array<i32>} : memref<512xf32, #tpu.memory_space<vmem>>, vector<16xf32>,
            %eq3A_877 = arith.cmpi eq, %get3A_872, %select_n3A_704 : vector<16xi32>
            %gt3A_878 = arith.cmpf ogt, %get3A_876, %broadcast_in_dim3A_2 : vector<16xf32>
            %and3A_879 = arith.andi %eq3A_877, %gt3A_878 : vector<16xi1>
            %mul3A_880 = arith.constant 16 : i32
            %mul3A_881 = arith.muli %scan3A_867, %mul3A_880 : i32
            %add3A_882 = vector.broadcast %mul3A_881 : i32 to vector<16xi32>
            %add3A_883 = arith.addi %add3A_882, %iota3A : vector<16xi32>
            %min3A_884 = arith.minsi %scan3A_868, %add3A_883 : vector<16xi32>
            %select_n3A_885 = arith.select %and3A_879, %min3A_884, %scan3A_868 : vector<16xi1>, vector<16xi32>
            %scan3A_886 = arith.constant 1 : i32
            %scan3A_887 = arith.addi %scan3A_867, %scan3A_886 : i32
            %mul3A_888 = arith.constant 16 : i32
            %mul3A_889 = arith.muli %scan3A_887, %mul3A_888 : i32
            %get3A_890 = arith.index_cast %mul3A_889 : i32 to index
            %get3A_891 = tpu.vector_load %arg12[%get3A_890] {strides = array<i32>} : memref<512xi32, #tpu.memory_space<vmem>>, vector<16xi32>,
            %mul3A_892 = arith.constant 16 : i32
            %mul3A_893 = arith.muli %scan3A_887, %mul3A_892 : i32
            %get3A_894 = arith.index_cast %mul3A_893 : i32 to index
            %get3A_895 = tpu.vector_load %arg11[%get3A_894] {strides = array<i32>} : memref<512xf32, #tpu.memory_space<vmem>>, vector<16xf32>,
            %eq3A_896 = arith.cmpi eq, %get3A_891, %select_n3A_704 : vector<16xi32>
            %gt3A_897 = arith.cmpf ogt, %get3A_895, %broadcast_in_dim3A_2 : vector<16xf32>
            %and3A_898 = arith.andi %eq3A_896, %gt3A_897 : vector<16xi1>
            %mul3A_899 = arith.constant 16 : i32
            %mul3A_900 = arith.muli %scan3A_887, %mul3A_899 : i32
            %add3A_901 = vector.broadcast %mul3A_900 : i32 to vector<16xi32>
            %add3A_902 = arith.addi %add3A_901, %iota3A : vector<16xi32>
            %min3A_903 = arith.minsi %select_n3A_885, %add3A_902 : vector<16xi32>
            %select_n3A_904 = arith.select %and3A_898, %min3A_903, %select_n3A_885 : vector<16xi1>, vector<16xi32>
            %scan3A_905 = arith.constant 2 : i32
            %scan3A_906 = arith.addi %scan3A_867, %scan3A_905 : i32
            %mul3A_907 = arith.constant 16 : i32
            %mul3A_908 = arith.muli %scan3A_906, %mul3A_907 : i32
            %get3A_909 = arith.index_cast %mul3A_908 : i32 to index
            %get3A_910 = tpu.vector_load %arg12[%get3A_909] {strides = array<i32>} : memref<512xi32, #tpu.memory_space<vmem>>, vector<16xi32>,
            %mul3A_911 = arith.constant 16 : i32
            %mul3A_912 = arith.muli %scan3A_906, %mul3A_911 : i32
            %get3A_913 = arith.index_cast %mul3A_912 : i32 to index
            %get3A_914 = tpu.vector_load %arg11[%get3A_913] {strides = array<i32>} : memref<512xf32, #tpu.memory_space<vmem>>, vector<16xf32>,
            %eq3A_915 = arith.cmpi eq, %get3A_910, %select_n3A_704 : vector<16xi32>
            %gt3A_916 = arith.cmpf ogt, %get3A_914, %broadcast_in_dim3A_2 : vector<16xf32>
            %and3A_917 = arith.andi %eq3A_915, %gt3A_916 : vector<16xi1>
            %mul3A_918 = arith.constant 16 : i32
            %mul3A_919 = arith.muli %scan3A_906, %mul3A_918 : i32
            %add3A_920 = vector.broadcast %mul3A_919 : i32 to vector<16xi32>
            %add3A_921 = arith.addi %add3A_920, %iota3A : vector<16xi32>
            %min3A_922 = arith.minsi %select_n3A_904, %add3A_921 : vector<16xi32>
            %select_n3A_923 = arith.select %and3A_917, %min3A_922, %select_n3A_904 : vector<16xi1>, vector<16xi32>
            %scan3A_924 = arith.constant 3 : i32
            %scan3A_925 = arith.addi %scan3A_867, %scan3A_924 : i32
            %mul3A_926 = arith.constant 16 : i32
            %mul3A_927 = arith.muli %scan3A_925, %mul3A_926 : i32
            %get3A_928 = arith.index_cast %mul3A_927 : i32 to index
            %get3A_929 = tpu.vector_load %arg12[%get3A_928] {strides = array<i32>} : memref<512xi32, #tpu.memory_space<vmem>>, vector<16xi32>,
            %mul3A_930 = arith.constant 16 : i32
            %mul3A_931 = arith.muli %scan3A_925, %mul3A_930 : i32
            %get3A_932 = arith.index_cast %mul3A_931 : i32 to index
            %get3A_933 = tpu.vector_load %arg11[%get3A_932] {strides = array<i32>} : memref<512xf32, #tpu.memory_space<vmem>>, vector<16xf32>,
            %eq3A_934 = arith.cmpi eq, %get3A_929, %select_n3A_704 : vector<16xi32>
            %gt3A_935 = arith.cmpf ogt, %get3A_933, %broadcast_in_dim3A_2 : vector<16xf32>
            %and3A_936 = arith.andi %eq3A_934, %gt3A_935 : vector<16xi1>
            %mul3A_937 = arith.constant 16 : i32
            %mul3A_938 = arith.muli %scan3A_925, %mul3A_937 : i32
            %add3A_939 = vector.broadcast %mul3A_938 : i32 to vector<16xi32>
            %add3A_940 = arith.addi %add3A_939, %iota3A : vector<16xi32>
            %min3A_941 = arith.minsi %select_n3A_923, %add3A_940 : vector<16xi32>
            %select_n3A_942 = arith.select %and3A_936, %min3A_941, %select_n3A_923 : vector<16xi1>, vector<16xi32>
            %scan3A_943 = arith.constant 4 : i32
            %scan3A_944 = arith.addi %scan3A_867, %scan3A_943 : i32
            %mul3A_945 = arith.constant 16 : i32
            %mul3A_946 = arith.muli %scan3A_944, %mul3A_945 : i32
            %get3A_947 = arith.index_cast %mul3A_946 : i32 to index
            %get3A_948 = tpu.vector_load %arg12[%get3A_947] {strides = array<i32>} : memref<512xi32, #tpu.memory_space<vmem>>, vector<16xi32>,
            %mul3A_949 = arith.constant 16 : i32
            %mul3A_950 = arith.muli %scan3A_944, %mul3A_949 : i32
            %get3A_951 = arith.index_cast %mul3A_950 : i32 to index
            %get3A_952 = tpu.vector_load %arg11[%get3A_951] {strides = array<i32>} : memref<512xf32, #tpu.memory_space<vmem>>, vector<16xf32>,
            %eq3A_953 = arith.cmpi eq, %get3A_948, %select_n3A_704 : vector<16xi32>
            %gt3A_954 = arith.cmpf ogt, %get3A_952, %broadcast_in_dim3A_2 : vector<16xf32>
            %and3A_955 = arith.andi %eq3A_953, %gt3A_954 : vector<16xi1>
            %mul3A_956 = arith.constant 16 : i32
            %mul3A_957 = arith.muli %scan3A_944, %mul3A_956 : i32
            %add3A_958 = vector.broadcast %mul3A_957 : i32 to vector<16xi32>
            %add3A_959 = arith.addi %add3A_958, %iota3A : vector<16xi32>
            %min3A_960 = arith.minsi %select_n3A_942, %add3A_959 : vector<16xi32>
            %select_n3A_961 = arith.select %and3A_955, %min3A_960, %select_n3A_942 : vector<16xi1>, vector<16xi32>
            %scan3A_962 = arith.constant 5 : i32
            %scan3A_963 = arith.addi %scan3A_867, %scan3A_962 : i32
            %mul3A_964 = arith.constant 16 : i32
            %mul3A_965 = arith.muli %scan3A_963, %mul3A_964 : i32
            %get3A_966 = arith.index_cast %mul3A_965 : i32 to index
            %get3A_967 = tpu.vector_load %arg12[%get3A_966] {strides = array<i32>} : memref<512xi32, #tpu.memory_space<vmem>>, vector<16xi32>,
            %mul3A_968 = arith.constant 16 : i32
            %mul3A_969 = arith.muli %scan3A_963, %mul3A_968 : i32
            %get3A_970 = arith.index_cast %mul3A_969 : i32 to index
            %get3A_971 = tpu.vector_load %arg11[%get3A_970] {strides = array<i32>} : memref<512xf32, #tpu.memory_space<vmem>>, vector<16xf32>,
            %eq3A_972 = arith.cmpi eq, %get3A_967, %select_n3A_704 : vector<16xi32>
            %gt3A_973 = arith.cmpf ogt, %get3A_971, %broadcast_in_dim3A_2 : vector<16xf32>
            %and3A_974 = arith.andi %eq3A_972, %gt3A_973 : vector<16xi1>
            %mul3A_975 = arith.constant 16 : i32
            %mul3A_976 = arith.muli %scan3A_963, %mul3A_975 : i32
            %add3A_977 = vector.broadcast %mul3A_976 : i32 to vector<16xi32>
            %add3A_978 = arith.addi %add3A_977, %iota3A : vector<16xi32>
            %min3A_979 = arith.minsi %select_n3A_961, %add3A_978 : vector<16xi32>
            %select_n3A_980 = arith.select %and3A_974, %min3A_979, %select_n3A_961 : vector<16xi1>, vector<16xi32>
            %scan3A_981 = arith.constant 6 : i32
            %scan3A_982 = arith.addi %scan3A_867, %scan3A_981 : i32
            %mul3A_983 = arith.constant 16 : i32
            %mul3A_984 = arith.muli %scan3A_982, %mul3A_983 : i32
            %get3A_985 = arith.index_cast %mul3A_984 : i32 to index
            %get3A_986 = tpu.vector_load %arg12[%get3A_985] {strides = array<i32>} : memref<512xi32, #tpu.memory_space<vmem>>, vector<16xi32>,
            %mul3A_987 = arith.constant 16 : i32
            %mul3A_988 = arith.muli %scan3A_982, %mul3A_987 : i32
            %get3A_989 = arith.index_cast %mul3A_988 : i32 to index
            %get3A_990 = tpu.vector_load %arg11[%get3A_989] {strides = array<i32>} : memref<512xf32, #tpu.memory_space<vmem>>, vector<16xf32>,
            %eq3A_991 = arith.cmpi eq, %get3A_986, %select_n3A_704 : vector<16xi32>
            %gt3A_992 = arith.cmpf ogt, %get3A_990, %broadcast_in_dim3A_2 : vector<16xf32>
            %and3A_993 = arith.andi %eq3A_991, %gt3A_992 : vector<16xi1>
            %mul3A_994 = arith.constant 16 : i32
            %mul3A_995 = arith.muli %scan3A_982, %mul3A_994 : i32
            %add3A_996 = vector.broadcast %mul3A_995 : i32 to vector<16xi32>
            %add3A_997 = arith.addi %add3A_996, %iota3A : vector<16xi32>
            %min3A_998 = arith.minsi %select_n3A_980, %add3A_997 : vector<16xi32>
            %select_n3A_999 = arith.select %and3A_993, %min3A_998, %select_n3A_980 : vector<16xi1>, vector<16xi32>
            %scan3A_1000 = arith.constant 7 : i32
            %scan3A_1001 = arith.addi %scan3A_867, %scan3A_1000 : i32
            %mul3A_1002 = arith.constant 16 : i32
            %mul3A_1003 = arith.muli %scan3A_1001, %mul3A_1002 : i32
            %get3A_1004 = arith.index_cast %mul3A_1003 : i32 to index
            %get3A_1005 = tpu.vector_load %arg12[%get3A_1004] {strides = array<i32>} : memref<512xi32, #tpu.memory_space<vmem>>, vector<16xi32>,
            %mul3A_1006 = arith.constant 16 : i32
            %mul3A_1007 = arith.muli %scan3A_1001, %mul3A_1006 : i32
            %get3A_1008 = arith.index_cast %mul3A_1007 : i32 to index
            %get3A_1009 = tpu.vector_load %arg11[%get3A_1008] {strides = array<i32>} : memref<512xf32, #tpu.memory_space<vmem>>, vector<16xf32>,
            %eq3A_1010 = arith.cmpi eq, %get3A_1005, %select_n3A_704 : vector<16xi32>
            %gt3A_1011 = arith.cmpf ogt, %get3A_1009, %broadcast_in_dim3A_2 : vector<16xf32>
            %and3A_1012 = arith.andi %eq3A_1010, %gt3A_1011 : vector<16xi1>
            %mul3A_1013 = arith.constant 16 : i32
            %mul3A_1014 = arith.muli %scan3A_1001, %mul3A_1013 : i32
            %add3A_1015 = vector.broadcast %mul3A_1014 : i32 to vector<16xi32>
            %add3A_1016 = arith.addi %add3A_1015, %iota3A : vector<16xi32>
            %min3A_1017 = arith.minsi %select_n3A_999, %add3A_1016 : vector<16xi32>
            %select_n3A_1018 = arith.select %and3A_1012, %min3A_1017, %select_n3A_999 : vector<16xi1>, vector<16xi32>
            scf.yield %select_n3A_1018 : vector<16xi32>
          }
          %scan3A_721 = arith.constant 32 : i32
          %xor3A_722 = arith.constant 1 : i32
          %xor3A_723 = vector.broadcast %xor3A_722 : i32 to vector<16xi32>
          %xor3A_724 = arith.xori %iota3A, %xor3A_723 : vector<16xi32>
          %lt3A_725 = arith.constant 0 : i32
          %lt3A_726 = vector.broadcast %lt3A_725 : i32 to vector<16xi32>
          %lt3A_727 = arith.cmpi slt, %xor3A_724, %lt3A_726 : vector<16xi32>
          %add3A_728 = arith.constant 16 : i32
          %add3A_729 = vector.broadcast %add3A_728 : i32 to vector<16xi32>
          %add3A_730 = arith.addi %xor3A_724, %add3A_729 : vector<16xi32>
          %select_n3A_731 = arith.select %lt3A_727, %add3A_730, %xor3A_724 : vector<16xi1>, vector<16xi32>
          %broadcast_in_dim3A_732 = vector.shape_cast %select_n3A_731 : vector<16xi32> to vector<16x1xi32>
          %gather3A_733 = vector.shape_cast %broadcast_in_dim3A_732 : vector<16x1xi32> to vector<16xi32>
          %gather3A_734 = tpu.dynamic_gather %scan3A_720[%gather3A_733] in [0] : vector<16xi32>, vector<16xi32> -> vector<16xi32>
          %min3A_735 = arith.minsi %scan3A_720, %gather3A_734 : vector<16xi32>
          %xor3A_736 = arith.constant 2 : i32
          %xor3A_737 = vector.broadcast %xor3A_736 : i32 to vector<16xi32>
          %xor3A_738 = arith.xori %iota3A, %xor3A_737 : vector<16xi32>
          %lt3A_739 = arith.constant 0 : i32
          %lt3A_740 = vector.broadcast %lt3A_739 : i32 to vector<16xi32>
          %lt3A_741 = arith.cmpi slt, %xor3A_738, %lt3A_740 : vector<16xi32>
          %add3A_742 = arith.constant 16 : i32
          %add3A_743 = vector.broadcast %add3A_742 : i32 to vector<16xi32>
          %add3A_744 = arith.addi %xor3A_738, %add3A_743 : vector<16xi32>
          %select_n3A_745 = arith.select %lt3A_741, %add3A_744, %xor3A_738 : vector<16xi1>, vector<16xi32>
          %broadcast_in_dim3A_746 = vector.shape_cast %select_n3A_745 : vector<16xi32> to vector<16x1xi32>
          %gather3A_747 = vector.shape_cast %broadcast_in_dim3A_746 : vector<16x1xi32> to vector<16xi32>
          %gather3A_748 = tpu.dynamic_gather %min3A_735[%gather3A_747] in [0] : vector<16xi32>, vector<16xi32> -> vector<16xi32>
          %min3A_749 = arith.minsi %min3A_735, %gather3A_748 : vector<16xi32>
          %xor3A_750 = arith.constant 4 : i32
          %xor3A_751 = vector.broadcast %xor3A_750 : i32 to vector<16xi32>
          %xor3A_752 = arith.xori %iota3A, %xor3A_751 : vector<16xi32>
          %lt3A_753 = arith.constant 0 : i32
          %lt3A_754 = vector.broadcast %lt3A_753 : i32 to vector<16xi32>
          %lt3A_755 = arith.cmpi slt, %xor3A_752, %lt3A_754 : vector<16xi32>
          %add3A_756 = arith.constant 16 : i32
          %add3A_757 = vector.broadcast %add3A_756 : i32 to vector<16xi32>
          %add3A_758 = arith.addi %xor3A_752, %add3A_757 : vector<16xi32>
          %select_n3A_759 = arith.select %lt3A_755, %add3A_758, %xor3A_752 : vector<16xi1>, vector<16xi32>
          %broadcast_in_dim3A_760 = vector.shape_cast %select_n3A_759 : vector<16xi32> to vector<16x1xi32>
          %gather3A_761 = vector.shape_cast %broadcast_in_dim3A_760 : vector<16x1xi32> to vector<16xi32>
          %gather3A_762 = tpu.dynamic_gather %min3A_749[%gather3A_761] in [0] : vector<16xi32>, vector<16xi32> -> vector<16xi32>
          %min3A_763 = arith.minsi %min3A_749, %gather3A_762 : vector<16xi32>
          %xor3A_764 = arith.constant 8 : i32
          %xor3A_765 = vector.broadcast %xor3A_764 : i32 to vector<16xi32>
          %xor3A_766 = arith.xori %iota3A, %xor3A_765 : vector<16xi32>
          %lt3A_767 = arith.constant 0 : i32
          %lt3A_768 = vector.broadcast %lt3A_767 : i32 to vector<16xi32>
          %lt3A_769 = arith.cmpi slt, %xor3A_766, %lt3A_768 : vector<16xi32>
          %add3A_770 = arith.constant 16 : i32
          %add3A_771 = vector.broadcast %add3A_770 : i32 to vector<16xi32>
          %add3A_772 = arith.addi %xor3A_766, %add3A_771 : vector<16xi32>
          %select_n3A_773 = arith.select %lt3A_769, %add3A_772, %xor3A_766 : vector<16xi1>, vector<16xi32>
          %broadcast_in_dim3A_774 = vector.shape_cast %select_n3A_773 : vector<16xi32> to vector<16x1xi32>
          %gather3A_775 = vector.shape_cast %broadcast_in_dim3A_774 : vector<16x1xi32> to vector<16xi32>
          %gather3A_776 = tpu.dynamic_gather %min3A_763[%gather3A_775] in [0] : vector<16xi32>, vector<16xi32> -> vector<16xi32>
          %min3A_777 = arith.minsi %min3A_763, %gather3A_776 : vector<16xi32>
          %slice3A_778 = vector.extract_strided_slice %min3A_777 {offsets = [0], sizes = [1], strides = [1]} : vector<16xi32> to vector<1xi32>
          %squeeze3A_779 = vector.extract %slice3A_778[0] : i32 from vector<1xi32>
          %broadcast_in_dim3A_780 = vector.broadcast %squeeze3A_779 : i32 to vector<16xi32>
          %gather3A_781 = tpu.vector_load_idx %arg14[%broadcast_in_dim3A_780] : memref<512xi32, #tpu.memory_space<vmem>>[vector<16xi32>], vector<16xi32>,
          %gather3A_782 = tpu.vector_load_idx %arg13[%broadcast_in_dim3A_780] : memref<512xf32, #tpu.memory_space<vmem>>[vector<16xi32>], vector<16xf32>,
          %max3A_783 = arith.maxsi %gather3A_781, %broadcast_in_dim3A_4 : vector<16xi32>
          %gather3A_784 = tpu.vector_load_idx %arg9[%max3A_783] : memref<2048xf32, #tpu.memory_space<vmem>>[vector<16xi32>], vector<16xf32>,
          %ge3A = arith.constant 0 : i32
          %ge3A_785 = vector.broadcast %ge3A : i32 to vector<16xi32>
          %ge3A_786 = arith.cmpi sge, %gather3A_781, %ge3A_785 : vector<16xi32>
          %eq3A_787 = arith.constant 0.000000e+00 : f32
          %eq3A_788 = vector.broadcast %eq3A_787 : f32 to vector<16xf32>
          %eq3A_789 = arith.cmpf oeq, %gather3A_784, %eq3A_788 : vector<16xf32>
          %and3A_790 = arith.andi %ge3A_786, %eq3A_789 : vector<16xi1>
          %select_n3A_791 = arith.select %and3A_790, %broadcast_in_dim3A_32, %broadcast_in_dim3A_4 : vector<16xi1>, vector<16xi32>
          %slice3A_792 = vector.extract_strided_slice %select_n3A_791 {offsets = [0], sizes = [1], strides = [1]} : vector<16xi32> to vector<1xi32>
          %squeeze3A_793 = vector.extract %slice3A_792[0] : i32 from vector<1xi32>
          %gt3A_794 = arith.constant 0 : i32
          %gt3A_795 = arith.cmpi sgt, %squeeze3A_793, %gt3A_794 : i32
          %convert_element_type3A_796 = arith.extui %gt3A_795 : i1 to i32
          %cond3A_797 = arith.constant 0 : i32
          %cond3A_798 = arith.cmpi ne, %convert_element_type3A_796, %cond3A_797 : i32
          scf.if %cond3A_798 {
            tpu.vector_store_idx %arg11[%broadcast_in_dim3A_780], %gather3A_782 masked %eq3A_1 : memref<512xf32, #tpu.memory_space<vmem>>[vector<16xi32>], vector<16xf32>, vector<16xi1>
            tpu.vector_store_idx %arg12[%broadcast_in_dim3A_780], %gather3A_781 masked %eq3A_1 : memref<512xi32, #tpu.memory_space<vmem>>[vector<16xi32>], vector<16xi32>, vector<16xi1>
            %broadcast_in_dim3A_867 = arith.constant -1 : i32
            %broadcast_in_dim3A_868 = vector.broadcast %broadcast_in_dim3A_867 : i32 to vector<16xi32>
            tpu.vector_store_idx %arg14[%broadcast_in_dim3A_780], %broadcast_in_dim3A_868 masked %eq3A_1 : memref<512xi32, #tpu.memory_space<vmem>>[vector<16xi32>], vector<16xi32>, vector<16xi1>
            tpu.vector_store_idx %arg10[%gather3A_781], %broadcast_in_dim3A_32 masked %eq3A_1 {add = true} : memref<2048xi32, #tpu.memory_space<vmem>>[vector<16xi32>], vector<16xi32>, vector<16xi1>
          } else {
          }
          %not3A = arith.constant true
          %not3A_799 = arith.xori %gt3A_795, %not3A : i1
          %convert_element_type3A_800 = arith.extui %not3A_799 : i1 to i32
          %cond3A_801 = arith.constant 0 : i32
          %cond3A_802 = arith.cmpi ne, %convert_element_type3A_800, %cond3A_801 : i32
          scf.if %cond3A_802 {
            %mul3A_867 = arith.constant 2048 : i32
            %mul3A_868 = arith.muli %squeeze3A_779, %mul3A_867 : i32
            "tpu.region"() ({
              %run_scoped3A = tpu.sem_alloc : memref<!tpu.dma_semaphore, #tpu.memory_space<semaphore_mem>>
              %dma_start3A_1139 = tpu.memref_slice %arg22[%mul3A_868] : memref<1048576xf32, #tpu.memory_space<vmem_shared>> -> memref<2048xf32, #tpu.memory_space<vmem_shared>>
              %dma_start3A_1140 = tpu.memref_slice %arg22[%mul3A_868] : memref<1048576xf32, #tpu.memory_space<vmem_shared>> -> memref<2048xf32, #tpu.memory_space<vmem_shared>>
              tpu.enqueue_dma source(%dma_start3A_1140 : memref<2048xf32, #tpu.memory_space<vmem_shared>>) target(%arg5 : memref<2048xf32, #tpu.memory_space<vmem>>) target_semaphore(%run_scoped3A : memref<!tpu.dma_semaphore, #tpu.memory_space<semaphore_mem>>)
              %dma_wait3A_1141 = tpu.memref_slice %arg22[%mul3A_868] : memref<1048576xf32, #tpu.memory_space<vmem_shared>> -> memref<2048xf32, #tpu.memory_space<vmem_shared>>
              %dma_wait3A_1142 = tpu.memref_slice %arg22[%mul3A_868] : memref<1048576xf32, #tpu.memory_space<vmem_shared>> -> memref<2048xf32, #tpu.memory_space<vmem_shared>>
              tpu.wait_dma2 semaphore(%run_scoped3A : memref<!tpu.dma_semaphore, #tpu.memory_space<semaphore_mem>>) src(%dma_wait3A_1142 : memref<2048xf32, #tpu.memory_space<vmem_shared>>) dst(%arg5 : memref<2048xf32, #tpu.memory_space<vmem>>)
              tpu.yield
            }) : () -> ()
            %scan3A_869 = arith.constant 0 : i32
            %scan3A_870 = arith.constant 128 : i32
            %scan3A_871 = arith.addi %scan3A_869, %scan3A_870 : i32
            %scan3A_872 = arith.constant 8 : i32
            %scan3A_873:4 = scf.for %scan3A_1139 = %scan3A_869 to %scan3A_871 step %scan3A_872 iter_args(%scan3A_1140 = %broadcast_in_dim3A_2, %scan3A_1141 = %broadcast_in_dim3A_4, %scan3A_1142 = %broadcast_in_dim3A_2, %scan3A_1143 = %broadcast_in_dim3A_6) -> (vector<16xf32>, vector<16xi32>, vector<16xf32>, vector<16xi32>)  : i32 {
              %mul3A_1144 = arith.constant 16 : i32
              %mul3A_1145 = arith.muli %scan3A_1139, %mul3A_1144 : i32
              %get3A_1146 = arith.index_cast %mul3A_1145 : i32 to index
              %get3A_1147 = tpu.vector_load %arg5[%get3A_1146] {strides = array<i32>} : memref<2048xf32, #tpu.memory_space<vmem>>, vector<16xf32>,
              %mul3A_1148 = arith.constant 16 : i32
              %mul3A_1149 = arith.muli %scan3A_1139, %mul3A_1148 : i32
              %get3A_1150 = arith.index_cast %mul3A_1149 : i32 to index
              %get3A_1151 = tpu.vector_load %arg9[%get3A_1150] {strides = array<i32>} : memref<2048xf32, #tpu.memory_space<vmem>>, vector<16xf32>,
              %add3A_1152 = arith.addf %get3A_1147, %get3A_1151 : vector<16xf32>
              %mul3A_1153 = arith.constant 16 : i32
              %mul3A_1154 = arith.muli %scan3A_1139, %mul3A_1153 : i32
              %add3A_1155 = vector.broadcast %mul3A_1154 : i32 to vector<16xi32>
              %add3A_1156 = arith.addi %add3A_1155, %iota3A : vector<16xi32>
              %gt3A_1157 = arith.cmpf ogt, %add3A_1152, %scan3A_1140 : vector<16xf32>
              %select_n3A_1158 = arith.select %gt3A_1157, %add3A_1152, %scan3A_1140 : vector<16xi1>, vector<16xf32>
              %select_n3A_1159 = arith.select %gt3A_1157, %add3A_1156, %scan3A_1141 : vector<16xi1>, vector<16xi32>
              %select_n3A_1160 = arith.select %gt3A_1157, %scan3A_1140, %add3A_1152 : vector<16xi1>, vector<16xf32>
              %select_n3A_1161 = arith.select %gt3A_1157, %scan3A_1141, %add3A_1156 : vector<16xi1>, vector<16xi32>
              %gt3A_1162 = arith.cmpf ogt, %select_n3A_1160, %scan3A_1142 : vector<16xf32>
              %select_n3A_1163 = arith.select %gt3A_1162, %select_n3A_1160, %scan3A_1142 : vector<16xi1>, vector<16xf32>
              %select_n3A_1164 = arith.select %gt3A_1162, %select_n3A_1161, %scan3A_1143 : vector<16xi1>, vector<16xi32>
              %scan3A_1165 = arith.constant 1 : i32
              %scan3A_1166 = arith.addi %scan3A_1139, %scan3A_1165 : i32
              %mul3A_1167 = arith.constant 16 : i32
              %mul3A_1168 = arith.muli %scan3A_1166, %mul3A_1167 : i32
              %get3A_1169 = arith.index_cast %mul3A_1168 : i32 to index
              %get3A_1170 = tpu.vector_load %arg5[%get3A_1169] {strides = array<i32>} : memref<2048xf32, #tpu.memory_space<vmem>>, vector<16xf32>,
              %mul3A_1171 = arith.constant 16 : i32
              %mul3A_1172 = arith.muli %scan3A_1166, %mul3A_1171 : i32
              %get3A_1173 = arith.index_cast %mul3A_1172 : i32 to index
              %get3A_1174 = tpu.vector_load %arg9[%get3A_1173] {strides = array<i32>} : memref<2048xf32, #tpu.memory_space<vmem>>, vector<16xf32>,
              %add3A_1175 = arith.addf %get3A_1170, %get3A_1174 : vector<16xf32>
              %mul3A_1176 = arith.constant 16 : i32
              %mul3A_1177 = arith.muli %scan3A_1166, %mul3A_1176 : i32
              %add3A_1178 = vector.broadcast %mul3A_1177 : i32 to vector<16xi32>
              %add3A_1179 = arith.addi %add3A_1178, %iota3A : vector<16xi32>
              %gt3A_1180 = arith.cmpf ogt, %add3A_1175, %select_n3A_1158 : vector<16xf32>
              %select_n3A_1181 = arith.select %gt3A_1180, %add3A_1175, %select_n3A_1158 : vector<16xi1>, vector<16xf32>
              %select_n3A_1182 = arith.select %gt3A_1180, %add3A_1179, %select_n3A_1159 : vector<16xi1>, vector<16xi32>
              %select_n3A_1183 = arith.select %gt3A_1180, %select_n3A_1158, %add3A_1175 : vector<16xi1>, vector<16xf32>
              %select_n3A_1184 = arith.select %gt3A_1180, %select_n3A_1159, %add3A_1179 : vector<16xi1>, vector<16xi32>
              %gt3A_1185 = arith.cmpf ogt, %select_n3A_1183, %select_n3A_1163 : vector<16xf32>
              %select_n3A_1186 = arith.select %gt3A_1185, %select_n3A_1183, %select_n3A_1163 : vector<16xi1>, vector<16xf32>
              %select_n3A_1187 = arith.select %gt3A_1185, %select_n3A_1184, %select_n3A_1164 : vector<16xi1>, vector<16xi32>
              %scan3A_1188 = arith.constant 2 : i32
              %scan3A_1189 = arith.addi %scan3A_1139, %scan3A_1188 : i32
              %mul3A_1190 = arith.constant 16 : i32
              %mul3A_1191 = arith.muli %scan3A_1189, %mul3A_1190 : i32
              %get3A_1192 = arith.index_cast %mul3A_1191 : i32 to index
              %get3A_1193 = tpu.vector_load %arg5[%get3A_1192] {strides = array<i32>} : memref<2048xf32, #tpu.memory_space<vmem>>, vector<16xf32>,
              %mul3A_1194 = arith.constant 16 : i32
              %mul3A_1195 = arith.muli %scan3A_1189, %mul3A_1194 : i32
              %get3A_1196 = arith.index_cast %mul3A_1195 : i32 to index
              %get3A_1197 = tpu.vector_load %arg9[%get3A_1196] {strides = array<i32>} : memref<2048xf32, #tpu.memory_space<vmem>>, vector<16xf32>,
              %add3A_1198 = arith.addf %get3A_1193, %get3A_1197 : vector<16xf32>
              %mul3A_1199 = arith.constant 16 : i32
              %mul3A_1200 = arith.muli %scan3A_1189, %mul3A_1199 : i32
              %add3A_1201 = vector.broadcast %mul3A_1200 : i32 to vector<16xi32>
              %add3A_1202 = arith.addi %add3A_1201, %iota3A : vector<16xi32>
              %gt3A_1203 = arith.cmpf ogt, %add3A_1198, %select_n3A_1181 : vector<16xf32>
              %select_n3A_1204 = arith.select %gt3A_1203, %add3A_1198, %select_n3A_1181 : vector<16xi1>, vector<16xf32>
              %select_n3A_1205 = arith.select %gt3A_1203, %add3A_1202, %select_n3A_1182 : vector<16xi1>, vector<16xi32>
              %select_n3A_1206 = arith.select %gt3A_1203, %select_n3A_1181, %add3A_1198 : vector<16xi1>, vector<16xf32>
              %select_n3A_1207 = arith.select %gt3A_1203, %select_n3A_1182, %add3A_1202 : vector<16xi1>, vector<16xi32>
              %gt3A_1208 = arith.cmpf ogt, %select_n3A_1206, %select_n3A_1186 : vector<16xf32>
              %select_n3A_1209 = arith.select %gt3A_1208, %select_n3A_1206, %select_n3A_1186 : vector<16xi1>, vector<16xf32>
              %select_n3A_1210 = arith.select %gt3A_1208, %select_n3A_1207, %select_n3A_1187 : vector<16xi1>, vector<16xi32>
              %scan3A_1211 = arith.constant 3 : i32
              %scan3A_1212 = arith.addi %scan3A_1139, %scan3A_1211 : i32
              %mul3A_1213 = arith.constant 16 : i32
              %mul3A_1214 = arith.muli %scan3A_1212, %mul3A_1213 : i32
              %get3A_1215 = arith.index_cast %mul3A_1214 : i32 to index
              %get3A_1216 = tpu.vector_load %arg5[%get3A_1215] {strides = array<i32>} : memref<2048xf32, #tpu.memory_space<vmem>>, vector<16xf32>,
              %mul3A_1217 = arith.constant 16 : i32
              %mul3A_1218 = arith.muli %scan3A_1212, %mul3A_1217 : i32
              %get3A_1219 = arith.index_cast %mul3A_1218 : i32 to index
              %get3A_1220 = tpu.vector_load %arg9[%get3A_1219] {strides = array<i32>} : memref<2048xf32, #tpu.memory_space<vmem>>, vector<16xf32>,
              %add3A_1221 = arith.addf %get3A_1216, %get3A_1220 : vector<16xf32>
              %mul3A_1222 = arith.constant 16 : i32
              %mul3A_1223 = arith.muli %scan3A_1212, %mul3A_1222 : i32
              %add3A_1224 = vector.broadcast %mul3A_1223 : i32 to vector<16xi32>
              %add3A_1225 = arith.addi %add3A_1224, %iota3A : vector<16xi32>
              %gt3A_1226 = arith.cmpf ogt, %add3A_1221, %select_n3A_1204 : vector<16xf32>
              %select_n3A_1227 = arith.select %gt3A_1226, %add3A_1221, %select_n3A_1204 : vector<16xi1>, vector<16xf32>
              %select_n3A_1228 = arith.select %gt3A_1226, %add3A_1225, %select_n3A_1205 : vector<16xi1>, vector<16xi32>
              %select_n3A_1229 = arith.select %gt3A_1226, %select_n3A_1204, %add3A_1221 : vector<16xi1>, vector<16xf32>
              %select_n3A_1230 = arith.select %gt3A_1226, %select_n3A_1205, %add3A_1225 : vector<16xi1>, vector<16xi32>
              %gt3A_1231 = arith.cmpf ogt, %select_n3A_1229, %select_n3A_1209 : vector<16xf32>
              %select_n3A_1232 = arith.select %gt3A_1231, %select_n3A_1229, %select_n3A_1209 : vector<16xi1>, vector<16xf32>
              %select_n3A_1233 = arith.select %gt3A_1231, %select_n3A_1230, %select_n3A_1210 : vector<16xi1>, vector<16xi32>
              %scan3A_1234 = arith.constant 4 : i32
              %scan3A_1235 = arith.addi %scan3A_1139, %scan3A_1234 : i32
              %mul3A_1236 = arith.constant 16 : i32
              %mul3A_1237 = arith.muli %scan3A_1235, %mul3A_1236 : i32
              %get3A_1238 = arith.index_cast %mul3A_1237 : i32 to index
              %get3A_1239 = tpu.vector_load %arg5[%get3A_1238] {strides = array<i32>} : memref<2048xf32, #tpu.memory_space<vmem>>, vector<16xf32>,
              %mul3A_1240 = arith.constant 16 : i32
              %mul3A_1241 = arith.muli %scan3A_1235, %mul3A_1240 : i32
              %get3A_1242 = arith.index_cast %mul3A_1241 : i32 to index
              %get3A_1243 = tpu.vector_load %arg9[%get3A_1242] {strides = array<i32>} : memref<2048xf32, #tpu.memory_space<vmem>>, vector<16xf32>,
              %add3A_1244 = arith.addf %get3A_1239, %get3A_1243 : vector<16xf32>
              %mul3A_1245 = arith.constant 16 : i32
              %mul3A_1246 = arith.muli %scan3A_1235, %mul3A_1245 : i32
              %add3A_1247 = vector.broadcast %mul3A_1246 : i32 to vector<16xi32>
              %add3A_1248 = arith.addi %add3A_1247, %iota3A : vector<16xi32>
              %gt3A_1249 = arith.cmpf ogt, %add3A_1244, %select_n3A_1227 : vector<16xf32>
              %select_n3A_1250 = arith.select %gt3A_1249, %add3A_1244, %select_n3A_1227 : vector<16xi1>, vector<16xf32>
              %select_n3A_1251 = arith.select %gt3A_1249, %add3A_1248, %select_n3A_1228 : vector<16xi1>, vector<16xi32>
              %select_n3A_1252 = arith.select %gt3A_1249, %select_n3A_1227, %add3A_1244 : vector<16xi1>, vector<16xf32>
              %select_n3A_1253 = arith.select %gt3A_1249, %select_n3A_1228, %add3A_1248 : vector<16xi1>, vector<16xi32>
              %gt3A_1254 = arith.cmpf ogt, %select_n3A_1252, %select_n3A_1232 : vector<16xf32>
              %select_n3A_1255 = arith.select %gt3A_1254, %select_n3A_1252, %select_n3A_1232 : vector<16xi1>, vector<16xf32>
              %select_n3A_1256 = arith.select %gt3A_1254, %select_n3A_1253, %select_n3A_1233 : vector<16xi1>, vector<16xi32>
              %scan3A_1257 = arith.constant 5 : i32
              %scan3A_1258 = arith.addi %scan3A_1139, %scan3A_1257 : i32
              %mul3A_1259 = arith.constant 16 : i32
              %mul3A_1260 = arith.muli %scan3A_1258, %mul3A_1259 : i32
              %get3A_1261 = arith.index_cast %mul3A_1260 : i32 to index
              %get3A_1262 = tpu.vector_load %arg5[%get3A_1261] {strides = array<i32>} : memref<2048xf32, #tpu.memory_space<vmem>>, vector<16xf32>,
              %mul3A_1263 = arith.constant 16 : i32
              %mul3A_1264 = arith.muli %scan3A_1258, %mul3A_1263 : i32
              %get3A_1265 = arith.index_cast %mul3A_1264 : i32 to index
              %get3A_1266 = tpu.vector_load %arg9[%get3A_1265] {strides = array<i32>} : memref<2048xf32, #tpu.memory_space<vmem>>, vector<16xf32>,
              %add3A_1267 = arith.addf %get3A_1262, %get3A_1266 : vector<16xf32>
              %mul3A_1268 = arith.constant 16 : i32
              %mul3A_1269 = arith.muli %scan3A_1258, %mul3A_1268 : i32
              %add3A_1270 = vector.broadcast %mul3A_1269 : i32 to vector<16xi32>
              %add3A_1271 = arith.addi %add3A_1270, %iota3A : vector<16xi32>
              %gt3A_1272 = arith.cmpf ogt, %add3A_1267, %select_n3A_1250 : vector<16xf32>
              %select_n3A_1273 = arith.select %gt3A_1272, %add3A_1267, %select_n3A_1250 : vector<16xi1>, vector<16xf32>
              %select_n3A_1274 = arith.select %gt3A_1272, %add3A_1271, %select_n3A_1251 : vector<16xi1>, vector<16xi32>
              %select_n3A_1275 = arith.select %gt3A_1272, %select_n3A_1250, %add3A_1267 : vector<16xi1>, vector<16xf32>
              %select_n3A_1276 = arith.select %gt3A_1272, %select_n3A_1251, %add3A_1271 : vector<16xi1>, vector<16xi32>
              %gt3A_1277 = arith.cmpf ogt, %select_n3A_1275, %select_n3A_1255 : vector<16xf32>
              %select_n3A_1278 = arith.select %gt3A_1277, %select_n3A_1275, %select_n3A_1255 : vector<16xi1>, vector<16xf32>
              %select_n3A_1279 = arith.select %gt3A_1277, %select_n3A_1276, %select_n3A_1256 : vector<16xi1>, vector<16xi32>
              %scan3A_1280 = arith.constant 6 : i32
              %scan3A_1281 = arith.addi %scan3A_1139, %scan3A_1280 : i32
              %mul3A_1282 = arith.constant 16 : i32
              %mul3A_1283 = arith.muli %scan3A_1281, %mul3A_1282 : i32
              %get3A_1284 = arith.index_cast %mul3A_1283 : i32 to index
              %get3A_1285 = tpu.vector_load %arg5[%get3A_1284] {strides = array<i32>} : memref<2048xf32, #tpu.memory_space<vmem>>, vector<16xf32>,
              %mul3A_1286 = arith.constant 16 : i32
              %mul3A_1287 = arith.muli %scan3A_1281, %mul3A_1286 : i32
              %get3A_1288 = arith.index_cast %mul3A_1287 : i32 to index
              %get3A_1289 = tpu.vector_load %arg9[%get3A_1288] {strides = array<i32>} : memref<2048xf32, #tpu.memory_space<vmem>>, vector<16xf32>,
              %add3A_1290 = arith.addf %get3A_1285, %get3A_1289 : vector<16xf32>
              %mul3A_1291 = arith.constant 16 : i32
              %mul3A_1292 = arith.muli %scan3A_1281, %mul3A_1291 : i32
              %add3A_1293 = vector.broadcast %mul3A_1292 : i32 to vector<16xi32>
              %add3A_1294 = arith.addi %add3A_1293, %iota3A : vector<16xi32>
              %gt3A_1295 = arith.cmpf ogt, %add3A_1290, %select_n3A_1273 : vector<16xf32>
              %select_n3A_1296 = arith.select %gt3A_1295, %add3A_1290, %select_n3A_1273 : vector<16xi1>, vector<16xf32>
              %select_n3A_1297 = arith.select %gt3A_1295, %add3A_1294, %select_n3A_1274 : vector<16xi1>, vector<16xi32>
              %select_n3A_1298 = arith.select %gt3A_1295, %select_n3A_1273, %add3A_1290 : vector<16xi1>, vector<16xf32>
              %select_n3A_1299 = arith.select %gt3A_1295, %select_n3A_1274, %add3A_1294 : vector<16xi1>, vector<16xi32>
              %gt3A_1300 = arith.cmpf ogt, %select_n3A_1298, %select_n3A_1278 : vector<16xf32>
              %select_n3A_1301 = arith.select %gt3A_1300, %select_n3A_1298, %select_n3A_1278 : vector<16xi1>, vector<16xf32>
              %select_n3A_1302 = arith.select %gt3A_1300, %select_n3A_1299, %select_n3A_1279 : vector<16xi1>, vector<16xi32>
              %scan3A_1303 = arith.constant 7 : i32
              %scan3A_1304 = arith.addi %scan3A_1139, %scan3A_1303 : i32
              %mul3A_1305 = arith.constant 16 : i32
              %mul3A_1306 = arith.muli %scan3A_1304, %mul3A_1305 : i32
              %get3A_1307 = arith.index_cast %mul3A_1306 : i32 to index
              %get3A_1308 = tpu.vector_load %arg5[%get3A_1307] {strides = array<i32>} : memref<2048xf32, #tpu.memory_space<vmem>>, vector<16xf32>,
              %mul3A_1309 = arith.constant 16 : i32
              %mul3A_1310 = arith.muli %scan3A_1304, %mul3A_1309 : i32
              %get3A_1311 = arith.index_cast %mul3A_1310 : i32 to index
              %get3A_1312 = tpu.vector_load %arg9[%get3A_1311] {strides = array<i32>} : memref<2048xf32, #tpu.memory_space<vmem>>, vector<16xf32>,
              %add3A_1313 = arith.addf %get3A_1308, %get3A_1312 : vector<16xf32>
              %mul3A_1314 = arith.constant 16 : i32
              %mul3A_1315 = arith.muli %scan3A_1304, %mul3A_1314 : i32
              %add3A_1316 = vector.broadcast %mul3A_1315 : i32 to vector<16xi32>
              %add3A_1317 = arith.addi %add3A_1316, %iota3A : vector<16xi32>
              %gt3A_1318 = arith.cmpf ogt, %add3A_1313, %select_n3A_1296 : vector<16xf32>
              %select_n3A_1319 = arith.select %gt3A_1318, %add3A_1313, %select_n3A_1296 : vector<16xi1>, vector<16xf32>
              %select_n3A_1320 = arith.select %gt3A_1318, %add3A_1317, %select_n3A_1297 : vector<16xi1>, vector<16xi32>
              %select_n3A_1321 = arith.select %gt3A_1318, %select_n3A_1296, %add3A_1313 : vector<16xi1>, vector<16xf32>
              %select_n3A_1322 = arith.select %gt3A_1318, %select_n3A_1297, %add3A_1317 : vector<16xi1>, vector<16xi32>
              %gt3A_1323 = arith.cmpf ogt, %select_n3A_1321, %select_n3A_1301 : vector<16xf32>
              %select_n3A_1324 = arith.select %gt3A_1323, %select_n3A_1321, %select_n3A_1301 : vector<16xi1>, vector<16xf32>
              %select_n3A_1325 = arith.select %gt3A_1323, %select_n3A_1322, %select_n3A_1302 : vector<16xi1>, vector<16xi32>
              scf.yield %select_n3A_1319, %select_n3A_1320, %select_n3A_1324, %select_n3A_1325 : vector<16xf32>, vector<16xi32>, vector<16xf32>, vector<16xi32>
            }
            %scan3A_874 = arith.constant 128 : i32
            %xor3A_875 = arith.constant 1 : i32
            %xor3A_876 = vector.broadcast %xor3A_875 : i32 to vector<16xi32>
            %xor3A_877 = arith.xori %iota3A, %xor3A_876 : vector<16xi32>
            %lt3A_878 = arith.constant 0 : i32
            %lt3A_879 = vector.broadcast %lt3A_878 : i32 to vector<16xi32>
            %lt3A_880 = arith.cmpi slt, %xor3A_877, %lt3A_879 : vector<16xi32>
            %add3A_881 = arith.constant 16 : i32
            %add3A_882 = vector.broadcast %add3A_881 : i32 to vector<16xi32>
            %add3A_883 = arith.addi %xor3A_877, %add3A_882 : vector<16xi32>
            %select_n3A_884 = arith.select %lt3A_880, %add3A_883, %xor3A_877 : vector<16xi1>, vector<16xi32>
            %broadcast_in_dim3A_885 = vector.shape_cast %select_n3A_884 : vector<16xi32> to vector<16x1xi32>
            %gather3A_886 = vector.shape_cast %broadcast_in_dim3A_885 : vector<16x1xi32> to vector<16xi32>
            %gather3A_887 = tpu.dynamic_gather %scan3A_873#0[%gather3A_886] in [0] : vector<16xf32>, vector<16xi32> -> vector<16xf32>
            %lt3A_888 = arith.constant 0 : i32
            %lt3A_889 = vector.broadcast %lt3A_888 : i32 to vector<16xi32>
            %lt3A_890 = arith.cmpi slt, %xor3A_877, %lt3A_889 : vector<16xi32>
            %add3A_891 = arith.constant 16 : i32
            %add3A_892 = vector.broadcast %add3A_891 : i32 to vector<16xi32>
            %add3A_893 = arith.addi %xor3A_877, %add3A_892 : vector<16xi32>
            %select_n3A_894 = arith.select %lt3A_890, %add3A_893, %xor3A_877 : vector<16xi1>, vector<16xi32>
            %broadcast_in_dim3A_895 = vector.shape_cast %select_n3A_894 : vector<16xi32> to vector<16x1xi32>
            %gather3A_896 = vector.shape_cast %broadcast_in_dim3A_895 : vector<16x1xi32> to vector<16xi32>
            %gather3A_897 = tpu.dynamic_gather %scan3A_873#1[%gather3A_896] in [0] : vector<16xi32>, vector<16xi32> -> vector<16xi32>
            %lt3A_898 = arith.constant 0 : i32
            %lt3A_899 = vector.broadcast %lt3A_898 : i32 to vector<16xi32>
            %lt3A_900 = arith.cmpi slt, %xor3A_877, %lt3A_899 : vector<16xi32>
            %add3A_901 = arith.constant 16 : i32
            %add3A_902 = vector.broadcast %add3A_901 : i32 to vector<16xi32>
            %add3A_903 = arith.addi %xor3A_877, %add3A_902 : vector<16xi32>
            %select_n3A_904 = arith.select %lt3A_900, %add3A_903, %xor3A_877 : vector<16xi1>, vector<16xi32>
            %broadcast_in_dim3A_905 = vector.shape_cast %select_n3A_904 : vector<16xi32> to vector<16x1xi32>
            %gather3A_906 = vector.shape_cast %broadcast_in_dim3A_905 : vector<16x1xi32> to vector<16xi32>
            %gather3A_907 = tpu.dynamic_gather %scan3A_873#2[%gather3A_906] in [0] : vector<16xf32>, vector<16xi32> -> vector<16xf32>
            %lt3A_908 = arith.constant 0 : i32
            %lt3A_909 = vector.broadcast %lt3A_908 : i32 to vector<16xi32>
            %lt3A_910 = arith.cmpi slt, %xor3A_877, %lt3A_909 : vector<16xi32>
            %add3A_911 = arith.constant 16 : i32
            %add3A_912 = vector.broadcast %add3A_911 : i32 to vector<16xi32>
            %add3A_913 = arith.addi %xor3A_877, %add3A_912 : vector<16xi32>
            %select_n3A_914 = arith.select %lt3A_910, %add3A_913, %xor3A_877 : vector<16xi1>, vector<16xi32>
            %broadcast_in_dim3A_915 = vector.shape_cast %select_n3A_914 : vector<16xi32> to vector<16x1xi32>
            %gather3A_916 = vector.shape_cast %broadcast_in_dim3A_915 : vector<16x1xi32> to vector<16xi32>
            %gather3A_917 = tpu.dynamic_gather %scan3A_873#3[%gather3A_916] in [0] : vector<16xi32>, vector<16xi32> -> vector<16xi32>
            %gt3A_918 = arith.cmpf ogt, %gather3A_887, %scan3A_873#0 : vector<16xf32>
            %eq3A_919 = arith.cmpf oeq, %gather3A_887, %scan3A_873#0 : vector<16xf32>
            %lt3A_920 = arith.cmpi slt, %gather3A_897, %scan3A_873#1 : vector<16xi32>
            %and3A_921 = arith.andi %eq3A_919, %lt3A_920 : vector<16xi1>
            %or3A_922 = arith.ori %gt3A_918, %and3A_921 : vector<16xi1>
            %select_n3A_923 = arith.select %or3A_922, %gather3A_887, %scan3A_873#0 : vector<16xi1>, vector<16xf32>
            %select_n3A_924 = arith.select %or3A_922, %gather3A_897, %scan3A_873#1 : vector<16xi1>, vector<16xi32>
            %select_n3A_925 = arith.select %or3A_922, %scan3A_873#0, %gather3A_887 : vector<16xi1>, vector<16xf32>
            %select_n3A_926 = arith.select %or3A_922, %scan3A_873#1, %gather3A_897 : vector<16xi1>, vector<16xi32>
            %gt3A_927 = arith.cmpf ogt, %gather3A_907, %scan3A_873#2 : vector<16xf32>
            %eq3A_928 = arith.cmpf oeq, %gather3A_907, %scan3A_873#2 : vector<16xf32>
            %lt3A_929 = arith.cmpi slt, %gather3A_917, %scan3A_873#3 : vector<16xi32>
            %and3A_930 = arith.andi %eq3A_928, %lt3A_929 : vector<16xi1>
            %or3A_931 = arith.ori %gt3A_927, %and3A_930 : vector<16xi1>
            %select_n3A_932 = arith.select %or3A_931, %gather3A_907, %scan3A_873#2 : vector<16xi1>, vector<16xf32>
            %select_n3A_933 = arith.select %or3A_931, %gather3A_917, %scan3A_873#3 : vector<16xi1>, vector<16xi32>
            %gt3A_934 = arith.cmpf ogt, %select_n3A_925, %select_n3A_932 : vector<16xf32>
            %eq3A_935 = arith.cmpf oeq, %select_n3A_925, %select_n3A_932 : vector<16xf32>
            %lt3A_936 = arith.cmpi slt, %select_n3A_926, %select_n3A_933 : vector<16xi32>
            %and3A_937 = arith.andi %eq3A_935, %lt3A_936 : vector<16xi1>
            %or3A_938 = arith.ori %gt3A_934, %and3A_937 : vector<16xi1>
            %select_n3A_939 = arith.select %or3A_938, %select_n3A_925, %select_n3A_932 : vector<16xi1>, vector<16xf32>
            %select_n3A_940 = arith.select %or3A_938, %select_n3A_926, %select_n3A_933 : vector<16xi1>, vector<16xi32>
            %xor3A_941 = arith.constant 2 : i32
            %xor3A_942 = vector.broadcast %xor3A_941 : i32 to vector<16xi32>
            %xor3A_943 = arith.xori %iota3A, %xor3A_942 : vector<16xi32>
            %lt3A_944 = arith.constant 0 : i32
            %lt3A_945 = vector.broadcast %lt3A_944 : i32 to vector<16xi32>
            %lt3A_946 = arith.cmpi slt, %xor3A_943, %lt3A_945 : vector<16xi32>
            %add3A_947 = arith.constant 16 : i32
            %add3A_948 = vector.broadcast %add3A_947 : i32 to vector<16xi32>
            %add3A_949 = arith.addi %xor3A_943, %add3A_948 : vector<16xi32>
            %select_n3A_950 = arith.select %lt3A_946, %add3A_949, %xor3A_943 : vector<16xi1>, vector<16xi32>
            %broadcast_in_dim3A_951 = vector.shape_cast %select_n3A_950 : vector<16xi32> to vector<16x1xi32>
            %gather3A_952 = vector.shape_cast %broadcast_in_dim3A_951 : vector<16x1xi32> to vector<16xi32>
            %gather3A_953 = tpu.dynamic_gather %select_n3A_923[%gather3A_952] in [0] : vector<16xf32>, vector<16xi32> -> vector<16xf32>
            %lt3A_954 = arith.constant 0 : i32
            %lt3A_955 = vector.broadcast %lt3A_954 : i32 to vector<16xi32>
            %lt3A_956 = arith.cmpi slt, %xor3A_943, %lt3A_955 : vector<16xi32>
            %add3A_957 = arith.constant 16 : i32
            %add3A_958 = vector.broadcast %add3A_957 : i32 to vector<16xi32>
            %add3A_959 = arith.addi %xor3A_943, %add3A_958 : vector<16xi32>
            %select_n3A_960 = arith.select %lt3A_956, %add3A_959, %xor3A_943 : vector<16xi1>, vector<16xi32>
            %broadcast_in_dim3A_961 = vector.shape_cast %select_n3A_960 : vector<16xi32> to vector<16x1xi32>
            %gather3A_962 = vector.shape_cast %broadcast_in_dim3A_961 : vector<16x1xi32> to vector<16xi32>
            %gather3A_963 = tpu.dynamic_gather %select_n3A_924[%gather3A_962] in [0] : vector<16xi32>, vector<16xi32> -> vector<16xi32>
            %lt3A_964 = arith.constant 0 : i32
            %lt3A_965 = vector.broadcast %lt3A_964 : i32 to vector<16xi32>
            %lt3A_966 = arith.cmpi slt, %xor3A_943, %lt3A_965 : vector<16xi32>
            %add3A_967 = arith.constant 16 : i32
            %add3A_968 = vector.broadcast %add3A_967 : i32 to vector<16xi32>
            %add3A_969 = arith.addi %xor3A_943, %add3A_968 : vector<16xi32>
            %select_n3A_970 = arith.select %lt3A_966, %add3A_969, %xor3A_943 : vector<16xi1>, vector<16xi32>
            %broadcast_in_dim3A_971 = vector.shape_cast %select_n3A_970 : vector<16xi32> to vector<16x1xi32>
            %gather3A_972 = vector.shape_cast %broadcast_in_dim3A_971 : vector<16x1xi32> to vector<16xi32>
            %gather3A_973 = tpu.dynamic_gather %select_n3A_939[%gather3A_972] in [0] : vector<16xf32>, vector<16xi32> -> vector<16xf32>
            %lt3A_974 = arith.constant 0 : i32
            %lt3A_975 = vector.broadcast %lt3A_974 : i32 to vector<16xi32>
            %lt3A_976 = arith.cmpi slt, %xor3A_943, %lt3A_975 : vector<16xi32>
            %add3A_977 = arith.constant 16 : i32
            %add3A_978 = vector.broadcast %add3A_977 : i32 to vector<16xi32>
            %add3A_979 = arith.addi %xor3A_943, %add3A_978 : vector<16xi32>
            %select_n3A_980 = arith.select %lt3A_976, %add3A_979, %xor3A_943 : vector<16xi1>, vector<16xi32>
            %broadcast_in_dim3A_981 = vector.shape_cast %select_n3A_980 : vector<16xi32> to vector<16x1xi32>
            %gather3A_982 = vector.shape_cast %broadcast_in_dim3A_981 : vector<16x1xi32> to vector<16xi32>
            %gather3A_983 = tpu.dynamic_gather %select_n3A_940[%gather3A_982] in [0] : vector<16xi32>, vector<16xi32> -> vector<16xi32>
            %gt3A_984 = arith.cmpf ogt, %gather3A_953, %select_n3A_923 : vector<16xf32>
            %eq3A_985 = arith.cmpf oeq, %gather3A_953, %select_n3A_923 : vector<16xf32>
            %lt3A_986 = arith.cmpi slt, %gather3A_963, %select_n3A_924 : vector<16xi32>
            %and3A_987 = arith.andi %eq3A_985, %lt3A_986 : vector<16xi1>
            %or3A_988 = arith.ori %gt3A_984, %and3A_987 : vector<16xi1>
            %select_n3A_989 = arith.select %or3A_988, %gather3A_953, %select_n3A_923 : vector<16xi1>, vector<16xf32>
            %select_n3A_990 = arith.select %or3A_988, %gather3A_963, %select_n3A_924 : vector<16xi1>, vector<16xi32>
            %select_n3A_991 = arith.select %or3A_988, %select_n3A_923, %gather3A_953 : vector<16xi1>, vector<16xf32>
            %select_n3A_992 = arith.select %or3A_988, %select_n3A_924, %gather3A_963 : vector<16xi1>, vector<16xi32>
            %gt3A_993 = arith.cmpf ogt, %gather3A_973, %select_n3A_939 : vector<16xf32>
            %eq3A_994 = arith.cmpf oeq, %gather3A_973, %select_n3A_939 : vector<16xf32>
            %lt3A_995 = arith.cmpi slt, %gather3A_983, %select_n3A_940 : vector<16xi32>
            %and3A_996 = arith.andi %eq3A_994, %lt3A_995 : vector<16xi1>
            %or3A_997 = arith.ori %gt3A_993, %and3A_996 : vector<16xi1>
            %select_n3A_998 = arith.select %or3A_997, %gather3A_973, %select_n3A_939 : vector<16xi1>, vector<16xf32>
            %select_n3A_999 = arith.select %or3A_997, %gather3A_983, %select_n3A_940 : vector<16xi1>, vector<16xi32>
            %gt3A_1000 = arith.cmpf ogt, %select_n3A_991, %select_n3A_998 : vector<16xf32>
            %eq3A_1001 = arith.cmpf oeq, %select_n3A_991, %select_n3A_998 : vector<16xf32>
            %lt3A_1002 = arith.cmpi slt, %select_n3A_992, %select_n3A_999 : vector<16xi32>
            %and3A_1003 = arith.andi %eq3A_1001, %lt3A_1002 : vector<16xi1>
            %or3A_1004 = arith.ori %gt3A_1000, %and3A_1003 : vector<16xi1>
            %select_n3A_1005 = arith.select %or3A_1004, %select_n3A_991, %select_n3A_998 : vector<16xi1>, vector<16xf32>
            %select_n3A_1006 = arith.select %or3A_1004, %select_n3A_992, %select_n3A_999 : vector<16xi1>, vector<16xi32>
            %xor3A_1007 = arith.constant 4 : i32
            %xor3A_1008 = vector.broadcast %xor3A_1007 : i32 to vector<16xi32>
            %xor3A_1009 = arith.xori %iota3A, %xor3A_1008 : vector<16xi32>
            %lt3A_1010 = arith.constant 0 : i32
            %lt3A_1011 = vector.broadcast %lt3A_1010 : i32 to vector<16xi32>
            %lt3A_1012 = arith.cmpi slt, %xor3A_1009, %lt3A_1011 : vector<16xi32>
            %add3A_1013 = arith.constant 16 : i32
            %add3A_1014 = vector.broadcast %add3A_1013 : i32 to vector<16xi32>
            %add3A_1015 = arith.addi %xor3A_1009, %add3A_1014 : vector<16xi32>
            %select_n3A_1016 = arith.select %lt3A_1012, %add3A_1015, %xor3A_1009 : vector<16xi1>, vector<16xi32>
            %broadcast_in_dim3A_1017 = vector.shape_cast %select_n3A_1016 : vector<16xi32> to vector<16x1xi32>
            %gather3A_1018 = vector.shape_cast %broadcast_in_dim3A_1017 : vector<16x1xi32> to vector<16xi32>
            %gather3A_1019 = tpu.dynamic_gather %select_n3A_989[%gather3A_1018] in [0] : vector<16xf32>, vector<16xi32> -> vector<16xf32>
            %lt3A_1020 = arith.constant 0 : i32
            %lt3A_1021 = vector.broadcast %lt3A_1020 : i32 to vector<16xi32>
            %lt3A_1022 = arith.cmpi slt, %xor3A_1009, %lt3A_1021 : vector<16xi32>
            %add3A_1023 = arith.constant 16 : i32
            %add3A_1024 = vector.broadcast %add3A_1023 : i32 to vector<16xi32>
            %add3A_1025 = arith.addi %xor3A_1009, %add3A_1024 : vector<16xi32>
            %select_n3A_1026 = arith.select %lt3A_1022, %add3A_1025, %xor3A_1009 : vector<16xi1>, vector<16xi32>
            %broadcast_in_dim3A_1027 = vector.shape_cast %select_n3A_1026 : vector<16xi32> to vector<16x1xi32>
            %gather3A_1028 = vector.shape_cast %broadcast_in_dim3A_1027 : vector<16x1xi32> to vector<16xi32>
            %gather3A_1029 = tpu.dynamic_gather %select_n3A_990[%gather3A_1028] in [0] : vector<16xi32>, vector<16xi32> -> vector<16xi32>
            %lt3A_1030 = arith.constant 0 : i32
            %lt3A_1031 = vector.broadcast %lt3A_1030 : i32 to vector<16xi32>
            %lt3A_1032 = arith.cmpi slt, %xor3A_1009, %lt3A_1031 : vector<16xi32>
            %add3A_1033 = arith.constant 16 : i32
            %add3A_1034 = vector.broadcast %add3A_1033 : i32 to vector<16xi32>
            %add3A_1035 = arith.addi %xor3A_1009, %add3A_1034 : vector<16xi32>
            %select_n3A_1036 = arith.select %lt3A_1032, %add3A_1035, %xor3A_1009 : vector<16xi1>, vector<16xi32>
            %broadcast_in_dim3A_1037 = vector.shape_cast %select_n3A_1036 : vector<16xi32> to vector<16x1xi32>
            %gather3A_1038 = vector.shape_cast %broadcast_in_dim3A_1037 : vector<16x1xi32> to vector<16xi32>
            %gather3A_1039 = tpu.dynamic_gather %select_n3A_1005[%gather3A_1038] in [0] : vector<16xf32>, vector<16xi32> -> vector<16xf32>
            %lt3A_1040 = arith.constant 0 : i32
            %lt3A_1041 = vector.broadcast %lt3A_1040 : i32 to vector<16xi32>
            %lt3A_1042 = arith.cmpi slt, %xor3A_1009, %lt3A_1041 : vector<16xi32>
            %add3A_1043 = arith.constant 16 : i32
            %add3A_1044 = vector.broadcast %add3A_1043 : i32 to vector<16xi32>
            %add3A_1045 = arith.addi %xor3A_1009, %add3A_1044 : vector<16xi32>
            %select_n3A_1046 = arith.select %lt3A_1042, %add3A_1045, %xor3A_1009 : vector<16xi1>, vector<16xi32>
            %broadcast_in_dim3A_1047 = vector.shape_cast %select_n3A_1046 : vector<16xi32> to vector<16x1xi32>
            %gather3A_1048 = vector.shape_cast %broadcast_in_dim3A_1047 : vector<16x1xi32> to vector<16xi32>
            %gather3A_1049 = tpu.dynamic_gather %select_n3A_1006[%gather3A_1048] in [0] : vector<16xi32>, vector<16xi32> -> vector<16xi32>
            %gt3A_1050 = arith.cmpf ogt, %gather3A_1019, %select_n3A_989 : vector<16xf32>
            %eq3A_1051 = arith.cmpf oeq, %gather3A_1019, %select_n3A_989 : vector<16xf32>
            %lt3A_1052 = arith.cmpi slt, %gather3A_1029, %select_n3A_990 : vector<16xi32>
            %and3A_1053 = arith.andi %eq3A_1051, %lt3A_1052 : vector<16xi1>
            %or3A_1054 = arith.ori %gt3A_1050, %and3A_1053 : vector<16xi1>
            %select_n3A_1055 = arith.select %or3A_1054, %gather3A_1019, %select_n3A_989 : vector<16xi1>, vector<16xf32>
            %select_n3A_1056 = arith.select %or3A_1054, %gather3A_1029, %select_n3A_990 : vector<16xi1>, vector<16xi32>
            %select_n3A_1057 = arith.select %or3A_1054, %select_n3A_989, %gather3A_1019 : vector<16xi1>, vector<16xf32>
            %select_n3A_1058 = arith.select %or3A_1054, %select_n3A_990, %gather3A_1029 : vector<16xi1>, vector<16xi32>
            %gt3A_1059 = arith.cmpf ogt, %gather3A_1039, %select_n3A_1005 : vector<16xf32>
            %eq3A_1060 = arith.cmpf oeq, %gather3A_1039, %select_n3A_1005 : vector<16xf32>
            %lt3A_1061 = arith.cmpi slt, %gather3A_1049, %select_n3A_1006 : vector<16xi32>
            %and3A_1062 = arith.andi %eq3A_1060, %lt3A_1061 : vector<16xi1>
            %or3A_1063 = arith.ori %gt3A_1059, %and3A_1062 : vector<16xi1>
            %select_n3A_1064 = arith.select %or3A_1063, %gather3A_1039, %select_n3A_1005 : vector<16xi1>, vector<16xf32>
            %select_n3A_1065 = arith.select %or3A_1063, %gather3A_1049, %select_n3A_1006 : vector<16xi1>, vector<16xi32>
            %gt3A_1066 = arith.cmpf ogt, %select_n3A_1057, %select_n3A_1064 : vector<16xf32>
            %eq3A_1067 = arith.cmpf oeq, %select_n3A_1057, %select_n3A_1064 : vector<16xf32>
            %lt3A_1068 = arith.cmpi slt, %select_n3A_1058, %select_n3A_1065 : vector<16xi32>
            %and3A_1069 = arith.andi %eq3A_1067, %lt3A_1068 : vector<16xi1>
            %or3A_1070 = arith.ori %gt3A_1066, %and3A_1069 : vector<16xi1>
            %select_n3A_1071 = arith.select %or3A_1070, %select_n3A_1057, %select_n3A_1064 : vector<16xi1>, vector<16xf32>
            %select_n3A_1072 = arith.select %or3A_1070, %select_n3A_1058, %select_n3A_1065 : vector<16xi1>, vector<16xi32>
            %xor3A_1073 = arith.constant 8 : i32
            %xor3A_1074 = vector.broadcast %xor3A_1073 : i32 to vector<16xi32>
            %xor3A_1075 = arith.xori %iota3A, %xor3A_1074 : vector<16xi32>
            %lt3A_1076 = arith.constant 0 : i32
            %lt3A_1077 = vector.broadcast %lt3A_1076 : i32 to vector<16xi32>
            %lt3A_1078 = arith.cmpi slt, %xor3A_1075, %lt3A_1077 : vector<16xi32>
            %add3A_1079 = arith.constant 16 : i32
            %add3A_1080 = vector.broadcast %add3A_1079 : i32 to vector<16xi32>
            %add3A_1081 = arith.addi %xor3A_1075, %add3A_1080 : vector<16xi32>
            %select_n3A_1082 = arith.select %lt3A_1078, %add3A_1081, %xor3A_1075 : vector<16xi1>, vector<16xi32>
            %broadcast_in_dim3A_1083 = vector.shape_cast %select_n3A_1082 : vector<16xi32> to vector<16x1xi32>
            %gather3A_1084 = vector.shape_cast %broadcast_in_dim3A_1083 : vector<16x1xi32> to vector<16xi32>
            %gather3A_1085 = tpu.dynamic_gather %select_n3A_1055[%gather3A_1084] in [0] : vector<16xf32>, vector<16xi32> -> vector<16xf32>
            %lt3A_1086 = arith.constant 0 : i32
            %lt3A_1087 = vector.broadcast %lt3A_1086 : i32 to vector<16xi32>
            %lt3A_1088 = arith.cmpi slt, %xor3A_1075, %lt3A_1087 : vector<16xi32>
            %add3A_1089 = arith.constant 16 : i32
            %add3A_1090 = vector.broadcast %add3A_1089 : i32 to vector<16xi32>
            %add3A_1091 = arith.addi %xor3A_1075, %add3A_1090 : vector<16xi32>
            %select_n3A_1092 = arith.select %lt3A_1088, %add3A_1091, %xor3A_1075 : vector<16xi1>, vector<16xi32>
            %broadcast_in_dim3A_1093 = vector.shape_cast %select_n3A_1092 : vector<16xi32> to vector<16x1xi32>
            %gather3A_1094 = vector.shape_cast %broadcast_in_dim3A_1093 : vector<16x1xi32> to vector<16xi32>
            %gather3A_1095 = tpu.dynamic_gather %select_n3A_1056[%gather3A_1094] in [0] : vector<16xi32>, vector<16xi32> -> vector<16xi32>
            %lt3A_1096 = arith.constant 0 : i32
            %lt3A_1097 = vector.broadcast %lt3A_1096 : i32 to vector<16xi32>
            %lt3A_1098 = arith.cmpi slt, %xor3A_1075, %lt3A_1097 : vector<16xi32>
            %add3A_1099 = arith.constant 16 : i32
            %add3A_1100 = vector.broadcast %add3A_1099 : i32 to vector<16xi32>
            %add3A_1101 = arith.addi %xor3A_1075, %add3A_1100 : vector<16xi32>
            %select_n3A_1102 = arith.select %lt3A_1098, %add3A_1101, %xor3A_1075 : vector<16xi1>, vector<16xi32>
            %broadcast_in_dim3A_1103 = vector.shape_cast %select_n3A_1102 : vector<16xi32> to vector<16x1xi32>
            %gather3A_1104 = vector.shape_cast %broadcast_in_dim3A_1103 : vector<16x1xi32> to vector<16xi32>
            %gather3A_1105 = tpu.dynamic_gather %select_n3A_1071[%gather3A_1104] in [0] : vector<16xf32>, vector<16xi32> -> vector<16xf32>
            %lt3A_1106 = arith.constant 0 : i32
            %lt3A_1107 = vector.broadcast %lt3A_1106 : i32 to vector<16xi32>
            %lt3A_1108 = arith.cmpi slt, %xor3A_1075, %lt3A_1107 : vector<16xi32>
            %add3A_1109 = arith.constant 16 : i32
            %add3A_1110 = vector.broadcast %add3A_1109 : i32 to vector<16xi32>
            %add3A_1111 = arith.addi %xor3A_1075, %add3A_1110 : vector<16xi32>
            %select_n3A_1112 = arith.select %lt3A_1108, %add3A_1111, %xor3A_1075 : vector<16xi1>, vector<16xi32>
            %broadcast_in_dim3A_1113 = vector.shape_cast %select_n3A_1112 : vector<16xi32> to vector<16x1xi32>
            %gather3A_1114 = vector.shape_cast %broadcast_in_dim3A_1113 : vector<16x1xi32> to vector<16xi32>
            %gather3A_1115 = tpu.dynamic_gather %select_n3A_1072[%gather3A_1114] in [0] : vector<16xi32>, vector<16xi32> -> vector<16xi32>
            %gt3A_1116 = arith.cmpf ogt, %gather3A_1085, %select_n3A_1055 : vector<16xf32>
            %eq3A_1117 = arith.cmpf oeq, %gather3A_1085, %select_n3A_1055 : vector<16xf32>
            %lt3A_1118 = arith.cmpi slt, %gather3A_1095, %select_n3A_1056 : vector<16xi32>
            %and3A_1119 = arith.andi %eq3A_1117, %lt3A_1118 : vector<16xi1>
            %or3A_1120 = arith.ori %gt3A_1116, %and3A_1119 : vector<16xi1>
            %select_n3A_1121 = arith.select %or3A_1120, %gather3A_1085, %select_n3A_1055 : vector<16xi1>, vector<16xf32>
            %select_n3A_1122 = arith.select %or3A_1120, %gather3A_1095, %select_n3A_1056 : vector<16xi1>, vector<16xi32>
            %select_n3A_1123 = arith.select %or3A_1120, %select_n3A_1055, %gather3A_1085 : vector<16xi1>, vector<16xf32>
            %select_n3A_1124 = arith.select %or3A_1120, %select_n3A_1056, %gather3A_1095 : vector<16xi1>, vector<16xi32>
            %gt3A_1125 = arith.cmpf ogt, %gather3A_1105, %select_n3A_1071 : vector<16xf32>
            %eq3A_1126 = arith.cmpf oeq, %gather3A_1105, %select_n3A_1071 : vector<16xf32>
            %lt3A_1127 = arith.cmpi slt, %gather3A_1115, %select_n3A_1072 : vector<16xi32>
            %and3A_1128 = arith.andi %eq3A_1126, %lt3A_1127 : vector<16xi1>
            %or3A_1129 = arith.ori %gt3A_1125, %and3A_1128 : vector<16xi1>
            %select_n3A_1130 = arith.select %or3A_1129, %gather3A_1105, %select_n3A_1071 : vector<16xi1>, vector<16xf32>
            %select_n3A_1131 = arith.select %or3A_1129, %gather3A_1115, %select_n3A_1072 : vector<16xi1>, vector<16xi32>
            %gt3A_1132 = arith.cmpf ogt, %select_n3A_1123, %select_n3A_1130 : vector<16xf32>
            %eq3A_1133 = arith.cmpf oeq, %select_n3A_1123, %select_n3A_1130 : vector<16xf32>
            %lt3A_1134 = arith.cmpi slt, %select_n3A_1124, %select_n3A_1131 : vector<16xi32>
            %and3A_1135 = arith.andi %eq3A_1133, %lt3A_1134 : vector<16xi1>
            %or3A_1136 = arith.ori %gt3A_1132, %and3A_1135 : vector<16xi1>
            %select_n3A_1137 = arith.select %or3A_1136, %select_n3A_1123, %select_n3A_1130 : vector<16xi1>, vector<16xf32>
            %select_n3A_1138 = arith.select %or3A_1136, %select_n3A_1124, %select_n3A_1131 : vector<16xi1>, vector<16xi32>
            tpu.vector_store_idx %arg11[%broadcast_in_dim3A_780], %select_n3A_1121 masked %eq3A_1 : memref<512xf32, #tpu.memory_space<vmem>>[vector<16xi32>], vector<16xf32>, vector<16xi1>
            tpu.vector_store_idx %arg12[%broadcast_in_dim3A_780], %select_n3A_1122 masked %eq3A_1 : memref<512xi32, #tpu.memory_space<vmem>>[vector<16xi32>], vector<16xi32>, vector<16xi1>
            tpu.vector_store_idx %arg13[%broadcast_in_dim3A_780], %select_n3A_1137 masked %eq3A_1 : memref<512xf32, #tpu.memory_space<vmem>>[vector<16xi32>], vector<16xf32>, vector<16xi1>
            tpu.vector_store_idx %arg14[%broadcast_in_dim3A_780], %select_n3A_1138 masked %eq3A_1 : memref<512xi32, #tpu.memory_space<vmem>>[vector<16xi32>], vector<16xi32>, vector<16xi1>
            tpu.vector_store_idx %arg10[%select_n3A_1122], %broadcast_in_dim3A_32 masked %eq3A_1 {add = true} : memref<2048xi32, #tpu.memory_space<vmem>>[vector<16xi32>], vector<16xi32>, vector<16xi1>
          } else {
          }
          %shift_right_logical3A = arith.constant 4 : i32
          %shift_right_logical3A_803 = arith.shrui %squeeze3A_779, %shift_right_logical3A : i32
          %mul3A_804 = arith.constant 16 : i32
          %mul3A_805 = arith.muli %shift_right_logical3A_803, %mul3A_804 : i32
          %get3A_806 = arith.index_cast %mul3A_805 : i32 to index
          %get3A_807 = tpu.vector_load %arg11[%get3A_806] {strides = array<i32>} : memref<512xf32, #tpu.memory_space<vmem>>, vector<16xf32>,
          %xor3A_808 = arith.constant 1 : i32
          %xor3A_809 = vector.broadcast %xor3A_808 : i32 to vector<16xi32>
          %xor3A_810 = arith.xori %iota3A, %xor3A_809 : vector<16xi32>
          %lt3A_811 = arith.constant 0 : i32
          %lt3A_812 = vector.broadcast %lt3A_811 : i32 to vector<16xi32>
          %lt3A_813 = arith.cmpi slt, %xor3A_810, %lt3A_812 : vector<16xi32>
          %add3A_814 = arith.constant 16 : i32
          %add3A_815 = vector.broadcast %add3A_814 : i32 to vector<16xi32>
          %add3A_816 = arith.addi %xor3A_810, %add3A_815 : vector<16xi32>
          %select_n3A_817 = arith.select %lt3A_813, %add3A_816, %xor3A_810 : vector<16xi1>, vector<16xi32>
          %broadcast_in_dim3A_818 = vector.shape_cast %select_n3A_817 : vector<16xi32> to vector<16x1xi32>
          %gather3A_819 = vector.shape_cast %broadcast_in_dim3A_818 : vector<16x1xi32> to vector<16xi32>
          %gather3A_820 = tpu.dynamic_gather %get3A_807[%gather3A_819] in [0] : vector<16xf32>, vector<16xi32> -> vector<16xf32>
          %max3A_821 = arith.maximumf %get3A_807, %gather3A_820 : vector<16xf32>
          %xor3A_822 = arith.constant 2 : i32
          %xor3A_823 = vector.broadcast %xor3A_822 : i32 to vector<16xi32>
          %xor3A_824 = arith.xori %iota3A, %xor3A_823 : vector<16xi32>
          %lt3A_825 = arith.constant 0 : i32
          %lt3A_826 = vector.broadcast %lt3A_825 : i32 to vector<16xi32>
          %lt3A_827 = arith.cmpi slt, %xor3A_824, %lt3A_826 : vector<16xi32>
          %add3A_828 = arith.constant 16 : i32
          %add3A_829 = vector.broadcast %add3A_828 : i32 to vector<16xi32>
          %add3A_830 = arith.addi %xor3A_824, %add3A_829 : vector<16xi32>
          %select_n3A_831 = arith.select %lt3A_827, %add3A_830, %xor3A_824 : vector<16xi1>, vector<16xi32>
          %broadcast_in_dim3A_832 = vector.shape_cast %select_n3A_831 : vector<16xi32> to vector<16x1xi32>
          %gather3A_833 = vector.shape_cast %broadcast_in_dim3A_832 : vector<16x1xi32> to vector<16xi32>
          %gather3A_834 = tpu.dynamic_gather %max3A_821[%gather3A_833] in [0] : vector<16xf32>, vector<16xi32> -> vector<16xf32>
          %max3A_835 = arith.maximumf %max3A_821, %gather3A_834 : vector<16xf32>
          %xor3A_836 = arith.constant 4 : i32
          %xor3A_837 = vector.broadcast %xor3A_836 : i32 to vector<16xi32>
          %xor3A_838 = arith.xori %iota3A, %xor3A_837 : vector<16xi32>
          %lt3A_839 = arith.constant 0 : i32
          %lt3A_840 = vector.broadcast %lt3A_839 : i32 to vector<16xi32>
          %lt3A_841 = arith.cmpi slt, %xor3A_838, %lt3A_840 : vector<16xi32>
          %add3A_842 = arith.constant 16 : i32
          %add3A_843 = vector.broadcast %add3A_842 : i32 to vector<16xi32>
          %add3A_844 = arith.addi %xor3A_838, %add3A_843 : vector<16xi32>
          %select_n3A_845 = arith.select %lt3A_841, %add3A_844, %xor3A_838 : vector<16xi1>, vector<16xi32>
          %broadcast_in_dim3A_846 = vector.shape_cast %select_n3A_845 : vector<16xi32> to vector<16x1xi32>
          %gather3A_847 = vector.shape_cast %broadcast_in_dim3A_846 : vector<16x1xi32> to vector<16xi32>
          %gather3A_848 = tpu.dynamic_gather %max3A_835[%gather3A_847] in [0] : vector<16xf32>, vector<16xi32> -> vector<16xf32>
          %max3A_849 = arith.maximumf %max3A_835, %gather3A_848 : vector<16xf32>
          %xor3A_850 = arith.constant 8 : i32
          %xor3A_851 = vector.broadcast %xor3A_850 : i32 to vector<16xi32>
          %xor3A_852 = arith.xori %iota3A, %xor3A_851 : vector<16xi32>
          %lt3A_853 = arith.constant 0 : i32
          %lt3A_854 = vector.broadcast %lt3A_853 : i32 to vector<16xi32>
          %lt3A_855 = arith.cmpi slt, %xor3A_852, %lt3A_854 : vector<16xi32>
          %add3A_856 = arith.constant 16 : i32
          %add3A_857 = vector.broadcast %add3A_856 : i32 to vector<16xi32>
          %add3A_858 = arith.addi %xor3A_852, %add3A_857 : vector<16xi32>
          %select_n3A_859 = arith.select %lt3A_855, %add3A_858, %xor3A_852 : vector<16xi1>, vector<16xi32>
          %broadcast_in_dim3A_860 = vector.shape_cast %select_n3A_859 : vector<16xi32> to vector<16x1xi32>
          %gather3A_861 = vector.shape_cast %broadcast_in_dim3A_860 : vector<16x1xi32> to vector<16xi32>
          %gather3A_862 = tpu.dynamic_gather %max3A_849[%gather3A_861] in [0] : vector<16xf32>, vector<16xi32> -> vector<16xf32>
          %max3A_863 = arith.maximumf %max3A_849, %gather3A_862 : vector<16xf32>
          %broadcast_in_dim3A_864 = vector.broadcast %shift_right_logical3A_803 : i32 to vector<16xi32>
          tpu.vector_store_idx %arg15[%broadcast_in_dim3A_864], %max3A_863 masked %eq3A_1 : memref<32xf32, #tpu.memory_space<vmem>>[vector<16xi32>], vector<16xf32>, vector<16xi1>
          %sub3A_865 = arith.constant 1 : i32
          %sub3A_866 = arith.subi %while3A_715, %sub3A_865 : i32
          scf.yield %sub3A_866 : i32
        }
        %add3A_711 = arith.constant 1 : i32
        %add3A_712 = arith.addi %while3A_58, %add3A_711 : i32
        %convert_element_type3A_713 = arith.extui %and3A_699 : i1 to i32
        %add3A_714 = arith.addi %add3A_712, %convert_element_type3A_713 : i32
        scf.yield %add3A_714 : i32
      }
      %scan3A_52 = arith.constant 0 : i32
      %scan3A_53 = arith.constant 0 : i32
      %scan3A_54 = arith.constant 32 : i32
      %scan3A_55 = arith.addi %scan3A_53, %scan3A_54 : i32
      %scan3A_56 = arith.constant 1 : i32
      scf.for %scan3A_58 = %scan3A_53 to %scan3A_55 step %scan3A_56  : i32 {
        %mul3A_59 = arith.constant 16 : i32
        %mul3A_60 = arith.muli %scan3A_58, %mul3A_59 : i32
        %add3A_61 = vector.broadcast %mul3A_60 : i32 to vector<16xi32>
        %add3A_62 = arith.addi %add3A_61, %iota3A : vector<16xi32>
        %mul3A_63 = arith.constant 16 : i32
        %mul3A_64 = arith.muli %scan3A_58, %mul3A_63 : i32
        %swap3A = arith.index_cast %mul3A_64 : i32 to index
        %swap3A_65 = tpu.vector_load %arg20[%swap3A] {strides = array<i32>} : memref<512xi32, #tpu.memory_space<vmem>>, vector<16xi32>,
        tpu.vector_store %arg20[%swap3A], %add3A_62 {strides = array<i32>} : memref<512xi32, #tpu.memory_space<vmem>>, vector<16xi32>,
      }
      %scan3A_57 = arith.constant 32 : i32
      "tpu.region"() ({
        %run_scoped3A = tpu.sem_alloc : memref<!tpu.dma_semaphore, #tpu.memory_space<semaphore_mem>>
        tpu.enqueue_dma source(%arg20 : memref<512xi32, #tpu.memory_space<vmem>>) target(%arg3 : memref<512xi32, #tpu.memory_space<hbm>>) target_semaphore(%run_scoped3A : memref<!tpu.dma_semaphore, #tpu.memory_space<semaphore_mem>>)
        tpu.wait_dma2 semaphore(%run_scoped3A : memref<!tpu.dma_semaphore, #tpu.memory_space<semaphore_mem>>) src(%arg20 : memref<512xi32, #tpu.memory_space<vmem>>) dst(%arg3 : memref<512xi32, #tpu.memory_space<hbm>>)
        tpu.yield
      }) : () -> ()
      "tpu.region"() ({
        %run_scoped3A = tpu.sem_alloc : memref<!tpu.dma_semaphore, #tpu.memory_space<semaphore_mem>>
        tpu.enqueue_dma source(%arg21 : memref<512xi32, #tpu.memory_space<vmem>>) target(%arg4 : memref<512xi32, #tpu.memory_space<hbm>>) target_semaphore(%run_scoped3A : memref<!tpu.dma_semaphore, #tpu.memory_space<semaphore_mem>>)
        tpu.wait_dma2 semaphore(%run_scoped3A : memref<!tpu.dma_semaphore, #tpu.memory_space<semaphore_mem>>) src(%arg21 : memref<512xi32, #tpu.memory_space<vmem>>) dst(%arg4 : memref<512xi32, #tpu.memory_space<hbm>>)
        tpu.yield
      }) : () -> ()
    } else {
    }
    return
  }
}

</mosaic_0001>

<sc_bundles>
// kernel: kernel.3.cloned.1.call-start
scs
__scs_entry_jumppad:
0x0: {  	(pc) =	sbr.rel $0x88, $3  }
0x1: {  	(tag) =	ssettag $0x0;
	lr =	simm.s32 $0x1  }
0x2: {  	[smem:$0x3FA0] =	sst lr;
	_ =	strace $0xD0000000  }
0x3: {  	_ = 	snop  }
0x4: {  	_ = 	snop  }
0x5: {  	_ = 	snop  }
0x6: {  	_ = 	snop  }
0x7: {  	_ = 	snop  }
__scs_overlays_trampoline_lowered:
0x8: {  	[smem:$0x3FAF] =	sst s0  }
0x9: {  	[smem:$0x3FB0] =	sst s1  }
0xa: {  	[smem:$0x3FB1] =	sst s2  }
0xb: {  	[smem:$0x3FB2] =	sst s3  }
0xc: {  	[smem:$0x3FB3] =	sst s4  }
0xd: {  	[smem:$0x3FB4] =	sst s5  }
0xe: {  	[smem:$0x3FB5] =	sst s6  }
0xf: {  	[smem:$0x3FB6] =	sst s7  }
0x10: {  	[smem:$0x3FB7] =	sst s8  }
0x11: {  	[smem:$0x3FB8] =	sst s9;
	s0 =	simm.s32 @!p0 $0x0  }
0x12: {  	s1 =	sld [smem:$0x3F9E];
	s0 =	simm.s32 @p0 $0x1  }
0x13: {  	[smem:$0x3FB9] =	sst s0;
	s0 =	simm.s32 @!p1 $0x0  }
0x14: {  	s2 =	sld [smem:$0x3F9D];
	s0 =	simm.s32 @p1 $0x1  }
0x15: {  	[smem:$0x3FBA] =	sst s0;
	s0 =	simm.s32 @!p2 $0x0  }
0x16: {  	s3 =	sld [smem:$0x3FDB];
	s0 =	simm.s32 @p2 $0x1  }
0x17: {  	s4 =	simm.s32 $0x1BF5;
	[smem:$0x3FBC] =	sst s0  }
0x18: {  	s0 =	sld [smem:$0x3F9F];
	_ =	swait.ge [sflag:s4], $0x0  }
0x19: {  	s7 =	sld [smem:$0x3FA0]  }
0x1a: {  	s8 =	sadd.s32 $0xFFFFE003, lr  }
0x1b: {  	s9 =	sadd.s32 $0xFFFFFEF7, lr;
	s5 =	simm.s32 $0xFFFFFFFF;
	p2 =	slt.u32 s8, $0xFFFFF086  }
0x1c: {  	p1 =	slt.u32 s9, $0xF7A;
	s5 =	simm.s32 @!p2 $0x0  }
0x1d: {  	s5 =	simm.s32 @p1 $0x1;
	p0 =	seq.s32 s7, s2  }
0x1e: {  	s7 =	smul.u32 @!p0 $0xF7A, s2;
	p2 =	seq.s32 @!p0 s5, $0x0  }
0x1f: {  	s9 =	smul.u32 $0xF7A, s1;
	s8 =	simm.s32 @!p0 $0x1BF5;
	p2 =	por !p2, p0  }
0x20: {  	[sflag:s8] =	ssyncset.s32 @!p0 $0xFFFFF086;
	s6 =	sadd.s32 @!p0 s3, s7;
	s7 =	simm.s32 @!p0 $0x108  }
0x21: {  	s3 =	sadd.s32 s3, s9;
	s6 =	sadd.s32 @!p0 $0x88, s6;
	s7 =	simm.s32 @p2 $0x1082  }
0x22: {  	[simem:s7], [sflag:s8] =	dma.local @!p0 [hbm:s6], $0xF7A  }
0x23: {  	s9 =	sor.u32 $0xD0000000, s2;
	s6 =	simm.s32 $0x108;
	_ =	swait.ge @!p0 [sflag:s8], $0x0  }
0x24: {  	s3 =	sadd.s32 $0x88, s3;
	s6 =	simm.s32 @!p1 $0x1082;
	[sflag:s4] =	ssyncset.s32 $0xFFFFF086  }
0x25: {  	[simem:s6], [sflag:s4] =	dma.local [hbm:s3], $0xF7A  }
0x26: {  	[smem:$0x3FA0] =	sst s1;
	(tag) =	ssettag s2;
	_ =	strace s9  }
0x27: {  	s1 =	sld [smem:$0x3FB0]  }
0x28: {  	s2 =	sld [smem:$0x3FB1]  }
0x29: {  	s4 =	sld [smem:$0x3FB3]  }
0x2a: {  	p0 =	seq.s32 s5, $0x0;
	s5 =	sld [smem:$0x3FB4]  }
0x2b: {  	s6 =	sld [smem:$0x3FB5]  }
0x2c: {  	s7 =	sld [smem:$0x3FB6]  }
0x2d: {  	s3 =	simm.s32 $0x108;
	s8 =	sld [smem:$0x3FB7]  }
0x2e: {  	s3 =	simm.s32 @!p0 $0x1082;
	s9 =	sld [smem:$0x3FB8]  }
0x2f: {  	lr =	sadd.s32 s0, s3;
	s0 =	sld [smem:$0x3FAF]  }
0x30: {  	s3 =	sld [smem:$0x3FB2]  }
0x31: {  	[smem:$0x3FBB] =	sst s10  }
0x32: {  	s10 =	sld [smem:$0x3FB9];
	_ =	sdelay $0x3  }
0x33: {  	p0 =	seq.s32 s10, $0x1;
	s10 =	sld [smem:$0x3FBB];
	_ =	sdelay $0x3  }
0x34: {  	[smem:$0x3FBB] =	sst s10  }
0x35: {  	s10 =	sld [smem:$0x3FBA];
	_ =	sdelay $0x3  }
0x36: {  	p1 =	seq.s32 s10, $0x1;
	s10 =	sld [smem:$0x3FBB];
	_ =	sdelay $0x3  }
0x37: {  	[smem:$0x3FBB] =	sst s10  }
0x38: {  	s10 =	sld [smem:$0x3FBC]  }
0x39: {  	_ = 	snop;
	(pc) =	sbr.ind lr, $3  }
0x3a: {  	_ = 	snop  }
0x3b: {  	_ = 	snop  }
0x3c: {  	p2 =	seq.s32 s10, $0x1;
	s10 =	sld [smem:$0x3FBB]  }
0x3d: {  	_ =	shalt  }
0x3e: {  	_ =	shalt  }
0x3f: {  	_ =	shalt  }
0x40: {  	_ =	shalt  }
0x41: {  	_ =	shalt  }
0x42: {  	_ =	shalt  }
0x43: {  	_ =	shalt  }
0x44: {  	_ =	shalt  }
0x45: {  	_ =	shalt  }
0x46: {  	_ =	shalt  }
0x47: {  	_ =	shalt  }
0x48: {  	_ =	shalt  }
0x49: {  	_ =	shalt  }
0x4a: {  	_ =	shalt  }
0x4b: {  	_ =	shalt  }
0x4c: {  	_ =	shalt  }
0x4d: {  	_ =	shalt  }
0x4e: {  	_ =	shalt  }
0x4f: {  	_ =	shalt  }
0x50: {  	_ =	shalt  }
0x51: {  	_ =	shalt  }
0x52: {  	_ =	shalt  }
0x53: {  	_ =	shalt  }
0x54: {  	_ =	shalt  }
0x55: {  	_ =	shalt  }
0x56: {  	_ =	shalt  }
0x57: {  	_ =	shalt  }
0x58: {  	_ =	shalt  }
0x59: {  	_ =	shalt  }
0x5a: {  	_ =	shalt  }
0x5b: {  	_ =	shalt  }
0x5c: {  	_ =	shalt  }
0x5d: {  	_ =	shalt  }
0x5e: {  	_ =	shalt  }
0x5f: {  	_ =	shalt  }
0x60: {  	_ =	shalt  }
0x61: {  	_ =	shalt  }
0x62: {  	_ =	shalt  }
0x63: {  	_ =	shalt  }
0x64: {  	_ =	shalt  }
0x65: {  	_ =	shalt  }
0x66: {  	_ =	shalt  }
0x67: {  	_ =	shalt  }
0x68: {  	_ =	shalt  }
0x69: {  	_ =	shalt  }
0x6a: {  	_ =	shalt  }
0x6b: {  	_ =	shalt  }
0x6c: {  	_ =	shalt  }
0x6d: {  	_ =	shalt  }
0x6e: {  	_ =	shalt  }
0x6f: {  	_ =	shalt  }
0x70: {  	_ =	shalt  }
0x71: {  	_ =	shalt  }
0x72: {  	_ =	shalt  }
0x73: {  	_ =	shalt  }
0x74: {  	_ =	shalt  }
0x75: {  	_ =	shalt  }
0x76: {  	_ =	shalt  }
0x77: {  	_ =	shalt  }
0x78: {  	_ =	shalt  }
0x79: {  	_ =	shalt  }
0x7a: {  	_ =	shalt  }
0x7b: {  	_ =	shalt  }
0x7c: {  	_ =	shalt  }
0x7d: {  	_ =	shalt  }
0x7e: {  	_ =	shalt  }
0x7f: {  	_ =	shalt  }
0x80: {  	_ =	shalt  }
0x81: {  	_ =	shalt  }
0x82: {  	_ =	shalt  }
0x83: {  	_ =	shalt  }
0x84: {  	_ =	shalt  }
0x85: {  	_ =	shalt  }
0x86: {  	_ =	shalt  }
0x87: {  	_ =	shalt  }
.Lfunc_end0:
.L_simem_size_0:
called_computation_lowered:
.L_overlay_start_0:
0x88: {  	s0 =	sld [smem:$0x3FD9]  }
0x89: {  	s1 =	sld [smem:$0x3FFE];
	_ =	sdelay $0x3  }
0x8a: {  	s0 =	sadd.s32 s1, s0  }
0x8b: {  	[smem:$0x3FC7] =	sst s0  }
0x8c: {  	_ = 	snop  }
0x8d: {  	s0 =	sld [smem:$0x3FD0];
	_ =	sdelay $0x2  }
0x8e: {  	s13 =	simm.s32 $0xA;
	s2 =	simm.s32 $0x10  }
0x8f: {  	[smem:s2], [sflag:s13] =	dma.local [hbm:s0], $0x1  }
0x90: {  	_ =	swait.eq [sflag:s13], $0x1  }
0x91: {  	[sflag:s13] =	ssyncset.done $0x0  }
0x92: {  	s14 =	sld [smem:$0x10];
	[sflag:s13] =	ssyncadd.s32 $0xFFFFFFFF  }
0x93: {  	s15 =	sld [smem:$0x11];
	(tm) =	ssettm $0x1  }
0x94: {  	s16 =	sld [smem:$0x3FFB];
	_ =	sdelay $0x3  }
0x95: {  	_ =	strace s16  }
0x96: {  	s2 =	sld [smem:$0x3FFC];
	_ =	sdelay $0x3  }
0x97: {  	_ =	strace s2  }
0x98: {  	s2 =	sld [smem:$0x3FFD];
	_ =	sdelay $0x3  }
0x99: {  	_ =	strace s2  }
0x9a: {  	_ =	strace $0x8FFFFFFF  }
0x9b: {  	s17 =	sld [smem:$0x3FDB];
	_ =	sdelay $0x1  }
0x9c: {  	s3 =	simm.s32 $_scs_section_size  }
0x9d: {  	s4 =	simm.s32 $_size__tile_overlayer_lowered;
	s5 =	simm.s32 $_tile_overlayer_lowered  }
0x9e: {  	s20 =	simm.s32 $0x1BFF;
	s19 =	sshll.u32 s5, $0x1;
	s2 =	sadd.s32 s3, s17  }
0x9f: {  	s6 =	simm.s32 $0x0;
	s18 =	sshll.u32 s4, $0x1;
	s4 =	sadd.s32 s19, s2  }
0xa0: {  	[timem:s6], [sflag:s20] =	dma.local [hbm:s4], s18  }
0xa1: {  	_ =	swait.ge [sflag:s20], s18  }
0xa2: {  	s3 =	ssub.s32 $0x0, s18;
	[sflag:s20] =	ssyncset.done $0x0  }
0xa3: {  	[sflag:s20] =	ssyncadd.s32 s3;
	_ =	sdelay $0x1  }
0xa4: {  	s21 =	simm.s32 $0x1B8B  }
0xa5: {  	_ =	swait.ge [sflag:s21], $0x1  }
0xa6: {  	[sflag:s21] =	ssyncset.done $0x0  }
0xa7: {  	s23 =	simm.s32 $0x1B8E;
	s22 =	sld [smem:$0x3FFE];
	[sflag:s21] =	ssyncadd.s32 $0xFFFFFFFF  }
0xa8: {  	s24 =	simm.s32 $execute0_lowered;
	[smem:$0x3FD2] =	sst s23  }
0xa9: {  	s4 =	sshll.u32 s24, $0x1;
	_ =	strace $0x80000046;
	[dreg:$0x1] =	wrdreg $0xFFFFFFFF  }
0xaa: {  	s25 =	simm.s32 $_size_execute0_lowered;
	s2 =	sadd.s32 s2, s4;
	[dreg:$0x0] =	wrdreg $0x0  }
0xab: {  	s4 =	sshll.u32 s25, $0x1;
	[dreg:$0x2] =	wrdreg s2  }
0xac: {  	[dreg:$0x3] =	wrdreg s4  }
0xad: {  	[dreg:$0x4] =	wrdreg $0xC0  }
0xae: {  	_ =	task [dreg:s6], $0x5FFFF  }
0xaf: {  	[dreg:$0x1] =	wrdreg $0xFFFFFFFF  }
0xb0: {  	[dreg:$0x0] =	wrdreg $0x60  }
0xb1: {  	[dreg:$0x2] =	wrdreg s22  }
0xb2: {  	[dreg:$0x3] =	wrdreg s14  }
0xb3: {  	[dreg:$0x4] =	wrdreg s15  }
0xb4: {  	[dreg:$0x5] =	wrdreg $0x3E800  }
0xb5: {  	[dreg:$0x6] =	wrdreg $0x13E800  }
0xb6: {  	[dreg:$0x7] =	wrdreg $0x13EA00  }
0xb7: {  	[dreg:$0x8] =	wrdreg $0x13EC00  }
0xb8: {  	[dreg:$0x9] =	wrdreg $0x13EE00  }
0xb9: {  	[dreg:$0xa] =	wrdreg $0x9  }
0xba: {  	_ =	task.clear_ibuf [dreg:s6], $0xBFFFF;
	_ =	strace $0x90000046  }
0xbb: {  	s26 =	simm.s32 $0x9;
	_ =	strace $0x80000048  }
0xbc: {  	_ =	swait.ge [sflag:s26], $0x1  }
0xbd: {  	[sflag:s26] =	ssyncadd.s32 $0xFFFFFFFF  }
0xbe: {  	_ =	strace $0x90000048  }
0xbf: {  	_ =	sfence  }
0xc0: {  	s28 =	sld [smem:$0x0];
	_ =	sdelay $0x1  }
0xc1: {  	s29 =	srdreg.scid  }
0xc2: {  	s30 =	sshll.u32 s29, $0xD;
	s31 =	sshrl.u32 s29, $0x2  }
0xc3: {  	s1 =	sand.u32 $0x1, s29;
	s2 =	sand.u32 $0x4000, s30;
	s0 =	sadd.s32 s31, s28  }
0xc4: {  	s1 =	sor.u32 s2, s1;
	s0 =	sshll.u32 s0, $0x11  }
0xc5: {  	s0 =	sor.u32 s0, s1  }
0xc6: {  	s0 =	sadd.s32 $0x8F2B, s0  }
0xc7: {  	[sflag:s0] =	ssyncadd.remote.s32 $0x1  }
0xc8: {  	_ =	sfence.sel $0xFFFF  }
0xc9: {  	[dreg:$0x0] =	wrdreg $0xFFFFFFFF;
	(pc) =	sbr.abs _section_cstart, $3  }
0xca: {  	[dreg:$0x1] =	wrdreg $0xFFFFFFFF  }
0xcb: {  	_ =	task.clear_ibuf [dreg:s6], $0x2FFFF;
	_ =	strace $0x9FFFFFFF  }
0xcc: {  	(tm) =	ssettm $0x7FFFFFFF  }
0xcd: {  	_ =	shalt  }
tec
execute0_lowered:
.L_overlay_start_1:
0x0: {  	(tag) =	ssettag $0x1  }
0x1: {  	s0 =	rddreg [dreg:$0x0]  }
0x2: {  	s3 =	rddreg [dreg:$0x3]  }
0x3: {  	s7 =	rddreg [dreg:$0x4];
	s9 =	simm.s32 $0x0;
	s8 =	stileid.u32  }
0x4: {  	v0 =	vimm.s32 $0xEFCDAB89;
	v1 =	vimm.s32 $0x67452301;
	s29 =	simm.s32 $0x800;
	s31 =	simm.s32 $0x1000;
	s15 =	simm.s32 $0x1  }
0x5: {  	v2 =	vimm.s32 $0xDCFE98BA;
	s16 =	simm.s32 $0x1800;
	s17 =	simm.s32 $0x3880;
	s18 =	simm.s32 $0x3900  }
0x6: {  	v3 =	vimm.s32 $0x54761032;
	v4 =	vimm.s32 $0xBA98FEDC;
	s19 =	simm.s32 $0x3980;
	s20 =	simm.s32 $0x3A00;
	s21 =	simm.s32 $0x2  }
0x7: {  	v5 =	vimm.s32 $0x32107654;
	v6 =	vimm.s32 $0xFEDCBA98;
	s22 =	simm.s32 $0x3;
	s23 =	simm.s32 $0x4;
	[smem:$0x7FF] =	sst s9  }
0x8: {  	v7 =	vimm.s32 $0x76543210;
	s10 =	sadd.s32 $0x600, s0;
	s11 =	sshll.u32 s8, $0x10;
	s12 =	sshll.u32 s8, $0xD;
	v0 =	vunpack.c.l.s4.s8 v0;
	v1 =	vunpack.c.l.s4.s8 v1  }
0x9: {  	s13 =	sshll.u32 s8, $0x6;
	v2 =	vunpack.c.l.s4.s8 v2;
	v3 =	vunpack.c.l.s4.s8 v3;
	v4 =	vunpack.c.l.s4.s8 v4;
	_ =	strace $0x80000047;
	s26 =	sadd.s32 s11, s3  }
0xa: {  	v5 =	vunpack.c.l.s4.s8 v5;
	v6 =	vunpack.c.l.s4.s8 v6;
	v7 =	vunpack.c.l.s4.s8 v7;
	s12 =	sadd.s32 s10, s12;
	s13 =	sor.u32 $0x1C05, s13;
	s0 =	sshrl.u32 s26, $0x3  }
0xb: {  	v0 =	vunpack.c.0.s8.s32 v0;
	v1 =	vunpack.c.0.s8.s32 v1;
	v2 =	vunpack.c.0.s8.s32 v2;
	[spmem:s0], [sflag:s13] =	dma.local [hbm:s12], $0x2000  }
0xc: {  	v3 =	vunpack.c.0.s8.s32 v3;
	v4 =	vunpack.c.0.s8.s32 v4;
	v5 =	vunpack.c.0.s8.s32 v5;
	[tilespmem:s9], [sflag:$0x1] =	stream.linear.gather [hbm4b:s12+s9], $0x800, $0x38;
	[tilespmem:$0x13F00] =	vst v63  }
0xd: {  	s24 =	simm.s32 $0x0;
	s14 =	sor.u32 $0x3000, s11;
	s28 =	sadd.s32 $0x100, s12;
	v6 =	vunpack.c.0.s8.s32 v6;
	v1 =	vcombine.low v1, v0  }
0xe: {  	v2 =	vcombine.low v3, v2;
	v3 =	vcombine.low v5, v4;
	v4 =	vunpack.c.0.s8.s32 v7;
	[tilespmem:s29], [sflag:$0x2] =	stream.linear.gather [hbm4b:s28+s9], $0x800, $0x38;
	[tilespmem:$0x13F00] =	vst v63  }
0xf: {  	s30 =	sadd.s32 $0x200, s12;
	s13 =	sor.u32 $0x2800, s11;
	s12 =	sor.u32 $0x2000, s11;
	v0 =	vlaneseq.u32;
	v5 =	vand.u32 $0xF, v6;
	v1 =	vand.u32 $0xF, v1  }
0x10: {  	v2 =	vand.u32 $0xF, v2;
	v3 =	vand.u32 $0xF, v3;
	v4 =	vcombine.low v5, v4;
	[tilespmem:s31], [sflag:$0x3] =	stream.linear.gather [hbm4b:s30+s9], $0x800, $0x38;
	[tilespmem:$0x13F00] =	vst v63  }
.LBB2_1:
0x11: {  	s25 =	sshllo.u32 s24, $0x2  }
0x12: {  	s0 =	sshll.u32 s25, $0xB  }
0x13: {  	_ =	swait.ge [sflag:s15], $0x800;
	s0 =	sadd.s32 s11, s0  }
0x14: {  	[sflag:s15] =	ssyncset.done $0x0;
	s0 =	sshrl.u32 s0, $0x3  }
0x15: {  	s6 =	simm.s32 $0x40;
	[sflag:s15] =	ssyncadd.s32 $0xFFFFF800;
	s0 =	sadd.s32 s10, s0  }
0x16: {  	[tilespmem:s16], [sflag:$0x4] =	stream.linear.gather [hbm4b:s0+s9], $0x800, $0x38;
	[tilespmem:$0x13F00] =	vst v63  }
0x17: {  	v7 =	vld [tilespmem:s6+$0xFFFFFFC0];
	_ =	sdelay $0x1  }
0x18: {  	v8 =	vimm.s32 $0x0;
	v9 =	vimm.f32 $-Inf;
	v10 =	vimm.s32 $0x40000000;
	s26 =	simm.s32 $0x70;
	s28 =	simm.s32 $0x60;
	s29 =	simm.s32 $0x50;
	v11 =	vld [tilespmem:s6+$0xFFFFFFD0]  }
0x19: {  	s30 =	simm.s32 $0x30;
	s31 =	simm.s32 $0x40;
	s1 =	simm.s32 $0x10;
	v5 =	vor.u32 s26, v0;
	v12 =	vor.u32 s28, v0;
	v6 =	vor.u32 s29, v0  }
0x1a: {  	s28 =	simm.s32 $0x20;
	s29 =	simm.s32 $0x0;
	v15 =	vor.u32 s30, v0;
	v16 =	vor.u32 s31, v0;
	v18 =	vor.u32 s1, v0;
	v13 =	vld [tilespmem:s6+$0xFFFFFFE0]  }
0x1b: {  	v14 =	vor.u32 s28, v0;
	v17 =	vor.u32 s29, v0;
	vm0 =	vgt.f32 v7, v9  }
0x1c: {  	v19 =	vsel vm0, v7, v9;
	v7 =	vsel vm0, v9, v7;
	v20 =	vsel vm0, v8, v17  }
0x1d: {  	v21 =	vld [tilespmem:s6+$0xFFFFFFF0];
	v8 =	vsel vm0, v17, v8;
	vm0 =	vgt.f32 v7, v9;
	vm1 =	vgt.f32 v11, v19  }
0x1e: {  	v7 =	vsel vm0, v7, v9;
	v9 =	vsel vm0, v20, v10;
	v10 =	vsel vm1, v11, v19  }
0x1f: {  	v58 =	vsel vm1, v18, v8;
	v11 =	vsel vm1, v19, v11;
	vm0 =	vgt.f32 v13, v10  }
0x20: {  	v17 =	vld [tilespmem:s6+$0x0];
	v18 =	vsel vm1, v8, v18;
	vm1 =	vgt.f32 v11, v7;
	v8 =	vsel vm0, v13, v10  }
0x21: {  	v22 =	vsel vm0, v14, v58;
	v10 =	vsel vm0, v10, v13;
	v7 =	vsel vm1, v11, v7  }
0x22: {  	v59 =	vld [tilespmem:s6+$0x10];
	v14 =	vsel vm0, v58, v14;
	v18 =	vsel vm1, v18, v9;
	vm2 =	vgt.f32 v21, v8  }
0x23: {  	vm4 =	vgt.f32 v10, v7;
	v11 =	vsel vm2, v21, v8;
	v23 =	vsel vm2, v22, v15  }
0x24: {  	v13 =	vld [tilespmem:s6+$0x20];
	v15 =	vsel vm2, v15, v22;
	v60 =	vsel vm2, v8, v21;
	v7 =	vsel vm4, v10, v7  }
0x25: {  	v14 =	vsel vm4, v14, v18;
	vm3 =	vgt.f32 v17, v11;
	vm2 =	vgt.f32 v60, v7  }
0x26: {  	v61 =	vsel vm3, v17, v11;
	v8 =	vsel vm3, v16, v15;
	v15 =	vsel vm3, v15, v16  }
0x27: {  	v62 =	vld [tilespmem:s6+$0x30];
	v16 =	vsel vm3, v11, v17;
	v7 =	vsel vm2, v60, v7;
	vm0 =	vgt.f32 v59, v61  }
0x28: {  	vm5 =	vgt.f32 v16, v7;
	v10 =	vsel vm0, v59, v61;
	v17 =	vsel vm0, v6, v8  }
0x29: {  	v19 =	vsel vm0, v61, v59;
	v16 =	vsel vm5, v16, v7;
	vm3 =	vgt.f32 v13, v10  }
0x2a: {  	v63 =	vsel vm3, v13, v10;
	v9 =	vsel vm3, v17, v12;
	v11 =	vsel vm3, v10, v13  }
0x2b: {  	v13 =	vsel vm3, v12, v17;
	v12 =	vsel vm2, v23, v14;
	vm2 =	vgt.f32 v19, v16  }
0x2c: {  	vm1 =	vgt.f32 v62, v63;
	v14 =	vsel vm5, v15, v12;
	v15 =	vsel vm2, v19, v16  }
0x2d: {  	s30 =	simm.s32 $0xC0;
	s28 =	sshll.u32 s24, $0x2;
	s29 =	simm.s32 $0x0;
	v10 =	vsel vm1, v63, v62;
	v7 =	vsel vm1, v62, v63;
	v12 =	vsel vm1, v13, v5  }
.LBB2_2:
0x2e: {  	v16 =	vld [tilespmem:s30+$0xFFFFFFC0];
	s29 =	sadd.s32 $0x8, s29;
	v6 =	vsel vm0, v8, v6;
	vm0 =	vgt.f32 v11, v15;
	v8 =	vsel vm1, v5, v13;
	s26 =	sadd.s32 $0x80, s26  }
0x2f: {  	s0 =	sadd.s32 $0xFFFFFFF0, s26;
	v5 =	vor.u32 s26, v0;
	p0 =	slt.u32 s29, $0x78;
	v6 =	vsel vm2, v6, v14;
	v11 =	vsel vm0, v11, v15  }
0x30: {  	s1 =	sadd.s32 $0xFFFFFFE0, s26;
	v13 =	vld [tilespmem:s30+$0xFFFFFFD0];
	v14 =	vor.u32 s0, v0;
	v9 =	vsel vm0, v9, v6;
	vm0 =	vgt.f32 v10, v11  }
0x31: {  	s31 =	sadd.s32 $0xFFFFFFC0, s26;
	s2 =	sadd.s32 $0xFFFFFFD0, s26;
	s0 =	sadd.s32 $0xFFFFFFB0, s26;
	v6 =	vor.u32 s1, v0;
	v10 =	vsel vm0, v10, v11;
	v9 =	vsel vm0, v12, v9  }
0x32: {  	s4 =	sadd.s32 $0xFFFFFFA0, s26;
	s1 =	sadd.s32 $0xFFFFFF90, s26;
	v15 =	vor.u32 s31, v0;
	v17 =	vor.u32 s2, v0;
	v12 =	vor.u32 s0, v0;
	v11 =	vld [tilespmem:s30+$0xFFFFFFE0]  }
0x33: {  	v19 =	vor.u32 s4, v0;
	v18 =	vor.u32 s1, v0;
	vm0 =	vgt.f32 v16, v7  }
0x34: {  	v20 =	vsel vm0, v16, v7;
	v7 =	vsel vm0, v7, v16;
	v16 =	vsel vm0, v8, v18;
	v21 =	vld [tilespmem:s30+$0xFFFFFFF0]  }
0x35: {  	v8 =	vsel vm0, v18, v8;
	vm0 =	vgt.f32 v7, v10;
	vm1 =	vgt.f32 v13, v20  }
0x36: {  	v7 =	vsel vm0, v7, v10;
	v9 =	vsel vm0, v16, v9;
	v10 =	vsel vm1, v13, v20;
	v16 =	vld [tilespmem:s30+$0x0]  }
0x37: {  	v18 =	vsel vm1, v19, v8;
	v13 =	vsel vm1, v20, v13;
	vm0 =	vgt.f32 v11, v10  }
0x38: {  	v19 =	vsel vm1, v8, v19;
	vm1 =	vgt.f32 v13, v7;
	v8 =	vsel vm0, v11, v10;
	v20 =	vld [tilespmem:s30+$0x10]  }
0x39: {  	v22 =	vsel vm0, v12, v18;
	v10 =	vsel vm0, v10, v11;
	vm2 =	vgt.f32 v21, v8  }
0x3a: {  	v7 =	vsel vm1, v13, v7;
	v11 =	vsel vm2, v21, v8;
	v23 =	vsel vm2, v22, v15;
	v13 =	vld [tilespmem:s30+$0x20]  }
0x3b: {  	v12 =	vsel vm0, v18, v12;
	v15 =	vsel vm2, v15, v22;
	vm3 =	vgt.f32 v16, v11  }
0x3c: {  	vm4 =	vgt.f32 v10, v7;
	v18 =	vsel vm2, v8, v21;
	v21 =	vsel vm3, v16, v11;
	v22 =	vld [tilespmem:s30+$0x30]  }
0x3d: {  	v8 =	vsel vm3, v17, v15;
	v15 =	vsel vm3, v15, v17;
	vm0 =	vgt.f32 v20, v21  }
0x3e: {  	v7 =	vsel vm4, v10, v7;
	v16 =	vsel vm3, v11, v16;
	v10 =	vsel vm0, v20, v21  }
0x3f: {  	vm2 =	vgt.f32 v18, v7;
	v17 =	vsel vm0, v6, v8;
	vm3 =	vgt.f32 v13, v10  }
0x40: {  	v19 =	vsel vm1, v19, v9;
	v20 =	vsel vm0, v21, v20;
	v21 =	vsel vm3, v13, v10  }
.Ltmp0:
0x41: {  	v7 =	vsel vm2, v18, v7;
	v9 =	vsel vm3, v17, v14;
	vm1 =	vgt.f32 v22, v21;
	(pc) =	sbr.rel @p0 .LBB2_2-.Ltmp0, $4  }
0x42: {  	vm5 =	vgt.f32 v16, v7;
	v11 =	vsel vm3, v10, v13;
	v10 =	vsel vm1, v21, v22  }
0x43: {  	v12 =	vsel vm4, v12, v19;
	v16 =	vsel vm5, v16, v7;
	v13 =	vsel vm3, v14, v17  }
0x44: {  	v12 =	vsel vm2, v23, v12;
	vm2 =	vgt.f32 v20, v16;
	v7 =	vsel vm1, v22, v21  }
0x45: {  	s30 =	sadd.s32 $0x80, s30;
	v14 =	vsel vm5, v15, v12;
	v15 =	vsel vm2, v20, v16;
	v12 =	vsel vm1, v13, v5  }
0x46: {  	vm3 =	vgt.f32 v11, v15;
	v6 =	vsel vm0, v8, v6  }
0x47: {  	v5 =	vsel vm1, v5, v13;
	v8 =	vsel vm3, v11, v15;
	v6 =	vsel vm2, v6, v14  }
0x48: {  	vm0 =	vgt.f32 v10, v8;
	v6 =	vsel vm3, v9, v6;
	v9 =	vperm.xlane v7, v1  }
0x49: {  	v8 =	vsel vm0, v10, v8;
	v6 =	vsel vm0, v12, v6;
	v10 =	vperm.xlane v5, v1  }
0x4a: {  	v11 =	vperm.xlane v8, v1;
	v12 =	vperm.xlane v6, v1  }
0x4b: {  	vm0 =	vgt.f32 v9, v7;
	vm1 =	veq.f32 v9, v7;
	vm2 =	vlt.s32 v10, v5  }
0x4c: {  	vm1 =	vmand vm1, vm2;
	vm2 =	veq.f32 v11, v8;
	vm3 =	vlt.s32 v12, v6  }
0x4d: {  	vm0 =	vmor vm0, vm1;
	vm1 =	vgt.f32 v11, v8;
	vm2 =	vmand vm2, vm3  }
0x4e: {  	v13 =	vsel vm0, v7, v9;
	vm1 =	vmor vm1, vm2  }
0x4f: {  	v14 =	vsel vm0, v5, v10;
	v8 =	vsel vm1, v11, v8;
	v6 =	vsel vm1, v12, v6  }
0x50: {  	vm1 =	veq.f32 v13, v8;
	vm2 =	vlt.s32 v14, v6  }
0x51: {  	v7 =	vsel vm0, v9, v7;
	vm3 =	vgt.f32 v13, v8;
	vm1 =	vmand vm1, vm2  }
0x52: {  	v5 =	vsel vm0, v10, v5;
	v9 =	vperm.xlane v7, v2;
	vm1 =	vmor vm3, vm1  }
0x53: {  	v10 =	vperm.xlane v5, v2;
	v8 =	vsel vm1, v13, v8;
	v6 =	vsel vm1, v14, v6  }
0x54: {  	v11 =	vperm.xlane v8, v2;
	v12 =	vperm.xlane v6, v2  }
0x55: {  	vm0 =	vgt.f32 v9, v7;
	vm2 =	vlt.s32 v10, v5;
	vm1 =	veq.f32 v9, v7  }
0x56: {  	vm1 =	vmand vm1, vm2;
	vm2 =	veq.f32 v11, v8;
	vm3 =	vlt.s32 v12, v6  }
0x57: {  	vm0 =	vmor vm0, vm1;
	vm1 =	vgt.f32 v11, v8;
	vm2 =	vmand vm2, vm3  }
0x58: {  	v13 =	vsel vm0, v7, v9;
	v14 =	vsel vm0, v5, v10;
	vm1 =	vmor vm1, vm2  }
0x59: {  	v7 =	vsel vm0, v9, v7;
	v8 =	vsel vm1, v11, v8;
	v6 =	vsel vm1, v12, v6  }
0x5a: {  	v5 =	vsel vm0, v10, v5;
	vm1 =	veq.f32 v13, v8;
	vm2 =	vlt.s32 v14, v6  }
0x5b: {  	v10 =	vperm.xlane v5, v3;
	vm3 =	vgt.f32 v13, v8;
	vm1 =	vmand vm1, vm2  }
0x5c: {  	v9 =	vperm.xlane v7, v3;
	vm1 =	vmor vm3, vm1  }
0x5d: {  	vm2 =	vlt.s32 v10, v5;
	v8 =	vsel vm1, v13, v8;
	v6 =	vsel vm1, v14, v6  }
0x5e: {  	vm1 =	veq.f32 v9, v7;
	v11 =	vperm.xlane v8, v3;
	v12 =	vperm.xlane v6, v3  }
0x5f: {  	vm0 =	vgt.f32 v9, v7;
	vm1 =	vmand vm1, vm2  }
0x60: {  	vm0 =	vmor vm0, vm1;
	vm2 =	veq.f32 v11, v8;
	vm3 =	vlt.s32 v12, v6  }
0x61: {  	vm1 =	vgt.f32 v11, v8;
	v13 =	vsel vm0, v7, v9;
	vm2 =	vmand vm2, vm3  }
0x62: {  	v14 =	vsel vm0, v5, v10;
	v7 =	vsel vm0, v9, v7;
	vm1 =	vmor vm1, vm2  }
0x63: {  	v5 =	vsel vm0, v10, v5;
	v8 =	vsel vm1, v11, v8;
	v6 =	vsel vm1, v12, v6  }
0x64: {  	v9 =	vperm.xlane v7, v4;
	vm1 =	veq.f32 v13, v8;
	vm2 =	vlt.s32 v14, v6  }
0x65: {  	v10 =	vperm.xlane v5, v4;
	vm3 =	vgt.f32 v13, v8;
	vm1 =	vmand vm1, vm2  }
0x66: {  	vm0 =	veq.f32 v9, v7;
	vm1 =	vmor vm3, vm1  }
0x67: {  	v8 =	vsel vm1, v13, v8;
	v6 =	vsel vm1, v14, v6;
	vm1 =	vlt.s32 v10, v5  }
0x68: {  	v13 =	vmov s28;
	v11 =	vperm.xlane v8, v4;
	v12 =	vperm.xlane v6, v4  }
0x69: {  	vm2 =	vgt.f32 v9, v7;
	vm0 =	vmand vm0, vm1;
	v13 =	vand.u32 $0xFFFFFFFC, v13  }
0x6a: {  	v13 =	vbroadcast v13, $0x0;
	vm1 =	veq.f32 v11, v8;
	vm3 =	vlt.s32 v12, v6  }
0x6b: {  	vm0 =	vmor vm2, vm0;
	vm2 =	vgt.f32 v11, v8;
	vm1 =	vmand vm1, vm3  }
0x6c: {  	v14 =	vsel vm0, v7, v9;
	vm1 =	vmor vm2, vm1  }
0x6d: {  	v15 =	vsel vm0, v5, v10;
	v8 =	vsel vm1, v11, v8;
	v6 =	vsel vm1, v12, v6  }
0x6e: {  	vm1 =	veq.f32 v14, v8;
	vm2 =	vlt.s32 v15, v6  }
0x6f: {  	v7 =	vsel vm0, v9, v7;
	vm3 =	vgt.f32 v14, v8;
	vm1 =	vmand vm1, vm2  }
0x70: {  	v5 =	vsel vm0, v10, v5;
	[tilespmem:v13+s17+$0x0] =	vst.idx.msk $0x1, v7;
	vm0 =	vmor vm3, vm1  }
0x71: {  	[tilespmem:v13+s18+$0x0] =	vst.idx.msk $0x1, v5;
	v7 =	vsel vm0, v14, v8  }
0x72: {  	p0 =	seq.s32 s24, $0x7;
	v5 =	vsel vm0, v15, v6;
	[tilespmem:v13+s19+$0x0] =	vst.idx.msk $0x1, v7  }
0x73: {  	s26 =	sshll.u32 @!p0 s24, $0xD;
	[tilespmem:v13+s20+$0x0] =	vst.idx.msk $0x1, v5  }
0x74: {  	s0 =	sadd.s32 @!p0 s26, s12;
	_ =	swait.ge [sflag:s21], $0x800  }
0x75: {  	s0 =	sshrl.u32 @!p0 s0, $0x3;
	[sflag:s21] =	ssyncset.done $0x0  }
0x76: {  	s1 =	simm.s32 @!p0 $0x0;
	s0 =	sadd.s32 @!p0 s10, s0;
	[sflag:s21] =	ssyncadd.s32 $0xFFFFF800  }
0x77: {  	[tilespmem:s1], [sflag:$0x1] =	stream.linear.gather @!p0 [hbm4b:s0+s1], $0x800, $0x38;
	[tilespmem:$0x13F00] =	vst v63  }
0x78: {  	s0 =	simm.s32 $0x840  }
0x79: {  	v7 =	vld [tilespmem:s0+$0xFFFFFFC0]  }
0x7a: {  	s29 =	simm.s32 $0x40;
	s6 =	simm.s32 $0x0;
	s31 =	simm.s32 $0x10  }
0x7b: {  	s4 =	simm.s32 $0x60;
	v16 =	vor.u32 s29, v0;
	v17 =	vor.u32 s6, v0;
	v18 =	vor.u32 s31, v0;
	v11 =	vld [tilespmem:s0+$0xFFFFFFD0]  }
0x7c: {  	s2 =	simm.s32 $0x50;
	s5 =	simm.s32 $0x20;
	v9 =	vimm.f32 $-Inf;
	v10 =	vimm.s32 $0x40000000;
	v12 =	vor.u32 s4, v0  }
0x7d: {  	s30 =	simm.s32 $0x70;
	s4 =	simm.s32 $0x30;
	v8 =	vimm.s32 $0x0;
	v6 =	vor.u32 s2, v0;
	v14 =	vor.u32 s5, v0;
	v13 =	vld [tilespmem:s0+$0xFFFFFFE0]  }
0x7e: {  	v15 =	vor.u32 s4, v0;
	v5 =	vor.u32 s30, v0;
	vm0 =	vgt.f32 v7, v9  }
0x7f: {  	v19 =	vsel vm0, v7, v9;
	v7 =	vsel vm0, v9, v7;
	v20 =	vsel vm0, v8, v17  }
0x80: {  	v21 =	vld [tilespmem:s0+$0xFFFFFFF0];
	v8 =	vsel vm0, v17, v8;
	vm0 =	vgt.f32 v7, v9;
	vm1 =	vgt.f32 v11, v19  }
0x81: {  	v7 =	vsel vm0, v7, v9;
	v9 =	vsel vm0, v20, v10;
	v10 =	vsel vm1, v11, v19  }
0x82: {  	v58 =	vsel vm1, v18, v8;
	v11 =	vsel vm1, v19, v11;
	vm0 =	vgt.f32 v13, v10  }
0x83: {  	v17 =	vld [tilespmem:s0+$0x0];
	v18 =	vsel vm1, v8, v18;
	vm1 =	vgt.f32 v11, v7;
	v8 =	vsel vm0, v13, v10  }
0x84: {  	v22 =	vsel vm0, v14, v58;
	v10 =	vsel vm0, v10, v13;
	v7 =	vsel vm1, v11, v7  }
0x85: {  	v59 =	vld [tilespmem:s0+$0x10];
	v14 =	vsel vm0, v58, v14;
	v18 =	vsel vm1, v18, v9;
	vm2 =	vgt.f32 v21, v8  }
0x86: {  	vm4 =	vgt.f32 v10, v7;
	v11 =	vsel vm2, v21, v8;
	v23 =	vsel vm2, v22, v15  }
0x87: {  	v13 =	vld [tilespmem:s0+$0x20];
	v15 =	vsel vm2, v15, v22;
	v60 =	vsel vm2, v8, v21;
	v7 =	vsel vm4, v10, v7  }
0x88: {  	v14 =	vsel vm4, v14, v18;
	vm3 =	vgt.f32 v17, v11;
	vm2 =	vgt.f32 v60, v7  }
0x89: {  	v61 =	vsel vm3, v17, v11;
	v8 =	vsel vm3, v16, v15;
	v15 =	vsel vm3, v15, v16  }
0x8a: {  	v62 =	vld [tilespmem:s0+$0x30];
	v16 =	vsel vm3, v11, v17;
	v7 =	vsel vm2, v60, v7;
	vm0 =	vgt.f32 v59, v61  }
0x8b: {  	vm5 =	vgt.f32 v16, v7;
	v10 =	vsel vm0, v59, v61;
	v17 =	vsel vm0, v6, v8  }
0x8c: {  	v19 =	vsel vm0, v61, v59;
	v16 =	vsel vm5, v16, v7;
	vm3 =	vgt.f32 v13, v10  }
0x8d: {  	v63 =	vsel vm3, v13, v10;
	v9 =	vsel vm3, v17, v12;
	v11 =	vsel vm3, v10, v13  }
0x8e: {  	v13 =	vsel vm3, v12, v17;
	v12 =	vsel vm2, v23, v14;
	vm2 =	vgt.f32 v19, v16  }
0x8f: {  	vm1 =	vgt.f32 v62, v63;
	v14 =	vsel vm5, v15, v12;
	v15 =	vsel vm2, v19, v16  }
0x90: {  	s29 =	sor.u32 $0x1, s28;
	s31 =	simm.s32 $0x0;
	s0 =	simm.s32 $0x8C0;
	v10 =	vsel vm1, v63, v62;
	v7 =	vsel vm1, v62, v63;
	v12 =	vsel vm1, v13, v5  }
.LBB2_4:
0x91: {  	v16 =	vld [tilespmem:s0+$0xFFFFFFC0];
	s31 =	sadd.s32 $0x8, s31;
	v6 =	vsel vm0, v8, v6;
	vm0 =	vgt.f32 v11, v15;
	v8 =	vsel vm1, v5, v13;
	s30 =	sadd.s32 $0x80, s30  }
0x92: {  	s1 =	sadd.s32 $0xFFFFFFF0, s30;
	v5 =	vor.u32 s30, v0;
	p1 =	slt.u32 s31, $0x78;
	v6 =	vsel vm2, v6, v14;
	v11 =	vsel vm0, v11, v15  }
0x93: {  	s2 =	sadd.s32 $0xFFFFFFE0, s30;
	v13 =	vld [tilespmem:s0+$0xFFFFFFD0];
	v14 =	vor.u32 s1, v0;
	v9 =	vsel vm0, v9, v6;
	vm0 =	vgt.f32 v10, v11  }
0x94: {  	s4 =	sadd.s32 $0xFFFFFFC0, s30;
	s5 =	sadd.s32 $0xFFFFFFD0, s30;
	s1 =	sadd.s32 $0xFFFFFFB0, s30;
	v6 =	vor.u32 s2, v0;
	v10 =	vsel vm0, v10, v11;
	v9 =	vsel vm0, v12, v9  }
0x95: {  	s6 =	sadd.s32 $0xFFFFFFA0, s30;
	s2 =	sadd.s32 $0xFFFFFF90, s30;
	v15 =	vor.u32 s4, v0;
	v17 =	vor.u32 s5, v0;
	v12 =	vor.u32 s1, v0;
	v11 =	vld [tilespmem:s0+$0xFFFFFFE0]  }
0x96: {  	v19 =	vor.u32 s6, v0;
	v18 =	vor.u32 s2, v0;
	vm0 =	vgt.f32 v16, v7  }
0x97: {  	v20 =	vsel vm0, v16, v7;
	v7 =	vsel vm0, v7, v16;
	v16 =	vsel vm0, v8, v18;
	v21 =	vld [tilespmem:s0+$0xFFFFFFF0]  }
0x98: {  	v8 =	vsel vm0, v18, v8;
	vm0 =	vgt.f32 v7, v10;
	vm1 =	vgt.f32 v13, v20  }
0x99: {  	v7 =	vsel vm0, v7, v10;
	v9 =	vsel vm0, v16, v9;
	v10 =	vsel vm1, v13, v20;
	v16 =	vld [tilespmem:s0+$0x0]  }
0x9a: {  	v18 =	vsel vm1, v19, v8;
	v13 =	vsel vm1, v20, v13;
	vm0 =	vgt.f32 v11, v10  }
0x9b: {  	v19 =	vsel vm1, v8, v19;
	vm1 =	vgt.f32 v13, v7;
	v8 =	vsel vm0, v11, v10;
	v20 =	vld [tilespmem:s0+$0x10]  }
0x9c: {  	v22 =	vsel vm0, v12, v18;
	v10 =	vsel vm0, v10, v11;
	vm2 =	vgt.f32 v21, v8  }
0x9d: {  	v7 =	vsel vm1, v13, v7;
	v11 =	vsel vm2, v21, v8;
	v23 =	vsel vm2, v22, v15;
	v13 =	vld [tilespmem:s0+$0x20]  }
0x9e: {  	v12 =	vsel vm0, v18, v12;
	v15 =	vsel vm2, v15, v22;
	vm3 =	vgt.f32 v16, v11  }
0x9f: {  	vm4 =	vgt.f32 v10, v7;
	v18 =	vsel vm2, v8, v21;
	v21 =	vsel vm3, v16, v11;
	v22 =	vld [tilespmem:s0+$0x30]  }
0xa0: {  	v8 =	vsel vm3, v17, v15;
	v15 =	vsel vm3, v15, v17;
	vm0 =	vgt.f32 v20, v21  }
0xa1: {  	v7 =	vsel vm4, v10, v7;
	v16 =	vsel vm3, v11, v16;
	v10 =	vsel vm0, v20, v21  }
0xa2: {  	vm2 =	vgt.f32 v18, v7;
	v17 =	vsel vm0, v6, v8;
	vm3 =	vgt.f32 v13, v10  }
0xa3: {  	v19 =	vsel vm1, v19, v9;
	v20 =	vsel vm0, v21, v20;
	v21 =	vsel vm3, v13, v10  }
.Ltmp1:
0xa4: {  	v7 =	vsel vm2, v18, v7;
	v9 =	vsel vm3, v17, v14;
	vm1 =	vgt.f32 v22, v21;
	(pc) =	sbr.rel @p1 .LBB2_4-.Ltmp1, $4  }
0xa5: {  	vm5 =	vgt.f32 v16, v7;
	v11 =	vsel vm3, v10, v13;
	v10 =	vsel vm1, v21, v22  }
0xa6: {  	v12 =	vsel vm4, v12, v19;
	v16 =	vsel vm5, v16, v7;
	v13 =	vsel vm3, v14, v17  }
0xa7: {  	v12 =	vsel vm2, v23, v12;
	vm2 =	vgt.f32 v20, v16;
	v7 =	vsel vm1, v22, v21  }
0xa8: {  	s0 =	sadd.s32 $0x80, s0;
	v14 =	vsel vm5, v15, v12;
	v15 =	vsel vm2, v20, v16;
	v12 =	vsel vm1, v13, v5  }
0xa9: {  	vm3 =	vgt.f32 v11, v15;
	v6 =	vsel vm0, v8, v6  }
0xaa: {  	v5 =	vsel vm1, v5, v13;
	v8 =	vsel vm3, v11, v15;
	v6 =	vsel vm2, v6, v14  }
0xab: {  	vm0 =	vgt.f32 v10, v8;
	v6 =	vsel vm3, v9, v6;
	v9 =	vperm.xlane v7, v1  }
0xac: {  	v8 =	vsel vm0, v10, v8;
	v6 =	vsel vm0, v12, v6;
	v10 =	vperm.xlane v5, v1  }
0xad: {  	v11 =	vperm.xlane v8, v1;
	v12 =	vperm.xlane v6, v1  }
0xae: {  	vm0 =	vgt.f32 v9, v7;
	vm1 =	veq.f32 v9, v7;
	vm2 =	vlt.s32 v10, v5  }
0xaf: {  	vm1 =	vmand vm1, vm2;
	vm2 =	veq.f32 v11, v8;
	vm3 =	vlt.s32 v12, v6  }
0xb0: {  	vm0 =	vmor vm0, vm1;
	vm1 =	vgt.f32 v11, v8;
	vm2 =	vmand vm2, vm3  }
0xb1: {  	v13 =	vsel vm0, v7, v9;
	vm1 =	vmor vm1, vm2  }
0xb2: {  	v14 =	vsel vm0, v5, v10;
	v8 =	vsel vm1, v11, v8;
	v6 =	vsel vm1, v12, v6  }
0xb3: {  	vm1 =	veq.f32 v13, v8;
	vm2 =	vlt.s32 v14, v6  }
0xb4: {  	v7 =	vsel vm0, v9, v7;
	vm3 =	vgt.f32 v13, v8;
	vm1 =	vmand vm1, vm2  }
0xb5: {  	v5 =	vsel vm0, v10, v5;
	v9 =	vperm.xlane v7, v2;
	vm1 =	vmor vm3, vm1  }
0xb6: {  	v10 =	vperm.xlane v5, v2;
	v8 =	vsel vm1, v13, v8;
	v6 =	vsel vm1, v14, v6  }
0xb7: {  	v11 =	vperm.xlane v8, v2;
	v12 =	vperm.xlane v6, v2  }
0xb8: {  	vm0 =	vgt.f32 v9, v7;
	vm2 =	vlt.s32 v10, v5;
	vm1 =	veq.f32 v9, v7  }
0xb9: {  	vm1 =	vmand vm1, vm2;
	vm2 =	veq.f32 v11, v8;
	vm3 =	vlt.s32 v12, v6  }
0xba: {  	vm0 =	vmor vm0, vm1;
	vm1 =	vgt.f32 v11, v8;
	vm2 =	vmand vm2, vm3  }
0xbb: {  	v13 =	vsel vm0, v7, v9;
	v14 =	vsel vm0, v5, v10;
	vm1 =	vmor vm1, vm2  }
0xbc: {  	v7 =	vsel vm0, v9, v7;
	v8 =	vsel vm1, v11, v8;
	v6 =	vsel vm1, v12, v6  }
0xbd: {  	v5 =	vsel vm0, v10, v5;
	vm1 =	veq.f32 v13, v8;
	vm2 =	vlt.s32 v14, v6  }
0xbe: {  	v10 =	vperm.xlane v5, v3;
	vm3 =	vgt.f32 v13, v8;
	vm1 =	vmand vm1, vm2  }
0xbf: {  	v9 =	vperm.xlane v7, v3;
	vm1 =	vmor vm3, vm1  }
0xc0: {  	vm2 =	vlt.s32 v10, v5;
	v8 =	vsel vm1, v13, v8;
	v6 =	vsel vm1, v14, v6  }
0xc1: {  	vm1 =	veq.f32 v9, v7;
	v11 =	vperm.xlane v8, v3;
	v12 =	vperm.xlane v6, v3  }
0xc2: {  	vm0 =	vgt.f32 v9, v7;
	vm1 =	vmand vm1, vm2  }
0xc3: {  	vm0 =	vmor vm0, vm1;
	vm2 =	veq.f32 v11, v8;
	vm3 =	vlt.s32 v12, v6  }
0xc4: {  	vm1 =	vgt.f32 v11, v8;
	v13 =	vsel vm0, v7, v9;
	vm2 =	vmand vm2, vm3  }
0xc5: {  	v14 =	vsel vm0, v5, v10;
	v7 =	vsel vm0, v9, v7;
	vm1 =	vmor vm1, vm2  }
0xc6: {  	v5 =	vsel vm0, v10, v5;
	v8 =	vsel vm1, v11, v8;
	v6 =	vsel vm1, v12, v6  }
0xc7: {  	v9 =	vperm.xlane v7, v4;
	vm1 =	veq.f32 v13, v8;
	vm2 =	vlt.s32 v14, v6  }
0xc8: {  	v10 =	vperm.xlane v5, v4;
	vm3 =	vgt.f32 v13, v8;
	vm1 =	vmand vm1, vm2  }
0xc9: {  	vm0 =	veq.f32 v9, v7;
	vm1 =	vmor vm3, vm1  }
0xca: {  	v8 =	vsel vm1, v13, v8;
	v6 =	vsel vm1, v14, v6;
	vm1 =	vlt.s32 v10, v5  }
0xcb: {  	v13 =	vmov s29;
	v11 =	vperm.xlane v8, v4;
	v12 =	vperm.xlane v6, v4  }
0xcc: {  	vm2 =	vgt.f32 v9, v7;
	vm0 =	vmand vm0, vm1;
	v13 =	vand.u32 $0xFFFFFFFD, v13  }
0xcd: {  	v13 =	vbroadcast v13, $0x0;
	vm1 =	veq.f32 v11, v8;
	vm3 =	vlt.s32 v12, v6  }
0xce: {  	vm0 =	vmor vm2, vm0;
	vm2 =	vgt.f32 v11, v8;
	vm1 =	vmand vm1, vm3  }
0xcf: {  	v14 =	vsel vm0, v7, v9;
	vm1 =	vmor vm2, vm1  }
0xd0: {  	v15 =	vsel vm0, v5, v10;
	v8 =	vsel vm1, v11, v8;
	v6 =	vsel vm1, v12, v6  }
0xd1: {  	vm1 =	veq.f32 v14, v8;
	vm2 =	vlt.s32 v15, v6  }
0xd2: {  	v7 =	vsel vm0, v9, v7;
	vm3 =	vgt.f32 v14, v8;
	vm1 =	vmand vm1, vm2  }
0xd3: {  	v5 =	vsel vm0, v10, v5;
	[tilespmem:v13+s17+$0x0] =	vst.idx.msk $0x1, v7;
	vm0 =	vmor vm3, vm1  }
0xd4: {  	[tilespmem:v13+s18+$0x0] =	vst.idx.msk $0x1, v5;
	v7 =	vsel vm0, v14, v8  }
0xd5: {  	v5 =	vsel vm0, v15, v6;
	[tilespmem:v13+s19+$0x0] =	vst.idx.msk $0x1, v7  }
0xd6: {  	[tilespmem:v13+s20+$0x0] =	vst.idx.msk $0x1, v5  }
0xd7: {  	s0 =	sadd.s32 @!p0 s26, s13;
	_ =	swait.ge [sflag:s22], $0x800  }
0xd8: {  	s1 =	simm.s32 @!p0 $0x0;
	s0 =	sshrl.u32 @!p0 s0, $0x3;
	[sflag:s22] =	ssyncset.done $0x0  }
0xd9: {  	s2 =	simm.s32 @!p0 $0x800;
	s0 =	sadd.s32 @!p0 s10, s0;
	[sflag:s22] =	ssyncadd.s32 $0xFFFFF800  }
0xda: {  	[tilespmem:s2], [sflag:$0x2] =	stream.linear.gather @!p0 [hbm4b:s0+s1], $0x800, $0x38;
	[tilespmem:$0x13F00] =	vst v63  }
0xdb: {  	s0 =	simm.s32 $0x1040  }
0xdc: {  	v7 =	vld [tilespmem:s0+$0xFFFFFFC0]  }
0xdd: {  	s5 =	simm.s32 $0x60;
	s31 =	simm.s32 $0x0  }
0xde: {  	s6 =	simm.s32 $0x50;
	v17 =	vor.u32 s31, v0;
	v9 =	vimm.f32 $-Inf;
	v12 =	vor.u32 s5, v0;
	s5 =	simm.s32 $0x40;
	v11 =	vld [tilespmem:s0+$0xFFFFFFD0]  }
0xdf: {  	s4 =	simm.s32 $0x30;
	v10 =	vimm.s32 $0x40000000;
	v16 =	vor.u32 s5, v0;
	v6 =	vor.u32 s6, v0;
	s6 =	simm.s32 $0x10  }
0xe0: {  	s29 =	simm.s32 $0x70;
	v8 =	vimm.s32 $0x0;
	v15 =	vor.u32 s4, v0;
	v18 =	vor.u32 s6, v0;
	s1 =	simm.s32 $0x20;
	v13 =	vld [tilespmem:s0+$0xFFFFFFE0]  }
0xe1: {  	v5 =	vor.u32 s29, v0;
	v14 =	vor.u32 s1, v0;
	vm0 =	vgt.f32 v7, v9  }
0xe2: {  	v19 =	vsel vm0, v7, v9;
	v7 =	vsel vm0, v9, v7;
	v20 =	vsel vm0, v8, v17  }
0xe3: {  	v21 =	vld [tilespmem:s0+$0xFFFFFFF0];
	v8 =	vsel vm0, v17, v8;
	vm0 =	vgt.f32 v7, v9;
	vm1 =	vgt.f32 v11, v19  }
0xe4: {  	v7 =	vsel vm0, v7, v9;
	v9 =	vsel vm0, v20, v10;
	v10 =	vsel vm1, v11, v19  }
0xe5: {  	v58 =	vsel vm1, v18, v8;
	v11 =	vsel vm1, v19, v11;
	vm0 =	vgt.f32 v13, v10  }
0xe6: {  	v17 =	vld [tilespmem:s0+$0x0];
	v18 =	vsel vm1, v8, v18;
	vm1 =	vgt.f32 v11, v7;
	v8 =	vsel vm0, v13, v10  }
0xe7: {  	v22 =	vsel vm0, v14, v58;
	v10 =	vsel vm0, v10, v13;
	v7 =	vsel vm1, v11, v7  }
0xe8: {  	v59 =	vld [tilespmem:s0+$0x10];
	v14 =	vsel vm0, v58, v14;
	v18 =	vsel vm1, v18, v9;
	vm2 =	vgt.f32 v21, v8  }
0xe9: {  	vm4 =	vgt.f32 v10, v7;
	v11 =	vsel vm2, v21, v8;
	v23 =	vsel vm2, v22, v15  }
0xea: {  	v13 =	vld [tilespmem:s0+$0x20];
	v15 =	vsel vm2, v15, v22;
	v60 =	vsel vm2, v8, v21;
	v7 =	vsel vm4, v10, v7  }
0xeb: {  	v14 =	vsel vm4, v14, v18;
	vm3 =	vgt.f32 v17, v11;
	vm2 =	vgt.f32 v60, v7  }
0xec: {  	v61 =	vsel vm3, v17, v11;
	v8 =	vsel vm3, v16, v15;
	v15 =	vsel vm3, v15, v16  }
0xed: {  	v62 =	vld [tilespmem:s0+$0x30];
	v16 =	vsel vm3, v11, v17;
	v7 =	vsel vm2, v60, v7;
	vm0 =	vgt.f32 v59, v61  }
0xee: {  	vm5 =	vgt.f32 v16, v7;
	v10 =	vsel vm0, v59, v61;
	v17 =	vsel vm0, v6, v8  }
0xef: {  	v19 =	vsel vm0, v61, v59;
	v16 =	vsel vm5, v16, v7;
	vm3 =	vgt.f32 v13, v10  }
0xf0: {  	v63 =	vsel vm3, v13, v10;
	v9 =	vsel vm3, v17, v12;
	v11 =	vsel vm3, v10, v13  }
0xf1: {  	v13 =	vsel vm3, v12, v17;
	v12 =	vsel vm2, v23, v14;
	vm2 =	vgt.f32 v19, v16  }
0xf2: {  	vm1 =	vgt.f32 v62, v63;
	v14 =	vsel vm5, v15, v12;
	v15 =	vsel vm2, v19, v16  }
0xf3: {  	s28 =	sor.u32 $0x2, s28;
	s30 =	simm.s32 $0x0;
	s0 =	simm.s32 $0x10C0;
	v10 =	vsel vm1, v63, v62;
	v7 =	vsel vm1, v62, v63;
	v12 =	vsel vm1, v13, v5  }
.LBB2_6:
0xf4: {  	v16 =	vld [tilespmem:s0+$0xFFFFFFC0];
	s30 =	sadd.s32 $0x8, s30;
	v6 =	vsel vm0, v8, v6;
	vm0 =	vgt.f32 v11, v15;
	v8 =	vsel vm1, v5, v13;
	s29 =	sadd.s32 $0x80, s29  }
0xf5: {  	s1 =	sadd.s32 $0xFFFFFFF0, s29;
	v5 =	vor.u32 s29, v0;
	p1 =	slt.u32 s30, $0x78;
	v6 =	vsel vm2, v6, v14;
	v11 =	vsel vm0, v11, v15  }
0xf6: {  	s2 =	sadd.s32 $0xFFFFFFE0, s29;
	v13 =	vld [tilespmem:s0+$0xFFFFFFD0];
	v14 =	vor.u32 s1, v0;
	v9 =	vsel vm0, v9, v6;
	vm0 =	vgt.f32 v10, v11  }
0xf7: {  	s4 =	sadd.s32 $0xFFFFFFC0, s29;
	s5 =	sadd.s32 $0xFFFFFFD0, s29;
	s1 =	sadd.s32 $0xFFFFFFB0, s29;
	v6 =	vor.u32 s2, v0;
	v10 =	vsel vm0, v10, v11;
	v9 =	vsel vm0, v12, v9  }
0xf8: {  	s6 =	sadd.s32 $0xFFFFFFA0, s29;
	s2 =	sadd.s32 $0xFFFFFF90, s29;
	v15 =	vor.u32 s4, v0;
	v17 =	vor.u32 s5, v0;
	v12 =	vor.u32 s1, v0;
	v11 =	vld [tilespmem:s0+$0xFFFFFFE0]  }
0xf9: {  	v19 =	vor.u32 s6, v0;
	v18 =	vor.u32 s2, v0;
	vm0 =	vgt.f32 v16, v7  }
0xfa: {  	v20 =	vsel vm0, v16, v7;
	v7 =	vsel vm0, v7, v16;
	v16 =	vsel vm0, v8, v18;
	v21 =	vld [tilespmem:s0+$0xFFFFFFF0]  }
0xfb: {  	v8 =	vsel vm0, v18, v8;
	vm0 =	vgt.f32 v7, v10;
	vm1 =	vgt.f32 v13, v20  }
0xfc: {  	v7 =	vsel vm0, v7, v10;
	v9 =	vsel vm0, v16, v9;
	v10 =	vsel vm1, v13, v20;
	v16 =	vld [tilespmem:s0+$0x0]  }
0xfd: {  	v18 =	vsel vm1, v19, v8;
	v13 =	vsel vm1, v20, v13;
	vm0 =	vgt.f32 v11, v10  }
0xfe: {  	v19 =	vsel vm1, v8, v19;
	vm1 =	vgt.f32 v13, v7;
	v8 =	vsel vm0, v11, v10;
	v20 =	vld [tilespmem:s0+$0x10]  }
0xff: {  	v22 =	vsel vm0, v12, v18;
	v10 =	vsel vm0, v10, v11;
	vm2 =	vgt.f32 v21, v8  }
0x100: {  	v7 =	vsel vm1, v13, v7;
	v11 =	vsel vm2, v21, v8;
	v23 =	vsel vm2, v22, v15;
	v13 =	vld [tilespmem:s0+$0x20]  }
0x101: {  	v12 =	vsel vm0, v18, v12;
	v15 =	vsel vm2, v15, v22;
	vm3 =	vgt.f32 v16, v11  }
0x102: {  	vm4 =	vgt.f32 v10, v7;
	v18 =	vsel vm2, v8, v21;
	v21 =	vsel vm3, v16, v11;
	v22 =	vld [tilespmem:s0+$0x30]  }
0x103: {  	v8 =	vsel vm3, v17, v15;
	v15 =	vsel vm3, v15, v17;
	vm0 =	vgt.f32 v20, v21  }
0x104: {  	v7 =	vsel vm4, v10, v7;
	v16 =	vsel vm3, v11, v16;
	v10 =	vsel vm0, v20, v21  }
0x105: {  	vm2 =	vgt.f32 v18, v7;
	v17 =	vsel vm0, v6, v8;
	vm3 =	vgt.f32 v13, v10  }
0x106: {  	v19 =	vsel vm1, v19, v9;
	v20 =	vsel vm0, v21, v20;
	v21 =	vsel vm3, v13, v10  }
.Ltmp2:
0x107: {  	v7 =	vsel vm2, v18, v7;
	v9 =	vsel vm3, v17, v14;
	vm1 =	vgt.f32 v22, v21;
	(pc) =	sbr.rel @p1 .LBB2_6-.Ltmp2, $4  }
0x108: {  	vm5 =	vgt.f32 v16, v7;
	v11 =	vsel vm3, v10, v13;
	v10 =	vsel vm1, v21, v22  }
0x109: {  	v12 =	vsel vm4, v12, v19;
	v16 =	vsel vm5, v16, v7;
	v13 =	vsel vm3, v14, v17  }
0x10a: {  	v12 =	vsel vm2, v23, v12;
	vm2 =	vgt.f32 v20, v16;
	v7 =	vsel vm1, v22, v21  }
0x10b: {  	s0 =	sadd.s32 $0x80, s0;
	v14 =	vsel vm5, v15, v12;
	v15 =	vsel vm2, v20, v16;
	v12 =	vsel vm1, v13, v5  }
0x10c: {  	vm3 =	vgt.f32 v11, v15;
	v6 =	vsel vm0, v8, v6  }
0x10d: {  	v5 =	vsel vm1, v5, v13;
	v8 =	vsel vm3, v11, v15;
	v6 =	vsel vm2, v6, v14  }
0x10e: {  	vm0 =	vgt.f32 v10, v8;
	v6 =	vsel vm3, v9, v6;
	v9 =	vperm.xlane v7, v1  }
0x10f: {  	v8 =	vsel vm0, v10, v8;
	v6 =	vsel vm0, v12, v6;
	v10 =	vperm.xlane v5, v1  }
0x110: {  	v11 =	vperm.xlane v8, v1;
	v12 =	vperm.xlane v6, v1  }
0x111: {  	vm0 =	vgt.f32 v9, v7;
	vm1 =	veq.f32 v9, v7;
	vm2 =	vlt.s32 v10, v5  }
0x112: {  	vm1 =	vmand vm1, vm2;
	vm2 =	veq.f32 v11, v8;
	vm3 =	vlt.s32 v12, v6  }
0x113: {  	vm0 =	vmor vm0, vm1;
	vm1 =	vgt.f32 v11, v8;
	vm2 =	vmand vm2, vm3  }
0x114: {  	v13 =	vsel vm0, v7, v9;
	vm1 =	vmor vm1, vm2  }
0x115: {  	v14 =	vsel vm0, v5, v10;
	v8 =	vsel vm1, v11, v8;
	v6 =	vsel vm1, v12, v6  }
0x116: {  	vm1 =	veq.f32 v13, v8;
	vm2 =	vlt.s32 v14, v6  }
0x117: {  	v7 =	vsel vm0, v9, v7;
	vm3 =	vgt.f32 v13, v8;
	vm1 =	vmand vm1, vm2  }
0x118: {  	v5 =	vsel vm0, v10, v5;
	v9 =	vperm.xlane v7, v2;
	vm1 =	vmor vm3, vm1  }
0x119: {  	v10 =	vperm.xlane v5, v2;
	v8 =	vsel vm1, v13, v8;
	v6 =	vsel vm1, v14, v6  }
0x11a: {  	v11 =	vperm.xlane v8, v2;
	v12 =	vperm.xlane v6, v2  }
0x11b: {  	vm0 =	vgt.f32 v9, v7;
	vm2 =	vlt.s32 v10, v5;
	vm1 =	veq.f32 v9, v7  }
0x11c: {  	vm1 =	vmand vm1, vm2;
	vm2 =	veq.f32 v11, v8;
	vm3 =	vlt.s32 v12, v6  }
0x11d: {  	vm0 =	vmor vm0, vm1;
	vm1 =	vgt.f32 v11, v8;
	vm2 =	vmand vm2, vm3  }
0x11e: {  	v13 =	vsel vm0, v7, v9;
	v14 =	vsel vm0, v5, v10;
	vm1 =	vmor vm1, vm2  }
0x11f: {  	v7 =	vsel vm0, v9, v7;
	v8 =	vsel vm1, v11, v8;
	v6 =	vsel vm1, v12, v6  }
0x120: {  	v5 =	vsel vm0, v10, v5;
	vm1 =	veq.f32 v13, v8;
	vm2 =	vlt.s32 v14, v6  }
0x121: {  	v10 =	vperm.xlane v5, v3;
	vm3 =	vgt.f32 v13, v8;
	vm1 =	vmand vm1, vm2  }
0x122: {  	v9 =	vperm.xlane v7, v3;
	vm1 =	vmor vm3, vm1  }
0x123: {  	vm2 =	vlt.s32 v10, v5;
	v8 =	vsel vm1, v13, v8;
	v6 =	vsel vm1, v14, v6  }
0x124: {  	vm1 =	veq.f32 v9, v7;
	v11 =	vperm.xlane v8, v3;
	v12 =	vperm.xlane v6, v3  }
0x125: {  	vm0 =	vgt.f32 v9, v7;
	vm1 =	vmand vm1, vm2  }
0x126: {  	vm0 =	vmor vm0, vm1;
	vm2 =	veq.f32 v11, v8;
	vm3 =	vlt.s32 v12, v6  }
0x127: {  	vm1 =	vgt.f32 v11, v8;
	v13 =	vsel vm0, v7, v9;
	vm2 =	vmand vm2, vm3  }
0x128: {  	v14 =	vsel vm0, v5, v10;
	v7 =	vsel vm0, v9, v7;
	vm1 =	vmor vm1, vm2  }
0x129: {  	v5 =	vsel vm0, v10, v5;
	v8 =	vsel vm1, v11, v8;
	v6 =	vsel vm1, v12, v6  }
0x12a: {  	v9 =	vperm.xlane v7, v4;
	vm1 =	veq.f32 v13, v8;
	vm2 =	vlt.s32 v14, v6  }
0x12b: {  	v10 =	vperm.xlane v5, v4;
	vm3 =	vgt.f32 v13, v8;
	vm1 =	vmand vm1, vm2  }
0x12c: {  	vm0 =	veq.f32 v9, v7;
	vm1 =	vmor vm3, vm1  }
0x12d: {  	v8 =	vsel vm1, v13, v8;
	v6 =	vsel vm1, v14, v6;
	vm1 =	vlt.s32 v10, v5  }
0x12e: {  	v13 =	vmov s28;
	v11 =	vperm.xlane v8, v4;
	v12 =	vperm.xlane v6, v4  }
0x12f: {  	vm2 =	vgt.f32 v9, v7;
	vm0 =	vmand vm0, vm1;
	v13 =	vand.u32 $0xFFFFFFFE, v13  }
0x130: {  	v13 =	vbroadcast v13, $0x0;
	vm1 =	veq.f32 v11, v8;
	vm3 =	vlt.s32 v12, v6  }
0x131: {  	vm0 =	vmor vm2, vm0;
	vm2 =	vgt.f32 v11, v8;
	vm1 =	vmand vm1, vm3  }
0x132: {  	v14 =	vsel vm0, v7, v9;
	vm1 =	vmor vm2, vm1  }
0x133: {  	v15 =	vsel vm0, v5, v10;
	v8 =	vsel vm1, v11, v8;
	v6 =	vsel vm1, v12, v6  }
0x134: {  	vm1 =	veq.f32 v14, v8;
	vm2 =	vlt.s32 v15, v6  }
0x135: {  	v7 =	vsel vm0, v9, v7;
	vm3 =	vgt.f32 v14, v8;
	vm1 =	vmand vm1, vm2  }
0x136: {  	v5 =	vsel vm0, v10, v5;
	[tilespmem:v13+s17+$0x0] =	vst.idx.msk $0x1, v7;
	vm0 =	vmor vm3, vm1  }
0x137: {  	[tilespmem:v13+s18+$0x0] =	vst.idx.msk $0x1, v5;
	v7 =	vsel vm0, v14, v8  }
0x138: {  	v5 =	vsel vm0, v15, v6;
	[tilespmem:v13+s19+$0x0] =	vst.idx.msk $0x1, v7  }
0x139: {  	[tilespmem:v13+s20+$0x0] =	vst.idx.msk $0x1, v5  }
0x13a: {  	s0 =	sadd.s32 @!p0 s26, s14;
	_ =	swait.ge [sflag:s23], $0x800  }
0x13b: {  	s1 =	simm.s32 @!p0 $0x0;
	s0 =	sshrl.u32 @!p0 s0, $0x3;
	[sflag:s23] =	ssyncset.done $0x0  }
0x13c: {  	s2 =	simm.s32 @!p0 $0x1000;
	s0 =	sadd.s32 @!p0 s10, s0;
	[sflag:s23] =	ssyncadd.s32 $0xFFFFF800  }
0x13d: {  	[tilespmem:s2], [sflag:$0x3] =	stream.linear.gather @!p0 [hbm4b:s0+s1], $0x800, $0x38;
	[tilespmem:$0x13F00] =	vst v63  }
0x13e: {  	s0 =	simm.s32 $0x1840  }
0x13f: {  	v7 =	vld [tilespmem:s0+$0xFFFFFFC0]  }
0x140: {  	s6 =	simm.s32 $0x60;
	s5 =	simm.s32 $0x40;
	s31 =	simm.s32 $0x0  }
0x141: {  	v16 =	vor.u32 s5, v0;
	v17 =	vor.u32 s31, v0;
	v12 =	vor.u32 s6, v0;
	s6 =	simm.s32 $0x10;
	v11 =	vld [tilespmem:s0+$0xFFFFFFD0]  }
0x142: {  	s29 =	simm.s32 $0x50;
	s30 =	simm.s32 $0x20;
	v9 =	vimm.f32 $-Inf;
	v10 =	vimm.s32 $0x40000000;
	v18 =	vor.u32 s6, v0  }
0x143: {  	s26 =	simm.s32 $0x70;
	s4 =	simm.s32 $0x30;
	v8 =	vimm.s32 $0x0;
	v6 =	vor.u32 s29, v0;
	v14 =	vor.u32 s30, v0;
	v13 =	vld [tilespmem:s0+$0xFFFFFFE0]  }
0x144: {  	v15 =	vor.u32 s4, v0;
	v5 =	vor.u32 s26, v0;
	vm0 =	vgt.f32 v7, v9  }
0x145: {  	v19 =	vsel vm0, v7, v9;
	v7 =	vsel vm0, v9, v7;
	v20 =	vsel vm0, v8, v17  }
0x146: {  	v21 =	vld [tilespmem:s0+$0xFFFFFFF0];
	v8 =	vsel vm0, v17, v8;
	vm0 =	vgt.f32 v7, v9;
	vm1 =	vgt.f32 v11, v19  }
0x147: {  	v7 =	vsel vm0, v7, v9;
	v9 =	vsel vm0, v20, v10;
	v10 =	vsel vm1, v11, v19  }
0x148: {  	v58 =	vsel vm1, v18, v8;
	v11 =	vsel vm1, v19, v11;
	vm0 =	vgt.f32 v13, v10  }
0x149: {  	v17 =	vld [tilespmem:s0+$0x0];
	v18 =	vsel vm1, v8, v18;
	vm1 =	vgt.f32 v11, v7;
	v8 =	vsel vm0, v13, v10  }
0x14a: {  	v22 =	vsel vm0, v14, v58;
	v10 =	vsel vm0, v10, v13;
	v7 =	vsel vm1, v11, v7  }
0x14b: {  	v59 =	vld [tilespmem:s0+$0x10];
	v14 =	vsel vm0, v58, v14;
	v18 =	vsel vm1, v18, v9;
	vm2 =	vgt.f32 v21, v8  }
0x14c: {  	vm4 =	vgt.f32 v10, v7;
	v11 =	vsel vm2, v21, v8;
	v23 =	vsel vm2, v22, v15  }
0x14d: {  	v13 =	vld [tilespmem:s0+$0x20];
	v15 =	vsel vm2, v15, v22;
	v60 =	vsel vm2, v8, v21;
	v7 =	vsel vm4, v10, v7  }
0x14e: {  	v14 =	vsel vm4, v14, v18;
	vm3 =	vgt.f32 v17, v11;
	vm2 =	vgt.f32 v60, v7  }
0x14f: {  	v61 =	vsel vm3, v17, v11;
	v8 =	vsel vm3, v16, v15;
	v15 =	vsel vm3, v15, v16  }
0x150: {  	v62 =	vld [tilespmem:s0+$0x30];
	v16 =	vsel vm3, v11, v17;
	v7 =	vsel vm2, v60, v7;
	vm0 =	vgt.f32 v59, v61  }
0x151: {  	vm5 =	vgt.f32 v16, v7;
	v10 =	vsel vm0, v59, v61;
	v17 =	vsel vm0, v6, v8  }
0x152: {  	v19 =	vsel vm0, v61, v59;
	v16 =	vsel vm5, v16, v7;
	vm3 =	vgt.f32 v13, v10  }
0x153: {  	v63 =	vsel vm3, v13, v10;
	v9 =	vsel vm3, v17, v12;
	v11 =	vsel vm3, v10, v13  }
0x154: {  	v13 =	vsel vm3, v12, v17;
	v12 =	vsel vm2, v23, v14;
	vm2 =	vgt.f32 v19, v16  }
0x155: {  	vm1 =	vgt.f32 v62, v63;
	v14 =	vsel vm5, v15, v12;
	v15 =	vsel vm2, v19, v16  }
0x156: {  	s28 =	simm.s32 $0x0;
	s0 =	simm.s32 $0x18C0;
	v10 =	vsel vm1, v63, v62;
	v7 =	vsel vm1, v62, v63;
	v12 =	vsel vm1, v13, v5  }
.LBB2_8:
0x157: {  	v16 =	vld [tilespmem:s0+$0xFFFFFFC0];
	s28 =	sadd.s32 $0x8, s28;
	v6 =	vsel vm0, v8, v6;
	vm0 =	vgt.f32 v11, v15;
	v8 =	vsel vm1, v5, v13;
	s26 =	sadd.s32 $0x80, s26  }
0x158: {  	s1 =	sadd.s32 $0xFFFFFFF0, s26;
	v5 =	vor.u32 s26, v0;
	p0 =	slt.u32 s28, $0x78;
	v6 =	vsel vm2, v6, v14;
	v11 =	vsel vm0, v11, v15  }
0x159: {  	s2 =	sadd.s32 $0xFFFFFFE0, s26;
	v13 =	vld [tilespmem:s0+$0xFFFFFFD0];
	v14 =	vor.u32 s1, v0;
	v9 =	vsel vm0, v9, v6;
	vm0 =	vgt.f32 v10, v11  }
0x15a: {  	s4 =	sadd.s32 $0xFFFFFFC0, s26;
	s5 =	sadd.s32 $0xFFFFFFD0, s26;
	s1 =	sadd.s32 $0xFFFFFFB0, s26;
	v6 =	vor.u32 s2, v0;
	v10 =	vsel vm0, v10, v11;
	v9 =	vsel vm0, v12, v9  }
0x15b: {  	s6 =	sadd.s32 $0xFFFFFFA0, s26;
	s2 =	sadd.s32 $0xFFFFFF90, s26;
	v15 =	vor.u32 s4, v0;
	v17 =	vor.u32 s5, v0;
	v12 =	vor.u32 s1, v0;
	v11 =	vld [tilespmem:s0+$0xFFFFFFE0]  }
0x15c: {  	v19 =	vor.u32 s6, v0;
	v18 =	vor.u32 s2, v0;
	vm0 =	vgt.f32 v16, v7  }
0x15d: {  	v20 =	vsel vm0, v16, v7;
	v7 =	vsel vm0, v7, v16;
	v16 =	vsel vm0, v8, v18;
	v21 =	vld [tilespmem:s0+$0xFFFFFFF0]  }
0x15e: {  	v8 =	vsel vm0, v18, v8;
	vm0 =	vgt.f32 v7, v10;
	vm1 =	vgt.f32 v13, v20  }
0x15f: {  	v7 =	vsel vm0, v7, v10;
	v9 =	vsel vm0, v16, v9;
	v10 =	vsel vm1, v13, v20;
	v16 =	vld [tilespmem:s0+$0x0]  }
0x160: {  	v18 =	vsel vm1, v19, v8;
	v13 =	vsel vm1, v20, v13;
	vm0 =	vgt.f32 v11, v10  }
0x161: {  	v19 =	vsel vm1, v8, v19;
	vm1 =	vgt.f32 v13, v7;
	v8 =	vsel vm0, v11, v10;
	v20 =	vld [tilespmem:s0+$0x10]  }
0x162: {  	v22 =	vsel vm0, v12, v18;
	v10 =	vsel vm0, v10, v11;
	vm2 =	vgt.f32 v21, v8  }
0x163: {  	v7 =	vsel vm1, v13, v7;
	v11 =	vsel vm2, v21, v8;
	v23 =	vsel vm2, v22, v15;
	v13 =	vld [tilespmem:s0+$0x20]  }
0x164: {  	v12 =	vsel vm0, v18, v12;
	v15 =	vsel vm2, v15, v22;
	vm3 =	vgt.f32 v16, v11  }
0x165: {  	vm4 =	vgt.f32 v10, v7;
	v18 =	vsel vm2, v8, v21;
	v21 =	vsel vm3, v16, v11;
	v22 =	vld [tilespmem:s0+$0x30]  }
0x166: {  	v8 =	vsel vm3, v17, v15;
	v15 =	vsel vm3, v15, v17;
	vm0 =	vgt.f32 v20, v21  }
0x167: {  	v7 =	vsel vm4, v10, v7;
	v16 =	vsel vm3, v11, v16;
	v10 =	vsel vm0, v20, v21  }
0x168: {  	vm2 =	vgt.f32 v18, v7;
	v17 =	vsel vm0, v6, v8;
	vm3 =	vgt.f32 v13, v10  }
0x169: {  	v19 =	vsel vm1, v19, v9;
	v20 =	vsel vm0, v21, v20;
	v21 =	vsel vm3, v13, v10  }
.Ltmp3:
0x16a: {  	v7 =	vsel vm2, v18, v7;
	v9 =	vsel vm3, v17, v14;
	vm1 =	vgt.f32 v22, v21;
	(pc) =	sbr.rel @p0 .LBB2_8-.Ltmp3, $4  }
0x16b: {  	vm5 =	vgt.f32 v16, v7;
	v11 =	vsel vm3, v10, v13;
	v10 =	vsel vm1, v21, v22  }
0x16c: {  	v12 =	vsel vm4, v12, v19;
	v16 =	vsel vm5, v16, v7;
	v13 =	vsel vm3, v14, v17  }
0x16d: {  	v12 =	vsel vm2, v23, v12;
	vm2 =	vgt.f32 v20, v16;
	v7 =	vsel vm1, v22, v21  }
0x16e: {  	s0 =	sadd.s32 $0x80, s0;
	v14 =	vsel vm5, v15, v12;
	v15 =	vsel vm2, v20, v16;
	v12 =	vsel vm1, v13, v5  }
0x16f: {  	vm3 =	vgt.f32 v11, v15;
	v6 =	vsel vm0, v8, v6  }
0x170: {  	v5 =	vsel vm1, v5, v13;
	v45 =	vsel vm3, v11, v15;
	v6 =	vsel vm2, v6, v14  }
0x171: {  	v46 =	vperm.xlane v7, v1;
	vm8 =	vgt.f32 v10, v45;
	v6 =	vsel vm3, v9, v6  }
0x172: {  	v47 =	vperm.xlane v5, v1;
	v8 =	vsel vm8, v10, v45;
	v6 =	vsel vm8, v12, v6  }
0x173: {  	v48 =	vperm.xlane v8, v1;
	v12 =	vperm.xlane v6, v1  }
0x174: {  	vm9 =	vgt.f32 v46, v7;
	vm10 =	veq.f32 v46, v7;
	vm11 =	vlt.s32 v47, v5  }
0x175: {  	vm1 =	vmand vm10, vm11;
	vm12 =	veq.f32 v48, v8;
	vm13 =	vlt.s32 v12, v6  }
0x176: {  	vm0 =	vmor vm9, vm1;
	vm14 =	vgt.f32 v48, v8;
	vm2 =	vmand vm12, vm13  }
0x177: {  	v49 =	vsel vm0, v7, v46;
	vm1 =	vmor vm14, vm2  }
0x178: {  	v50 =	vsel vm0, v5, v47;
	v8 =	vsel vm1, v48, v8;
	v6 =	vsel vm1, v12, v6  }
0x179: {  	vm15 =	veq.f32 v49, v8;
	vm6 =	vlt.s32 v50, v6  }
0x17a: {  	v7 =	vsel vm0, v46, v7;
	vm7 =	vgt.f32 v49, v8;
	vm1 =	vmand vm15, vm6  }
0x17b: {  	v5 =	vsel vm0, v47, v5;
	v9 =	vperm.xlane v7, v2;
	vm1 =	vmor vm7, vm1  }
0x17c: {  	v10 =	vperm.xlane v5, v2;
	v8 =	vsel vm1, v49, v8;
	v6 =	vsel vm1, v50, v6  }
0x17d: {  	v51 =	vperm.xlane v8, v2;
	v52 =	vperm.xlane v6, v2  }
0x17e: {  	vm8 =	vgt.f32 v9, v7;
	vm9 =	veq.f32 v9, v7;
	vm10 =	vlt.s32 v10, v5  }
0x17f: {  	vm1 =	vmand vm9, vm10;
	vm11 =	veq.f32 v51, v8;
	vm12 =	vlt.s32 v52, v6  }
0x180: {  	vm0 =	vmor vm8, vm1;
	vm13 =	vgt.f32 v51, v8;
	vm2 =	vmand vm11, vm12  }
0x181: {  	v53 =	vsel vm0, v7, v9;
	vm1 =	vmor vm13, vm2  }
0x182: {  	v54 =	vsel vm0, v5, v10;
	v8 =	vsel vm1, v51, v8;
	v6 =	vsel vm1, v52, v6  }
0x183: {  	vm14 =	veq.f32 v53, v8;
	vm15 =	vlt.s32 v54, v6  }
0x184: {  	v7 =	vsel vm0, v9, v7;
	vm6 =	vgt.f32 v53, v8;
	vm1 =	vmand vm14, vm15  }
0x185: {  	v5 =	vsel vm0, v10, v5;
	v9 =	vperm.xlane v7, v3;
	vm1 =	vmor vm6, vm1  }
0x186: {  	v10 =	vperm.xlane v5, v3;
	v8 =	vsel vm1, v53, v8;
	v6 =	vsel vm1, v54, v6  }
0x187: {  	v55 =	vperm.xlane v8, v3;
	v56 =	vperm.xlane v6, v3  }
0x188: {  	vm7 =	vgt.f32 v9, v7;
	vm8 =	veq.f32 v9, v7;
	vm9 =	vlt.s32 v10, v5  }
0x189: {  	vm1 =	vmand vm8, vm9;
	vm10 =	veq.f32 v55, v8;
	vm11 =	vlt.s32 v56, v6  }
0x18a: {  	vm0 =	vmor vm7, vm1;
	vm13 =	vgt.f32 v55, v8;
	vm12 =	vmand vm10, vm11  }
0x18b: {  	v57 =	vsel vm0, v7, v9;
	vm1 =	vmor vm13, vm12  }
0x18c: {  	v58 =	vsel vm0, v5, v10;
	v8 =	vsel vm1, v55, v8;
	v6 =	vsel vm1, v56, v6  }
0x18d: {  	vm14 =	veq.f32 v57, v8;
	vm15 =	vlt.s32 v58, v6  }
0x18e: {  	v7 =	vsel vm0, v9, v7;
	vm4 =	vgt.f32 v57, v8;
	vm1 =	vmand vm14, vm15  }
0x18f: {  	v5 =	vsel vm0, v10, v5;
	v9 =	vperm.xlane v7, v4;
	vm5 =	vmor vm4, vm1  }
0x190: {  	v10 =	vperm.xlane v5, v4;
	v8 =	vsel vm5, v57, v8;
	v6 =	vsel vm5, v58, v6  }
0x191: {  	v61 =	vmov s25;
	v59 =	vperm.xlane v8, v4;
	v60 =	vperm.xlane v6, v4  }
0x192: {  	vm6 =	veq.f32 v9, v7;
	vm7 =	vlt.s32 v10, v5;
	vm8 =	vgt.f32 v9, v7  }
0x193: {  	vm0 =	vmand vm6, vm7;
	vm9 =	veq.f32 v59, v8;
	vm10 =	vlt.s32 v60, v6  }
0x194: {  	vm0 =	vmor vm8, vm0;
	vm11 =	vgt.f32 v59, v8;
	vm1 =	vmand vm9, vm10  }
0x195: {  	v62 =	vsel vm0, v7, v9;
	vm1 =	vmor vm11, vm1  }
0x196: {  	s24 =	sadd.s32 $0x1, s24;
	v63 =	vsel vm0, v5, v10;
	v8 =	vsel vm1, v59, v8;
	v6 =	vsel vm1, v60, v6  }
0x197: {  	p0 =	sne.s32 s24, $0x8;
	vm12 =	veq.f32 v62, v8;
	vm13 =	vlt.s32 v63, v6  }
.Ltmp4:
0x198: {  	v7 =	vsel vm0, v9, v7;
	vm14 =	vgt.f32 v62, v8;
	vm1 =	vmand vm12, vm13;
	(pc) =	sbr.rel @p0 .LBB2_1-.Ltmp4, $4  }
0x199: {  	v5 =	vsel vm0, v10, v5;
	[tilespmem:v61+s17+$0x0] =	vst.idx.msk $0x1, v7;
	vm15 =	vmor vm14, vm1  }
0x19a: {  	[tilespmem:v61+s18+$0x0] =	vst.idx.msk $0x1, v5;
	v7 =	vsel vm15, v62, v8  }
0x19b: {  	v5 =	vsel vm15, v63, v6;
	[tilespmem:v61+s19+$0x0] =	vst.idx.msk $0x1, v7  }
0x19c: {  	[tilespmem:v61+s20+$0x0] =	vst.idx.msk $0x1, v5  }
0x19d: {  	s0 =	sshll.u32 s8, $0x5  }
0x19e: {  	s2 =	simm.s32 $0x3880;
	s9 =	simm.s32 $0x6;
	s1 =	sadd.s32 s0, s7  }
0x19f: {  	[spmem:s1] =	stream.linear.scatter [tilespmem:s2], [sflag:$0x6], $0x20, $0x38;
	[tilespmem:$0x13F00] =	vst v63  }
0x1a0: {  	_ =	swait.ge [sflag:s9], $0x20  }
0x1a1: {  	[sflag:s9] =	ssyncset.done $0x0  }
0x1a2: {  	s5 =	rddreg [dreg:$0x5]  }
0x1a3: {  	s26 =	simm.s32 $0x3900;
	[sflag:s9] =	ssyncadd.s32 $0xFFFFFFE0;
	s25 =	sadd.s32 s0, s5  }
0x1a4: {  	[spmem:s25] =	stream.linear.scatter [tilespmem:s26], [sflag:$0x6], $0x20, $0x38;
	[tilespmem:$0x13F00] =	vst v63  }
0x1a5: {  	_ =	swait.ge [sflag:s9], $0x20  }
0x1a6: {  	[sflag:s9] =	ssyncset.done $0x0  }
0x1a7: {  	s4 =	rddreg [dreg:$0x6]  }
0x1a8: {  	s29 =	simm.s32 $0x3980;
	[sflag:s9] =	ssyncadd.s32 $0xFFFFFFE0;
	s28 =	sadd.s32 s0, s4  }
0x1a9: {  	[spmem:s28] =	stream.linear.scatter [tilespmem:s29], [sflag:$0x6], $0x20, $0x38;
	[tilespmem:$0x13F00] =	vst v63  }
0x1aa: {  	_ =	swait.ge [sflag:s9], $0x20  }
0x1ab: {  	[sflag:s9] =	ssyncset.done $0x0  }
0x1ac: {  	s2 =	rddreg [dreg:$0x7]  }
0x1ad: {  	s30 =	simm.s32 $0x3A00;
	[sflag:s9] =	ssyncadd.s32 $0xFFFFFFE0;
	s0 =	sadd.s32 s0, s2  }
0x1ae: {  	[spmem:s0] =	stream.linear.scatter [tilespmem:s30], [sflag:$0x6], $0x20, $0x38;
	[tilespmem:$0x13F00] =	vst v63  }
0x1af: {  	_ =	swait.ge [sflag:s9], $0x20  }
0x1b0: {  	[sflag:s9] =	ssyncset.done $0x0  }
0x1b1: {  	s31 =	simm.s32 $0x5;
	[sflag:s9] =	ssyncadd.s32 $0xFFFFFFE0  }
0x1b2: {  	_ =	swait.ge [sflag:s31], $0x2000  }
0x1b3: {  	[sflag:s31] =	ssyncset.done $0x0  }
0x1b4: {  	[sflag:s31] =	ssyncadd.s32 $0xFFFFE000  }
0x1b5: {  	p0 =	sne.s32 s8, $0x0;
	[bflag:$0x0] =	sbarrier.arrive $0xFFFF  }
0x1b6: {  	_ =	sfence.sel @p0 $0x180000  }
0x1b7: {  	[bflag:$0x0] =	sbarrier.arrive @p0 $0xFFFF  }
0x1b8: {  	_ =	strace @p0 $0x90000047  }
0x1b9: {  	[bflag:$0x2] =	sbarrier.arrive @p0 $0xFFFF  }
0x1ba: {  	_ =	shalt @p0  }
.LBB2_11:
0x1bb: {  	s0 =	simm.s32 $0x3000  }
0x1bc: {  	[tilespmem:s0], [sflag:$0x6] =	stream.linear.gather [spmem:s7], $0x200, $0x38;
	[tilespmem:$0x13F00] =	vst v63  }
0x1bd: {  	_ =	swait.ge [sflag:s9], $0x200  }
0x1be: {  	[sflag:s9] =	ssyncset.done $0x0  }
0x1bf: {  	s1 =	simm.s32 $0x3200;
	[sflag:s9] =	ssyncadd.s32 $0xFFFFFE00  }
0x1c0: {  	[tilespmem:s1], [sflag:$0x6] =	stream.linear.gather [spmem:s5], $0x200, $0x38;
	[tilespmem:$0x13F00] =	vst v63  }
0x1c1: {  	_ =	swait.ge [sflag:s9], $0x200  }
0x1c2: {  	[sflag:s9] =	ssyncset.done $0x0  }
0x1c3: {  	s30 =	simm.s32 $0x3400;
	[sflag:s9] =	ssyncadd.s32 $0xFFFFFE00  }
0x1c4: {  	[tilespmem:s30], [sflag:$0x6] =	stream.linear.gather [spmem:s4], $0x200, $0x38;
	[tilespmem:$0x13F00] =	vst v63  }
0x1c5: {  	_ =	swait.ge [sflag:s9], $0x200  }
0x1c6: {  	[sflag:s9] =	ssyncset.done $0x0  }
0x1c7: {  	s31 =	simm.s32 $0x3600;
	[sflag:s9] =	ssyncadd.s32 $0xFFFFFE00  }
0x1c8: {  	[tilespmem:s31], [sflag:$0x6] =	stream.linear.gather [spmem:s2], $0x200, $0x38;
	[tilespmem:$0x13F00] =	vst v63  }
0x1c9: {  	_ =	swait.ge [sflag:s9], $0x200  }
0x1ca: {  	[sflag:s9] =	ssyncset.done $0x0  }
0x1cb: {  	v0 =	vimm.f32 $0.0e+00;
	v1 =	vimm.s32 $0x0;
	s5 =	simm.s32 $0x0;
	s4 =	simm.s32 $0x0;
	[sflag:s9] =	ssyncadd.s32 $0xFFFFFE00  }
.LBB2_12:
0x1cc: {  	p0 =	sne.s32 s5, $0x1FC0  }
.Ltmp5:
0x1cd: {  	_ = 	snop;
	(pc) =	sbr.rel @p0 .LBB2_12-.Ltmp5, $4  }
0x1ce: {  	_ = 	snop  }
0x1cf: {  	s1 =	sshra.s32 s5, $0x2  }
0x1d0: {  	[tilespmem:s1+$0x2000] =	vst v0  }
0x1d1: {  	s5 =	sadd.s32 $0x40, s5;
	[tilespmem:s1+$0x2800] =	vst v1  }
0x1d2: {  	v0 =	vimm.s32 $0xEFCDAB89;
	v1 =	vimm.s32 $0x67452301;
	v2 =	vimm.s32 $0xDCFE98BA  }
0x1d3: {  	v3 =	vimm.s32 $0x54761032;
	v4 =	vimm.s32 $0xBA98FEDC;
	v5 =	vimm.s32 $0xFEDCBA98  }
0x1d4: {  	v6 =	vimm.s32 $0x32107654;
	v7 =	vimm.s32 $0x76543210;
	v0 =	vunpack.c.l.s4.s8 v0  }
0x1d5: {  	v1 =	vunpack.c.l.s4.s8 v1;
	v2 =	vunpack.c.l.s4.s8 v2;
	v3 =	vunpack.c.l.s4.s8 v3  }
0x1d6: {  	v5 =	vunpack.c.l.s4.s8 v5;
	v4 =	vunpack.c.l.s4.s8 v4;
	v6 =	vunpack.c.l.s4.s8 v6  }
0x1d7: {  	v7 =	vunpack.c.l.s4.s8 v7;
	v0 =	vunpack.c.0.s8.s32 v0;
	v1 =	vunpack.c.0.s8.s32 v1  }
0x1d8: {  	v2 =	vunpack.c.0.s8.s32 v2;
	v8 =	vunpack.c.0.s8.s32 v3;
	v5 =	vunpack.c.0.s8.s32 v5  }
0x1d9: {  	v4 =	vunpack.c.0.s8.s32 v4;
	v6 =	vunpack.c.0.s8.s32 v6;
	v7 =	vunpack.c.0.s8.s32 v7  }
0x1da: {  	v3 =	vcombine.low v1, v0;
	v1 =	vcombine.low v8, v2;
	v0 =	vand.u32 $0xF, v5  }
0x1db: {  	s5 =	simm.s32 $0x3800;
	s6 =	simm.s32 $0x1;
	v2 =	vcombine.low v6, v4;
	v4 =	vld [tilespmem:s0+$0x0];
	v0 =	vcombine.low v0, v7  }
.LBB2_14:
0x1dc: {  	p0 =	sne.s32 s6, $0x1F;
	_ =	sdelay $0x3  }
0x1dd: {  	v5 =	vperm.xlane v4, v3;
	_ =	sdelay $0x1  }
0x1de: {  	v4 =	vmax.f32 v4, v5  }
0x1df: {  	v5 =	vperm.xlane v4, v1;
	_ =	sdelay $0x1  }
0x1e0: {  	v4 =	vmax.f32 v4, v5  }
0x1e1: {  	v5 =	vperm.xlane v4, v2  }
0x1e2: {  	v6 =	vmov s4;
	s4 =	smov.u32 s6  }
0x1e3: {  	v4 =	vmax.f32 v4, v5  }
.Ltmp6:
0x1e4: {  	v5 =	vperm.xlane v4, v0;
	(pc) =	sbr.rel @p0 .LBB2_14-.Ltmp6, $4  }
0x1e5: {  	_ = 	snop  }
0x1e6: {  	v4 =	vmax.f32 v4, v5  }
0x1e7: {  	s0 =	sadd.s32 $0x10, s0;
	[tilespmem:v6+s5+$0x0] =	vst.idx.msk $0x1, v4  }
0x1e8: {  	s6 =	sadd.s32 $0x1, s6;
	v4 =	vld [tilespmem:s0+$0x0]  }
0x1e9: {  	_ =	sdelay $0x3  }
0x1ea: {  	v3 =	vperm.xlane v4, v3;
	_ =	sdelay $0x1  }
0x1eb: {  	v3 =	vmax.f32 v4, v3  }
0x1ec: {  	v1 =	vperm.xlane v3, v1;
	_ =	sdelay $0x1  }
0x1ed: {  	v1 =	vmax.f32 v3, v1  }
0x1ee: {  	v2 =	vperm.xlane v1, v2  }
0x1ef: {  	v3 =	vmov s4  }
0x1f0: {  	v1 =	vmax.f32 v1, v2  }
0x1f1: {  	v0 =	vperm.xlane v1, v0;
	_ =	sdelay $0x1  }
0x1f2: {  	v0 =	vmax.f32 v1, v0  }
0x1f3: {  	s0 =	simm.s32 $0x0;
	[tilespmem:v3+s5+$0x0] =	vst.idx.msk $0x1, v0  }
0x1f4: {  	v0 =	vld [tilespmem:s0+$0x3200];
	_ =	sdelay $0x2  }
0x1f5: {  	vm14 =	vcmask $0x704  }
0x1f6: {  	vm13 =	vcmask $0xB08  }
0x1f7: {  	vm12 =	vcmask $0xF0C  }
0x1f8: {  	vm11 =	vcmask $0x1310  }
0x1f9: {  	v11 =	vimm.s32 $0x1;
	s12 =	simm.s32 $0x2800;
	vm10 =	vcmask $0x1714  }
0x1fa: {  	vm9 =	vcmask $0x1B18;
	[tilespmem:v0+s12+$0x0] =	vst.idx.add.s32.msk $0x1, v11  }
0x1fb: {  	vm8 =	vcmask $0x1F1C;
	[tilespmem:v0+s12+$0x0] =	vst.idx.add.s32.msk vm14, v11  }
0x1fc: {  	vm7 =	vcmask $0x2320;
	[tilespmem:v0+s12+$0x0] =	vst.idx.add.s32.msk vm13, v11  }
0x1fd: {  	vm6 =	vcmask $0x2724;
	[tilespmem:v0+s12+$0x0] =	vst.idx.add.s32.msk vm12, v11  }
0x1fe: {  	vm5 =	vcmask $0x2B28;
	[tilespmem:v0+s12+$0x0] =	vst.idx.add.s32.msk vm11, v11  }
0x1ff: {  	vm4 =	vcmask $0x2F2C;
	[tilespmem:v0+s12+$0x0] =	vst.idx.add.s32.msk vm10, v11  }
0x200: {  	vm3 =	vcmask $0x3330;
	[tilespmem:v0+s12+$0x0] =	vst.idx.add.s32.msk vm9, v11  }
0x201: {  	vm2 =	vcmask $0x3734;
	[tilespmem:v0+s12+$0x0] =	vst.idx.add.s32.msk vm8, v11  }
0x202: {  	vm0 =	vcmask $0x3B38;
	[tilespmem:v0+s12+$0x0] =	vst.idx.add.s32.msk vm7, v11  }
0x203: {  	[tilespmem:v0+s12+$0x0] =	vst.idx.add.s32.msk vm6, v11  }
0x204: {  	vm1 =	vcmask $0x3F3C;
	[tilespmem:v0+s12+$0x0] =	vst.idx.add.s32.msk vm5, v11  }
0x205: {  	[tilespmem:v0+s12+$0x0] =	vst.idx.add.s32.msk vm4, v11  }
0x206: {  	[tilespmem:v0+s12+$0x0] =	vst.idx.add.s32.msk vm3, v11  }
0x207: {  	[tilespmem:v0+s12+$0x0] =	vst.idx.add.s32.msk vm2, v11  }
0x208: {  	s4 =	simm.s32 $0x80;
	s0 =	simm.s32 $0x40;
	[tilespmem:v0+s12+$0x0] =	vst.idx.add.s32.msk vm0, v11  }
.LBB2_16:
0x209: {  	p0 =	sne.s32 s4, $0x7C0  }
0x20a: {  	s1 =	sshra.s32 s0, $0x2;
	[tilespmem:v0+s12+$0x0] =	vst.idx.add.s32.msk vm1, v11;
	s0 =	smov.u32 s4;
	s4 =	sadd.s32 $0x40, s4  }
0x20b: {  	v0 =	vld [tilespmem:s1+$0x3200];
	_ =	sdelay $0x7  }
0x20c: {  	[tilespmem:v0+s12+$0x0] =	vst.idx.add.s32.msk $0x1, v11  }
0x20d: {  	[tilespmem:v0+s12+$0x0] =	vst.idx.add.s32.msk vm14, v11  }
0x20e: {  	[tilespmem:v0+s12+$0x0] =	vst.idx.add.s32.msk vm13, v11  }
0x20f: {  	[tilespmem:v0+s12+$0x0] =	vst.idx.add.s32.msk vm12, v11  }
0x210: {  	[tilespmem:v0+s12+$0x0] =	vst.idx.add.s32.msk vm11, v11  }
0x211: {  	[tilespmem:v0+s12+$0x0] =	vst.idx.add.s32.msk vm10, v11  }
0x212: {  	[tilespmem:v0+s12+$0x0] =	vst.idx.add.s32.msk vm9, v11  }
0x213: {  	[tilespmem:v0+s12+$0x0] =	vst.idx.add.s32.msk vm8, v11  }
0x214: {  	[tilespmem:v0+s12+$0x0] =	vst.idx.add.s32.msk vm7, v11  }
0x215: {  	[tilespmem:v0+s12+$0x0] =	vst.idx.add.s32.msk vm6, v11  }
.Ltmp7:
0x216: {  	[tilespmem:v0+s12+$0x0] =	vst.idx.add.s32.msk vm5, v11;
	(pc) =	sbr.rel @p0 .LBB2_16-.Ltmp7, $4  }
0x217: {  	[tilespmem:v0+s12+$0x0] =	vst.idx.add.s32.msk vm4, v11  }
0x218: {  	[tilespmem:v0+s12+$0x0] =	vst.idx.add.s32.msk vm3, v11  }
0x219: {  	[tilespmem:v0+s12+$0x0] =	vst.idx.add.s32.msk vm2, v11  }
0x21a: {  	[tilespmem:v0+s12+$0x0] =	vst.idx.add.s32.msk vm0, v11  }
0x21b: {  	_ =	sdelay $0x4  }
0x21c: {  	s0 =	sshra.s32 s0, $0x2;
	[tilespmem:v0+s12+$0x0] =	vst.idx.add.s32.msk vm1, v11  }
0x21d: {  	v12 =	vld [tilespmem:s0+$0x3200];
	_ =	sdelay $0x7  }
0x21e: {  	[tilespmem:v12+s12+$0x0] =	vst.idx.add.s32.msk $0x1, v11  }
0x21f: {  	v0 =	vimm.s32 $0xEFCDAB89;
	v1 =	vimm.s32 $0x67452301;
	[tilespmem:v12+s12+$0x0] =	vst.idx.add.s32.msk vm14, v11  }
0x220: {  	v0 =	vunpack.c.l.s4.s8 v0;
	v1 =	vunpack.c.l.s4.s8 v1;
	[tilespmem:v12+s12+$0x0] =	vst.idx.add.s32.msk vm13, v11  }
0x221: {  	v2 =	vimm.s32 $0xDCFE98BA;
	v4 =	vimm.s32 $0xBA98FEDC;
	[tilespmem:v12+s12+$0x0] =	vst.idx.add.s32.msk vm12, v11  }
0x222: {  	v2 =	vunpack.c.l.s4.s8 v2;
	v3 =	vunpack.c.0.s8.s32 v0;
	v1 =	vunpack.c.0.s8.s32 v1;
	[tilespmem:v12+s12+$0x0] =	vst.idx.add.s32.msk vm11, v11  }
0x223: {  	v5 =	vimm.s32 $0x32107654;
	v4 =	vunpack.c.l.s4.s8 v4;
	[tilespmem:v12+s12+$0x0] =	vst.idx.add.s32.msk vm10, v11  }
0x224: {  	v1 =	vcombine.low v1, v3;
	v3 =	vunpack.c.0.s8.s32 v2;
	v2 =	vimm.s32 $0x54761032;
	[tilespmem:v12+s12+$0x0] =	vst.idx.add.s32.msk vm9, v11  }
0x225: {  	v6 =	vimm.s32 $0xFEDCBA98;
	v5 =	vunpack.c.l.s4.s8 v5;
	v2 =	vunpack.c.l.s4.s8 v2;
	[tilespmem:v12+s12+$0x0] =	vst.idx.add.s32.msk vm8, v11  }
0x226: {  	v6 =	vunpack.c.l.s4.s8 v6;
	v8 =	vunpack.c.0.s8.s32 v4;
	[tilespmem:v12+s12+$0x0] =	vst.idx.add.s32.msk vm7, v11  }
0x227: {  	v5 =	vunpack.c.0.s8.s32 v5;
	v7 =	vunpack.c.0.s8.s32 v2;
	v2 =	vimm.s32 $0x76543210;
	[tilespmem:v12+s12+$0x0] =	vst.idx.add.s32.msk vm6, v11  }
0x228: {  	v13 =	vimm.s32 $0x1;
	v9 =	vunpack.c.l.s4.s8 v2;
	[tilespmem:v12+s12+$0x0] =	vst.idx.add.s32.msk vm5, v11  }
.Ltmp8:
0x229: {  	v5 =	vcombine.low v5, v8;
	v3 =	vcombine.low v7, v3;
	v7 =	vunpack.c.0.s8.s32 v6;
	[tilespmem:v12+s12+$0x0] =	vst.idx.add.s32.msk vm4, v11;
	(pc) =	sbr.rel .LBB2_18-.Ltmp8, $4  }
0x22a: {  	s4 =	simm.s32 $0x0;
	s5 =	simm.s32 $0x3000;
	v0 =	vlaneseq.u32;
	v4 =	vand.u32 $0xF, v1;
	v9 =	vunpack.c.0.s8.s32 v9;
	[tilespmem:v12+s12+$0x0] =	vst.idx.add.s32.msk vm3, v11  }
0x22b: {  	s6 =	simm.s32 $0x3200;
	s7 =	simm.s32 $0x3C80;
	s8 =	simm.s32 $0x2000;
	v8 =	vand.u32 $0xF, v5;
	v2 =	vor.u32 $0x10, v0;
	v10 =	vand.u32 $0xF, v7;
	[tilespmem:v12+s12+$0x0] =	vst.idx.add.s32.msk vm2, v11  }
0x22c: {  	s9 =	simm.s32 $0x3800;
	s10 =	simm.s32 $0x2800;
	s11 =	simm.s32 $0x3600;
	v6 =	vand.u32 $0xF, v3;
	v7 =	vimm.f32 $-Inf;
	v9 =	vcombine.low v10, v9;
	[tilespmem:v12+s12+$0x0] =	vst.idx.add.s32.msk vm0, v11  }
0x22d: {  	s13 =	simm.s32 $0x6;
	s14 =	simm.s32 $0x0;
	v10 =	vperm.xlane v7, v4;
	[tilespmem:v12+s12+$0x0] =	vst.idx.add.s32.msk vm1, v11;
	v11 =	vimm.s32 $0x0;
	s12 =	simm.s32 $0x3400;
	v12 =	vimm.s32 $0xFFFFFFFF  }
.LBB2_27:
0x22e: {  	s0 =	simm.s32 $0x1  }
0x22f: {  	s0 =	simm.s32 @!p0 $0x0  }
0x230: {  	s0 =	sadd.s32 s0, s14  }
0x231: {  	s14 =	sadd.s32 $0x1, s0  }
0x232: {  	p0 =	slt.s32 s14, $0x200  }
.Ltmp9:
0x233: {  	_ = 	snop;
	(pc) =	sbr.rel @!p0 .LBB2_28-.Ltmp9, $1  }
0x234: {  	_ =	sdelay $0x3  }
.LBB2_18:
0x235: {  	v14 =	vld [tilespmem:$0x3800]  }
0x236: {  	v15 =	vld [tilespmem:$0x3810];
	_ =	sdelay $0x4  }
0x237: {  	vm0 =	vgt.f32 v15, v14  }
0x238: {  	v16 =	vsel vm0, v15, v14;
	v17 =	vsel vm0, v2, v0;
	v14 =	vsel vm0, v14, v15  }
0x239: {  	v15 =	vsel vm0, v0, v2;
	v18 =	vperm.xlane v16, v4;
	v19 =	vperm.xlane v17, v4  }
0x23a: {  	v20 =	vperm.xlane v14, v4;
	v21 =	vperm.xlane v15, v4  }
0x23b: {  	vm10 =	vgt.f32 v18, v16;
	vm1 =	veq.f32 v18, v16  }
0x23c: {  	vm2 =	vlt.s32 v19, v17;
	vm11 =	veq.f32 v20, v14;
	vm3 =	vlt.s32 v21, v15  }
0x23d: {  	vm12 =	vgt.f32 v20, v14;
	vm1 =	vmand vm1, vm2;
	vm2 =	vmand vm11, vm3  }
0x23e: {  	vm0 =	vmor vm10, vm1;
	vm1 =	vmor vm12, vm2  }
0x23f: {  	v22 =	vsel vm0, v16, v18;
	v23 =	vsel vm0, v17, v19;
	v14 =	vsel vm1, v20, v14  }
0x240: {  	v15 =	vsel vm1, v21, v15;
	v16 =	vsel vm0, v18, v16;
	v17 =	vsel vm0, v19, v17  }
0x241: {  	vm13 =	veq.f32 v22, v14;
	vm14 =	vlt.s32 v23, v15;
	v18 =	vperm.xlane v16, v6  }
0x242: {  	vm15 =	vgt.f32 v22, v14;
	v19 =	vperm.xlane v17, v6;
	vm1 =	vmand vm13, vm14  }
0x243: {  	vm1 =	vmor vm15, vm1;
	vm6 =	vgt.f32 v18, v16;
	vm7 =	veq.f32 v18, v16  }
0x244: {  	vm8 =	vlt.s32 v19, v17;
	v14 =	vsel vm1, v22, v14;
	v15 =	vsel vm1, v23, v15  }
0x245: {  	vm1 =	vmand vm7, vm8;
	v33 =	vperm.xlane v14, v6;
	v34 =	vperm.xlane v15, v6  }
0x246: {  	vm0 =	vmor vm6, vm1  }
0x247: {  	v35 =	vsel vm0, v16, v18;
	vm9 =	veq.f32 v33, v14;
	vm10 =	vlt.s32 v34, v15  }
0x248: {  	v36 =	vsel vm0, v17, v19;
	vm11 =	vgt.f32 v33, v14;
	vm2 =	vmand vm9, vm10  }
0x249: {  	v16 =	vsel vm0, v18, v16;
	v17 =	vsel vm0, v19, v17;
	vm1 =	vmor vm11, vm2  }
0x24a: {  	v18 =	vperm.xlane v16, v8;
	v14 =	vsel vm1, v33, v14;
	v15 =	vsel vm1, v34, v15  }
0x24b: {  	v19 =	vperm.xlane v17, v8;
	vm12 =	veq.f32 v35, v14;
	vm13 =	vlt.s32 v36, v15  }
0x24c: {  	vm15 =	veq.f32 v18, v16;
	vm14 =	vgt.f32 v35, v14;
	vm1 =	vmand vm12, vm13  }
0x24d: {  	vm4 =	vlt.s32 v19, v17;
	vm5 =	vgt.f32 v18, v16;
	vm0 =	vmor vm14, vm1  }
0x24e: {  	v14 =	vsel vm0, v35, v14;
	v15 =	vsel vm0, v36, v15;
	vm0 =	vmand vm15, vm4  }
0x24f: {  	v37 =	vperm.xlane v14, v8;
	v38 =	vperm.xlane v15, v8;
	vm0 =	vmor vm5, vm0  }
0x250: {  	v39 =	vsel vm0, v18, v16  }
0x251: {  	v40 =	vsel vm0, v19, v17;
	vm6 =	veq.f32 v37, v14;
	vm7 =	vlt.s32 v38, v15  }
0x252: {  	v16 =	vsel vm0, v16, v18;
	vm8 =	vgt.f32 v37, v14;
	vm1 =	vmand vm6, vm7  }
0x253: {  	v17 =	vsel vm0, v17, v19;
	v41 =	vperm.xlane v39, v9;
	vm9 =	vmor vm8, vm1  }
0x254: {  	v42 =	vperm.xlane v40, v9;
	v14 =	vsel vm9, v37, v14;
	v15 =	vsel vm9, v38, v15  }
0x255: {  	vm13 =	veq.f32 v41, v39;
	vm11 =	veq.f32 v16, v14;
	vm12 =	vlt.s32 v17, v15  }
0x256: {  	vm4 =	vlt.s32 v42, v40;
	vm10 =	vgt.f32 v16, v14;
	vm1 =	vmand vm11, vm12  }
0x257: {  	vm14 =	vgt.f32 v41, v39;
	vm3 =	vmand vm13, vm4;
	vm0 =	vmor vm10, vm1  }
0x258: {  	vm15 =	vmor vm14, vm3;
	v14 =	vsel vm0, v16, v14;
	v15 =	vsel vm0, v17, v15  }
0x259: {  	v43 =	vsel vm15, v42, v40;
	v44 =	vperm.xlane v14, v9;
	v45 =	vperm.xlane v15, v9  }
0x25a: {  	v46 =	vshll.u32 v43, $0x4  }
0x25b: {  	v21 =	vor.u32 v0, v46;
	vm6 =	veq.f32 v44, v14;
	vm7 =	vlt.s32 v45, v15  }
0x25c: {  	vm8 =	vgt.f32 v44, v14;
	vm0 =	vmand vm6, vm7  }
0x25d: {  	v18 =	vsel vm15, v39, v41;
	vm0 =	vmor vm8, vm0  }
0x25e: {  	v19 =	vsel vm15, v40, v42;
	v14 =	vsel vm0, v44, v14;
	v15 =	vsel vm0, v45, v15  }
0x25f: {  	vm9 =	veq.f32 v18, v14;
	vm1 =	vlt.s32 v19, v15  }
0x260: {  	v47 =	vld.idx.msk [tilespmem:v21+s5+$0x0], $0xffff;
	vm10 =	vgt.f32 v18, v14;
	vm0 =	vmand vm9, vm1  }
0x261: {  	vm0 =	vmor vm10, vm0  }
0x262: {  	v15 =	vsel vm0, v19, v15  }
0x263: {  	v19 =	vshll.u32 v15, $0x4  }
0x264: {  	v19 =	vor.u32 v0, v19  }
0x265: {  	v49 =	vperm.xlane v21, v4;
	v48 =	vperm.xlane v47, v4;
	_ =	sdelay $0x1  }
0x266: {  	vm12 =	vlt.s32 v49, v21;
	vm11 =	veq.f32 v48, v47  }
0x267: {  	vm13 =	vgt.f32 v48, v47;
	vm1 =	vmand vm11, vm12  }
0x268: {  	vm1 =	vmor vm13, vm1;
	v51 =	vld.idx.msk [tilespmem:v19+s5+$0x0], $0xffff  }
0x269: {  	v50 =	vsel vm1, v48, v47;
	v21 =	vsel vm1, v49, v21  }
0x26a: {  	v24 =	vperm.xlane v50, v6;
	v25 =	vperm.xlane v21, v6;
	_ =	sdelay $0x1  }
0x26b: {  	v27 =	vperm.xlane v19, v4;
	vm14 =	veq.f32 v24, v50;
	vm15 =	vlt.s32 v25, v21  }
0x26c: {  	vm6 =	vgt.f32 v24, v50;
	vm1 =	vmand vm14, vm15;
	v26 =	vperm.xlane v51, v4  }
0x26d: {  	vm8 =	vlt.s32 v27, v19;
	vm1 =	vmor vm6, vm1  }
0x26e: {  	v28 =	vsel vm1, v24, v50;
	v21 =	vsel vm1, v25, v21;
	vm7 =	veq.f32 v26, v51  }
0x26f: {  	v52 =	vperm.xlane v28, v8;
	vm9 =	vgt.f32 v26, v51;
	vm1 =	vmand vm7, vm8  }
0x270: {  	v29 =	vperm.xlane v21, v8;
	vm1 =	vmor vm9, vm1  }
0x271: {  	vm10 =	veq.f32 v52, v28;
	v30 =	vsel vm1, v26, v51;
	v19 =	vsel vm1, v27, v19  }
0x272: {  	vm11 =	vlt.s32 v29, v21;
	v53 =	vperm.xlane v30, v6;
	v31 =	vperm.xlane v19, v6  }
0x273: {  	vm12 =	vgt.f32 v52, v28;
	vm1 =	vmand vm10, vm11  }
0x274: {  	vm1 =	vmor vm12, vm1;
	vm13 =	veq.f32 v53, v30;
	vm14 =	vlt.s32 v31, v19  }
0x275: {  	v32 =	vsel vm1, v52, v28;
	vm15 =	vgt.f32 v53, v30;
	vm2 =	vmand vm13, vm14  }
0x276: {  	v21 =	vsel vm1, v29, v21;
	v54 =	vperm.xlane v32, v9;
	vm6 =	vmor vm15, vm2  }
0x277: {  	v33 =	vperm.xlane v21, v9;
	v34 =	vsel vm6, v53, v30;
	v19 =	vsel vm6, v31, v19  }
0x278: {  	v17 =	vmin.f32 v47, v48;
	v55 =	vperm.xlane v34, v8;
	v35 =	vperm.xlane v19, v8  }
0x279: {  	v17 =	vmax.f32 v17, v10;
	vm7 =	veq.f32 v54, v32;
	vm8 =	vlt.s32 v33, v21  }
0x27a: {  	vm11 =	vgt.f32 v54, v32;
	vm9 =	veq.f32 v55, v34;
	vm10 =	vlt.s32 v35, v19  }
0x27b: {  	vm1 =	vmand vm7, vm8;
	vm12 =	vgt.f32 v55, v34;
	vm2 =	vmand vm9, vm10  }
0x27c: {  	v36 =	vperm.xlane v17, v6;
	vm1 =	vmor vm11, vm1;
	vm2 =	vmor vm12, vm2  }
0x27d: {  	v21 =	vsel vm1, v33, v21;
	v20 =	vsel vm2, v55, v34;
	v19 =	vsel vm2, v35, v19  }
0x27e: {  	v33 =	vperm.xlane v20, v9;
	v35 =	vperm.xlane v19, v9;
	_ =	sdelay $0x1  }
0x27f: {  	v17 =	vmax.f32 v17, v36;
	vm13 =	veq.f32 v33, v20;
	vm2 =	vlt.s32 v35, v19  }
0x280: {  	v23 =	vmin.f32 v50, v24;
	vm14 =	vgt.f32 v33, v20;
	vm1 =	vmand vm13, vm2  }
0x281: {  	v17 =	vmax.f32 v23, v17;
	v56 =	vld.idx.msk [tilespmem:v21+s6+$0x0], $0xffff;
	vm1 =	vmor vm14, vm1  }
0x282: {  	v57 =	vperm.xlane v17, v8;
	v19 =	vsel vm1, v35, v19;
	_ =	sdelay $0x1  }
0x283: {  	v17 =	vmax.f32 v17, v57;
	v25 =	vmin.f32 v28, v52  }
0x284: {  	v17 =	vmax.f32 v25, v17  }
0x285: {  	v58 =	vperm.xlane v17, v9  }
0x286: {  	v25 =	vld.idx.msk [tilespmem:v19+s6+$0x0], $0xffff;
	[tilespmem:v21+s7+$0x0] =	vst.idx.msk $0x1, v56  }
0x287: {  	v17 =	vmax.f32 v17, v58;
	v59 =	vmin.f32 v32, v54;
	[tilespmem:v21+s5+$0x0] =	vst.idx.msk $0x1, v7  }
0x288: {  	v17 =	vmax.f32 v59, v17;
	[tilespmem:v56+s8+$0x0] =	vst.idx.msk $0x1, v7  }
0x289: {  	[tilespmem:v43+s9+$0x0] =	vst.idx.msk $0x1, v17  }
0x28a: {  	v16 =	vld.idx.msk [tilespmem:v56+s10+$0x0], $0xffff;
	_ =	sdelay $0x1  }
0x28b: {  	v14 =	vsel vm0, v18, v14  }
0x28c: {  	vm0 =	vgt.f32 v14, v17;
	vm15 =	vne.s32 v25, v56  }
0x28d: {  	vm0 =	vmand vm0, vm15  }
0x28e: {  	v14 =	vsel vm0, $0x1, v11;
	(v2sf) =	vpush v16, $0x0  }
0x28f: {  	(v2sf) =	vpush v14, $0x0;
	_ =	sdelay $0x8  }
0x290: {  	v14 =	vmin.f32 v51, v26  }
0x291: {  	v14 =	vmax.f32 v14, v10  }
0x292: {  	v60 =	vperm.xlane v14, v6;
	_ =	sdelay $0x1  }
0x293: {  	v61 =	vmin.f32 v30, v53;
	v14 =	vmax.f32 v14, v60  }
0x294: {  	v14 =	vmax.f32 v61, v14;
	s0 =	spop (v2sf)  }
0x295: {  	v62 =	vperm.xlane v14, v8;
	s1 =	spop (v2sf)  }
0x296: {  	p1 =	seq.s32 s0, $0x1;
	p0 =	sne.s32 s1, $0x0  }
0x297: {  	v63 =	vmin.f32 v34, v55;
	v14 =	vmax.f32 v14, v62;
	p0 =	por !p0, !p1  }
0x298: {  	v16 =	vmax.f32 v63, v14;
	p0 =	por !p0, !p0  }
0x299: {  	v17 =	vperm.xlane v16, v9;
	s0 =	simm.s32 @p0 $0x3C80;
	v14 =	vpsel p0, v25, v56  }
0x29a: {  	v18 =	vimm.f32 @p0 $-Inf;
	[tilespmem:v19+s0+$0x0] =	vst.idx.msk @p0 $0x1, v25;
	s0 =	simm.s32 @p0 $0x3000  }
0x29b: {  	v20 =	vmin.f32 @p0 v20, v33;
	v16 =	vmax.f32 @p0 v16, v17;
	[tilespmem:v19+s0+$0x0] =	vst.idx.msk @p0 $0x1, v18;
	s0 =	simm.s32 @p0 $0x2000  }
0x29c: {  	v16 =	vmax.f32 @p0 v20, v16;
	[tilespmem:v25+s0+$0x0] =	vst.idx.msk @p0 $0x1, v18;
	s0 =	simm.s32 @p0 $0x3800  }
0x29d: {  	[tilespmem:v15+s0+$0x0] =	vst.idx.msk @p0 $0x1, v16  }
0x29e: {  	v15 =	vld.idx.msk [tilespmem:v14+s10+$0x0], $0xffff;
	_ =	sdelay $0x4  }
0x29f: {  	(v2sf) =	vpush v15, $0x0;
	_ =	sdelay $0xe  }
0x2a0: {  	s31 =	spop (v2sf)  }
0x2a1: {  	s15 =	sadd.s32 $0xFFFFFFFF, s31  }
0x2a2: {  	p1 =	slt.s32 s15, $0x1  }
.Ltmp10:
0x2a3: {  	_ = 	snop;
	(pc) =	sbr.rel @!p1 .LBB2_19-.Ltmp10, $4  }
.Ltmp11:
0x2a4: {  	_ = 	snop;
	(pc) =	sbr.rel @p1 .LBB2_27-.Ltmp11, $4  }
0x2a5: {  	_ = 	snop  }
0x2a6: {  	_ = 	snop  }
0x2a7: {  	_ = 	snop  }
0x2a8: {  	_ = 	snop  }
.LBB2_22:
0x2a9: {  	_ =	sdelay $0x3  }
0x2aa: {  	[tilespmem:v15+s5+$0x0] =	vst.idx.msk $0x1, v17  }
0x2ab: {  	[tilespmem:v15+s6+$0x0] =	vst.idx.msk $0x1, v16  }
0x2ac: {  	[tilespmem:v15+s11+$0x0] =	vst.idx.msk $0x1, v12  }
.LBB2_26:
0x2ad: {  	_ =	sdelay $0x3  }
0x2ae: {  	[tilespmem:v16+s10+$0x0] =	vst.idx.add.s32.msk $0x1, v13;
	s0 =	sand.u32 $0xFFFFFFF0, s16  }
0x2af: {  	v15 =	vld [tilespmem:s0+$0x3000];
	_ =	sdelay $0x4  }
0x2b0: {  	v62 =	vperm.xlane v15, v1;
	_ =	sdelay $0x1  }
0x2b1: {  	v15 =	vmax.f32 v15, v62  }
0x2b2: {  	v16 =	vperm.xlane v15, v3  }
0x2b3: {  	s30 =	sshrl.u32 s16, $0x4  }
0x2b4: {  	v63 =	vmov s30;
	v15 =	vmax.f32 v15, v16  }
0x2b5: {  	v16 =	vbroadcast v63, $0x0;
	v17 =	vperm.xlane v15, v5  }
0x2b6: {  	p1 =	sgt.s32 s15, $0x1  }
.Ltmp12:
0x2b7: {  	v15 =	vmax.f32 v15, v17;
	(pc) =	sbr.rel @!p1 .LBB2_27-.Ltmp12, $3  }
0x2b8: {  	v17 =	vperm.xlane v15, v9;
	_ =	sdelay $0x1  }
0x2b9: {  	s31 =	sadd.s32 $0xFFFFFFFF, s15;
	v15 =	vmax.f32 v15, v17  }
0x2ba: {  	s15 =	smov.u32 s31;
	[tilespmem:v16+s9+$0x0] =	vst.idx.msk $0x1, v15  }
.LBB2_19:
0x2bb: {  	s0 =	simm.s32 $0x3040  }
0x2bc: {  	s16 =	simm.s32 $0x3240;
	v15 =	vld [tilespmem:s0+$0xFFFFFFC0]  }
0x2bd: {  	v16 =	vld [tilespmem:s16+$0xFFFFFFC0];
	_ =	sdelay $0x1  }
0x2be: {  	v17 =	vld [tilespmem:s0+$0xFFFFFFD0]  }
0x2bf: {  	v18 =	vimm.s32 $0x40000000;
	s1 =	simm.s32 $0x0;
	v19 =	vld [tilespmem:s16+$0xFFFFFFD0]  }
0x2c0: {  	v20 =	vor.u32 s1, v0;
	vm0 =	vlt.f32 v15, $-Inf;
	vm1 =	vgt.f32 v15, $-Inf  }
0x2c1: {  	s25 =	simm.s32 $0x10;
	vm2 =	veq.s32 v16, v14;
	v15 =	vld [tilespmem:s0+$0xFFFFFFE0];
	vm0 =	vmor vm1, vm0;
	vm1 =	vlt.s32 v18, v20  }
0x2c2: {  	v21 =	vld [tilespmem:s16+$0xFFFFFFE0];
	vm0 =	vmand vm2, vm0;
	v16 =	vsel vm1, v18, v20;
	v20 =	vor.u32 s25, v0  }
0x2c3: {  	vm1 =	vgt.f32 v17, $-Inf;
	v16 =	vsel vm0, v16, v18;
	vm0 =	vlt.f32 v17, $-Inf  }
0x2c4: {  	s26 =	simm.s32 $0x20;
	vm2 =	veq.s32 v19, v14;
	v17 =	vld [tilespmem:s0+$0xFFFFFFF0];
	vm0 =	vmor vm1, vm0;
	vm1 =	vlt.s32 v16, v20  }
0x2c5: {  	v19 =	vor.u32 s26, v0;
	vm0 =	vmand vm2, vm0;
	v18 =	vsel vm1, v16, v20;
	v20 =	vld [tilespmem:s16+$0xFFFFFFF0]  }
0x2c6: {  	vm1 =	vgt.f32 v15, $-Inf;
	v16 =	vsel vm0, v18, v16;
	vm0 =	vlt.f32 v15, $-Inf  }
0x2c7: {  	s28 =	simm.s32 $0x30;
	vm2 =	veq.s32 v21, v14;
	v15 =	vld [tilespmem:s0+$0x0];
	vm0 =	vmor vm1, vm0;
	vm1 =	vlt.s32 v16, v19  }
0x2c8: {  	v62 =	vld [tilespmem:s16+$0x0];
	vm0 =	vmand vm2, vm0;
	v18 =	vsel vm1, v16, v19;
	v19 =	vor.u32 s28, v0  }
0x2c9: {  	vm1 =	vgt.f32 v17, $-Inf;
	v16 =	vsel vm0, v18, v16;
	vm0 =	vlt.f32 v17, $-Inf  }
0x2ca: {  	s29 =	simm.s32 $0x40;
	v17 =	vld [tilespmem:s0+$0x10];
	vm2 =	veq.s32 v20, v14;
	vm0 =	vmor vm1, vm0;
	vm1 =	vlt.s32 v16, v19  }
0x2cb: {  	vm0 =	vmand vm2, vm0;
	v18 =	vsel vm1, v16, v19;
	v19 =	vor.u32 s29, v0  }
0x2cc: {  	v20 =	vld [tilespmem:s16+$0x10];
	vm1 =	vgt.f32 v15, $-Inf;
	v16 =	vsel vm0, v18, v16;
	vm0 =	vlt.f32 v15, $-Inf  }
0x2cd: {  	vm2 =	veq.s32 v62, v14;
	vm0 =	vmor vm1, vm0;
	vm1 =	vlt.s32 v16, v19  }
0x2ce: {  	v63 =	vld [tilespmem:s0+$0x20];
	vm0 =	vmand vm2, vm0;
	v15 =	vsel vm1, v16, v19  }
0x2cf: {  	s30 =	simm.s32 $0x50;
	vm1 =	vgt.f32 v17, $-Inf;
	v19 =	vsel vm0, v15, v16;
	vm0 =	vlt.f32 v17, $-Inf;
	v17 =	vld [tilespmem:s16+$0x20]  }
0x2d0: {  	v18 =	vor.u32 s30, v0  }
0x2d1: {  	s31 =	simm.s32 $0x60;
	vm2 =	veq.s32 v20, v14;
	v15 =	vld [tilespmem:s0+$0x30];
	vm0 =	vmor vm1, vm0;
	vm1 =	vlt.s32 v19, v18  }
0x2d2: {  	v16 =	vld [tilespmem:s16+$0x30];
	vm0 =	vmand vm2, vm0;
	v20 =	vsel vm1, v19, v18;
	v18 =	vor.u32 s31, v0  }
0x2d3: {  	s17 =	simm.s32 $0x70;
	s18 =	simm.s32 $0x0;
	s19 =	simm.s32 $0x30C0;
	vm1 =	vgt.f32 v63, $-Inf;
	v19 =	vsel vm0, v20, v19;
	vm0 =	vlt.f32 v63, $-Inf  }
.LBB2_20:
0x2d4: {  	v20 =	vld [tilespmem:s19+$0xFFFFFFC0];
	s18 =	sadd.s32 $0x8, s18;
	vm2 =	veq.s32 v17, v14;
	vm0 =	vmor vm1, vm0;
	vm1 =	vlt.s32 v19, v18;
	s16 =	sadd.s32 $0x80, s16  }
0x2d5: {  	v21 =	vor.u32 s17, v0;
	v17 =	vld [tilespmem:s16+$0xFFFFFFC0];
	p1 =	slt.u32 s18, $0x18;
	vm0 =	vmand vm2, vm0;
	v18 =	vsel vm1, v19, v18  }
0x2d6: {  	s17 =	sadd.s32 $0x80, s17;
	v18 =	vsel vm0, v18, v19;
	vm0 =	vlt.f32 v15, $-Inf;
	vm1 =	vgt.f32 v15, $-Inf  }
0x2d7: {  	s0 =	sadd.s32 $0xFFFFFF90, s17;
	v15 =	vld [tilespmem:s19+$0xFFFFFFD0];
	vm2 =	veq.s32 v16, v14;
	vm0 =	vmor vm1, vm0;
	vm1 =	vlt.s32 v18, v21  }
0x2d8: {  	v16 =	vor.u32 s0, v0;
	v19 =	vld [tilespmem:s16+$0xFFFFFFD0];
	vm0 =	vmand vm2, vm0;
	v21 =	vsel vm1, v18, v21  }
0x2d9: {  	vm1 =	vlt.f32 v20, $-Inf;
	vm2 =	vgt.f32 v20, $-Inf;
	v18 =	vsel vm0, v21, v18  }
0x2da: {  	s0 =	sadd.s32 $0xFFFFFFA0, s17;
	vm0 =	veq.s32 v17, v14;
	vm1 =	vmor vm2, vm1;
	vm2 =	vlt.s32 v18, v16;
	v17 =	vld [tilespmem:s19+$0xFFFFFFE0]  }
0x2db: {  	v20 =	vor.u32 s0, v0;
	vm0 =	vmand vm0, vm1;
	v16 =	vsel vm2, v18, v16;
	v21 =	vld [tilespmem:s16+$0xFFFFFFE0]  }
0x2dc: {  	v16 =	vsel vm0, v16, v18;
	vm0 =	vlt.f32 v15, $-Inf;
	vm1 =	vgt.f32 v15, $-Inf  }
0x2dd: {  	s0 =	sadd.s32 $0xFFFFFFB0, s17;
	vm2 =	veq.s32 v19, v14;
	vm0 =	vmor vm1, vm0;
	vm1 =	vlt.s32 v16, v20;
	v15 =	vld [tilespmem:s19+$0xFFFFFFF0]  }
0x2de: {  	v19 =	vor.u32 s0, v0;
	vm0 =	vmand vm2, vm0;
	v18 =	vsel vm1, v16, v20;
	v20 =	vld [tilespmem:s16+$0xFFFFFFF0]  }
0x2df: {  	v16 =	vsel vm0, v18, v16;
	vm0 =	vlt.f32 v17, $-Inf;
	vm1 =	vgt.f32 v17, $-Inf  }
0x2e0: {  	s0 =	sadd.s32 $0xFFFFFFC0, s17;
	vm2 =	veq.s32 v21, v14;
	vm0 =	vmor vm1, vm0;
	vm1 =	vlt.s32 v16, v19;
	v17 =	vld [tilespmem:s19+$0x0]  }
0x2e1: {  	vm0 =	vmand vm2, vm0;
	v18 =	vsel vm1, v16, v19;
	v19 =	vor.u32 s0, v0;
	v21 =	vld [tilespmem:s16+$0x0]  }
0x2e2: {  	v16 =	vsel vm0, v18, v16;
	vm0 =	vlt.f32 v15, $-Inf;
	vm1 =	vgt.f32 v15, $-Inf  }
0x2e3: {  	s0 =	sadd.s32 $0xFFFFFFD0, s17;
	vm2 =	veq.s32 v20, v14;
	vm0 =	vmor vm1, vm0;
	vm1 =	vlt.s32 v16, v19;
	v15 =	vld [tilespmem:s19+$0x10]  }
0x2e4: {  	vm0 =	vmand vm2, vm0;
	v18 =	vsel vm1, v16, v19;
	v19 =	vor.u32 s0, v0;
	v20 =	vld [tilespmem:s16+$0x10]  }
0x2e5: {  	v16 =	vsel vm0, v18, v16;
	vm0 =	vlt.f32 v17, $-Inf;
	vm1 =	vgt.f32 v17, $-Inf  }
0x2e6: {  	s0 =	sadd.s32 $0xFFFFFFE0, s17;
	vm2 =	veq.s32 v21, v14;
	vm0 =	vmor vm1, vm0;
	vm1 =	vlt.s32 v16, v19;
	v21 =	vld [tilespmem:s19+$0x20]  }
.Ltmp13:
0x2e7: {  	vm0 =	vmand vm2, vm0;
	v18 =	vsel vm1, v16, v19;
	v19 =	vor.u32 s0, v0;
	v17 =	vld [tilespmem:s16+$0x20];
	(pc) =	sbr.rel @p1 .LBB2_20-.Ltmp13, $4  }
0x2e8: {  	v22 =	vsel vm0, v18, v16;
	vm0 =	vlt.f32 v15, $-Inf;
	vm1 =	vgt.f32 v15, $-Inf  }
0x2e9: {  	s0 =	sadd.s32 $0xFFFFFFF0, s17;
	vm2 =	veq.s32 v20, v14;
	vm0 =	vmor vm1, vm0;
	vm1 =	vlt.s32 v22, v19;
	v15 =	vld [tilespmem:s19+$0x30]  }
0x2ea: {  	v18 =	vor.u32 s0, v0;
	vm0 =	vmand vm2, vm0;
	v19 =	vsel vm1, v22, v19;
	v16 =	vld [tilespmem:s16+$0x30]  }
0x2eb: {  	s19 =	sadd.s32 $0x80, s19;
	v19 =	vsel vm0, v19, v22;
	vm0 =	vlt.f32 v21, $-Inf;
	vm1 =	vgt.f32 v21, $-Inf  }
0x2ec: {  	vm2 =	veq.s32 v17, v14;
	vm0 =	vmor vm1, vm0;
	vm10 =	vlt.s32 v19, v18  }
0x2ed: {  	vm0 =	vmand vm2, vm0;
	v17 =	vsel vm10, v19, v18;
	v18 =	vor.u32 s17, v0  }
0x2ee: {  	v17 =	vsel vm0, v17, v19;
	vm11 =	vlt.f32 v15, $-Inf;
	vm12 =	vgt.f32 v15, $-Inf  }
0x2ef: {  	vm13 =	veq.s32 v16, v14;
	vm0 =	vmor vm12, vm11;
	vm14 =	vlt.s32 v17, v18  }
0x2f0: {  	vm0 =	vmand vm13, vm0;
	v15 =	vsel vm14, v17, v18  }
0x2f1: {  	v15 =	vsel vm0, v15, v17  }
0x2f2: {  	v16 =	vperm.xlane v15, v1;
	_ =	sdelay $0x1  }
0x2f3: {  	vm0 =	vlt.s32 v15, v16  }
0x2f4: {  	v15 =	vsel vm0, v15, v16  }
0x2f5: {  	v16 =	vperm.xlane v15, v3;
	_ =	sdelay $0x1  }
0x2f6: {  	vm0 =	vlt.s32 v15, v16  }
0x2f7: {  	v15 =	vsel vm0, v15, v16  }
0x2f8: {  	v16 =	vperm.xlane v15, v5;
	_ =	sdelay $0x1  }
0x2f9: {  	vm0 =	vlt.s32 v15, v16  }
0x2fa: {  	v15 =	vsel vm0, v15, v16  }
0x2fb: {  	v16 =	vperm.xlane v15, v9;
	_ =	sdelay $0x1  }
0x2fc: {  	vm0 =	vlt.s32 v15, v16  }
0x2fd: {  	v17 =	vsel vm0, v15, v16  }
0x2fe: {  	v15 =	vbroadcast v17, $0x0;
	_ =	sdelay $0x5  }
0x2ff: {  	v16 =	vld.idx.msk [tilespmem:v15+s11+$0x0], $0xffff;
	_ =	sdelay $0x4  }
0x300: {  	vm15 =	vgt.s32 v16, $0x0  }
0x301: {  	v18 =	vnsel vm15, $0x0, v16;
	_ =	sdelay $0x4  }
0x302: {  	v18 =	vld.idx.msk [tilespmem:v18+s8+$0x0], $0xffff;
	_ =	sdelay $0x2  }
0x303: {  	(v2sf) =	vpush v17, $0x0  }
0x304: {  	(v2sf) =	vpush v16, $0x0  }
0x305: {  	(v2sf) =	vpush v18, $0x0;
	_ =	sdelay $0xc  }
0x306: {  	s16 =	spop (v2sf)  }
0x307: {  	s0 =	spop (v2sf)  }
0x308: {  	p1 =	slt.s32 s0, $0x0;
	s0 =	spop (v2sf)  }
0x309: {  	p2 =	sne.f32 @!p1 s0, $0.0e+00;
	_ =	sdelay $0x1  }
0x30a: {  	p1 =	por p1, p2  }
.Ltmp14:
0x30b: {  	_ = 	snop;
	(pc) =	sbr.rel @!p1 .LBB2_22-.Ltmp14, $2  }
0x30c: {  	_ =	sdelay $0x2  }
0x30d: {  	v17 =	vld.idx.msk [tilespmem:v15+s12+$0x0], $0xffff  }
0x30e: {  	s0 =	sshll.u32 s16, $0xD  }
0x30f: {  	s0 =	sshra.s32 s0, $0x2  }
0x310: {  	s0 =	sadd.s32 s0, s3  }
0x311: {  	[tilespmem:s4], [sflag:$0x6] =	stream.linear.gather [spmem:s0], $0x800, $0x38;
	[tilespmem:$0x13F00] =	vst v63  }
0x312: {  	_ =	swait.ge [sflag:s13], $0x800  }
0x313: {  	[sflag:s13] =	ssyncset.done $0x0  }
0x314: {  	s21 =	simm.s32 $0x40;
	[sflag:s13] =	ssyncadd.s32 $0xFFFFF800  }
0x315: {  	s1 =	simm.s32 $0x2040;
	v16 =	vld [tilespmem:s21+$0xFFFFFFC0]  }
0x316: {  	v17 =	vld [tilespmem:s1+$0x10]  }
0x317: {  	v18 =	vld [tilespmem:s21+$0x10]  }
0x318: {  	v19 =	vld [tilespmem:s1+$0xFFFFFFE0]  }
0x319: {  	v20 =	vld [tilespmem:s1+$0xFFFFFFF0]  }
0x31a: {  	v21 =	vld [tilespmem:s21+$0xFFFFFFF0]  }
0x31b: {  	v22 =	vld [tilespmem:s21+$0xFFFFFFD0]  }
0x31c: {  	v23 =	vld [tilespmem:s1+$0xFFFFFFC0]  }
0x31d: {  	v24 =	vld [tilespmem:s1+$0xFFFFFFD0]  }
0x31e: {  	v25 =	vld [tilespmem:s21+$0x0]  }
0x31f: {  	v26 =	vld [tilespmem:s21+$0xFFFFFFE0]  }
0x320: {  	v28 =	vld [tilespmem:s1+$0x0]  }
0x321: {  	v27 =	vimm.s32 $0x0;
	s2 =	simm.s32 $0x20;
	s18 =	simm.s32 $0x0;
	v31 =	vld [tilespmem:s1+$0x20]  }
0x322: {  	v29 =	vimm.f32 $-Inf;
	v30 =	vimm.s32 $0x40000000;
	s22 =	simm.s32 $0x30;
	s24 =	simm.s32 $0x40;
	s20 =	simm.s32 $0x20C0;
	v32 =	vor.u32 s2, v0;
	v34 =	vld [tilespmem:s21+$0x20]  }
0x323: {  	s26 =	simm.s32 $0x50;
	v33 =	vor.u32 s18, v0;
	v37 =	vor.u32 s22, v0;
	v39 =	vor.u32 s24, v0;
	v48 =	vld [tilespmem:s20+$0xFFFFFFC0]  }
0x324: {  	s17 =	simm.s32 $0x10;
	v43 =	vor.u32 s26, v0;
	v49 =	vld [tilespmem:s20+$0xFFFFFFE0];
	v23 =	vadd.f32 v23, v16;
	v35 =	vadd.f32 v17, v18  }
0x325: {  	v16 =	vor.u32 s17, v0;
	v17 =	vadd.f32 v24, v22;
	v19 =	vadd.f32 v19, v26;
	v26 =	vld [tilespmem:s1+$0x30]  }
0x326: {  	s23 =	simm.s32 $0xC0;
	v21 =	vadd.f32 v20, v21;
	v36 =	vadd.f32 v28, v25;
	v25 =	vld [tilespmem:s21+$0x30];
	vm0 =	vgt.f32 v23, v29  }
0x327: {  	v28 =	vld [tilespmem:s23+$0xFFFFFFC0];
	v31 =	vadd.f32 v31, v34;
	v22 =	vsel vm0, v23, v29;
	v18 =	vsel vm0, v33, v27  }
0x328: {  	s30 =	simm.s32 $0x80;
	v57 =	vld [tilespmem:s23+$0xFFFFFFE0];
	v33 =	vsel vm0, v27, v33;
	v23 =	vsel vm0, v29, v23;
	vm1 =	vgt.f32 v17, v22  }
0x329: {  	s25 =	simm.s32 $0x70;
	v38 =	vld [tilespmem:s20+$0x10];
	v27 =	vor.u32 s30, v0;
	vm4 =	vgt.f32 v23, v29;
	v40 =	vsel vm1, v16, v18  }
0x32a: {  	s28 =	simm.s32 $0xA0;
	v42 =	vld [tilespmem:s23+$0x10];
	v41 =	vsel vm1, v18, v16;
	v20 =	vsel vm1, v17, v22;
	v18 =	vor.u32 s25, v0  }
0x32b: {  	v16 =	vor.u32 s28, v0;
	v23 =	vsel vm4, v23, v29;
	v17 =	vsel vm1, v22, v17  }
0x32c: {  	v45 =	vld [tilespmem:s23+$0xFFFFFFD0];
	v30 =	vsel vm4, v33, v30;
	v50 =	vadd.f32 v26, v25;
	v26 =	vadd.f32 v48, v28  }
0x32d: {  	s29 =	simm.s32 $0x90;
	v47 =	vld [tilespmem:s20+$0xFFFFFFD0];
	v28 =	vadd.f32 v49, v57;
	vm2 =	vgt.f32 v19, v20;
	vm1 =	vgt.f32 v17, v23  }
0x32e: {  	v44 =	vld [tilespmem:s20+$0xFFFFFFF0];
	v24 =	vsel vm2, v19, v20;
	v19 =	vsel vm2, v20, v19;
	v20 =	vor.u32 s29, v0  }
0x32f: {  	v22 =	vld [tilespmem:s23+$0xFFFFFFF0];
	v29 =	vsel vm2, v40, v32;
	v23 =	vsel vm1, v17, v23;
	v17 =	vadd.f32 v38, v42  }
0x330: {  	v40 =	vsel vm2, v32, v40;
	v30 =	vsel vm1, v41, v30;
	vm3 =	vgt.f32 v21, v24  }
0x331: {  	s31 =	simm.s32 $0x60;
	vm5 =	vgt.f32 v19, v23;
	v46 =	vsel vm3, v21, v24;
	v21 =	vsel vm3, v24, v21  }
0x332: {  	v58 =	vld [tilespmem:s23+$0x0];
	v24 =	vor.u32 s31, v0;
	v19 =	vsel vm5, v19, v23;
	v23 =	vadd.f32 v47, v45  }
0x333: {  	v59 =	vld [tilespmem:s20+$0x0];
	v38 =	vsel vm5, v29, v30;
	vm0 =	vgt.f32 v36, v46;
	vm7 =	vgt.f32 v21, v19  }
0x334: {  	v25 =	vadd.f32 v44, v22;
	v21 =	vsel vm7, v21, v19;
	v19 =	vsel vm0, v36, v46  }
0x335: {  	v22 =	vsel vm3, v37, v40;
	v61 =	vsel vm0, v46, v36;
	vm8 =	vgt.f32 v35, v19  }
0x336: {  	v60 =	vsel vm0, v39, v22;
	vm1 =	vgt.f32 v61, v21;
	v62 =	vsel vm8, v35, v19  }
0x337: {  	v35 =	vsel vm8, v19, v35;
	v21 =	vsel vm1, v61, v21;
	vm2 =	vgt.f32 v31, v62  }
0x338: {  	v19 =	vadd.f32 v59, v58;
	vm4 =	vgt.f32 v35, v21;
	v63 =	vsel vm2, v31, v62  }
0x339: {  	v32 =	vsel vm8, v60, v43;
	v30 =	vsel vm4, v35, v21;
	vm9 =	vgt.f32 v50, v63  }
0x33a: {  	v29 =	vld [tilespmem:s20+$0x30];
	v35 =	vsel vm0, v22, v39;
	v36 =	vsel vm2, v62, v31;
	v33 =	vsel vm9, v50, v63  }
0x33b: {  	v21 =	vld [tilespmem:s20+$0x20];
	v39 =	vsel vm3, v40, v37;
	vm0 =	vgt.f32 v36, v30;
	vm5 =	vgt.f32 v26, v33  }
0x33c: {  	s19 =	simm.s32 $0x8;
	s18 =	simm.s32 $0xB0;
	s22 =	simm.s32 $0x2140;
	v22 =	vld [tilespmem:s23+$0x20];
	v34 =	vsel vm9, v63, v50;
	v36 =	vsel vm0, v36, v30;
	v31 =	vsel vm5, v26, v33  }
0x33d: {  	s17 =	simm.s32 $0xF0;
	s21 =	simm.s32 $0x140;
	s20 =	simm.s32 $0x170;
	v37 =	vsel vm8, v43, v60;
	v30 =	vld [tilespmem:s23+$0x30];
	vm3 =	vgt.f32 v34, v36;
	vm6 =	vgt.f32 v23, v31  }
.LBB2_24:
0x33e: {  	v40 =	vld [tilespmem:s21+$0xFFFFFFC0];
	s0 =	sadd.s32 $0xFFFFFFC0, s20;
	s19 =	sadd.s32 $0x8, s19;
	v38 =	vsel vm7, v39, v38;
	v39 =	vsel vm2, v24, v37  }
0x33f: {  	v42 =	vor.u32 s18, v0;
	s1 =	sadd.s32 $0xFFFFFFD0, s17;
	v41 =	vld [tilespmem:s22+$0x10];
	p1 =	slt.u32 s19, $0x78;
	v43 =	vsel vm9, v18, v39;
	v39 =	vsel vm9, v39, v18;
	s18 =	smov.u32 s0  }
0x340: {  	v45 =	vor.u32 s1, v0;
	s0 =	sadd.s32 $0xFFFFFFE0, s17;
	v44 =	vld [tilespmem:s22+$0x20];
	v18 =	vsel vm5, v27, v43;
	v43 =	vsel vm5, v43, v27  }
0x341: {  	v49 =	vor.u32 s0, v0;
	v46 =	vld [tilespmem:s21+$0x10];
	v47 =	vsel vm6, v20, v18;
	v48 =	vsel vm6, v18, v20  }
0x342: {  	v27 =	vsel vm1, v35, v38;
	v20 =	vsel vm6, v23, v31;
	v18 =	vor.u32 s17, v0;
	v50 =	vld [tilespmem:s21+$0x20]  }
0x343: {  	v24 =	vsel vm2, v37, v24;
	s0 =	sadd.s32 $0xFFFFFFB0, s20;
	v27 =	vsel vm4, v32, v27;
	vm1 =	vgt.f32 v28, v20;
	v35 =	vld [tilespmem:s22+$0xFFFFFFE0]  }
0x344: {  	s1 =	sadd.s32 $0xFFFFFFA0, s20;
	v32 =	vor.u32 s0, v0;
	v38 =	vsel vm1, v28, v20;
	v28 =	vsel vm1, v20, v28;
	v37 =	vld [tilespmem:s22+$0xFFFFFFF0]  }
0x345: {  	v34 =	vsel vm3, v34, v36;
	v20 =	vor.u32 s1, v0;
	vm8 =	vgt.f32 v25, v38;
	v51 =	vld [tilespmem:s21+$0xFFFFFFF0]  }
0x346: {  	v26 =	vsel vm5, v33, v26;
	v33 =	vsel vm8, v25, v38;
	v38 =	vsel vm8, v38, v25;
	v36 =	vld [tilespmem:s21+$0xFFFFFFD0]  }
0x347: {  	vm2 =	vgt.f32 v26, v34;
	s0 =	sadd.s32 $0xFFFFFF90, s20;
	v52 =	vsel vm0, v24, v27;
	vm5 =	vgt.f32 v19, v33;
	v25 =	vld [tilespmem:s22+$0xFFFFFFD0]  }
0x348: {  	v26 =	vsel vm2, v26, v34;
	v23 =	vsel vm6, v31, v23;
	v27 =	vor.u32 s0, v0;
	s0 =	sadd.s32 $0xFFFFFFF0, s17;
	s17 =	smov.u32 s20;
	v53 =	vld [tilespmem:s22+$0xFFFFFFC0]  }
0x349: {  	vm4 =	vgt.f32 v23, v26;
	v34 =	vsel vm1, v47, v16;
	v24 =	vor.u32 s0, v0;
	v31 =	vld [tilespmem:s21+$0x0]  }
0x34a: {  	v54 =	vadd.f32 v21, v22;
	v23 =	vsel vm4, v23, v26;
	v26 =	vsel vm3, v39, v52;
	v21 =	vmovc v44  }
0x34b: {  	v29 =	vadd.f32 v29, v30;
	v43 =	vsel vm2, v43, v26;
	vm0 =	vgt.f32 v28, v23;
	v22 =	vmovc v50;
	v39 =	vld [tilespmem:s21+$0xFFFFFFE0]  }
0x34c: {  	v28 =	vsel vm0, v28, v23;
	v30 =	vadd.f32 v41, v46;
	v41 =	vsel vm1, v16, v47;
	v16 =	vmovc v32  }
0x34d: {  	vm7 =	vgt.f32 v38, v28;
	v23 =	vadd.f32 v25, v36;
	v26 =	vadd.f32 v53, v40;
	v32 =	vld [tilespmem:s22+$0x0]  }
0x34e: {  	v25 =	vadd.f32 v37, v51;
	v36 =	vsel vm8, v42, v41;
	v37 =	vsel vm7, v38, v28  }
0x34f: {  	v38 =	vsel vm4, v48, v43;
	v40 =	vsel vm5, v19, v33;
	v43 =	vsel vm5, v45, v36  }
0x350: {  	v33 =	vsel vm5, v33, v19;
	vm3 =	vgt.f32 v17, v40;
	v28 =	vadd.f32 v35, v39  }
0x351: {  	vm1 =	vgt.f32 v33, v37;
	v39 =	vsel vm3, v17, v40;
	v35 =	vsel vm3, v40, v17;
	v17 =	vmovc v30  }
0x352: {  	v30 =	vsel vm1, v33, v37;
	vm2 =	vgt.f32 v54, v39;
	v19 =	vadd.f32 v32, v31  }
0x353: {  	vm4 =	vgt.f32 v35, v30;
	v32 =	vsel vm3, v43, v49;
	v31 =	vsel vm2, v54, v39  }
.Ltmp15:
0x354: {  	v38 =	vsel vm0, v34, v38;
	v30 =	vsel vm4, v35, v30;
	vm9 =	vgt.f32 v29, v31;
	(pc) =	sbr.rel @p1 .LBB2_24-.Ltmp15, $4  }
0x355: {  	v35 =	vsel vm5, v36, v45;
	v36 =	vsel vm2, v39, v54;
	v33 =	vsel vm9, v29, v31  }
0x356: {  	vm0 =	vgt.f32 v36, v30;
	v34 =	vsel vm9, v31, v29;
	vm5 =	vgt.f32 v26, v33  }
0x357: {  	v39 =	vsel vm8, v41, v42;
	v36 =	vsel vm0, v36, v30;
	v31 =	vsel vm5, v26, v33;
	v29 =	vld [tilespmem:s22+$0x30]  }
0x358: {  	s20 =	sadd.s32 $0x80, s20;
	v37 =	vsel vm3, v49, v43;
	vm3 =	vgt.f32 v34, v36;
	vm6 =	vgt.f32 v23, v31;
	s22 =	sadd.s32 $0x80, s22;
	v30 =	vld [tilespmem:s21+$0x30];
	s21 =	sadd.s32 $0x80, s21  }
0x359: {  	v38 =	vsel vm7, v39, v38;
	v50 =	vsel vm2, v24, v37  }
0x35a: {  	v40 =	vor.u32 s18, v0;
	v43 =	vsel vm6, v23, v31;
	v44 =	vor.u32 s17, v0  }
0x35b: {  	v56 =	vsel vm2, v37, v24;
	v34 =	vsel vm3, v34, v36;
	v26 =	vsel vm5, v33, v26  }
0x35c: {  	s0 =	sadd.s32 $0xFFFFFFD0, s17;
	s30 =	sadd.s32 $0xFFFFFFE0, s17;
	v60 =	vsel vm6, v31, v23;
	v21 =	vadd.f32 v21, v22;
	v41 =	vsel vm9, v18, v50  }
0x35d: {  	v18 =	vsel vm9, v50, v18;
	v53 =	vor.u32 s0, v0;
	v55 =	vor.u32 s30, v0  }
0x35e: {  	s31 =	sadd.s32 $0xFFFFFFF0, s17;
	v35 =	vsel vm1, v35, v38;
	vm12 =	vgt.f32 v28, v43;
	vm13 =	vgt.f32 v26, v34  }
0x35f: {  	v63 =	vor.u32 s31, v0;
	v51 =	vsel vm5, v27, v41;
	v52 =	vsel vm5, v41, v27  }
0x360: {  	v32 =	vsel vm4, v32, v35;
	v57 =	vsel vm12, v28, v43;
	v58 =	vsel vm12, v43, v28  }
0x361: {  	v26 =	vsel vm13, v26, v34;
	v42 =	vsel vm6, v20, v51;
	v54 =	vsel vm6, v51, v20  }
0x362: {  	vm1 =	vgt.f32 v25, v57;
	vm14 =	vgt.f32 v60, v26;
	v24 =	vsel vm0, v56, v32  }
0x363: {  	v59 =	vsel vm1, v25, v57;
	v61 =	vsel vm1, v57, v25;
	v62 =	vsel vm12, v42, v16  }
0x364: {  	v23 =	vsel vm14, v60, v26;
	v18 =	vsel vm3, v18, v24;
	v32 =	vadd.f32 v29, v30  }
0x365: {  	v16 =	vsel vm12, v16, v42;
	vm2 =	vgt.f32 v19, v59;
	vm15 =	vgt.f32 v58, v23  }
0x366: {  	v18 =	vsel vm13, v52, v18;
	v34 =	vsel vm1, v40, v16;
	v16 =	vsel vm1, v16, v40  }
0x367: {  	v28 =	vsel vm15, v58, v23;
	v35 =	vsel vm2, v19, v59;
	v18 =	vsel vm14, v54, v18  }
0x368: {  	v19 =	vsel vm2, v59, v19;
	v36 =	vsel vm2, v53, v34;
	vm9 =	vgt.f32 v61, v28  }
0x369: {  	vm10 =	vgt.f32 v17, v35;
	v18 =	vsel vm15, v62, v18;
	v22 =	vsel vm9, v61, v28  }
0x36a: {  	v37 =	vsel vm10, v17, v35;
	v17 =	vsel vm10, v35, v17;
	v38 =	vsel vm10, v36, v55  }
0x36b: {  	v20 =	vsel vm10, v55, v36;
	vm11 =	vgt.f32 v19, v22;
	vm12 =	vgt.f32 v21, v37  }
0x36c: {  	v16 =	vsel vm9, v16, v18;
	v19 =	vsel vm11, v19, v22;
	v42 =	vsel vm12, v21, v37  }
0x36d: {  	v21 =	vsel vm12, v37, v21;
	v18 =	vsel vm12, v63, v20;
	vm13 =	vgt.f32 v17, v19  }
0x36e: {  	v20 =	vsel vm12, v20, v63;
	vm14 =	vgt.f32 v32, v42;
	v17 =	vsel vm13, v17, v19  }
0x36f: {  	v19 =	vsel vm2, v34, v53;
	v43 =	vsel vm14, v32, v42;
	v23 =	vsel vm14, v42, v32  }
0x370: {  	vm15 =	vgt.f32 v21, v17;
	v16 =	vsel vm11, v19, v16;
	v19 =	vsel vm14, v44, v18  }
0x371: {  	v18 =	vsel vm14, v18, v44;
	v17 =	vsel vm15, v21, v17;
	v16 =	vsel vm13, v38, v16  }
0x372: {  	v45 =	vperm.xlane v19, v4;
	vm8 =	vgt.f32 v23, v17;
	v16 =	vsel vm15, v20, v16  }
0x373: {  	v17 =	vsel vm8, v23, v17;
	v16 =	vsel vm8, v18, v16;
	v18 =	vperm.xlane v43, v4  }
0x374: {  	v46 =	vperm.xlane v17, v4;
	v47 =	vperm.xlane v16, v4  }
0x375: {  	vm11 =	vlt.s32 v45, v19;
	vm9 =	vgt.f32 v18, v43;
	vm10 =	veq.f32 v18, v43  }
0x376: {  	vm1 =	vmand vm10, vm11;
	vm12 =	veq.f32 v46, v17;
	vm13 =	vlt.s32 v47, v16  }
0x377: {  	vm14 =	vgt.f32 v46, v17;
	vm0 =	vmor vm9, vm1;
	vm2 =	vmand vm12, vm13  }
0x378: {  	v48 =	vsel vm0, v43, v18;
	vm1 =	vmor vm14, vm2  }
0x379: {  	v49 =	vsel vm0, v19, v45;
	v17 =	vsel vm1, v46, v17;
	v16 =	vsel vm1, v47, v16  }
0x37a: {  	vm15 =	veq.f32 v48, v17;
	vm6 =	vlt.s32 v49, v16  }
0x37b: {  	v18 =	vsel vm0, v18, v43;
	vm7 =	vgt.f32 v48, v17;
	vm1 =	vmand vm15, vm6  }
0x37c: {  	v19 =	vsel vm0, v45, v19;
	v50 =	vperm.xlane v18, v6;
	vm1 =	vmor vm7, vm1  }
0x37d: {  	v51 =	vperm.xlane v19, v6;
	v17 =	vsel vm1, v48, v17;
	v16 =	vsel vm1, v49, v16  }
0x37e: {  	v52 =	vperm.xlane v17, v6;
	v53 =	vperm.xlane v16, v6  }
0x37f: {  	vm8 =	vgt.f32 v50, v18;
	vm9 =	veq.f32 v50, v18;
	vm10 =	vlt.s32 v51, v19  }
0x380: {  	vm1 =	vmand vm9, vm10;
	vm11 =	veq.f32 v52, v17;
	vm12 =	vlt.s32 v53, v16  }
0x381: {  	vm0 =	vmor vm8, vm1;
	vm13 =	vgt.f32 v52, v17;
	vm2 =	vmand vm11, vm12  }
0x382: {  	v24 =	vsel vm0, v18, v50;
	vm1 =	vmor vm13, vm2  }
0x383: {  	v54 =	vsel vm0, v19, v51;
	v17 =	vsel vm1, v52, v17;
	v16 =	vsel vm1, v53, v16  }
0x384: {  	vm14 =	veq.f32 v24, v17;
	vm15 =	vlt.s32 v54, v16  }
0x385: {  	v18 =	vsel vm0, v50, v18;
	vm6 =	vgt.f32 v24, v17;
	vm1 =	vmand vm14, vm15  }
0x386: {  	v19 =	vsel vm0, v51, v19;
	v20 =	vperm.xlane v18, v8;
	vm1 =	vmor vm6, vm1  }
0x387: {  	v21 =	vperm.xlane v19, v8;
	v17 =	vsel vm1, v24, v17;
	v16 =	vsel vm1, v54, v16  }
0x388: {  	v55 =	vperm.xlane v17, v8;
	v56 =	vperm.xlane v16, v8  }
0x389: {  	vm7 =	vgt.f32 v20, v18;
	vm8 =	veq.f32 v20, v18;
	vm9 =	vlt.s32 v21, v19  }
0x38a: {  	vm1 =	vmand vm8, vm9;
	vm10 =	veq.f32 v55, v17;
	vm11 =	vlt.s32 v56, v16  }
0x38b: {  	vm0 =	vmor vm7, vm1;
	vm12 =	vgt.f32 v55, v17;
	vm2 =	vmand vm10, vm11  }
0x38c: {  	v57 =	vsel vm0, v18, v20;
	vm1 =	vmor vm12, vm2  }
0x38d: {  	v58 =	vsel vm0, v19, v21;
	v17 =	vsel vm1, v55, v17;
	v16 =	vsel vm1, v56, v16  }
0x38e: {  	vm13 =	veq.f32 v57, v17;
	vm14 =	vlt.s32 v58, v16  }
0x38f: {  	v18 =	vsel vm0, v20, v18;
	vm15 =	vgt.f32 v57, v17;
	vm1 =	vmand vm13, vm14  }
0x390: {  	v19 =	vsel vm0, v21, v19;
	v20 =	vperm.xlane v18, v9;
	vm1 =	vmor vm15, vm1  }
0x391: {  	v21 =	vperm.xlane v19, v9;
	v17 =	vsel vm1, v57, v17;
	v16 =	vsel vm1, v58, v16  }
0x392: {  	v59 =	vperm.xlane v17, v9;
	v60 =	vperm.xlane v16, v9  }
0x393: {  	vm6 =	vgt.f32 v20, v18;
	vm7 =	veq.f32 v20, v18;
	vm8 =	vlt.s32 v21, v19  }
0x394: {  	vm1 =	vmand vm7, vm8;
	vm9 =	veq.f32 v59, v17;
	vm10 =	vlt.s32 v60, v16  }
0x395: {  	vm0 =	vmor vm6, vm1;
	vm11 =	vgt.f32 v59, v17;
	vm2 =	vmand vm9, vm10  }
0x396: {  	v61 =	vsel vm0, v18, v20;
	vm1 =	vmor vm11, vm2  }
0x397: {  	v62 =	vsel vm0, v19, v21;
	v17 =	vsel vm1, v59, v17;
	v63 =	vsel vm1, v60, v16  }
0x398: {  	vm12 =	veq.f32 v61, v17;
	vm13 =	vlt.s32 v62, v63  }
.Ltmp16:
0x399: {  	v18 =	vsel vm0, v20, v18;
	vm14 =	vgt.f32 v61, v17;
	vm1 =	vmand vm12, vm13;
	(pc) =	sbr.rel .LBB2_26-.Ltmp16, $4  }
0x39a: {  	[tilespmem:v15+s5+$0x0] =	vst.idx.msk $0x1, v18;
	v16 =	vsel vm0, v21, v19;
	vm15 =	vmor vm14, vm1  }
0x39b: {  	[tilespmem:v15+s6+$0x0] =	vst.idx.msk $0x1, v16;
	v17 =	vsel vm15, v61, v17  }
0x39c: {  	v18 =	vsel vm15, v62, v63;
	[tilespmem:v15+s12+$0x0] =	vst.idx.msk $0x1, v17  }
0x39d: {  	[tilespmem:v15+s11+$0x0] =	vst.idx.msk $0x1, v18  }
.LBB2_28:
0x39e: {  	s1 =	simm.s32 $0x0;
	v0 =	vlaneseq.u32  }
0x39f: {  	s0 =	simm.s32 $0x3A80;
	v1 =	vor.u32 s1, v0  }
0x3a0: {  	s3 =	simm.s32 $0x10;
	[tilespmem:s0+$0x0] =	vst v1  }
.LBB2_29:
0x3a1: {  	p0 =	sne.s32 s3, $0x1F0  }
.Ltmp17:
0x3a2: {  	_ = 	snop;
	(pc) =	sbr.rel @p0 .LBB2_29-.Ltmp17, $3  }
0x3a3: {  	_ =	sdelay $0x1  }
0x3a4: {  	v1 =	vor.u32 s3, v0;
	s3 =	sadd.s32 $0x10, s3;
	s0 =	sadd.s32 $0x10, s0  }
0x3a5: {  	[tilespmem:s0+$0x0] =	vst v1  }
0x3a6: {  	s0 =	simm.s32 $0x0  }
0x3a7: {  	s1 =	simm.s32 $0x3A80;
	s2 =	rddreg [dreg:$0x1];
	s29 =	simm.s32 $0x6  }
0x3a8: {  	[hbm4b:s2+s0] =	stream.linear.scatter [tilespmem:s1], [sflag:$0x6], $0x200, $0x38;
	[tilespmem:$0x13F00] =	vst v63  }
0x3a9: {  	_ =	swait.ge [sflag:s29], $0x200  }
0x3aa: {  	[sflag:s29] =	ssyncset.done $0x0  }
0x3ab: {  	[sflag:s29] =	ssyncadd.s32 $0xFFFFFE00  }
0x3ac: {  	s30 =	simm.s32 $0x3C80;
	s3 =	rddreg [dreg:$0x2]  }
0x3ad: {  	[hbm4b:s3+s0] =	stream.linear.scatter [tilespmem:s30], [sflag:$0x6], $0x200, $0x38;
	[tilespmem:$0x13F00] =	vst v63  }
0x3ae: {  	_ =	swait.ge [sflag:s29], $0x200  }
0x3af: {  	[sflag:s29] =	ssyncset.done $0x0  }
0x3b0: {  	[sflag:s29] =	ssyncadd.s32 $0xFFFFFE00  }
0x3b1: {  	_ =	sfence.sel $0x180000  }
0x3b2: {  	[bflag:$0x0] =	sbarrier.arrive $0xFFFF  }
0x3b3: {  	_ =	strace $0x90000047  }
0x3b4: {  	[bflag:$0x2] =	sbarrier.arrive $0xFFFF  }
0x3b5: {  	s31 =	rddreg [dreg:$0x8]  }
0x3b6: {  	s0 =	sadd.s32 $0x100000, s31  }
0x3b7: {  	[sflag:s0] =	ssyncadd.tile.s32 $0x1;
	_ =	shalt  }
.Lfunc_end2:
_tile_overlayer_lowered:
.L_overlay_start_2:
0x3b8: {  	(tag) =	ssettag $0x2  }
0x3b9: {  	s0 =	rddreg [dreg:$0x0];
	s2 =	stileid.u32  }
0x3ba: {  	s1 =	rddreg [dreg:$0x1];
	p0 =	sne.s32 s2, $0x0  }
0x3bb: {  	s3 =	rddreg [dreg:$0x2];
	[bflag:$0x3] =	sbarrier.arrive $0xFFFF;
	s2 =	simm.s32 @!p0 $0x1C06  }
0x3bc: {  	[timem:s3], [sflag:s2] =	dma.local @!p0 [hbm:s0], s1  }
0x3bd: {  	s0 =	simm.s32 @!p0 $0x6  }
0x3be: {  	_ =	swait.ge @!p0 [sflag:s0], s1  }
0x3bf: {  	s1 =	ssub.s32 @!p0 $0x0, s1;
	[sflag:s0] =	ssyncset.done @!p0 $0x0  }
0x3c0: {  	[sflag:s0] =	ssyncadd.s32 @!p0 s1  }
0x3c1: {  	[bflag:$0x3] =	sbarrier.arrive $0xFFFF  }
0x3c2: {  	_ =	shalt  }

</sc_bundles>
